<compile_context>
chip_gen: v7x
topology: tpu7x:2x2x1
jax: 0.10.2.dev20260603
libtpu: 0.0.44.dev20260713+nightly
codegen_flags: <defaults>
</compile_context>

<pallas_src>
import functools

import jax
import jax.numpy as jnp
from jax.experimental import pallas as pl
from jax.experimental.pallas import tpu as pltpu

N = 10000
E = 160000
F_IN = 256
HID = 256
HEADS = 8
CLASSES = 10
NGRAPH = 16
EPS_BN = 1e-5

EI = E + N


def _stats_kernel(x_ref, out_ref):
    i = pl.program_id(0)

    @pl.when(i == 0)
    def _():
        out_ref[...] = jnp.zeros_like(out_ref)

    xb = x_ref[...]
    s = jnp.sum(xb, axis=0)
    ss = jnp.sum(xb * xb, axis=0)
    out_ref[0, :] += s
    out_ref[1, :] += ss


def _col_stats(x, block_rows):
    n, f = x.shape
    grid = n // block_rows
    return pl.pallas_call(
        _stats_kernel,
        grid=(grid,),
        in_specs=[pl.BlockSpec((block_rows, f), lambda i: (i, 0))],
        out_specs=pl.BlockSpec((2, f), lambda i: (0, 0)),
        out_shape=jax.ShapeDtypeStruct((2, f), jnp.float32),
    )(x)


def _mm_att_kernel(x_ref, w_ref, scale_ref, shift_ref, vsrc_ref, vdst_ref,
                   h_ref, asrc_ref, adst_ref):
    xb = x_ref[...] * scale_ref[0, :] + shift_ref[0, :]
    h_ref[...] = jnp.dot(xb, w_ref[...], preferred_element_type=jnp.float32)
    asrc_ref[...] = jnp.dot(xb, vsrc_ref[...], preferred_element_type=jnp.float32)
    adst_ref[...] = jnp.dot(xb, vdst_ref[...], preferred_element_type=jnp.float32)


def _bn_matmul_att(x, w, scale, shift, v_src, v_dst, block_rows):
    n, f = x.shape
    fout = w.shape[1]
    heads = v_src.shape[1]
    grid = n // block_rows
    return pl.pallas_call(
        _mm_att_kernel,
        grid=(grid,),
        in_specs=[
            pl.BlockSpec((block_rows, f), lambda i: (i, 0)),
            pl.BlockSpec((f, fout), lambda i: (0, 0)),
            pl.BlockSpec((1, f), lambda i: (0, 0)),
            pl.BlockSpec((1, f), lambda i: (0, 0)),
            pl.BlockSpec((f, heads), lambda i: (0, 0)),
            pl.BlockSpec((f, heads), lambda i: (0, 0)),
        ],
        out_specs=[
            pl.BlockSpec((block_rows, fout), lambda i: (i, 0)),
            pl.BlockSpec((block_rows, heads), lambda i: (i, 0)),
            pl.BlockSpec((block_rows, heads), lambda i: (i, 0)),
        ],
        out_shape=[
            jax.ShapeDtypeStruct((n, fout), jnp.float32),
            jax.ShapeDtypeStruct((n, heads), jnp.float32),
            jax.ShapeDtypeStruct((n, heads), jnp.float32),
        ],
    )(x, w, scale, shift, v_src, v_dst)


def _edge_softmax_aggregate(h, a_src, a_dst, src, dst, heads, out_ch):
    n = h.shape[0]
    alpha = a_src[src] + a_dst[dst]
    alpha = jax.nn.leaky_relu(alpha, negative_slope=0.2)
    amax = jax.ops.segment_max(alpha, dst, num_segments=n)
    amax = jnp.where(jnp.isfinite(amax), amax, 0.0)
    ex = jnp.exp(alpha - amax[dst])
    denom = jax.ops.segment_sum(ex, dst, num_segments=n)
    alpha = ex / (denom[dst] + 1e-16)
    msg = h.reshape(n, heads, out_ch)[src] * alpha[:, :, None]
    out = jax.ops.segment_sum(msg, dst, num_segments=n)
    return out, alpha


def kernel(x, edge_index, batch, gamma1, beta1, W1, att_src1, att_dst1, bias1,
           gamma2, beta2, W2, att_src2, att_dst2, bias2):
    n = x.shape[0]
    sl = jnp.arange(n, dtype=edge_index.dtype)
    ei = jnp.concatenate([edge_index, jnp.stack([sl, sl])], axis=1)
    src, dst = ei[0], ei[1]

    stats = _col_stats(x, 1000)
    mean = stats[0] / n
    var = stats[1] / n - mean * mean
    scale = gamma1 / jnp.sqrt(var + EPS_BN)
    shift = beta1 - mean * scale
    w1r = W1.reshape(F_IN, HEADS, HID)
    v_src1 = jnp.einsum("chk,hk->ch", w1r, att_src1)
    v_dst1 = jnp.einsum("chk,hk->ch", w1r, att_dst1)
    h1, as1, ad1 = _bn_matmul_att(x, W1, scale[None, :], shift[None, :],
                                  v_src1, v_dst1, 1000)

    out1, alpha1 = _edge_softmax_aggregate(h1, as1, ad1, src, dst, HEADS, HID)
    out1 = out1.reshape(n, HEADS * HID) + bias1

    r = jax.nn.relu(out1)
    stats2 = _col_stats(r, 1000)
    mean2 = stats2[0] / n
    var2 = stats2[1] / n - mean2 * mean2
    scale2 = gamma2 / jnp.sqrt(var2 + EPS_BN)
    shift2 = beta2 - mean2 * scale2
    v_src2 = W2 @ att_src2[0]
    v_dst2 = W2 @ att_dst2[0]
    h2, as2, ad2 = _bn_matmul_att(r, W2, scale2[None, :], shift2[None, :],
                                  v_src2[:, None], v_dst2[:, None], 1000)

    out2, alpha2 = _edge_softmax_aggregate(h2, as2, ad2, src, dst, 1, CLASSES)
    out2 = out2[:, 0, :] + bias2

    hf = jax.nn.elu(out2)
    sums = jax.ops.segment_sum(hf, batch, num_segments=NGRAPH)
    counts = jax.ops.segment_sum(jnp.ones((n,), hf.dtype), batch,
                                 num_segments=NGRAPH)
    pooled = sums / jnp.maximum(counts, 1.0)[:, None]
    logp = jax.nn.log_softmax(pooled, axis=1)
    return (logp, (ei, alpha1), (ei, alpha2))

# --- scband reference (transcript-rebuilt; emitter-appended) ---
"""Pipeline reference for scband-gat-15994458210576 (READ-ONLY COPY).

The authoritative reference and input builder live on the scoring server;
editing this copy changes nothing except your own understanding.
"""

import jax, jax.numpy as jnp
import numpy as np

N = 10000
E = 160000
F_IN = 256
HID = 256
HEADS = 8
CLASSES = 10
NGRAPH = 16
EPS_BN = 1e-5


def batch_norm(x, gamma, beta):
    mean = x.mean(axis=0)
    var = ((x - mean) ** 2).mean(axis=0)  # biased var, torch training-mode normalization
    return (x - mean) / jnp.sqrt(var + EPS_BN) * gamma + beta


def gat_conv(x, edge_index, W, att_src, att_dst, bias, heads, out_ch, concat):
    n = x.shape[0]
    sl = jnp.arange(n, dtype=edge_index.dtype)
    ei = jnp.concatenate([edge_index, jnp.stack([sl, sl])], axis=1)  # add self loops (PyG default)
    src, dst = ei[0], ei[1]
    h = (x @ W).reshape(n, heads, out_ch)
    a_src = (h * att_src).sum(-1)  # [n, H]
    a_dst = (h * att_dst).sum(-1)  # [n, H]
    alpha = a_src[src] + a_dst[dst]
    alpha = jax.nn.leaky_relu(alpha, negative_slope=0.2)
    amax = jax.ops.segment_max(alpha, dst, num_segments=n)
    amax = jnp.where(jnp.isfinite(amax), amax, 0.0)
    alpha = jnp.exp(alpha - amax[dst])
    denom = jax.ops.segment_sum(alpha, dst, num_segments=n)
    alpha = alpha / (denom[dst] + 1e-16)
    msg = h[src] * alpha[:, :, None]
    out = jax.ops.segment_sum(msg, dst, num_segments=n)
    if concat:
        out = out.reshape(n, heads * out_ch)
    else:
        out = out.mean(axis=1)
    return out + bias, ei, alpha


def setup_inputs(seed: int = 0) -> dict:
    key = jax.random.key(seed)
    ks = jax.random.split(key, 16)
    x = jax.random.normal(ks[0], (N, F_IN), dtype=jnp.float32)
    edge_index = jax.random.randint(ks[1], (2, E), 0, N, dtype=jnp.int64)
    batch = jnp.sort(jax.random.randint(ks[2], (N,), 0, NGRAPH, dtype=jnp.int64))
    s1 = 1.0 / np.sqrt(F_IN)
    s2 = 1.0 / np.sqrt(HID * HEADS)
    return {
        "x": x,
        "edge_index": edge_index,
        "batch": batch,
        "gamma1": jnp.ones((F_IN,), jnp.float32),
        "beta1": jnp.zeros((F_IN,), jnp.float32),
        "W1": jax.random.uniform(ks[3], (F_IN, HEADS * HID), jnp.float32, -s1, s1),
        "att_src1": jax.random.uniform(ks[4], (HEADS, HID), jnp.float32, -s1, s1),
        "att_dst1": jax.random.uniform(ks[5], (HEADS, HID), jnp.float32, -s1, s1),
        "bias1": jnp.zeros((HEADS * HID,), jnp.float32),
        "gamma2": jnp.ones((HEADS * HID,), jnp.float32),
        "beta2": jnp.zeros((HEADS * HID,), jnp.float32),
        "W2": jax.random.uniform(ks[6], (HEADS * HID, CLASSES), jnp.float32, -s2, s2),
        "att_src2": jax.random.uniform(ks[7], (1, CLASSES), jnp.float32, -s2, s2),
        "att_dst2": jax.random.uniform(ks[8], (1, CLASSES), jnp.float32, -s2, s2),
        "bias2": jnp.zeros((CLASSES,), jnp.float32),
    }


def reference(x, edge_index, batch, gamma1, beta1, W1, att_src1, att_dst1, bias1,
              gamma2, beta2, W2, att_src2, att_dst2, bias2):
    h = batch_norm(x, gamma1, beta1)
    h, ei1, alpha1 = gat_conv(h, edge_index, W1, att_src1, att_dst1, bias1, HEADS, HID, True)
    h = jax.nn.relu(h)
    h = batch_norm(h, gamma2, beta2)
    h, ei2, alpha2 = gat_conv(h, edge_index, W2, att_src2, att_dst2, bias2, 1, CLASSES, False)
    h = jax.nn.elu(h)
    sums = jax.ops.segment_sum(h, batch, num_segments=NGRAPH)
    counts = jax.ops.segment_sum(jnp.ones((h.shape[0],), h.dtype), batch, num_segments=NGRAPH)
    pooled = sums / jnp.maximum(counts, 1.0)[:, None]
    logp = jax.nn.log_softmax(pooled, axis=1)
    return (logp, (ei1, alpha1), (ei2, alpha2))

if __name__ == "__main__":
    import jax
    _d = setup_inputs()
    print(jax.jit(kernel)(*tuple(_d.values())))

</pallas_src>

<mosaic_0001>
module attributes {stable_mosaic.version = 14 : i64} {
  func.func @_stats_kernel(%arg0: i32, %arg1: memref<1000x256xf32, #tpu.memory_space<vmem>>, %arg2: memref<2x256xf32, #tpu.memory_space<vmem>>) attributes {dimension_semantics = [#tpu.dimension_semantics<arbitrary>], iteration_bounds = array<i64: 10>, scalar_prefetch = 0 : i64, scratch_operands = 0 : i64, tpu.core_type = #tpu.core_type<tc>, window_params = [{transform_indices = @transform_0, window_bounds = array<i64: 1000, 256>}, {pipeline_mode = #tpu.pipeline_mode<synchronous>, transform_indices = @transform_1, window_bounds = array<i64: 2, 256>}]} {
    %eq3A = arith.constant 0 : i32
    %eq3A_0 = arith.cmpi eq, %arg0, %eq3A : i32
    %convert_element_type3A = arith.extui %eq3A_0 : i1 to i32
    %cond3A = arith.constant 0 : i32
    %cond3A_1 = arith.cmpi ne, %convert_element_type3A, %cond3A : i32
    scf.if %cond3A_1 {
      %broadcast_in_dim3A = arith.constant 0.000000e+00 : f32
      %broadcast_in_dim3A_25 = vector.broadcast %broadcast_in_dim3A : f32 to vector<2x256xf32>
      %swap3A_26 = arith.constant 0 : index
      %swap3A_27 = arith.constant 0 : index
      %swap3A_28 = vector.load %arg2[%swap3A_26, %swap3A_27] : memref<2x256xf32, #tpu.memory_space<vmem>>, vector<2x256xf32>
      tpu.vector_store %arg2[%swap3A_26, %swap3A_27], %broadcast_in_dim3A_25 {strides = array<i32>} : memref<2x256xf32, #tpu.memory_space<vmem>>, vector<2x256xf32>,
    } else {
    }
    %get3A = arith.constant 0 : index
    %get3A_2 = arith.constant 0 : index
    %get3A_3 = vector.load %arg1[%get3A, %get3A_2] : memref<1000x256xf32, #tpu.memory_space<vmem>>, vector<1000x256xf32>
    %reduce_sum3A = arith.constant dense<0.000000e+00> : vector<256xf32>
    %reduce_sum3A_4 = vector.multi_reduction <add>, %get3A_3, %reduce_sum3A [0] : vector<1000x256xf32> to vector<256xf32>
    %mul3A = arith.mulf %get3A_3, %get3A_3 : vector<1000x256xf32>
    %reduce_sum3A_5 = arith.constant dense<0.000000e+00> : vector<256xf32>
    %reduce_sum3A_6 = vector.multi_reduction <add>, %mul3A, %reduce_sum3A_5 [0] : vector<1000x256xf32> to vector<256xf32>
    %get3A_7 = arith.constant 0 : index
    %get3A_8 = arith.constant 0 : index
    %get3A_9 = vector.load %arg2[%get3A_7, %get3A_8] : memref<2x256xf32, #tpu.memory_space<vmem>>, vector<1x256xf32>
    %get3A_10 = vector.shape_cast %get3A_9 : vector<1x256xf32> to vector<256xf32>
    %add3A = arith.addf %get3A_10, %reduce_sum3A_4 : vector<256xf32>
    %swap3A = arith.constant 0 : index
    %swap3A_11 = arith.constant 0 : index
    %swap3A_12 = vector.load %arg2[%swap3A, %swap3A_11] : memref<2x256xf32, #tpu.memory_space<vmem>>, vector<1x256xf32>
    %swap3A_13 = vector.shape_cast %swap3A_12 : vector<1x256xf32> to vector<256xf32>
    %swap3A_14 = vector.shape_cast %add3A : vector<256xf32> to vector<1x256xf32>
    tpu.vector_store %arg2[%swap3A, %swap3A_11], %swap3A_14 {strides = array<i32>} : memref<2x256xf32, #tpu.memory_space<vmem>>, vector<1x256xf32>,
    %get3A_15 = arith.constant 1 : index
    %get3A_16 = arith.constant 0 : index
    %get3A_17 = vector.load %arg2[%get3A_15, %get3A_16] : memref<2x256xf32, #tpu.memory_space<vmem>>, vector<1x256xf32>
    %get3A_18 = vector.shape_cast %get3A_17 : vector<1x256xf32> to vector<256xf32>
    %add3A_19 = arith.addf %get3A_18, %reduce_sum3A_6 : vector<256xf32>
    %swap3A_20 = arith.constant 1 : index
    %swap3A_21 = arith.constant 0 : index
    %swap3A_22 = vector.load %arg2[%swap3A_20, %swap3A_21] : memref<2x256xf32, #tpu.memory_space<vmem>>, vector<1x256xf32>
    %swap3A_23 = vector.shape_cast %swap3A_22 : vector<1x256xf32> to vector<256xf32>
    %swap3A_24 = vector.shape_cast %add3A_19 : vector<256xf32> to vector<1x256xf32>
    tpu.vector_store %arg2[%swap3A_20, %swap3A_21], %swap3A_24 {strides = array<i32>} : memref<2x256xf32, #tpu.memory_space<vmem>>, vector<1x256xf32>,
    return
  }
  func.func @transform_0(%arg0: i32) -> (i32, i32) {
    %c0_i32 = arith.constant 0 : i32
    %c0_i32_0 = arith.constant 0 : i32
    return %arg0, %c0_i32 : i32, i32
  }
  func.func @transform_1(%arg0: i32) -> (i32, i32) {
    %c0_i32 = arith.constant 0 : i32
    %c0_i32_0 = arith.constant 0 : i32
    %c0_i32_1 = arith.constant 0 : i32
    return %c0_i32, %c0_i32_0 : i32, i32
  }
}

module attributes {stable_mosaic.version = 14 : i64} {
  func.func @_mm_att_kernel(%arg0: i32, %arg1: memref<1000x256xf32, #tpu.memory_space<vmem>>, %arg2: memref<256x2048xf32, #tpu.memory_space<vmem>>, %arg3: memref<1x256xf32, #tpu.memory_space<vmem>>, %arg4: memref<1x256xf32, #tpu.memory_space<vmem>>, %arg5: memref<256x8xf32, #tpu.memory_space<vmem>>, %arg6: memref<256x8xf32, #tpu.memory_space<vmem>>, %arg7: memref<1000x2048xf32, #tpu.memory_space<vmem>>, %arg8: memref<1000x8xf32, #tpu.memory_space<vmem>>, %arg9: memref<1000x8xf32, #tpu.memory_space<vmem>>) attributes {dimension_semantics = [#tpu.dimension_semantics<arbitrary>], iteration_bounds = array<i64: 10>, scalar_prefetch = 0 : i64, scratch_operands = 0 : i64, tpu.core_type = #tpu.core_type<tc>, window_params = [{transform_indices = @transform_0, window_bounds = array<i64: 1000, 256>}, {pipeline_mode = #tpu.pipeline_mode<synchronous>, transform_indices = @transform_1, window_bounds = array<i64: 256, 2048>}, {pipeline_mode = #tpu.pipeline_mode<synchronous>, transform_indices = @transform_2, window_bounds = array<i64: 1, 256>}, {pipeline_mode = #tpu.pipeline_mode<synchronous>, transform_indices = @transform_3, window_bounds = array<i64: 1, 256>}, {pipeline_mode = #tpu.pipeline_mode<synchronous>, transform_indices = @transform_4, window_bounds = array<i64: 256, 8>}, {pipeline_mode = #tpu.pipeline_mode<synchronous>, transform_indices = @transform_5, window_bounds = array<i64: 256, 8>}, {transform_indices = @transform_6, window_bounds = array<i64: 1000, 2048>}, {transform_indices = @transform_7, window_bounds = array<i64: 1000, 8>}, {transform_indices = @transform_8, window_bounds = array<i64: 1000, 8>}]} {
    %get3A = arith.constant 0 : index
    %get3A_0 = arith.constant 0 : index
    %get3A_1 = vector.load %arg1[%get3A, %get3A_0] : memref<1000x256xf32, #tpu.memory_space<vmem>>, vector<1000x256xf32>
    %get3A_2 = arith.constant 0 : index
    %get3A_3 = arith.constant 0 : index
    %get3A_4 = vector.load %arg3[%get3A_2, %get3A_3] : memref<1x256xf32, #tpu.memory_space<vmem>>, vector<1x256xf32>
    %get3A_5 = vector.shape_cast %get3A_4 : vector<1x256xf32> to vector<256xf32>
    %broadcast_in_dim3A = vector.shape_cast %get3A_5 : vector<256xf32> to vector<1x256xf32>
    %mul3A = vector.broadcast %broadcast_in_dim3A : vector<1x256xf32> to vector<1000x256xf32>
    %mul3A_6 = arith.mulf %get3A_1, %mul3A : vector<1000x256xf32>
    %get3A_7 = arith.constant 0 : index
    %get3A_8 = arith.constant 0 : index
    %get3A_9 = vector.load %arg4[%get3A_7, %get3A_8] : memref<1x256xf32, #tpu.memory_space<vmem>>, vector<1x256xf32>
    %get3A_10 = vector.shape_cast %get3A_9 : vector<1x256xf32> to vector<256xf32>
    %broadcast_in_dim3A_11 = vector.shape_cast %get3A_10 : vector<256xf32> to vector<1x256xf32>
    %add3A = vector.broadcast %broadcast_in_dim3A_11 : vector<1x256xf32> to vector<1000x256xf32>
    %add3A_12 = arith.addf %mul3A_6, %add3A : vector<1000x256xf32>
    %get3A_13 = arith.constant 0 : index
    %get3A_14 = arith.constant 0 : index
    %get3A_15 = vector.load %arg2[%get3A_13, %get3A_14] : memref<256x2048xf32, #tpu.memory_space<vmem>>, vector<256x2048xf32>
    %dot_general3A = arith.constant dense<0.000000e+00> : vector<1000x2048xf32>
    %dot_general3A_16 = tpu.matmul %add3A_12, %get3A_15, %dot_general3A {dimension_numbers = #tpu.dot_dimension_numbers<[1], [0], [0], [1], [0, 0, 1, 1], [], []>, transpose_lhs_hint = false} : vector<1000x256xf32>, vector<256x2048xf32>, vector<1000x2048xf32> -> vector<1000x2048xf32>
    %swap3A = arith.constant 0 : index
    %swap3A_17 = arith.constant 0 : index
    %swap3A_18 = vector.load %arg7[%swap3A, %swap3A_17] : memref<1000x2048xf32, #tpu.memory_space<vmem>>, vector<1000x2048xf32>
    tpu.vector_store %arg7[%swap3A, %swap3A_17], %dot_general3A_16 {strides = array<i32>} : memref<1000x2048xf32, #tpu.memory_space<vmem>>, vector<1000x2048xf32>,
    %get3A_19 = arith.constant 0 : index
    %get3A_20 = arith.constant 0 : index
    %get3A_21 = vector.load %arg5[%get3A_19, %get3A_20] : memref<256x8xf32, #tpu.memory_space<vmem>>, vector<256x8xf32>
    %dot_general3A_22 = arith.constant dense<0.000000e+00> : vector<1000x8xf32>
    %dot_general3A_23 = tpu.matmul %add3A_12, %get3A_21, %dot_general3A_22 {dimension_numbers = #tpu.dot_dimension_numbers<[1], [0], [0], [1], [0, 0, 1, 1], [], []>, transpose_lhs_hint = false} : vector<1000x256xf32>, vector<256x8xf32>, vector<1000x8xf32> -> vector<1000x8xf32>
    %swap3A_24 = arith.constant 0 : index
    %swap3A_25 = arith.constant 0 : index
    %swap3A_26 = vector.load %arg8[%swap3A_24, %swap3A_25] : memref<1000x8xf32, #tpu.memory_space<vmem>>, vector<1000x8xf32>
    tpu.vector_store %arg8[%swap3A_24, %swap3A_25], %dot_general3A_23 {strides = array<i32>} : memref<1000x8xf32, #tpu.memory_space<vmem>>, vector<1000x8xf32>,
    %get3A_27 = arith.constant 0 : index
    %get3A_28 = arith.constant 0 : index
    %get3A_29 = vector.load %arg6[%get3A_27, %get3A_28] : memref<256x8xf32, #tpu.memory_space<vmem>>, vector<256x8xf32>
    %dot_general3A_30 = arith.constant dense<0.000000e+00> : vector<1000x8xf32>
    %dot_general3A_31 = tpu.matmul %add3A_12, %get3A_29, %dot_general3A_30 {dimension_numbers = #tpu.dot_dimension_numbers<[1], [0], [0], [1], [0, 0, 1, 1], [], []>, transpose_lhs_hint = false} : vector<1000x256xf32>, vector<256x8xf32>, vector<1000x8xf32> -> vector<1000x8xf32>
    %swap3A_32 = arith.constant 0 : index
    %swap3A_33 = arith.constant 0 : index
    %swap3A_34 = vector.load %arg9[%swap3A_32, %swap3A_33] : memref<1000x8xf32, #tpu.memory_space<vmem>>, vector<1000x8xf32>
    tpu.vector_store %arg9[%swap3A_32, %swap3A_33], %dot_general3A_31 {strides = array<i32>} : memref<1000x8xf32, #tpu.memory_space<vmem>>, vector<1000x8xf32>,
    return
  }
  func.func @transform_0(%arg0: i32) -> (i32, i32) {
    %c0_i32 = arith.constant 0 : i32
    %c0_i32_0 = arith.constant 0 : i32
    return %arg0, %c0_i32 : i32, i32
  }
  func.func @transform_1(%arg0: i32) -> (i32, i32) {
    %c0_i32 = arith.constant 0 : i32
    %c0_i32_0 = arith.constant 0 : i32
    %c0_i32_1 = arith.constant 0 : i32
    return %c0_i32, %c0_i32_0 : i32, i32
  }
  func.func @transform_2(%arg0: i32) -> (i32, i32) {
    %c0_i32 = arith.constant 0 : i32
    %c0_i32_0 = arith.constant 0 : i32
    %c0_i32_1 = arith.constant 0 : i32
    return %c0_i32, %c0_i32_0 : i32, i32
  }
  func.func @transform_3(%arg0: i32) -> (i32, i32) {
    %c0_i32 = arith.constant 0 : i32
    %c0_i32_0 = arith.constant 0 : i32
    %c0_i32_1 = arith.constant 0 : i32
    return %c0_i32, %c0_i32_0 : i32, i32
  }
  func.func @transform_4(%arg0: i32) -> (i32, i32) {
    %c0_i32 = arith.constant 0 : i32
    %c0_i32_0 = arith.constant 0 : i32
    %c0_i32_1 = arith.constant 0 : i32
    return %c0_i32, %c0_i32_0 : i32, i32
  }
  func.func @transform_5(%arg0: i32) -> (i32, i32) {
    %c0_i32 = arith.constant 0 : i32
    %c0_i32_0 = arith.constant 0 : i32
    %c0_i32_1 = arith.constant 0 : i32
    return %c0_i32, %c0_i32_0 : i32, i32
  }
  func.func @transform_6(%arg0: i32) -> (i32, i32) {
    %c0_i32 = arith.constant 0 : i32
    %c0_i32_0 = arith.constant 0 : i32
    return %arg0, %c0_i32 : i32, i32
  }
  func.func @transform_7(%arg0: i32) -> (i32, i32) {
    %c0_i32 = arith.constant 0 : i32
    %c0_i32_0 = arith.constant 0 : i32
    return %arg0, %c0_i32 : i32, i32
  }
  func.func @transform_8(%arg0: i32) -> (i32, i32) {
    %c0_i32 = arith.constant 0 : i32
    %c0_i32_0 = arith.constant 0 : i32
    return %arg0, %c0_i32 : i32, i32
  }
}

module attributes {stable_mosaic.version = 14 : i64} {
  func.func @_stats_kernel(%arg0: i32, %arg1: memref<1000x2048xf32, #tpu.memory_space<vmem>>, %arg2: memref<2x2048xf32, #tpu.memory_space<vmem>>) attributes {dimension_semantics = [#tpu.dimension_semantics<arbitrary>], iteration_bounds = array<i64: 10>, scalar_prefetch = 0 : i64, scratch_operands = 0 : i64, tpu.core_type = #tpu.core_type<tc>, window_params = [{transform_indices = @transform_0, window_bounds = array<i64: 1000, 2048>}, {pipeline_mode = #tpu.pipeline_mode<synchronous>, transform_indices = @transform_1, window_bounds = array<i64: 2, 2048>}]} {
    %eq3A = arith.constant 0 : i32
    %eq3A_0 = arith.cmpi eq, %arg0, %eq3A : i32
    %convert_element_type3A = arith.extui %eq3A_0 : i1 to i32
    %cond3A = arith.constant 0 : i32
    %cond3A_1 = arith.cmpi ne, %convert_element_type3A, %cond3A : i32
    scf.if %cond3A_1 {
      %broadcast_in_dim3A = arith.constant 0.000000e+00 : f32
      %broadcast_in_dim3A_25 = vector.broadcast %broadcast_in_dim3A : f32 to vector<2x2048xf32>
      %swap3A_26 = arith.constant 0 : index
      %swap3A_27 = arith.constant 0 : index
      %swap3A_28 = vector.load %arg2[%swap3A_26, %swap3A_27] : memref<2x2048xf32, #tpu.memory_space<vmem>>, vector<2x2048xf32>
      tpu.vector_store %arg2[%swap3A_26, %swap3A_27], %broadcast_in_dim3A_25 {strides = array<i32>} : memref<2x2048xf32, #tpu.memory_space<vmem>>, vector<2x2048xf32>,
    } else {
    }
    %get3A = arith.constant 0 : index
    %get3A_2 = arith.constant 0 : index
    %get3A_3 = vector.load %arg1[%get3A, %get3A_2] : memref<1000x2048xf32, #tpu.memory_space<vmem>>, vector<1000x2048xf32>
    %reduce_sum3A = arith.constant dense<0.000000e+00> : vector<2048xf32>
    %reduce_sum3A_4 = vector.multi_reduction <add>, %get3A_3, %reduce_sum3A [0] : vector<1000x2048xf32> to vector<2048xf32>
    %mul3A = arith.mulf %get3A_3, %get3A_3 : vector<1000x2048xf32>
    %reduce_sum3A_5 = arith.constant dense<0.000000e+00> : vector<2048xf32>
    %reduce_sum3A_6 = vector.multi_reduction <add>, %mul3A, %reduce_sum3A_5 [0] : vector<1000x2048xf32> to vector<2048xf32>
    %get3A_7 = arith.constant 0 : index
    %get3A_8 = arith.constant 0 : index
    %get3A_9 = vector.load %arg2[%get3A_7, %get3A_8] : memref<2x2048xf32, #tpu.memory_space<vmem>>, vector<1x2048xf32>
    %get3A_10 = vector.shape_cast %get3A_9 : vector<1x2048xf32> to vector<2048xf32>
    %add3A = arith.addf %get3A_10, %reduce_sum3A_4 : vector<2048xf32>
    %swap3A = arith.constant 0 : index
    %swap3A_11 = arith.constant 0 : index
    %swap3A_12 = vector.load %arg2[%swap3A, %swap3A_11] : memref<2x2048xf32, #tpu.memory_space<vmem>>, vector<1x2048xf32>
    %swap3A_13 = vector.shape_cast %swap3A_12 : vector<1x2048xf32> to vector<2048xf32>
    %swap3A_14 = vector.shape_cast %add3A : vector<2048xf32> to vector<1x2048xf32>
    tpu.vector_store %arg2[%swap3A, %swap3A_11], %swap3A_14 {strides = array<i32>} : memref<2x2048xf32, #tpu.memory_space<vmem>>, vector<1x2048xf32>,
    %get3A_15 = arith.constant 1 : index
    %get3A_16 = arith.constant 0 : index
    %get3A_17 = vector.load %arg2[%get3A_15, %get3A_16] : memref<2x2048xf32, #tpu.memory_space<vmem>>, vector<1x2048xf32>
    %get3A_18 = vector.shape_cast %get3A_17 : vector<1x2048xf32> to vector<2048xf32>
    %add3A_19 = arith.addf %get3A_18, %reduce_sum3A_6 : vector<2048xf32>
    %swap3A_20 = arith.constant 1 : index
    %swap3A_21 = arith.constant 0 : index
    %swap3A_22 = vector.load %arg2[%swap3A_20, %swap3A_21] : memref<2x2048xf32, #tpu.memory_space<vmem>>, vector<1x2048xf32>
    %swap3A_23 = vector.shape_cast %swap3A_22 : vector<1x2048xf32> to vector<2048xf32>
    %swap3A_24 = vector.shape_cast %add3A_19 : vector<2048xf32> to vector<1x2048xf32>
    tpu.vector_store %arg2[%swap3A_20, %swap3A_21], %swap3A_24 {strides = array<i32>} : memref<2x2048xf32, #tpu.memory_space<vmem>>, vector<1x2048xf32>,
    return
  }
  func.func @transform_0(%arg0: i32) -> (i32, i32) {
    %c0_i32 = arith.constant 0 : i32
    %c0_i32_0 = arith.constant 0 : i32
    return %arg0, %c0_i32 : i32, i32
  }
  func.func @transform_1(%arg0: i32) -> (i32, i32) {
    %c0_i32 = arith.constant 0 : i32
    %c0_i32_0 = arith.constant 0 : i32
    %c0_i32_1 = arith.constant 0 : i32
    return %c0_i32, %c0_i32_0 : i32, i32
  }
}

module attributes {stable_mosaic.version = 14 : i64} {
  func.func @_mm_att_kernel(%arg0: i32, %arg1: memref<1000x2048xf32, #tpu.memory_space<vmem>>, %arg2: memref<2048x10xf32, #tpu.memory_space<vmem>>, %arg3: memref<1x2048xf32, #tpu.memory_space<vmem>>, %arg4: memref<1x2048xf32, #tpu.memory_space<vmem>>, %arg5: memref<2048x1xf32, #tpu.memory_space<vmem>>, %arg6: memref<2048x1xf32, #tpu.memory_space<vmem>>, %arg7: memref<1000x10xf32, #tpu.memory_space<vmem>>, %arg8: memref<1000x1xf32, #tpu.memory_space<vmem>>, %arg9: memref<1000x1xf32, #tpu.memory_space<vmem>>) attributes {dimension_semantics = [#tpu.dimension_semantics<arbitrary>], iteration_bounds = array<i64: 10>, scalar_prefetch = 0 : i64, scratch_operands = 0 : i64, tpu.core_type = #tpu.core_type<tc>, window_params = [{transform_indices = @transform_0, window_bounds = array<i64: 1000, 2048>}, {pipeline_mode = #tpu.pipeline_mode<synchronous>, transform_indices = @transform_1, window_bounds = array<i64: 2048, 10>}, {pipeline_mode = #tpu.pipeline_mode<synchronous>, transform_indices = @transform_2, window_bounds = array<i64: 1, 2048>}, {pipeline_mode = #tpu.pipeline_mode<synchronous>, transform_indices = @transform_3, window_bounds = array<i64: 1, 2048>}, {pipeline_mode = #tpu.pipeline_mode<synchronous>, transform_indices = @transform_4, window_bounds = array<i64: 2048, 1>}, {pipeline_mode = #tpu.pipeline_mode<synchronous>, transform_indices = @transform_5, window_bounds = array<i64: 2048, 1>}, {transform_indices = @transform_6, window_bounds = array<i64: 1000, 10>}, {transform_indices = @transform_7, window_bounds = array<i64: 1000, 1>}, {transform_indices = @transform_8, window_bounds = array<i64: 1000, 1>}]} {
    %get3A = arith.constant 0 : index
    %get3A_0 = arith.constant 0 : index
    %get3A_1 = vector.load %arg1[%get3A, %get3A_0] : memref<1000x2048xf32, #tpu.memory_space<vmem>>, vector<1000x2048xf32>
    %get3A_2 = arith.constant 0 : index
    %get3A_3 = arith.constant 0 : index
    %get3A_4 = vector.load %arg3[%get3A_2, %get3A_3] : memref<1x2048xf32, #tpu.memory_space<vmem>>, vector<1x2048xf32>
    %get3A_5 = vector.shape_cast %get3A_4 : vector<1x2048xf32> to vector<2048xf32>
    %broadcast_in_dim3A = vector.shape_cast %get3A_5 : vector<2048xf32> to vector<1x2048xf32>
    %mul3A = vector.broadcast %broadcast_in_dim3A : vector<1x2048xf32> to vector<1000x2048xf32>
    %mul3A_6 = arith.mulf %get3A_1, %mul3A : vector<1000x2048xf32>
    %get3A_7 = arith.constant 0 : index
    %get3A_8 = arith.constant 0 : index
    %get3A_9 = vector.load %arg4[%get3A_7, %get3A_8] : memref<1x2048xf32, #tpu.memory_space<vmem>>, vector<1x2048xf32>
    %get3A_10 = vector.shape_cast %get3A_9 : vector<1x2048xf32> to vector<2048xf32>
    %broadcast_in_dim3A_11 = vector.shape_cast %get3A_10 : vector<2048xf32> to vector<1x2048xf32>
    %add3A = vector.broadcast %broadcast_in_dim3A_11 : vector<1x2048xf32> to vector<1000x2048xf32>
    %add3A_12 = arith.addf %mul3A_6, %add3A : vector<1000x2048xf32>
    %get3A_13 = arith.constant 0 : index
    %get3A_14 = arith.constant 0 : index
    %get3A_15 = vector.load %arg2[%get3A_13, %get3A_14] : memref<2048x10xf32, #tpu.memory_space<vmem>>, vector<2048x10xf32>
    %dot_general3A = arith.constant dense<0.000000e+00> : vector<1000x10xf32>
    %dot_general3A_16 = tpu.matmul %add3A_12, %get3A_15, %dot_general3A {dimension_numbers = #tpu.dot_dimension_numbers<[1], [0], [0], [1], [0, 0, 1, 1], [], []>, transpose_lhs_hint = false} : vector<1000x2048xf32>, vector<2048x10xf32>, vector<1000x10xf32> -> vector<1000x10xf32>
    %swap3A = arith.constant 0 : index
    %swap3A_17 = arith.constant 0 : index
    %swap3A_18 = vector.load %arg7[%swap3A, %swap3A_17] : memref<1000x10xf32, #tpu.memory_space<vmem>>, vector<1000x10xf32>
    tpu.vector_store %arg7[%swap3A, %swap3A_17], %dot_general3A_16 {strides = array<i32>} : memref<1000x10xf32, #tpu.memory_space<vmem>>, vector<1000x10xf32>,
    %get3A_19 = arith.constant 0 : index
    %get3A_20 = arith.constant 0 : index
    %get3A_21 = vector.load %arg5[%get3A_19, %get3A_20] : memref<2048x1xf32, #tpu.memory_space<vmem>>, vector<2048x1xf32>
    %dot_general3A_22 = arith.constant dense<0.000000e+00> : vector<1000x1xf32>
    %dot_general3A_23 = tpu.matmul %add3A_12, %get3A_21, %dot_general3A_22 {dimension_numbers = #tpu.dot_dimension_numbers<[1], [0], [0], [1], [0, 0, 1, 1], [], []>, transpose_lhs_hint = false} : vector<1000x2048xf32>, vector<2048x1xf32>, vector<1000x1xf32> -> vector<1000x1xf32>
    %swap3A_24 = arith.constant 0 : index
    %swap3A_25 = arith.constant 0 : index
    %swap3A_26 = vector.load %arg8[%swap3A_24, %swap3A_25] : memref<1000x1xf32, #tpu.memory_space<vmem>>, vector<1000x1xf32>
    tpu.vector_store %arg8[%swap3A_24, %swap3A_25], %dot_general3A_23 {strides = array<i32>} : memref<1000x1xf32, #tpu.memory_space<vmem>>, vector<1000x1xf32>,
    %get3A_27 = arith.constant 0 : index
    %get3A_28 = arith.constant 0 : index
    %get3A_29 = vector.load %arg6[%get3A_27, %get3A_28] : memref<2048x1xf32, #tpu.memory_space<vmem>>, vector<2048x1xf32>
    %dot_general3A_30 = arith.constant dense<0.000000e+00> : vector<1000x1xf32>
    %dot_general3A_31 = tpu.matmul %add3A_12, %get3A_29, %dot_general3A_30 {dimension_numbers = #tpu.dot_dimension_numbers<[1], [0], [0], [1], [0, 0, 1, 1], [], []>, transpose_lhs_hint = false} : vector<1000x2048xf32>, vector<2048x1xf32>, vector<1000x1xf32> -> vector<1000x1xf32>
    %swap3A_32 = arith.constant 0 : index
    %swap3A_33 = arith.constant 0 : index
    %swap3A_34 = vector.load %arg9[%swap3A_32, %swap3A_33] : memref<1000x1xf32, #tpu.memory_space<vmem>>, vector<1000x1xf32>
    tpu.vector_store %arg9[%swap3A_32, %swap3A_33], %dot_general3A_31 {strides = array<i32>} : memref<1000x1xf32, #tpu.memory_space<vmem>>, vector<1000x1xf32>,
    return
  }
  func.func @transform_0(%arg0: i32) -> (i32, i32) {
    %c0_i32 = arith.constant 0 : i32
    %c0_i32_0 = arith.constant 0 : i32
    return %arg0, %c0_i32 : i32, i32
  }
  func.func @transform_1(%arg0: i32) -> (i32, i32) {
    %c0_i32 = arith.constant 0 : i32
    %c0_i32_0 = arith.constant 0 : i32
    %c0_i32_1 = arith.constant 0 : i32
    return %c0_i32, %c0_i32_0 : i32, i32
  }
  func.func @transform_2(%arg0: i32) -> (i32, i32) {
    %c0_i32 = arith.constant 0 : i32
    %c0_i32_0 = arith.constant 0 : i32
    %c0_i32_1 = arith.constant 0 : i32
    return %c0_i32, %c0_i32_0 : i32, i32
  }
  func.func @transform_3(%arg0: i32) -> (i32, i32) {
    %c0_i32 = arith.constant 0 : i32
    %c0_i32_0 = arith.constant 0 : i32
    %c0_i32_1 = arith.constant 0 : i32
    return %c0_i32, %c0_i32_0 : i32, i32
  }
  func.func @transform_4(%arg0: i32) -> (i32, i32) {
    %c0_i32 = arith.constant 0 : i32
    %c0_i32_0 = arith.constant 0 : i32
    %c0_i32_1 = arith.constant 0 : i32
    return %c0_i32, %c0_i32_0 : i32, i32
  }
  func.func @transform_5(%arg0: i32) -> (i32, i32) {
    %c0_i32 = arith.constant 0 : i32
    %c0_i32_0 = arith.constant 0 : i32
    %c0_i32_1 = arith.constant 0 : i32
    return %c0_i32, %c0_i32_0 : i32, i32
  }
  func.func @transform_6(%arg0: i32) -> (i32, i32) {
    %c0_i32 = arith.constant 0 : i32
    %c0_i32_0 = arith.constant 0 : i32
    return %arg0, %c0_i32 : i32, i32
  }
  func.func @transform_7(%arg0: i32) -> (i32, i32) {
    %c0_i32 = arith.constant 0 : i32
    %c0_i32_0 = arith.constant 0 : i32
    return %arg0, %c0_i32 : i32, i32
  }
  func.func @transform_8(%arg0: i32) -> (i32, i32) {
    %c0_i32 = arith.constant 0 : i32
    %c0_i32_0 = arith.constant 0 : i32
    return %arg0, %c0_i32 : i32, i32
  }
}

</mosaic_0001>

<sc_bundles>
// kernel: gather_offload_async_start
scs
__scs_entry_jumppad:
0x0: {  	(pc) =	sbr.rel $0x88, $3  }
0x1: {  	(tag) =	ssettag $0x0;
	lr =	simm.s32 $0x1  }
0x2: {  	[smem:$0x3F92] =	sst lr;
	_ =	strace $0xD0000000  }
0x3: {  	_ = 	snop  }
0x4: {  	_ = 	snop  }
0x5: {  	_ = 	snop  }
0x6: {  	_ = 	snop  }
0x7: {  	_ = 	snop  }
__scs_overlays_trampoline_lowered:
0x8: {  	[smem:$0x3FA1] =	sst s0  }
0x9: {  	[smem:$0x3FA2] =	sst s1  }
0xa: {  	[smem:$0x3FA3] =	sst s2  }
0xb: {  	[smem:$0x3FA4] =	sst s3  }
0xc: {  	[smem:$0x3FA5] =	sst s4  }
0xd: {  	[smem:$0x3FA6] =	sst s5  }
0xe: {  	[smem:$0x3FA7] =	sst s6  }
0xf: {  	[smem:$0x3FA8] =	sst s7  }
0x10: {  	[smem:$0x3FA9] =	sst s8  }
0x11: {  	[smem:$0x3FAA] =	sst s9;
	s0 =	simm.s32 @!p0 $0x0  }
0x12: {  	s1 =	sld [smem:$0x3F90];
	s0 =	simm.s32 @p0 $0x1  }
0x13: {  	[smem:$0x3FAB] =	sst s0;
	s0 =	simm.s32 @!p1 $0x0  }
0x14: {  	s2 =	sld [smem:$0x3F8F];
	s0 =	simm.s32 @p1 $0x1  }
0x15: {  	[smem:$0x3FAC] =	sst s0;
	s0 =	simm.s32 @!p2 $0x0  }
0x16: {  	s3 =	sld [smem:$0x3FDB];
	s0 =	simm.s32 @p2 $0x1  }
0x17: {  	s4 =	simm.s32 $0x1BF5;
	[smem:$0x3FAE] =	sst s0  }
0x18: {  	s0 =	sld [smem:$0x3F91];
	_ =	swait.ge [sflag:s4], $0x0  }
0x19: {  	s7 =	sld [smem:$0x3F92]  }
0x1a: {  	s8 =	sadd.s32 $0xFFFFE003, lr  }
0x1b: {  	s9 =	sadd.s32 $0xFFFFFEF7, lr;
	s5 =	simm.s32 $0xFFFFFFFF;
	p2 =	slt.u32 s8, $0xFFFFF086  }
0x1c: {  	p1 =	slt.u32 s9, $0xF7A;
	s5 =	simm.s32 @!p2 $0x0  }
0x1d: {  	s5 =	simm.s32 @p1 $0x1;
	p0 =	seq.s32 s7, s2  }
0x1e: {  	s7 =	smul.u32 @!p0 $0xF7A, s2;
	p2 =	seq.s32 @!p0 s5, $0x0  }
0x1f: {  	s9 =	smul.u32 $0xF7A, s1;
	s8 =	simm.s32 @!p0 $0x1BF5;
	p2 =	por !p2, p0  }
0x20: {  	[sflag:s8] =	ssyncset.s32 @!p0 $0xFFFFF086;
	s6 =	sadd.s32 @!p0 s3, s7;
	s7 =	simm.s32 @!p0 $0x108  }
0x21: {  	s3 =	sadd.s32 s3, s9;
	s6 =	sadd.s32 @!p0 $0x88, s6;
	s7 =	simm.s32 @p2 $0x1082  }
0x22: {  	[simem:s7], [sflag:s8] =	dma.local @!p0 [hbm:s6], $0xF7A  }
0x23: {  	s9 =	sor.u32 $0xD0000000, s2;
	s6 =	simm.s32 $0x108;
	_ =	swait.ge @!p0 [sflag:s8], $0x0  }
0x24: {  	s3 =	sadd.s32 $0x88, s3;
	s6 =	simm.s32 @!p1 $0x1082;
	[sflag:s4] =	ssyncset.s32 $0xFFFFF086  }
0x25: {  	[simem:s6], [sflag:s4] =	dma.local [hbm:s3], $0xF7A  }
0x26: {  	[smem:$0x3F92] =	sst s1;
	(tag) =	ssettag s2;
	_ =	strace s9  }
0x27: {  	s1 =	sld [smem:$0x3FA2]  }
0x28: {  	s2 =	sld [smem:$0x3FA3]  }
0x29: {  	s4 =	sld [smem:$0x3FA5]  }
0x2a: {  	p0 =	seq.s32 s5, $0x0;
	s5 =	sld [smem:$0x3FA6]  }
0x2b: {  	s6 =	sld [smem:$0x3FA7]  }
0x2c: {  	s7 =	sld [smem:$0x3FA8]  }
0x2d: {  	s3 =	simm.s32 $0x108;
	s8 =	sld [smem:$0x3FA9]  }
0x2e: {  	s3 =	simm.s32 @!p0 $0x1082;
	s9 =	sld [smem:$0x3FAA]  }
0x2f: {  	lr =	sadd.s32 s0, s3;
	s0 =	sld [smem:$0x3FA1]  }
0x30: {  	s3 =	sld [smem:$0x3FA4]  }
0x31: {  	[smem:$0x3FAD] =	sst s10  }
0x32: {  	s10 =	sld [smem:$0x3FAB];
	_ =	sdelay $0x3  }
0x33: {  	p0 =	seq.s32 s10, $0x1;
	s10 =	sld [smem:$0x3FAD];
	_ =	sdelay $0x3  }
0x34: {  	[smem:$0x3FAD] =	sst s10  }
0x35: {  	s10 =	sld [smem:$0x3FAC];
	_ =	sdelay $0x3  }
0x36: {  	p1 =	seq.s32 s10, $0x1;
	s10 =	sld [smem:$0x3FAD];
	_ =	sdelay $0x3  }
0x37: {  	[smem:$0x3FAD] =	sst s10  }
0x38: {  	s10 =	sld [smem:$0x3FAE]  }
0x39: {  	_ = 	snop;
	(pc) =	sbr.ind lr, $3  }
0x3a: {  	_ = 	snop  }
0x3b: {  	_ = 	snop  }
0x3c: {  	p2 =	seq.s32 s10, $0x1;
	s10 =	sld [smem:$0x3FAD]  }
0x3d: {  	_ =	shalt  }
0x3e: {  	_ =	shalt  }
0x3f: {  	_ =	shalt  }
0x40: {  	_ =	shalt  }
0x41: {  	_ =	shalt  }
0x42: {  	_ =	shalt  }
0x43: {  	_ =	shalt  }
0x44: {  	_ =	shalt  }
0x45: {  	_ =	shalt  }
0x46: {  	_ =	shalt  }
0x47: {  	_ =	shalt  }
0x48: {  	_ =	shalt  }
0x49: {  	_ =	shalt  }
0x4a: {  	_ =	shalt  }
0x4b: {  	_ =	shalt  }
0x4c: {  	_ =	shalt  }
0x4d: {  	_ =	shalt  }
0x4e: {  	_ =	shalt  }
0x4f: {  	_ =	shalt  }
0x50: {  	_ =	shalt  }
0x51: {  	_ =	shalt  }
0x52: {  	_ =	shalt  }
0x53: {  	_ =	shalt  }
0x54: {  	_ =	shalt  }
0x55: {  	_ =	shalt  }
0x56: {  	_ =	shalt  }
0x57: {  	_ =	shalt  }
0x58: {  	_ =	shalt  }
0x59: {  	_ =	shalt  }
0x5a: {  	_ =	shalt  }
0x5b: {  	_ =	shalt  }
0x5c: {  	_ =	shalt  }
0x5d: {  	_ =	shalt  }
0x5e: {  	_ =	shalt  }
0x5f: {  	_ =	shalt  }
0x60: {  	_ =	shalt  }
0x61: {  	_ =	shalt  }
0x62: {  	_ =	shalt  }
0x63: {  	_ =	shalt  }
0x64: {  	_ =	shalt  }
0x65: {  	_ =	shalt  }
0x66: {  	_ =	shalt  }
0x67: {  	_ =	shalt  }
0x68: {  	_ =	shalt  }
0x69: {  	_ =	shalt  }
0x6a: {  	_ =	shalt  }
0x6b: {  	_ =	shalt  }
0x6c: {  	_ =	shalt  }
0x6d: {  	_ =	shalt  }
0x6e: {  	_ =	shalt  }
0x6f: {  	_ =	shalt  }
0x70: {  	_ =	shalt  }
0x71: {  	_ =	shalt  }
0x72: {  	_ =	shalt  }
0x73: {  	_ =	shalt  }
0x74: {  	_ =	shalt  }
0x75: {  	_ =	shalt  }
0x76: {  	_ =	shalt  }
0x77: {  	_ =	shalt  }
0x78: {  	_ =	shalt  }
0x79: {  	_ =	shalt  }
0x7a: {  	_ =	shalt  }
0x7b: {  	_ =	shalt  }
0x7c: {  	_ =	shalt  }
0x7d: {  	_ =	shalt  }
0x7e: {  	_ =	shalt  }
0x7f: {  	_ =	shalt  }
0x80: {  	_ =	shalt  }
0x81: {  	_ =	shalt  }
0x82: {  	_ =	shalt  }
0x83: {  	_ =	shalt  }
0x84: {  	_ =	shalt  }
0x85: {  	_ =	shalt  }
0x86: {  	_ =	shalt  }
0x87: {  	_ =	shalt  }
.Lfunc_end0:
.L_simem_size_0:
called_computation.9_lowered:
.L_overlay_start_0:
0x88: {  	s0 =	sld [smem:$0x3FD9]  }
0x89: {  	s1 =	sld [smem:$0x3FFE];
	_ =	sdelay $0x3  }
0x8a: {  	s0 =	sadd.s32 s1, s0  }
0x8b: {  	[smem:$0x3FB9] =	sst s0  }
0x8c: {  	_ = 	snop  }
0x8d: {  	(tm) =	ssettm $0x1  }
0x8e: {  	s15 =	sld [smem:$0x3FFB];
	_ =	sdelay $0x3  }
0x8f: {  	_ =	strace s15  }
0x90: {  	s0 =	sld [smem:$0x3FFC];
	_ =	sdelay $0x3  }
0x91: {  	_ =	strace s0  }
0x92: {  	s0 =	sld [smem:$0x3FFD];
	_ =	sdelay $0x3  }
0x93: {  	_ =	strace s0  }
0x94: {  	_ =	strace $0x8FFFFFFF  }
0x95: {  	s16 =	sld [smem:$0x3FDB];
	_ =	sdelay $0x1  }
0x96: {  	s17 =	simm.s32 $_scs_section_size  }
0x97: {  	s2 =	simm.s32 $_size__tile_overlayer_lowered;
	s3 =	simm.s32 $_tile_overlayer_lowered  }
0x98: {  	s20 =	simm.s32 $0x1BFF;
	s19 =	sshll.u32 s3, $0x1;
	s0 =	sadd.s32 s17, s16  }
0x99: {  	s4 =	simm.s32 $0x0;
	s18 =	sshll.u32 s2, $0x1;
	s2 =	sadd.s32 s19, s0  }
0x9a: {  	[timem:s4], [sflag:s20] =	dma.local [hbm:s2], s18  }
0x9b: {  	_ =	swait.ge [sflag:s20], s18  }
0x9c: {  	s1 =	ssub.s32 $0x0, s18;
	[sflag:s20] =	ssyncset.done $0x0  }
0x9d: {  	[sflag:s20] =	ssyncadd.s32 s1;
	_ =	sdelay $0x1  }
0x9e: {  	s21 =	simm.s32 $0x1B8B  }
0x9f: {  	_ =	swait.ge [sflag:s21], $0x1  }
0xa0: {  	[sflag:s21] =	ssyncset.done $0x0  }
0xa1: {  	s23 =	simm.s32 $0x1B8E;
	s22 =	sld [smem:$0x3FFE];
	[sflag:s21] =	ssyncadd.s32 $0xFFFFFFFF  }
0xa2: {  	s24 =	simm.s32 $execute0_lowered;
	[smem:$0x3FD2] =	sst s23  }
0xa3: {  	s2 =	sshll.u32 s24, $0x1;
	_ =	strace $0x8000004F;
	[dreg:$0x1] =	wrdreg $0xFFFFFFFF  }
0xa4: {  	s25 =	simm.s32 $_size_execute0_lowered;
	s0 =	sadd.s32 s0, s2;
	[dreg:$0x0] =	wrdreg $0x0  }
0xa5: {  	s2 =	sshll.u32 s25, $0x1;
	[dreg:$0x2] =	wrdreg s0  }
0xa6: {  	[dreg:$0x3] =	wrdreg s2  }
0xa7: {  	[dreg:$0x4] =	wrdreg $0xC0  }
0xa8: {  	_ =	task [dreg:s4], $0x5FFFF  }
0xa9: {  	[dreg:$0x1] =	wrdreg $0xFFFFFFFF  }
0xaa: {  	[dreg:$0x0] =	wrdreg $0x60  }
0xab: {  	[dreg:$0x2] =	wrdreg s22  }
0xac: {  	[dreg:$0x3] =	wrdreg $0x9  }
0xad: {  	_ =	task.clear_ibuf [dreg:s4], $0x4FFFF;
	_ =	strace $0x9000004F  }
0xae: {  	s26 =	simm.s32 $0x9;
	_ =	strace $0x80000051  }
0xaf: {  	_ =	swait.ge [sflag:s26], $0x1  }
0xb0: {  	[sflag:s26] =	ssyncadd.s32 $0xFFFFFFFF  }
0xb1: {  	_ =	strace $0x90000051  }
0xb2: {  	_ =	sfence  }
0xb3: {  	s28 =	sld [smem:$0x0];
	_ =	sdelay $0x1  }
0xb4: {  	s29 =	srdreg.scid  }
0xb5: {  	s30 =	sshll.u32 s29, $0xD;
	s31 =	sshrl.u32 s29, $0x2  }
0xb6: {  	s1 =	sand.u32 $0x1, s29;
	s2 =	sand.u32 $0x4000, s30;
	s0 =	sadd.s32 s31, s28  }
0xb7: {  	s1 =	sor.u32 s2, s1;
	s0 =	sshll.u32 s0, $0x11  }
0xb8: {  	s0 =	sor.u32 s0, s1  }
0xb9: {  	s0 =	sadd.s32 $0x8F2B, s0  }
0xba: {  	[sflag:s0] =	ssyncadd.remote.s32 $0x1  }
0xbb: {  	_ =	sfence.sel $0xFFFF  }
0xbc: {  	[dreg:$0x0] =	wrdreg $0xFFFFFFFF;
	(pc) =	sbr.abs _section_cstart, $3  }
0xbd: {  	[dreg:$0x1] =	wrdreg $0xFFFFFFFF  }
0xbe: {  	_ =	task.clear_ibuf [dreg:s4], $0x2FFFF;
	_ =	strace $0x9FFFFFFF  }
0xbf: {  	(tm) =	ssettm $0x7FFFFFFF  }
tec
execute0_lowered:
.L_overlay_start_1:
0x0: {  	(tag) =	ssettag $0x1  }
0x1: {  	s0 =	stileid.u32  }
0x2: {  	s1 =	simm.s32 $0x1;
	p0 =	sne.s32 s0, $0x0;
	s2 =	smul.u32 $0x298, s0  }
0x3: {  	s5 =	simm.s32 $0x1;
	s1 =	simm.s32 @!p0 $0x0  }
0x4: {  	p1 =	seq.s32 s0, $0x0;
	s0 =	simm.s32 $0x2990;
	s1 =	sor.u32 s1, s2  }
0x5: {  	s6 =	simm.s32 $0x2;
	s0 =	simm.s32 @!p1 $0x2980;
	s1 =	sshll.u32 s1, $0x4  }
0x6: {  	s9 =	simm.s32 $0x3;
	s12 =	simm.s32 $0x0;
	s3 =	sadd.s32 s0, s1  }
0x7: {  	s11 =	simm.s32 $0x0;
	s2 =	rddreg [dreg:$0x0];
	s3 =	smin.u32 s3, $0x29810  }
.Ltmp0:
0x8: {  	s4 =	sadd.s32 $0x286000, s2;
	s7 =	ssub.s32 s3, s1;
	(pc) =	sbr.rel .LBB2_1-.Ltmp0, $4  }
0x9: {  	s0 =	rddreg [dreg:$0x1];
	_ =	strace $0x80000050;
	p1 =	sgt.s32 s7, $0x0  }
0xa: {  	s8 =	sadd.s32 $0xA43E00, s2;
	[sflag:s5] =	ssyncpa.u1 $0x0;
	s7 =	simm.s32 @!p1 $0x0  }
0xb: {  	s10 =	smov.u32 s1;
	[sflag:s6] =	ssyncpa.u1 $0x0;
	s7 =	sshrl.u32 s7, $0x4  }
0xc: {  	vm0 =	vmmov $0xffff;
	[sflag:s9] =	ssyncpa.u1 $0x0;
	p1 =	por $0x0, $0x0;
	s9 =	sadd.s32 $0x1, s7  }
.LBB2_6:
0xd: {  	s12 =	sadd.s32 $0x10, s10  }
0xe: {  	s14 =	smov.u32 s1;
	p3 =	slt.s32 s12, s3  }
0xf: {  	s14 =	smov.u32 @p3 s12;
	p3 =	sne.s32 s11, s9  }
.Ltmp1:
0x10: {  	p2 =	slt.u32 s11, $0x2;
	(pc) =	sbr.rel @!p3 .LBB2_7-.Ltmp1, $4  }
0x11: {  	s13 =	simm.s32 @!p2 $0x3  }
0x12: {  	s15 =	sadd.s32 $0x1, s11;
	_ =	swait.ge @!p2 [sflag:s13], $0x8000  }
0x13: {  	p1 =	por !p1, !p1;
	s12 =	smov.u32 s10;
	[sflag:s13] =	ssyncset.done @!p2 $0x0  }
0x14: {  	s11 =	smov.u32 s15;
	s10 =	smov.u32 s14;
	[sflag:s13] =	ssyncadd.s32 @!p2 $0xFFFF8000  }
.LBB2_1:
0x15: {  	p2 =	sge.u32 s11, s7  }
0x16: {  	s13 =	sxor.u32 @!p2 $0xFFFFFFFF, s11  }
0x17: {  	s31 =	sadd.s32 $0xFFFFFFFF, s11;
	s14 =	sshrl.u32 @!p2 s10, $0x3;
	s13 =	sshll.u32 @!p2 s13, $0x4  }
0x18: {  	s15 =	sand.u32 @!p2 $0x7, s10;
	s14 =	sadd.s32 @!p2 s2, s14;
	s13 =	sand.u32 @!p2 $0x10, s13  }
0x19: {  	[tilespmem:s13], [sflag:$0x2] =	stream.linear.gather @!p2 [hbm4b:s14+s15], $0x10, $0x38;
	[tilespmem:$0x10020] =	vst v63  }
0x1a: {  	p2 =	sge.u32 s31, s7  }
.Ltmp2:
0x1b: {  	_ = 	snop;
	(pc) =	sbr.rel @p2 .LBB2_6-.Ltmp2, $1  }
0x1c: {  	_ =	sdelay $0x3  }
0x1d: {  	_ =	swait.ge [sflag:s6], $0x10  }
0x1e: {  	s13 =	sand.u32 $0x1, s11;
	[sflag:s6] =	ssyncset.done $0x0  }
0x1f: {  	s14 =	sshll.u32 s13, $0x4;
	[sflag:s6] =	ssyncadd.s32 $0xFFFFFFF0  }
0x20: {  	v0 =	vld.msk [tilespmem:s14+$0x0 ss:$0x1], $0xffff;
	_ =	sdelay $0x4  }
0x21: {  	vm1 =	vgt.s32 v0, $0x0  }
0x22: {  	v0 =	vnsel vm1, $0x0, v0  }
0x23: {  	v0 =	vmin.u32 v0, $0x270F  }
0x24: {  	v0 =	vshll.u32 v0, $0x8;
	_ =	sdelay $0x1  }
0x25: {  	v1 =	vor.u32 $0x80, v0  }
0x26: {  	s13 =	sshll.u32 s13, $0xF  }
0x27: {  	s30 =	sor.u32 $0x20, s13;
	s14 =	simm.s32 $0x1  }
0x28: {  	[tilespmem:s30], [sflag:$0x1] =	stream.indirect_vreg.gather [hbm:s4], $0x400, v0, vm0, $0x38;
	[tilespmem:$0x10020] =	vst v63  }
0x29: {  	s12 =	sshll.u32 s12, $0x8;
	s13 =	sor.u32 $0x4020, s13;
	s14 =	simm.s32 @!p1 $0x0  }
0x2a: {  	[tilespmem:s13], [sflag:$0x1] =	stream.indirect_vreg.gather [hbm:s4], $0x400, v1, vm0, $0x38;
	[tilespmem:$0x10020] =	vst v63  }
0x2b: {  	p3 =	por $0x1, $0x1;
	s31 =	sshll.u32 s14, $0x11;
	_ =	swait.ge [sflag:s5], $0x8000  }
0x2c: {  	s12 =	sadd.s32 s12, s8;
	s13 =	sshrl.u32 s31, $0x2;
	[sflag:s5] =	ssyncset.done $0x0  }
0x2d: {  	s14 =	simm.s32 $0x0;
	s13 =	sadd.s32 $0x20, s13;
	[sflag:s5] =	ssyncadd.s32 $0xFFFF8000  }
.LBB2_3:
0x2e: {  	s15 =	sshll.u32 s14, $0x10  }
0x2f: {  	s16 =	sshll.u32 s14, $0x7;
	s31 =	sshra.s32 s15, $0x2  }
0x30: {  	p2 =	por p3, p3;
	s15 =	sadd.s32 s16, s12;
	s14 =	sadd.s32 s31, s13  }
0x31: {  	s16 =	simm.s32 $0x100;
	s18 =	sadd.s32 $0x0, s15;
	s17 =	sadd.s32 $0x400, s14  }
.LBB2_4:
0x32: {  	[hbm:s18] =	stream.linear.scatter [tilespmem:s14], [sflag:$0x3], $0x400, $0x38;
	[tilespmem:$0x10020] =	vst v63  }
0x33: {  	s18 =	smov.u32 s16;
	s14 =	smov.u32 s17;
	p3 =	sne.s32 s16, $0xF00  }
.Ltmp3:
0x34: {  	s16 =	sadd.s32 $0x100, s16;
	(pc) =	sbr.rel @p3 .LBB2_4-.Ltmp3, $2  }
0x35: {  	_ =	sdelay $0x2  }
0x36: {  	s17 =	sadd.s32 $0x400, s17;
	s18 =	sadd.s32 s18, s15  }
.Ltmp4:
0x37: {  	(pc) =	sbr.rel @p2 .LBB2_3-.Ltmp4, $4  }
.Ltmp5:
0x38: {  	(pc) =	sbr.rel @!p2 .LBB2_6-.Ltmp5, $4  }
0x39: {  	_ = 	snop  }
0x3a: {  	[hbm:s18] =	stream.linear.scatter [tilespmem:s14], [sflag:$0x3], $0x400, $0x38;
	[tilespmem:$0x10020] =	vst v63  }
0x3b: {  	s14 =	simm.s32 $0x1;
	p3 =	por $0x0, $0x0  }
0x3c: {  	_ = 	snop  }
.LBB2_7:
0x3d: {  	_ =	sfence.sel $0x180000  }
0x3e: {  	s1 =	simm.s32 $0x2;
	[bflag:$0x0] =	sbarrier.arrive $0xFFFF  }
0x3f: {  	s30 =	simm.s32 $0x3;
	[sflag:s1] =	ssyncpa.u1 $0x1  }
0x40: {  	s31 =	simm.s32 $0x1;
	[sflag:s30] =	ssyncpa.u1 $0x1  }
0x41: {  	[sflag:s31] =	ssyncpa.u1 $0x1  }
0x42: {  	_ =	strace $0x90000050  }
0x43: {  	s0 =	sadd.s32 @!p0 $0x100000, s0;
	[bflag:$0x2] =	sbarrier.arrive $0xFFFF  }
0x44: {  	[sflag:s0] =	ssyncadd.tile.s32 @!p0 $0x1;
	_ =	shalt  }
.Lfunc_end2:
_tile_overlayer_lowered:
.L_overlay_start_2:
0x45: {  	(tag) =	ssettag $0x2  }
0x46: {  	s0 =	rddreg [dreg:$0x0];
	s2 =	stileid.u32  }
0x47: {  	s1 =	rddreg [dreg:$0x1];
	p0 =	sne.s32 s2, $0x0  }
0x48: {  	s3 =	rddreg [dreg:$0x2];
	[bflag:$0x3] =	sbarrier.arrive $0xFFFF;
	s2 =	simm.s32 @!p0 $0x1C01  }
0x49: {  	[timem:s3], [sflag:s2] =	dma.local @!p0 [hbm:s0], s1  }
0x4a: {  	s0 =	simm.s32 @!p0 $0x1  }
0x4b: {  	_ =	swait.ge @!p0 [sflag:s0], s1  }
0x4c: {  	s1 =	ssub.s32 @!p0 $0x0, s1;
	[sflag:s0] =	ssyncset.done @!p0 $0x0  }
0x4d: {  	[sflag:s0] =	ssyncadd.s32 @!p0 s1  }
0x4e: {  	[bflag:$0x3] =	sbarrier.arrive $0xFFFF  }
0x4f: {  	_ =	shalt  }

// kernel: scatter_offload_async_start.1
scs
__scs_entry_jumppad:
0x0: {  	(pc) =	sbr.rel $0x88, $3  }
0x1: {  	(tag) =	ssettag $0x0;
	lr =	simm.s32 $0x1  }
0x2: {  	[smem:$0x3F92] =	sst lr;
	_ =	strace $0xD0000000  }
0x3: {  	_ = 	snop  }
0x4: {  	_ = 	snop  }
0x5: {  	_ = 	snop  }
0x6: {  	_ = 	snop  }
0x7: {  	_ = 	snop  }
__scs_overlays_trampoline_lowered:
0x8: {  	[smem:$0x3FA1] =	sst s0  }
0x9: {  	[smem:$0x3FA2] =	sst s1  }
0xa: {  	[smem:$0x3FA3] =	sst s2  }
0xb: {  	[smem:$0x3FA4] =	sst s3  }
0xc: {  	[smem:$0x3FA5] =	sst s4  }
0xd: {  	[smem:$0x3FA6] =	sst s5  }
0xe: {  	[smem:$0x3FA7] =	sst s6  }
0xf: {  	[smem:$0x3FA8] =	sst s7  }
0x10: {  	[smem:$0x3FA9] =	sst s8  }
0x11: {  	[smem:$0x3FAA] =	sst s9;
	s0 =	simm.s32 @!p0 $0x0  }
0x12: {  	s1 =	sld [smem:$0x3F90];
	s0 =	simm.s32 @p0 $0x1  }
0x13: {  	[smem:$0x3FAB] =	sst s0;
	s0 =	simm.s32 @!p1 $0x0  }
0x14: {  	s2 =	sld [smem:$0x3F8F];
	s0 =	simm.s32 @p1 $0x1  }
0x15: {  	[smem:$0x3FAC] =	sst s0;
	s0 =	simm.s32 @!p2 $0x0  }
0x16: {  	s3 =	sld [smem:$0x3FDB];
	s0 =	simm.s32 @p2 $0x1  }
0x17: {  	s4 =	simm.s32 $0x1BF5;
	[smem:$0x3FAE] =	sst s0  }
0x18: {  	s0 =	sld [smem:$0x3F91];
	_ =	swait.ge [sflag:s4], $0x0  }
0x19: {  	s7 =	sld [smem:$0x3F92]  }
0x1a: {  	s8 =	sadd.s32 $0xFFFFE003, lr  }
0x1b: {  	s9 =	sadd.s32 $0xFFFFFEF7, lr;
	s5 =	simm.s32 $0xFFFFFFFF;
	p2 =	slt.u32 s8, $0xFFFFF086  }
0x1c: {  	p1 =	slt.u32 s9, $0xF7A;
	s5 =	simm.s32 @!p2 $0x0  }
0x1d: {  	s5 =	simm.s32 @p1 $0x1;
	p0 =	seq.s32 s7, s2  }
0x1e: {  	s7 =	smul.u32 @!p0 $0xF7A, s2;
	p2 =	seq.s32 @!p0 s5, $0x0  }
0x1f: {  	s9 =	smul.u32 $0xF7A, s1;
	s8 =	simm.s32 @!p0 $0x1BF5;
	p2 =	por !p2, p0  }
0x20: {  	[sflag:s8] =	ssyncset.s32 @!p0 $0xFFFFF086;
	s6 =	sadd.s32 @!p0 s3, s7;
	s7 =	simm.s32 @!p0 $0x108  }
0x21: {  	s3 =	sadd.s32 s3, s9;
	s6 =	sadd.s32 @!p0 $0x88, s6;
	s7 =	simm.s32 @p2 $0x1082  }
0x22: {  	[simem:s7], [sflag:s8] =	dma.local @!p0 [hbm:s6], $0xF7A  }
0x23: {  	s9 =	sor.u32 $0xD0000000, s2;
	s6 =	simm.s32 $0x108;
	_ =	swait.ge @!p0 [sflag:s8], $0x0  }
0x24: {  	s3 =	sadd.s32 $0x88, s3;
	s6 =	simm.s32 @!p1 $0x1082;
	[sflag:s4] =	ssyncset.s32 $0xFFFFF086  }
0x25: {  	[simem:s6], [sflag:s4] =	dma.local [hbm:s3], $0xF7A  }
0x26: {  	[smem:$0x3F92] =	sst s1;
	(tag) =	ssettag s2;
	_ =	strace s9  }
0x27: {  	s1 =	sld [smem:$0x3FA2]  }
0x28: {  	s2 =	sld [smem:$0x3FA3]  }
0x29: {  	s4 =	sld [smem:$0x3FA5]  }
0x2a: {  	p0 =	seq.s32 s5, $0x0;
	s5 =	sld [smem:$0x3FA6]  }
0x2b: {  	s6 =	sld [smem:$0x3FA7]  }
0x2c: {  	s7 =	sld [smem:$0x3FA8]  }
0x2d: {  	s3 =	simm.s32 $0x108;
	s8 =	sld [smem:$0x3FA9]  }
0x2e: {  	s3 =	simm.s32 @!p0 $0x1082;
	s9 =	sld [smem:$0x3FAA]  }
0x2f: {  	lr =	sadd.s32 s0, s3;
	s0 =	sld [smem:$0x3FA1]  }
0x30: {  	s3 =	sld [smem:$0x3FA4]  }
0x31: {  	[smem:$0x3FAD] =	sst s10  }
0x32: {  	s10 =	sld [smem:$0x3FAB];
	_ =	sdelay $0x3  }
0x33: {  	p0 =	seq.s32 s10, $0x1;
	s10 =	sld [smem:$0x3FAD];
	_ =	sdelay $0x3  }
0x34: {  	[smem:$0x3FAD] =	sst s10  }
0x35: {  	s10 =	sld [smem:$0x3FAC];
	_ =	sdelay $0x3  }
0x36: {  	p1 =	seq.s32 s10, $0x1;
	s10 =	sld [smem:$0x3FAD];
	_ =	sdelay $0x3  }
0x37: {  	[smem:$0x3FAD] =	sst s10  }
0x38: {  	s10 =	sld [smem:$0x3FAE]  }
0x39: {  	_ = 	snop;
	(pc) =	sbr.ind lr, $3  }
0x3a: {  	_ = 	snop  }
0x3b: {  	_ = 	snop  }
0x3c: {  	p2 =	seq.s32 s10, $0x1;
	s10 =	sld [smem:$0x3FAD]  }
0x3d: {  	_ =	shalt  }
0x3e: {  	_ =	shalt  }
0x3f: {  	_ =	shalt  }
0x40: {  	_ =	shalt  }
0x41: {  	_ =	shalt  }
0x42: {  	_ =	shalt  }
0x43: {  	_ =	shalt  }
0x44: {  	_ =	shalt  }
0x45: {  	_ =	shalt  }
0x46: {  	_ =	shalt  }
0x47: {  	_ =	shalt  }
0x48: {  	_ =	shalt  }
0x49: {  	_ =	shalt  }
0x4a: {  	_ =	shalt  }
0x4b: {  	_ =	shalt  }
0x4c: {  	_ =	shalt  }
0x4d: {  	_ =	shalt  }
0x4e: {  	_ =	shalt  }
0x4f: {  	_ =	shalt  }
0x50: {  	_ =	shalt  }
0x51: {  	_ =	shalt  }
0x52: {  	_ =	shalt  }
0x53: {  	_ =	shalt  }
0x54: {  	_ =	shalt  }
0x55: {  	_ =	shalt  }
0x56: {  	_ =	shalt  }
0x57: {  	_ =	shalt  }
0x58: {  	_ =	shalt  }
0x59: {  	_ =	shalt  }
0x5a: {  	_ =	shalt  }
0x5b: {  	_ =	shalt  }
0x5c: {  	_ =	shalt  }
0x5d: {  	_ =	shalt  }
0x5e: {  	_ =	shalt  }
0x5f: {  	_ =	shalt  }
0x60: {  	_ =	shalt  }
0x61: {  	_ =	shalt  }
0x62: {  	_ =	shalt  }
0x63: {  	_ =	shalt  }
0x64: {  	_ =	shalt  }
0x65: {  	_ =	shalt  }
0x66: {  	_ =	shalt  }
0x67: {  	_ =	shalt  }
0x68: {  	_ =	shalt  }
0x69: {  	_ =	shalt  }
0x6a: {  	_ =	shalt  }
0x6b: {  	_ =	shalt  }
0x6c: {  	_ =	shalt  }
0x6d: {  	_ =	shalt  }
0x6e: {  	_ =	shalt  }
0x6f: {  	_ =	shalt  }
0x70: {  	_ =	shalt  }
0x71: {  	_ =	shalt  }
0x72: {  	_ =	shalt  }
0x73: {  	_ =	shalt  }
0x74: {  	_ =	shalt  }
0x75: {  	_ =	shalt  }
0x76: {  	_ =	shalt  }
0x77: {  	_ =	shalt  }
0x78: {  	_ =	shalt  }
0x79: {  	_ =	shalt  }
0x7a: {  	_ =	shalt  }
0x7b: {  	_ =	shalt  }
0x7c: {  	_ =	shalt  }
0x7d: {  	_ =	shalt  }
0x7e: {  	_ =	shalt  }
0x7f: {  	_ =	shalt  }
0x80: {  	_ =	shalt  }
0x81: {  	_ =	shalt  }
0x82: {  	_ =	shalt  }
0x83: {  	_ =	shalt  }
0x84: {  	_ =	shalt  }
0x85: {  	_ =	shalt  }
0x86: {  	_ =	shalt  }
0x87: {  	_ =	shalt  }
.Lfunc_end0:
.L_simem_size_0:
called_computation.1_lowered:
.L_overlay_start_0:
0x88: {  	s0 =	sld [smem:$0x3FD9]  }
0x89: {  	s1 =	sld [smem:$0x3FFE];
	_ =	sdelay $0x3  }
0x8a: {  	s0 =	sadd.s32 s1, s0  }
0x8b: {  	[smem:$0x3FB9] =	sst s0  }
0x8c: {  	_ = 	snop  }
0x8d: {  	s0 =	sld [smem:$0x3FD0];
	_ =	sdelay $0x2  }
0x8e: {  	s13 =	simm.s32 $0xB;
	s2 =	simm.s32 $0x10  }
0x8f: {  	[smem:s2], [sflag:s13] =	dma.local [hbm:s0], $0x1  }
0x90: {  	_ =	swait.eq [sflag:s13], $0x1  }
0x91: {  	[sflag:s13] =	ssyncset.done $0x0  }
0x92: {  	[sflag:s13] =	ssyncadd.s32 $0xFFFFFFFF  }
0x93: {  	s14 =	sld [smem:$0x12];
	(tm) =	ssettm $0x1  }
0x94: {  	s15 =	sld [smem:$0x3FFB];
	_ =	sdelay $0x3  }
0x95: {  	_ =	strace s15  }
0x96: {  	s1 =	sld [smem:$0x3FFC];
	_ =	sdelay $0x3  }
0x97: {  	_ =	strace s1  }
0x98: {  	s1 =	sld [smem:$0x3FFD];
	_ =	sdelay $0x3  }
0x99: {  	_ =	strace s1  }
0x9a: {  	_ =	strace $0x8FFFFFFF  }
0x9b: {  	s16 =	sld [smem:$0x3FDB];
	_ =	sdelay $0x1  }
0x9c: {  	s17 =	simm.s32 $_scs_section_size  }
0x9d: {  	s3 =	simm.s32 $_size__tile_overlayer_lowered;
	s4 =	simm.s32 $_tile_overlayer_lowered  }
0x9e: {  	s20 =	simm.s32 $0x1BFF;
	s19 =	sshll.u32 s4, $0x1;
	s1 =	sadd.s32 s17, s16  }
0x9f: {  	s5 =	simm.s32 $0x0;
	s18 =	sshll.u32 s3, $0x1;
	s3 =	sadd.s32 s19, s1  }
0xa0: {  	[timem:s5], [sflag:s20] =	dma.local [hbm:s3], s18  }
0xa1: {  	_ =	swait.ge [sflag:s20], s18  }
0xa2: {  	s2 =	ssub.s32 $0x0, s18;
	[sflag:s20] =	ssyncset.done $0x0  }
0xa3: {  	[sflag:s20] =	ssyncadd.s32 s2;
	_ =	sdelay $0x1  }
0xa4: {  	s21 =	simm.s32 $0x1B8B  }
0xa5: {  	_ =	swait.ge [sflag:s21], $0x1  }
0xa6: {  	[sflag:s21] =	ssyncset.done $0x0  }
0xa7: {  	s23 =	simm.s32 $0x1B8E;
	s22 =	sld [smem:$0x3FFE];
	[sflag:s21] =	ssyncadd.s32 $0xFFFFFFFF  }
0xa8: {  	s24 =	simm.s32 $execute0_lowered;
	[smem:$0x3FD2] =	sst s23  }
0xa9: {  	s3 =	sshll.u32 s24, $0x1;
	_ =	strace $0x80000049;
	[dreg:$0x1] =	wrdreg $0xFFFFFFFF  }
0xaa: {  	s25 =	simm.s32 $_size_execute0_lowered;
	s1 =	sadd.s32 s1, s3;
	[dreg:$0x0] =	wrdreg $0x0  }
0xab: {  	s3 =	sshll.u32 s25, $0x1;
	[dreg:$0x2] =	wrdreg s1  }
0xac: {  	[dreg:$0x3] =	wrdreg s3  }
0xad: {  	[dreg:$0x4] =	wrdreg $0xC0  }
0xae: {  	_ =	task [dreg:s5], $0x5FFFF  }
0xaf: {  	[dreg:$0x1] =	wrdreg $0xFFFFFFFF  }
0xb0: {  	[dreg:$0x0] =	wrdreg $0x60  }
0xb1: {  	[dreg:$0x2] =	wrdreg s14  }
0xb2: {  	[dreg:$0x3] =	wrdreg s22  }
0xb3: {  	[dreg:$0x4] =	wrdreg $0x9  }
0xb4: {  	_ =	task.clear_ibuf [dreg:s5], $0x5FFFF;
	_ =	strace $0x90000049  }
0xb5: {  	s26 =	simm.s32 $0x9;
	_ =	strace $0x8000004B  }
0xb6: {  	_ =	swait.ge [sflag:s26], $0x1  }
0xb7: {  	[sflag:s26] =	ssyncadd.s32 $0xFFFFFFFF  }
0xb8: {  	_ =	strace $0x9000004B  }
0xb9: {  	_ =	sfence  }
0xba: {  	s28 =	sld [smem:$0x0];
	_ =	sdelay $0x1  }
0xbb: {  	s29 =	srdreg.scid  }
0xbc: {  	s30 =	sshll.u32 s29, $0xD;
	s31 =	sshrl.u32 s29, $0x2  }
0xbd: {  	s2 =	sand.u32 $0x4000, s30;
	s1 =	sand.u32 $0x1, s29;
	s0 =	sadd.s32 s31, s28  }
0xbe: {  	s1 =	sor.u32 s2, s1;
	s0 =	sshll.u32 s0, $0x11  }
0xbf: {  	s0 =	sor.u32 s0, s1  }
0xc0: {  	s0 =	sadd.s32 $0x8F2B, s0  }
0xc1: {  	[sflag:s0] =	ssyncadd.remote.s32 $0x1  }
0xc2: {  	_ =	sfence.sel $0xFFFF  }
0xc3: {  	[dreg:$0x0] =	wrdreg $0xFFFFFFFF;
	(pc) =	sbr.abs _section_cstart, $3  }
0xc4: {  	[dreg:$0x1] =	wrdreg $0xFFFFFFFF  }
0xc5: {  	_ =	task.clear_ibuf [dreg:s5], $0x2FFFF;
	_ =	strace $0x9FFFFFFF  }
0xc6: {  	(tm) =	ssettm $0x7FFFFFFF  }
0xc7: {  	_ =	shalt  }
tec
execute0_lowered:
.L_overlay_start_1:
0x0: {  	(tag) =	ssettag $0x1  }
0x1: {  	s1 =	rddreg [dreg:$0x0]  }
0x2: {  	s8 =	rddreg [dreg:$0x1];
	_ =	strace $0x8000004A;
	s11 =	simm.s32 $0x1  }
0x3: {  	v0 =	vimm.s32 $0x0;
	[sflag:s11] =	ssyncpa.u1 $0x0  }
0x4: {  	[tilespmem:$0x28] =	vst v0  }
0x5: {  	[tilespmem:$0x38] =	vst v0  }
0x6: {  	[tilespmem:$0x48] =	vst v0  }
0x7: {  	[tilespmem:$0x58] =	vst v0  }
0x8: {  	[tilespmem:$0x68] =	vst v0  }
0x9: {  	[tilespmem:$0x78] =	vst v0  }
0xa: {  	[tilespmem:$0x88] =	vst v0  }
0xb: {  	[tilespmem:$0x98] =	vst v0  }
0xc: {  	[tilespmem:$0xA8] =	vst v0  }
0xd: {  	[tilespmem:$0xB8] =	vst v0  }
0xe: {  	[tilespmem:$0xC8] =	vst v0  }
0xf: {  	[tilespmem:$0xD8] =	vst v0  }
0x10: {  	[tilespmem:$0xE8] =	vst v0  }
0x11: {  	[tilespmem:$0xF8] =	vst v0  }
0x12: {  	[tilespmem:$0x108] =	vst v0  }
0x13: {  	[tilespmem:$0x118] =	vst v0  }
0x14: {  	[tilespmem:$0x128] =	vst v0  }
0x15: {  	[tilespmem:$0x138] =	vst v0  }
0x16: {  	[tilespmem:$0x148] =	vst v0  }
0x17: {  	[tilespmem:$0x158] =	vst v0  }
0x18: {  	[tilespmem:$0x168] =	vst v0  }
0x19: {  	[tilespmem:$0x178] =	vst v0  }
0x1a: {  	[tilespmem:$0x188] =	vst v0  }
0x1b: {  	[tilespmem:$0x198] =	vst v0  }
0x1c: {  	[tilespmem:$0x1A8] =	vst v0  }
0x1d: {  	[tilespmem:$0x1B8] =	vst v0  }
0x1e: {  	[tilespmem:$0x1C8] =	vst v0  }
0x1f: {  	[tilespmem:$0x1D8] =	vst v0  }
0x20: {  	[tilespmem:$0x1E8] =	vst v0  }
0x21: {  	[tilespmem:$0x1F8] =	vst v0  }
0x22: {  	[tilespmem:$0x208] =	vst v0  }
0x23: {  	[tilespmem:$0x218] =	vst v0  }
0x24: {  	[tilespmem:$0x228] =	vst v0  }
0x25: {  	[tilespmem:$0x238] =	vst v0  }
0x26: {  	[tilespmem:$0x248] =	vst v0  }
0x27: {  	[tilespmem:$0x258] =	vst v0  }
0x28: {  	[tilespmem:$0x268] =	vst v0  }
0x29: {  	[tilespmem:$0x278] =	vst v0  }
0x2a: {  	[tilespmem:$0x288] =	vst v0  }
0x2b: {  	[tilespmem:$0x298] =	vst v0  }
0x2c: {  	[tilespmem:$0x2A8] =	vst v0  }
0x2d: {  	[tilespmem:$0x2B8] =	vst v0  }
0x2e: {  	[tilespmem:$0x2C8] =	vst v0  }
0x2f: {  	[tilespmem:$0x2D8] =	vst v0  }
0x30: {  	[tilespmem:$0x2E8] =	vst v0  }
0x31: {  	[tilespmem:$0x2F8] =	vst v0  }
0x32: {  	[tilespmem:$0x308] =	vst v0  }
0x33: {  	[tilespmem:$0x318] =	vst v0  }
0x34: {  	[tilespmem:$0x328] =	vst v0  }
0x35: {  	[tilespmem:$0x338] =	vst v0  }
0x36: {  	[tilespmem:$0x348] =	vst v0  }
0x37: {  	[tilespmem:$0x358] =	vst v0  }
0x38: {  	[tilespmem:$0x368] =	vst v0  }
0x39: {  	[tilespmem:$0x378] =	vst v0  }
0x3a: {  	[tilespmem:$0x388] =	vst v0  }
0x3b: {  	[tilespmem:$0x398] =	vst v0  }
0x3c: {  	[tilespmem:$0x3A8] =	vst v0  }
0x3d: {  	[tilespmem:$0x3B8] =	vst v0  }
0x3e: {  	[tilespmem:$0x3C8] =	vst v0  }
0x3f: {  	[tilespmem:$0x3D8] =	vst v0  }
0x40: {  	[tilespmem:$0x3E8] =	vst v0  }
0x41: {  	[tilespmem:$0x3F8] =	vst v0  }
0x42: {  	[tilespmem:$0x408] =	vst v0  }
0x43: {  	[tilespmem:$0x418] =	vst v0  }
0x44: {  	[tilespmem:$0x428] =	vst v0  }
0x45: {  	[tilespmem:$0x438] =	vst v0  }
0x46: {  	[tilespmem:$0x448] =	vst v0  }
0x47: {  	[tilespmem:$0x458] =	vst v0  }
0x48: {  	[tilespmem:$0x468] =	vst v0  }
0x49: {  	[tilespmem:$0x478] =	vst v0  }
0x4a: {  	[tilespmem:$0x488] =	vst v0  }
0x4b: {  	[tilespmem:$0x498] =	vst v0  }
0x4c: {  	[tilespmem:$0x4A8] =	vst v0  }
0x4d: {  	[tilespmem:$0x4B8] =	vst v0  }
0x4e: {  	[tilespmem:$0x4C8] =	vst v0  }
0x4f: {  	[tilespmem:$0x4D8] =	vst v0  }
0x50: {  	[tilespmem:$0x4E8] =	vst v0  }
0x51: {  	[tilespmem:$0x4F8] =	vst v0  }
0x52: {  	[tilespmem:$0x508] =	vst v0  }
0x53: {  	[tilespmem:$0x518] =	vst v0  }
0x54: {  	[tilespmem:$0x528] =	vst v0  }
0x55: {  	[tilespmem:$0x538] =	vst v0  }
0x56: {  	[tilespmem:$0x548] =	vst v0  }
0x57: {  	[tilespmem:$0x558] =	vst v0  }
0x58: {  	[tilespmem:$0x568] =	vst v0  }
0x59: {  	[tilespmem:$0x578] =	vst v0  }
0x5a: {  	[tilespmem:$0x588] =	vst v0  }
0x5b: {  	[tilespmem:$0x598] =	vst v0  }
0x5c: {  	[tilespmem:$0x5A8] =	vst v0  }
0x5d: {  	[tilespmem:$0x5B8] =	vst v0  }
0x5e: {  	[tilespmem:$0x5C8] =	vst v0  }
0x5f: {  	[tilespmem:$0x5D8] =	vst v0  }
0x60: {  	[tilespmem:$0x5E8] =	vst v0  }
0x61: {  	[tilespmem:$0x5F8] =	vst v0  }
0x62: {  	[tilespmem:$0x608] =	vst v0  }
0x63: {  	[tilespmem:$0x618] =	vst v0  }
0x64: {  	[tilespmem:$0x628] =	vst v0  }
0x65: {  	[tilespmem:$0x638] =	vst v0  }
0x66: {  	[tilespmem:$0x648] =	vst v0  }
0x67: {  	[tilespmem:$0x658] =	vst v0  }
0x68: {  	[tilespmem:$0x668] =	vst v0  }
0x69: {  	[tilespmem:$0x678] =	vst v0  }
0x6a: {  	[tilespmem:$0x688] =	vst v0  }
0x6b: {  	[tilespmem:$0x698] =	vst v0  }
0x6c: {  	[tilespmem:$0x6A8] =	vst v0  }
0x6d: {  	[tilespmem:$0x6B8] =	vst v0  }
0x6e: {  	[tilespmem:$0x6C8] =	vst v0  }
0x6f: {  	[tilespmem:$0x6D8] =	vst v0  }
0x70: {  	[tilespmem:$0x6E8] =	vst v0  }
0x71: {  	[tilespmem:$0x6F8] =	vst v0  }
0x72: {  	[tilespmem:$0x708] =	vst v0  }
0x73: {  	[tilespmem:$0x718] =	vst v0  }
0x74: {  	[tilespmem:$0x728] =	vst v0  }
0x75: {  	[tilespmem:$0x738] =	vst v0  }
0x76: {  	[tilespmem:$0x748] =	vst v0  }
0x77: {  	[tilespmem:$0x758] =	vst v0  }
0x78: {  	[tilespmem:$0x768] =	vst v0  }
0x79: {  	[tilespmem:$0x778] =	vst v0  }
0x7a: {  	[tilespmem:$0x788] =	vst v0  }
0x7b: {  	[tilespmem:$0x798] =	vst v0  }
0x7c: {  	[tilespmem:$0x7A8] =	vst v0  }
0x7d: {  	[tilespmem:$0x7B8] =	vst v0  }
0x7e: {  	[tilespmem:$0x7C8] =	vst v0  }
0x7f: {  	[tilespmem:$0x7D8] =	vst v0  }
0x80: {  	[tilespmem:$0x7E8] =	vst v0  }
0x81: {  	[tilespmem:$0x7F8] =	vst v0  }
0x82: {  	[tilespmem:$0x808] =	vst v0  }
0x83: {  	[tilespmem:$0x818] =	vst v0  }
0x84: {  	[tilespmem:$0x828] =	vst v0  }
0x85: {  	[tilespmem:$0x838] =	vst v0  }
0x86: {  	[tilespmem:$0x848] =	vst v0  }
0x87: {  	[tilespmem:$0x858] =	vst v0  }
0x88: {  	[tilespmem:$0x868] =	vst v0  }
0x89: {  	[tilespmem:$0x878] =	vst v0  }
0x8a: {  	[tilespmem:$0x888] =	vst v0  }
0x8b: {  	[tilespmem:$0x898] =	vst v0  }
0x8c: {  	[tilespmem:$0x8A8] =	vst v0  }
0x8d: {  	[tilespmem:$0x8B8] =	vst v0  }
0x8e: {  	[tilespmem:$0x8C8] =	vst v0  }
0x8f: {  	[tilespmem:$0x8D8] =	vst v0  }
0x90: {  	[tilespmem:$0x8E8] =	vst v0  }
0x91: {  	[tilespmem:$0x8F8] =	vst v0  }
0x92: {  	[tilespmem:$0x908] =	vst v0  }
0x93: {  	[tilespmem:$0x918] =	vst v0  }
0x94: {  	[tilespmem:$0x928] =	vst v0  }
0x95: {  	[tilespmem:$0x938] =	vst v0  }
0x96: {  	[tilespmem:$0x948] =	vst v0  }
0x97: {  	[tilespmem:$0x958] =	vst v0  }
0x98: {  	[tilespmem:$0x968] =	vst v0  }
0x99: {  	[tilespmem:$0x978] =	vst v0  }
0x9a: {  	[tilespmem:$0x988] =	vst v0  }
0x9b: {  	[tilespmem:$0x998] =	vst v0  }
0x9c: {  	[tilespmem:$0x9A8] =	vst v0  }
0x9d: {  	[tilespmem:$0x9B8] =	vst v0  }
0x9e: {  	[tilespmem:$0x9C8] =	vst v0  }
0x9f: {  	[tilespmem:$0x9D8] =	vst v0  }
0xa0: {  	[tilespmem:$0x9E8] =	vst v0  }
0xa1: {  	[tilespmem:$0x9F8] =	vst v0  }
0xa2: {  	[tilespmem:$0xA08] =	vst v0  }
0xa3: {  	[tilespmem:$0xA18] =	vst v0  }
0xa4: {  	[tilespmem:$0xA28] =	vst v0  }
0xa5: {  	[tilespmem:$0xA38] =	vst v0  }
0xa6: {  	[tilespmem:$0xA48] =	vst v0  }
0xa7: {  	[tilespmem:$0xA58] =	vst v0  }
0xa8: {  	[tilespmem:$0xA68] =	vst v0  }
0xa9: {  	[tilespmem:$0xA78] =	vst v0  }
0xaa: {  	[tilespmem:$0xA88] =	vst v0  }
0xab: {  	[tilespmem:$0xA98] =	vst v0  }
0xac: {  	[tilespmem:$0xAA8] =	vst v0  }
0xad: {  	[tilespmem:$0xAB8] =	vst v0  }
0xae: {  	[tilespmem:$0xAC8] =	vst v0  }
0xaf: {  	[tilespmem:$0xAD8] =	vst v0  }
0xb0: {  	[tilespmem:$0xAE8] =	vst v0  }
0xb1: {  	[tilespmem:$0xAF8] =	vst v0  }
0xb2: {  	[tilespmem:$0xB08] =	vst v0  }
0xb3: {  	[tilespmem:$0xB18] =	vst v0  }
0xb4: {  	[tilespmem:$0xB28] =	vst v0  }
0xb5: {  	[tilespmem:$0xB38] =	vst v0  }
0xb6: {  	[tilespmem:$0xB48] =	vst v0  }
0xb7: {  	[tilespmem:$0xB58] =	vst v0  }
0xb8: {  	[tilespmem:$0xB68] =	vst v0  }
0xb9: {  	[tilespmem:$0xB78] =	vst v0  }
0xba: {  	[tilespmem:$0xB88] =	vst v0  }
0xbb: {  	[tilespmem:$0xB98] =	vst v0  }
0xbc: {  	[tilespmem:$0xBA8] =	vst v0  }
0xbd: {  	[tilespmem:$0xBB8] =	vst v0  }
0xbe: {  	[tilespmem:$0xBC8] =	vst v0  }
0xbf: {  	[tilespmem:$0xBD8] =	vst v0  }
0xc0: {  	[tilespmem:$0xBE8] =	vst v0  }
0xc1: {  	[tilespmem:$0xBF8] =	vst v0  }
0xc2: {  	[tilespmem:$0xC08] =	vst v0  }
0xc3: {  	[tilespmem:$0xC18] =	vst v0  }
0xc4: {  	[tilespmem:$0xC28] =	vst v0  }
0xc5: {  	[tilespmem:$0xC38] =	vst v0  }
0xc6: {  	[tilespmem:$0xC48] =	vst v0  }
0xc7: {  	[tilespmem:$0xC58] =	vst v0  }
0xc8: {  	[tilespmem:$0xC68] =	vst v0  }
0xc9: {  	[tilespmem:$0xC78] =	vst v0  }
0xca: {  	[tilespmem:$0xC88] =	vst v0  }
0xcb: {  	[tilespmem:$0xC98] =	vst v0  }
0xcc: {  	[tilespmem:$0xCA8] =	vst v0  }
0xcd: {  	[tilespmem:$0xCB8] =	vst v0  }
0xce: {  	[tilespmem:$0xCC8] =	vst v0  }
0xcf: {  	[tilespmem:$0xCD8] =	vst v0  }
0xd0: {  	[tilespmem:$0xCE8] =	vst v0  }
0xd1: {  	[tilespmem:$0xCF8] =	vst v0  }
0xd2: {  	[tilespmem:$0xD08] =	vst v0  }
0xd3: {  	[tilespmem:$0xD18] =	vst v0  }
0xd4: {  	[tilespmem:$0xD28] =	vst v0  }
0xd5: {  	[tilespmem:$0xD38] =	vst v0  }
0xd6: {  	[tilespmem:$0xD48] =	vst v0  }
0xd7: {  	[tilespmem:$0xD58] =	vst v0  }
0xd8: {  	[tilespmem:$0xD68] =	vst v0  }
0xd9: {  	[tilespmem:$0xD78] =	vst v0  }
0xda: {  	[tilespmem:$0xD88] =	vst v0  }
0xdb: {  	[tilespmem:$0xD98] =	vst v0  }
0xdc: {  	[tilespmem:$0xDA8] =	vst v0  }
0xdd: {  	[tilespmem:$0xDB8] =	vst v0  }
0xde: {  	[tilespmem:$0xDC8] =	vst v0  }
0xdf: {  	[tilespmem:$0xDD8] =	vst v0  }
0xe0: {  	[tilespmem:$0xDE8] =	vst v0  }
0xe1: {  	[tilespmem:$0xDF8] =	vst v0  }
0xe2: {  	[tilespmem:$0xE08] =	vst v0  }
0xe3: {  	[tilespmem:$0xE18] =	vst v0  }
0xe4: {  	[tilespmem:$0xE28] =	vst v0  }
0xe5: {  	[tilespmem:$0xE38] =	vst v0  }
0xe6: {  	[tilespmem:$0xE48] =	vst v0  }
0xe7: {  	[tilespmem:$0xE58] =	vst v0  }
0xe8: {  	[tilespmem:$0xE68] =	vst v0  }
0xe9: {  	[tilespmem:$0xE78] =	vst v0  }
0xea: {  	[tilespmem:$0xE88] =	vst v0  }
0xeb: {  	[tilespmem:$0xE98] =	vst v0  }
0xec: {  	[tilespmem:$0xEA8] =	vst v0  }
0xed: {  	[tilespmem:$0xEB8] =	vst v0  }
0xee: {  	[tilespmem:$0xEC8] =	vst v0  }
0xef: {  	[tilespmem:$0xED8] =	vst v0  }
0xf0: {  	[tilespmem:$0xEE8] =	vst v0  }
0xf1: {  	[tilespmem:$0xEF8] =	vst v0  }
0xf2: {  	[tilespmem:$0xF08] =	vst v0  }
0xf3: {  	[tilespmem:$0xF18] =	vst v0  }
0xf4: {  	[tilespmem:$0xF28] =	vst v0  }
0xf5: {  	[tilespmem:$0xF38] =	vst v0  }
0xf6: {  	[tilespmem:$0xF48] =	vst v0  }
0xf7: {  	[tilespmem:$0xF58] =	vst v0  }
0xf8: {  	[tilespmem:$0xF68] =	vst v0  }
0xf9: {  	[tilespmem:$0xF78] =	vst v0  }
0xfa: {  	[tilespmem:$0xF88] =	vst v0  }
0xfb: {  	[tilespmem:$0xF98] =	vst v0  }
0xfc: {  	[tilespmem:$0xFA8] =	vst v0  }
0xfd: {  	[tilespmem:$0xFB8] =	vst v0  }
0xfe: {  	[tilespmem:$0xFC8] =	vst v0  }
0xff: {  	[tilespmem:$0xFD8] =	vst v0  }
0x100: {  	[tilespmem:$0xFE8] =	vst v0  }
0x101: {  	[tilespmem:$0xFF8] =	vst v0  }
0x102: {  	[tilespmem:$0x1008] =	vst v0  }
0x103: {  	[tilespmem:$0x10D8] =	vst v0  }
0x104: {  	[tilespmem:$0x1B28] =	vst v0  }
0x105: {  	[tilespmem:$0x1B18] =	vst v0  }
0x106: {  	[tilespmem:$0x1B08] =	vst v0  }
0x107: {  	[tilespmem:$0x1AF8] =	vst v0  }
0x108: {  	[tilespmem:$0x1AE8] =	vst v0  }
0x109: {  	[tilespmem:$0x1AD8] =	vst v0  }
0x10a: {  	[tilespmem:$0x1AC8] =	vst v0  }
0x10b: {  	[tilespmem:$0x1AB8] =	vst v0  }
0x10c: {  	[tilespmem:$0x1AA8] =	vst v0  }
0x10d: {  	[tilespmem:$0x1A98] =	vst v0  }
0x10e: {  	[tilespmem:$0x1A88] =	vst v0  }
0x10f: {  	[tilespmem:$0x1A78] =	vst v0  }
0x110: {  	[tilespmem:$0x1A68] =	vst v0  }
0x111: {  	[tilespmem:$0x1A58] =	vst v0  }
0x112: {  	[tilespmem:$0x1A48] =	vst v0  }
0x113: {  	[tilespmem:$0x1A38] =	vst v0  }
0x114: {  	[tilespmem:$0x1A28] =	vst v0  }
0x115: {  	[tilespmem:$0x1A18] =	vst v0  }
0x116: {  	[tilespmem:$0x1A08] =	vst v0  }
0x117: {  	[tilespmem:$0x19F8] =	vst v0  }
0x118: {  	[tilespmem:$0x19E8] =	vst v0  }
0x119: {  	[tilespmem:$0x19D8] =	vst v0  }
0x11a: {  	[tilespmem:$0x19C8] =	vst v0  }
0x11b: {  	[tilespmem:$0x19B8] =	vst v0  }
0x11c: {  	[tilespmem:$0x19A8] =	vst v0  }
0x11d: {  	[tilespmem:$0x1998] =	vst v0  }
0x11e: {  	[tilespmem:$0x1988] =	vst v0  }
0x11f: {  	[tilespmem:$0x1978] =	vst v0  }
0x120: {  	[tilespmem:$0x1968] =	vst v0  }
0x121: {  	[tilespmem:$0x1958] =	vst v0  }
0x122: {  	[tilespmem:$0x1948] =	vst v0  }
0x123: {  	[tilespmem:$0x1938] =	vst v0  }
0x124: {  	[tilespmem:$0x1928] =	vst v0  }
0x125: {  	[tilespmem:$0x1918] =	vst v0  }
0x126: {  	[tilespmem:$0x1908] =	vst v0  }
0x127: {  	[tilespmem:$0x18F8] =	vst v0  }
0x128: {  	[tilespmem:$0x18E8] =	vst v0  }
0x129: {  	[tilespmem:$0x18D8] =	vst v0  }
0x12a: {  	[tilespmem:$0x18C8] =	vst v0  }
0x12b: {  	[tilespmem:$0x18B8] =	vst v0  }
0x12c: {  	[tilespmem:$0x18A8] =	vst v0  }
0x12d: {  	[tilespmem:$0x1898] =	vst v0  }
0x12e: {  	[tilespmem:$0x1888] =	vst v0  }
0x12f: {  	[tilespmem:$0x1878] =	vst v0  }
0x130: {  	[tilespmem:$0x1868] =	vst v0  }
0x131: {  	[tilespmem:$0x1858] =	vst v0  }
0x132: {  	[tilespmem:$0x1848] =	vst v0  }
0x133: {  	[tilespmem:$0x1838] =	vst v0  }
0x134: {  	[tilespmem:$0x1828] =	vst v0  }
0x135: {  	[tilespmem:$0x1818] =	vst v0  }
0x136: {  	[tilespmem:$0x1808] =	vst v0  }
0x137: {  	[tilespmem:$0x17F8] =	vst v0  }
0x138: {  	[tilespmem:$0x17E8] =	vst v0  }
0x139: {  	[tilespmem:$0x17D8] =	vst v0  }
0x13a: {  	[tilespmem:$0x17C8] =	vst v0  }
0x13b: {  	[tilespmem:$0x17B8] =	vst v0  }
0x13c: {  	[tilespmem:$0x17A8] =	vst v0  }
0x13d: {  	[tilespmem:$0x1798] =	vst v0  }
0x13e: {  	[tilespmem:$0x1788] =	vst v0  }
0x13f: {  	[tilespmem:$0x1778] =	vst v0  }
0x140: {  	[tilespmem:$0x1768] =	vst v0  }
0x141: {  	[tilespmem:$0x1758] =	vst v0  }
0x142: {  	[tilespmem:$0x1748] =	vst v0  }
0x143: {  	[tilespmem:$0x1738] =	vst v0  }
0x144: {  	[tilespmem:$0x1728] =	vst v0  }
0x145: {  	[tilespmem:$0x1718] =	vst v0  }
0x146: {  	[tilespmem:$0x1708] =	vst v0  }
0x147: {  	[tilespmem:$0x16F8] =	vst v0  }
0x148: {  	[tilespmem:$0x16E8] =	vst v0  }
0x149: {  	[tilespmem:$0x16D8] =	vst v0  }
0x14a: {  	[tilespmem:$0x16C8] =	vst v0  }
0x14b: {  	[tilespmem:$0x16B8] =	vst v0  }
0x14c: {  	[tilespmem:$0x16A8] =	vst v0  }
0x14d: {  	[tilespmem:$0x1698] =	vst v0  }
0x14e: {  	[tilespmem:$0x1688] =	vst v0  }
0x14f: {  	[tilespmem:$0x1678] =	vst v0  }
0x150: {  	[tilespmem:$0x1668] =	vst v0  }
0x151: {  	[tilespmem:$0x1658] =	vst v0  }
0x152: {  	[tilespmem:$0x1648] =	vst v0  }
0x153: {  	[tilespmem:$0x1638] =	vst v0  }
0x154: {  	[tilespmem:$0x1628] =	vst v0  }
0x155: {  	[tilespmem:$0x1618] =	vst v0  }
0x156: {  	[tilespmem:$0x1608] =	vst v0  }
0x157: {  	[tilespmem:$0x15F8] =	vst v0  }
0x158: {  	[tilespmem:$0x15E8] =	vst v0  }
0x159: {  	[tilespmem:$0x15D8] =	vst v0  }
0x15a: {  	[tilespmem:$0x15C8] =	vst v0  }
0x15b: {  	[tilespmem:$0x15B8] =	vst v0  }
0x15c: {  	[tilespmem:$0x15A8] =	vst v0  }
0x15d: {  	[tilespmem:$0x1598] =	vst v0  }
0x15e: {  	[tilespmem:$0x1588] =	vst v0  }
0x15f: {  	[tilespmem:$0x1578] =	vst v0  }
0x160: {  	[tilespmem:$0x1568] =	vst v0  }
0x161: {  	[tilespmem:$0x1558] =	vst v0  }
0x162: {  	[tilespmem:$0x1548] =	vst v0  }
0x163: {  	[tilespmem:$0x1538] =	vst v0  }
0x164: {  	[tilespmem:$0x1528] =	vst v0  }
0x165: {  	[tilespmem:$0x1518] =	vst v0  }
0x166: {  	[tilespmem:$0x1508] =	vst v0  }
0x167: {  	[tilespmem:$0x14F8] =	vst v0  }
0x168: {  	[tilespmem:$0x14E8] =	vst v0  }
0x169: {  	[tilespmem:$0x14D8] =	vst v0  }
0x16a: {  	[tilespmem:$0x14C8] =	vst v0  }
0x16b: {  	[tilespmem:$0x14B8] =	vst v0  }
0x16c: {  	[tilespmem:$0x14A8] =	vst v0  }
0x16d: {  	[tilespmem:$0x1498] =	vst v0  }
0x16e: {  	[tilespmem:$0x1488] =	vst v0  }
0x16f: {  	[tilespmem:$0x1478] =	vst v0  }
0x170: {  	[tilespmem:$0x1468] =	vst v0  }
0x171: {  	[tilespmem:$0x1458] =	vst v0  }
0x172: {  	[tilespmem:$0x1448] =	vst v0  }
0x173: {  	[tilespmem:$0x1438] =	vst v0  }
0x174: {  	[tilespmem:$0x1428] =	vst v0  }
0x175: {  	[tilespmem:$0x1418] =	vst v0  }
0x176: {  	[tilespmem:$0x1408] =	vst v0  }
0x177: {  	[tilespmem:$0x13F8] =	vst v0  }
0x178: {  	[tilespmem:$0x13E8] =	vst v0  }
0x179: {  	[tilespmem:$0x13D8] =	vst v0  }
0x17a: {  	[tilespmem:$0x13C8] =	vst v0  }
0x17b: {  	[tilespmem:$0x13B8] =	vst v0  }
0x17c: {  	[tilespmem:$0x13A8] =	vst v0  }
0x17d: {  	[tilespmem:$0x1398] =	vst v0  }
0x17e: {  	[tilespmem:$0x1388] =	vst v0  }
0x17f: {  	[tilespmem:$0x1378] =	vst v0  }
0x180: {  	[tilespmem:$0x1368] =	vst v0  }
0x181: {  	[tilespmem:$0x1358] =	vst v0  }
0x182: {  	[tilespmem:$0x1348] =	vst v0  }
0x183: {  	[tilespmem:$0x1338] =	vst v0  }
0x184: {  	[tilespmem:$0x1328] =	vst v0  }
0x185: {  	[tilespmem:$0x1318] =	vst v0  }
0x186: {  	[tilespmem:$0x1308] =	vst v0  }
0x187: {  	[tilespmem:$0x12F8] =	vst v0  }
0x188: {  	[tilespmem:$0x12E8] =	vst v0  }
0x189: {  	[tilespmem:$0x12D8] =	vst v0  }
0x18a: {  	[tilespmem:$0x12C8] =	vst v0  }
0x18b: {  	[tilespmem:$0x12B8] =	vst v0  }
0x18c: {  	[tilespmem:$0x12A8] =	vst v0  }
0x18d: {  	[tilespmem:$0x1298] =	vst v0  }
0x18e: {  	[tilespmem:$0x1288] =	vst v0  }
0x18f: {  	[tilespmem:$0x1278] =	vst v0  }
0x190: {  	[tilespmem:$0x1268] =	vst v0  }
0x191: {  	[tilespmem:$0x1258] =	vst v0  }
0x192: {  	[tilespmem:$0x1248] =	vst v0  }
0x193: {  	[tilespmem:$0x1238] =	vst v0  }
0x194: {  	[tilespmem:$0x1228] =	vst v0  }
0x195: {  	[tilespmem:$0x1218] =	vst v0  }
0x196: {  	[tilespmem:$0x1208] =	vst v0  }
0x197: {  	[tilespmem:$0x11F8] =	vst v0  }
0x198: {  	[tilespmem:$0x11E8] =	vst v0  }
0x199: {  	[tilespmem:$0x11D8] =	vst v0  }
0x19a: {  	[tilespmem:$0x11C8] =	vst v0  }
0x19b: {  	[tilespmem:$0x11B8] =	vst v0  }
0x19c: {  	[tilespmem:$0x11A8] =	vst v0  }
0x19d: {  	[tilespmem:$0x1198] =	vst v0  }
0x19e: {  	[tilespmem:$0x1188] =	vst v0  }
0x19f: {  	[tilespmem:$0x1178] =	vst v0  }
0x1a0: {  	[tilespmem:$0x1168] =	vst v0  }
0x1a1: {  	[tilespmem:$0x1158] =	vst v0  }
0x1a2: {  	[tilespmem:$0x1148] =	vst v0  }
0x1a3: {  	[tilespmem:$0x1138] =	vst v0  }
0x1a4: {  	[tilespmem:$0x1128] =	vst v0  }
0x1a5: {  	[tilespmem:$0x1118] =	vst v0  }
0x1a6: {  	s2 =	stileid.u32;
	[tilespmem:$0x1108] =	vst v0  }
0x1a7: {  	s0 =	smul.u32 $0x18, s2;
	[tilespmem:$0x10F8] =	vst v0  }
0x1a8: {  	s3 =	smin.u32 s2, $0xA;
	[tilespmem:$0x10E8] =	vst v0  }
0x1a9: {  	[tilespmem:$0x10B8] =	vst v0;
	s0 =	sadd.s32 s3, s0  }
0x1aa: {  	s4 =	simm.s32 $0x2A30;
	p0 =	slt.u32 s2, $0xA;
	[tilespmem:$0x10C8] =	vst v0;
	s3 =	smul.u32 $0x1B0, s0  }
0x1ab: {  	s4 =	simm.s32 @!p0 $0x2880;
	[tilespmem:$0x10A8] =	vst v0  }
0x1ac: {  	[tilespmem:$0x1038] =	vst v0;
	s0 =	sadd.s32 s4, s3  }
0x1ad: {  	[tilespmem:$0x1098] =	vst v0;
	s4 =	smin.u32 s0, $0x29810  }
0x1ae: {  	[tilespmem:$0x1088] =	vst v0;
	s0 =	ssub.s32 s4, s3  }
0x1af: {  	s5 =	simm.s32 $0x2;
	[tilespmem:$0x1078] =	vst v0;
	p0 =	sgt.s32 s0, $0x0  }
0x1b0: {  	s29 =	simm.s32 $0x7;
	s13 =	simm.s32 $0x8;
	[tilespmem:$0x1068] =	vst v0;
	s0 =	simm.s32 @!p0 $0x0  }
0x1b1: {  	s30 =	simm.s32 $0x9;
	p4 =	por $0x0, $0x0;
	[tilespmem:$0x1058] =	vst v0;
	s6 =	smulhi.u32 $0x4BDA12F7, s0  }
0x1b2: {  	s14 =	simm.s32 $0xA;
	s18 =	simm.s32 $0x0;
	s15 =	simm.s32 $0x0;
	[tilespmem:$0x1048] =	vst v0  }
0x1b3: {  	s17 =	simm.s32 $0x0;
	s7 =	sadd.s32 $0x513A00, s8;
	[tilespmem:$0x1028] =	vst v0;
	s12 =	sshrl.u32 s6, $0x7  }
0x1b4: {  	s31 =	sshll.u32 s2, $0x5;
	[tilespmem:$0x1018] =	vst v0;
	[sflag:s5] =	ssyncpa.u1 $0x0;
	v0 =	vimm.s32 $0xFFFFFFFF;
	s10 =	smul.u32 $0x1B0, s12  }
.Ltmp0:
0x1b5: {  	s5 =	sadd.s32 $0x280C00, s8;
	[tilespmem:$0x3648] =	vst v0;
	[sflag:s29] =	ssyncpa.u1 $0x0;
	(pc) =	sbr.rel .LBB2_1-.Ltmp0, $4  }
0x1b6: {  	[dreg:$0x3] =	wrdreg s31;
	[sflag:s13] =	ssyncpa.u1 $0x0;
	p0 =	sne.s32 s0, s10  }
0x1b7: {  	s13 =	simm.s32 $0x0;
	[sflag:s30] =	ssyncpa.u1 $0x0;
	s11 =	simm.s32 @!p0 $0x0  }
0x1b8: {  	s16 =	smov.u32 s3;
	[dreg:$0x4] =	wrdreg s3;
	s11 =	sadd.s32 s11, s12  }
0x1b9: {  	v0 =	vlaneseq.u32;
	s6 =	sadd.s32 $0x27B800, s8;
	p0 =	por $0x1, $0x1;
	s8 =	sadd.s32 $0x1, s11  }
.LBB2_18:
0x1ba: {  	s0 =	simm.s32 $0x2  }
0x1bb: {  	_ =	swait.ge [sflag:s0], $0x0  }
0x1bc: {  	[sflag:s0] =	ssyncset.done $0x0;
	s0 =	simm.s32 $0x0  }
.LBB2_19:
0x1bd: {  	_ =	swait.ge [sflag:s14], s0  }
0x1be: {  	s31 =	ssub.s32 $0x0, s0;
	v1 =	vmov s20;
	vm0 =	veq.s32 v0, $0x0;
	[sflag:s14] =	ssyncset.done $0x0  }
0x1bf: {  	vm15 =	veq.s32 v0, $0x2;
	v1 =	vsel vm0, s24, v1;
	[sflag:s14] =	ssyncadd.s32 s31  }
0x1c0: {  	v1 =	vsel vm15, s18, v1;
	[sflag:s14] =	ssyncpa.u1 $0x1  }
0x1c1: {  	[tilespmem:$0x3648] =	vst v1  }
.LBB2_20:
0x1c2: {  	s0 =	sadd.s32 $0x1B0, s16  }
0x1c3: {  	s2 =	smov.u32 s3;
	p1 =	slt.s32 s0, s4  }
0x1c4: {  	s2 =	smov.u32 @p1 s0;
	p1 =	sne.s32 s17, s8  }
.Ltmp1:
0x1c5: {  	_ = 	snop;
	(pc) =	sbr.rel @!p1 .LBB2_21-.Ltmp1, $4  }
0x1c6: {  	_ = 	snop  }
0x1c7: {  	s18 =	smov.u32 s15  }
0x1c8: {  	s31 =	sadd.s32 $0x1, s17;
	s15 =	smov.u32 s16;
	p0 =	por !p0, !p0  }
0x1c9: {  	p4 =	por !p4, !p4;
	s17 =	smov.u32 s31;
	s16 =	smov.u32 s2  }
.LBB2_1:
0x1ca: {  	p2 =	sge.u32 s17, s11  }
0x1cb: {  	s0 =	smulhi.u32 @!p2 $0xAAAAAAAB, s17  }
0x1cc: {  	s19 =	smov.u32 s16;
	p3 =	sgt.s32 @!p2 s16, $0x29660  }
0x1cd: {  	s20 =	sshra.s32 @!p2 s16, $0x1F;
	p3 =	por !p3, p2;
	s0 =	sshrl.u32 @!p2 s0, $0x1  }
0x1ce: {  	s20 =	sand.u32 @!p2 s20, s16;
	s19 =	simm.s32 @p3 $0x29660;
	s0 =	smul.u32 @!p2 $0x3, s0  }
0x1cf: {  	s19 =	ssub.s32 @!p2 s19, s20  }
0x1d0: {  	s19 =	sadd.s32 @!p2 $0xFFFD69A0, s19;
	s0 =	ssub.s32 @!p2 s17, s0  }
0x1d1: {  	s20 =	sshll.u32 @!p2 s19, $0x2;
	p3 =	sgt.s32 @!p2 s19, $0x1AF;
	s0 =	smul.u32 @!p2 $0x6C0, s0  }
0x1d2: {  	s21 =	sand.u32 @!p2 $0x7, s16;
	s19 =	ssub.s32 @!p2 $0x6C0, s20;
	p3 =	por !p3, p2  }
0x1d3: {  	s20 =	sshrl.u32 @!p2 s16, $0x3;
	s19 =	sshrl.u32 @!p2 s19, $0x2;
	s0 =	sshrl.u32 @!p2 s0, $0x2  }
0x1d4: {  	s20 =	sadd.s32 @!p2 s5, s20;
	s19 =	simm.s32 @!p3 $0x0;
	s0 =	sadd.s32 @!p2 $0x3878, s0  }
0x1d5: {  	[tilespmem:s0], [sflag:$0x8] =	stream.linear.gather @!p2 [hbm4b:s20+s21], s19, $0x38;
	[tilespmem:$0x1F0E8] =	vst v63  }
0x1d6: {  	s20 =	sadd.s32 $0xFFFFFFFF, s17  }
0x1d7: {  	p2 =	sge.u32 s20, s11  }
0x1d8: {  	p3 =	sgt.s32 @!p2 s15, $0x29660  }
0x1d9: {  	s0 =	smov.u32 s15;
	s19 =	sshra.s32 @!p2 s15, $0x1F;
	p3 =	por !p3, p2  }
0x1da: {  	s19 =	sand.u32 @!p2 s19, s15;
	s0 =	simm.s32 @p3 $0x29660  }
0x1db: {  	s0 =	ssub.s32 @!p2 s0, s19  }
0x1dc: {  	s0 =	sadd.s32 @!p2 $0xFFFD69A0, s0  }
0x1dd: {  	s19 =	sshll.u32 @!p2 s0, $0x2  }
0x1de: {  	p3 =	sgt.s32 @!p2 s0, $0x1AF;
	s0 =	ssub.s32 @!p2 $0x6C0, s19  }
0x1df: {  	p3 =	por !p3, p2;
	s0 =	sshrl.u32 @!p2 s0, $0x2  }
0x1e0: {  	s21 =	simm.s32 @!p2 $0x8;
	s19 =	sand.u32 @!p2 $0x1, s20;
	s0 =	simm.s32 @!p3 $0x0  }
0x1e1: {  	s19 =	smul.u32 @!p2 $0x6C0, s19;
	_ =	swait.ge @!p2 [sflag:s21], s0  }
0x1e2: {  	s22 =	ssub.s32 @!p2 $0x0, s0;
	[sflag:s21] =	ssyncset.done @!p2 $0x0  }
0x1e3: {  	s19 =	sshrl.u32 @!p2 s19, $0x2;
	[sflag:s21] =	ssyncadd.s32 @!p2 s22;
	s21 =	sshrl.u32 @!p2 s15, $0x3  }
0x1e4: {  	s19 =	sadd.s32 @!p2 $0x3D88, s19;
	s22 =	sand.u32 @!p2 $0x7, s15;
	s21 =	sadd.s32 @!p2 s6, s21  }
0x1e5: {  	[tilespmem:s19], [sflag:$0x9] =	stream.linear.gather @!p2 [hbm4b:s21+s22], s0, $0x38;
	[tilespmem:$0x1F0E8] =	vst v63  }
0x1e6: {  	s19 =	ssub.s32 @!p2 $0x29810, s15  }
0x1e7: {  	p3 =	slt.s32 @!p2 s19, $0x1  }
0x1e8: {  	p3 =	por p2, p3  }
.Ltmp2:
0x1e9: {  	_ = 	snop;
	(pc) =	sbr.rel @p3 .LBB2_7-.Ltmp2, $1  }
0x1ea: {  	_ =	sdelay $0x3  }
0x1eb: {  	s0 =	smulhi.u32 $0xAAAAAAAB, s20;
	_ =	sdelay $0x1  }
0x1ec: {  	s0 =	sshrl.u32 s0, $0x1  }
0x1ed: {  	s0 =	smul.u32 $0x3, s0;
	_ =	sdelay $0x1  }
0x1ee: {  	s0 =	ssub.s32 s20, s0  }
0x1ef: {  	s21 =	simm.s32 $0x1;
	s0 =	smul.u32 $0x6C0, s0  }
.Ltmp3:
0x1f0: {  	s21 =	simm.s32 @!p0 $0x0;
	(pc) =	sbr.rel .LBB2_4-.Ltmp3, $4  }
0x1f1: {  	s31 =	smul.u32 $0x36000, s21  }
0x1f2: {  	p3 =	slt.s32 @!p2 s19, $0x1B0;
	s0 =	sshrl.u32 s0, $0x2  }
0x1f3: {  	p2 =	por !p3, p2;
	s20 =	sshrl.u32 s31, $0x2;
	s0 =	sadd.s32 $0x3878, s0  }
0x1f4: {  	s19 =	simm.s32 @p2 $0x1B0;
	s21 =	simm.s32 $0x0;
	s20 =	sadd.s32 $0x40E8, s20;
	v1 =	vmov s0  }
.LBB2_3:
0x1f5: {  	p2 =	sge.s32 s21, s19  }
.Ltmp4:
0x1f6: {  	_ = 	snop;
	(pc) =	sbr.rel @p2 .LBB2_7-.Ltmp4, $2  }
0x1f7: {  	_ =	sdelay $0x2  }
0x1f8: {  	s20 =	sadd.s32 $0x800, s20  }
.LBB2_4:
0x1f9: {  	p2 =	sle.s32 s19, s21  }
.Ltmp5:
0x1fa: {  	_ = 	snop;
	(pc) =	sbr.rel @p2 .LBB2_3-.Ltmp5, $2  }
0x1fb: {  	_ =	sdelay $0x2  }
0x1fc: {  	s22 =	smov.u32 s21;
	s21 =	sadd.s32 $0x10, s21  }
0x1fd: {  	s0 =	ssub.s32 s19, s22  }
0x1fe: {  	p2 =	slt.s32 s0, $0x10  }
0x1ff: {  	s0 =	simm.s32 @!p2 $0x10  }
0x200: {  	v2 =	vmov s0  }
0x201: {  	vm0 =	vgt.s32 v2, v0;
	_ =	sdelay $0x5  }
0x202: {  	v2 =	vld.idx.msk [tilespmem:v1+s22+$0x0 ss:$0x1], vm0;
	_ =	sdelay $0x2  }
0x203: {  	s23 =	smov.u32 s19;
	p2 =	slt.s32 s21, s19  }
0x204: {  	s24 =	smov.u32 s20;
	s25 =	simm.s32 $0x0;
	s23 =	smov.u32 @p2 s21  }
.LBB2_6:
0x205: {  	(v2sf) =	vpush v2, s25;
	_ =	sdelay $0xc  }
0x206: {  	s25 =	sadd.s32 $0x1, s25  }
0x207: {  	s31 =	sadd.s32 s25, s22  }
0x208: {  	p2 =	slt.s32 s31, s23;
	s0 =	spop (v2sf)  }
.Ltmp6:
0x209: {  	s0 =	sshll.u32 s0, $0x4;
	(pc) =	sbr.rel @p2 .LBB2_6-.Ltmp6, $4  }
0x20a: {  	s0 =	sand.u32 $0x1FFFFFF0, s0  }
0x20b: {  	s0 =	sadd.s32 s7, s0  }
0x20c: {  	[tilespmem:s24], [sflag:$0x7] =	stream.linear.gather [hbm4b:s0+s13], $0x8, $0x38;
	[tilespmem:$0x1F0E8] =	vst v63  }
0x20d: {  	s24 =	sadd.s32 $0x80, s24  }
.Ltmp7:
0x20e: {  	_ = 	snop;
	(pc) =	sbr.rel .LBB2_3-.Ltmp7, $1  }
0x20f: {  	_ =	sdelay $0x3  }
.LBB2_7:
0x210: {  	p2 =	slt.u32 s17, $0x2  }
.Ltmp8:
0x211: {  	_ = 	snop;
	(pc) =	sbr.rel @p2 .LBB2_20-.Ltmp8, $1  }
0x212: {  	_ =	sdelay $0x3  }
0x213: {  	p2 =	sgt.s32 s18, $0x29660;
	s0 =	smov.u32 s18  }
0x214: {  	s19 =	sshra.s32 s18, $0x1F;
	s20 =	ssub.s32 $0x29810, s18;
	s0 =	simm.s32 @!p2 $0x29660  }
0x215: {  	s19 =	sand.u32 s19, s18;
	p2 =	slt.s32 s20, $0x1B0;
	s21 =	smov.u32 s20  }
0x216: {  	s0 =	ssub.s32 s0, s19;
	s21 =	simm.s32 @!p2 $0x1B0  }
0x217: {  	s0 =	sadd.s32 $0xFFFD69A0, s0;
	s26 =	sshll.u32 s21, $0x3  }
0x218: {  	s2 =	simm.s32 $0x7;
	s28 =	sshll.u32 s0, $0x2;
	s19 =	sand.u32 $0x3FFFFFF8, s26  }
0x219: {  	p2 =	sgt.s32 s0, $0x1AF;
	s29 =	ssub.s32 $0x6C0, s28;
	_ =	swait.ge [sflag:s2], s19  }
0x21a: {  	s19 =	ssub.s32 $0x0, s19;
	[sflag:s2] =	ssyncset.done $0x0;
	s0 =	sshrl.u32 s29, $0x2  }
0x21b: {  	s30 =	simm.s32 $0x9;
	[sflag:s2] =	ssyncadd.s32 s19;
	s0 =	simm.s32 @p2 $0x0  }
0x21c: {  	_ =	swait.ge [sflag:s30], s0  }
0x21d: {  	s0 =	ssub.s32 $0x0, s0;
	[sflag:s30] =	ssyncset.done $0x0  }
0x21e: {  	[sflag:s30] =	ssyncadd.s32 s0  }
0x21f: {  	v1 =	vld [tilespmem:$0x3648];
	_ =	sdelay $0x4  }
0x220: {  	(v2sf) =	vpush v1, $0x0  }
0x221: {  	(v2sf) =	vpush v1, $0x1  }
0x222: {  	(v2sf) =	vpush v1, $0x2;
	_ =	sdelay $0x3  }
0x223: {  	s0 =	sadd.s32 $0x1B0, s18  }
0x224: {  	p2 =	slt.s32 s4, s0  }
0x225: {  	s0 =	smov.u32 @p2 s4;
	p2 =	sgt.s32 s20, $0x0  }
0x226: {  	s22 =	ssub.s32 s0, s18;
	s20 =	simm.s32 @!p2 $0x0  }
0x227: {  	p2 =	slt.s32 s20, s22  }
0x228: {  	s22 =	smov.u32 @p2 s20  }
0x229: {  	s21 =	simm.s32 $0x1;
	p2 =	slt.s32 s22, $0x1  }
.Ltmp9:
0x22a: {  	s21 =	simm.s32 @!p4 $0x0;
	(pc) =	sbr.rel @p2 .LBB2_12-.Ltmp9, $4  }
0x22b: {  	s31 =	smul.u32 $0x6C0, s21  }
0x22c: {  	s23 =	spop (v2sf)  }
0x22d: {  	s0 =	sshrl.u32 s31, $0x2;
	s25 =	spop (v2sf)  }
0x22e: {  	s19 =	sadd.s32 $0x3D88, s0;
	s18 =	spop (v2sf)  }
0x22f: {  	s0 =	smin.u32 s22, $0x10  }
0x230: {  	v1 =	vmov s0  }
0x231: {  	p3 =	sgt.s32 s22, $0x10;
	vm1 =	vgt.u32 v1, v0  }
.Ltmp10:
0x232: {  	_ = 	snop;
	(pc) =	sbr.rel @!p3 .LBB2_11-.Ltmp10, $2  }
0x233: {  	_ =	sdelay $0x2  }
0x234: {  	s24 =	simm.s32 $0x10;
	s26 =	sadd.s32 $0xFFFFFFF0, s22;
	s20 =	smov.u32 s19;
	vm0 =	vmmov vm1  }
.LBB2_10:
0x235: {  	s0 =	smin.u32 s26, $0x10;
	s24 =	sadd.s32 $0x10, s24;
	v1 =	vld.msk [tilespmem:s20+$0x0 ss:$0x1], vm1  }
0x236: {  	v2 =	vmov s0;
	p3 =	slt.s32 s24, s22  }
0x237: {  	vm1 =	vgt.u32 v2, v0  }
.Ltmp11:
0x238: {  	(pc) =	sbr.rel @p3 .LBB2_10-.Ltmp11, $3  }
0x239: {  	_ =	sdelay $0x1  }
0x23a: {  	v1 =	vshll.u32 v1, $0x4  }
0x23b: {  	s26 =	sadd.s32 $0xFFFFFFF0, s26;
	[tilespmem:s20+$0x0] =	vst.msk vm0, v1;
	s20 =	sadd.s32 $0x10, s20;
	vm0 =	vmmov vm1  }
.LBB2_11:
0x23c: {  	_ =	sdelay $0x4  }
0x23d: {  	v1 =	vld.msk [tilespmem:s20+$0x0 ss:$0x1], vm1;
	_ =	sdelay $0x4  }
0x23e: {  	v1 =	vshll.u32 v1, $0x4  }
0x23f: {  	[tilespmem:s20+$0x0] =	vst.msk vm0, v1  }
.LBB2_12:
0x240: {  	s0 =	sand.u32 $0x1, s17  }
0x241: {  	s0 =	smul.u32 $0x1B0, s0  }
0x242: {  	p3 =	sne.s32 s25, $0xFFFFFFFF  }
0x243: {  	v1 =	vld.msk @!p3 [tilespmem:s0+$0x3D88], $0x1;
	_ =	sdelay $0x4  }
0x244: {  	(v2sf) =	vpush @!p3 v1, $0x0;
	_ =	sdelay $0xc  }
.Ltmp12:
0x245: {  	_ = 	snop;
	(pc) =	sbr.rel @p2 .LBB2_18-.Ltmp12, $4  }
0x246: {  	_ = 	snop  }
0x247: {  	s24 =	spop @!p3 (v2sf)  }
0x248: {  	s18 =	simm.s32 @!p3 $0x0;
	s20 =	smov.u32 s24  }
0x249: {  	[sflag:s14] =	ssyncpa.u1 $0x0;
	s24 =	smov.u32 @p3 s23;
	s20 =	smov.u32 @p3 s25  }
0x24a: {  	v1 =	vld.msk [tilespmem:s19+$0x0], $0x1;
	_ =	sdelay $0x4  }
0x24b: {  	(v2sf) =	vpush v1, $0x0;
	_ =	sdelay $0xd  }
0x24c: {  	s0 =	simm.s32 @!p4 $0x0  }
0x24d: {  	s26 =	smul.u32 $0x36000, s21;
	s25 =	ssub.s32 $0x0, s22;
	s28 =	spop (v2sf)  }
0x24e: {  	s0 =	simm.s32 @p4 $0x1;
	s23 =	sadd.s32 $0x1, s25;
	p2 =	seq.s32 s24, s28  }
0x24f: {  	[smem:$0x7FD] =	sst s0;
	s0 =	sshrl.u32 s26, $0x2;
	p3 =	sgt.s32 @!p2 s24, $0x0  }
0x250: {  	s21 =	sadd.s32 $0x40E8, s0;
	s0 =	smov.u32 s24;
	p3 =	por !p3, p2  }
0x251: {  	s0 =	simm.s32 @p3 $0x0;
	p3 =	seq.s32 s23, $0x0  }
.Ltmp13:
0x252: {  	_ = 	snop;
	(pc) =	sbr.rel @p3 .LBB2_15-.Ltmp13, $4  }
0x253: {  	s3 =	smov.u32 s8;
	s12 =	smov.u32 s5;
	s8 =	smov.u32 s6  }
0x254: {  	s22 =	simm.s32 $0x0;
	s29 =	simm.s32 @!p2 $0x1;
	s0 =	smin.u32 @!p2 s0, $0x270FF  }
0x255: {  	s30 =	simm.s32 @!p2 $0x1B38;
	s29 =	smov.u32 @p2 s22;
	s26 =	sand.u32 @!p2 $0x3FFF8, s0  }
0x256: {  	s31 =	sand.u32 @!p2 $0x7, s0;
	s0 =	sadd.s32 @!p2 s1, s26;
	s26 =	sadd.s32 $0x1, s19  }
.LBB2_14:
0x257: {  	s2 =	smov.u32 s29  }
0x258: {  	[tilespmem:s30], [sflag:$0x2] =	stream.linear.gather @!p2 [hbm4b:s0+s31], $0x8, $0x38;
	[tilespmem:$0x1F0E8] =	vst v63  }
0x259: {  	s23 =	sadd.s32 $0x1, s23;
	s0 =	smov.u32 s28;
	v1 =	vld.msk [tilespmem:s26+$0x0], $0x1  }
0x25a: {  	p3 =	seq.s32 s23, $0x0;
	_ =	sdelay $0x3  }
0x25b: {  	(v2sf) =	vpush v1, $0x0;
	_ =	sdelay $0xe  }
0x25c: {  	s28 =	spop (v2sf)  }
0x25d: {  	p2 =	seq.s32 s0, s28  }
0x25e: {  	p4 =	sgt.s32 @!p2 s0, $0x0;
	s30 =	sshll.u32 @!p2 s29, $0x6;
	s29 =	sadd.s32 @!p2 $0x1, s29  }
.Ltmp14:
0x25f: {  	p4 =	por !p4, p2;
	s30 =	sshra.s32 @!p2 s30, $0x2;
	(pc) =	sbr.rel @!p3 .LBB2_14-.Ltmp14, $4  }
0x260: {  	s29 =	smov.u32 @p2 s2;
	s0 =	simm.s32 @p4 $0x0;
	s30 =	sadd.s32 @!p2 $0x1B38, s30  }
0x261: {  	s0 =	smin.u32 @!p2 s0, $0x270FF  }
0x262: {  	s2 =	sand.u32 @!p2 $0x3FFF8, s0;
	s31 =	sand.u32 @!p2 $0x7, s0  }
0x263: {  	s26 =	sadd.s32 $0x1, s26;
	s0 =	sadd.s32 @!p2 s1, s2  }
.LBB2_15:
0x264: {  	[tilespmem:s30], [sflag:$0x2] =	stream.linear.gather @!p2 [hbm4b:s0+s31], $0x8, $0x38;
	[tilespmem:$0x1F0E8] =	vst v63  }
0x265: {  	s31 =	sshll.u32 s29, $0x3  }
0x266: {  	s2 =	simm.s32 $0x2;
	s0 =	sand.u32 $0x3FFFFFF8, s31  }
0x267: {  	_ =	swait.ge [sflag:s2], s0  }
0x268: {  	s0 =	ssub.s32 $0x0, s0;
	[sflag:s2] =	ssyncset.done $0x0  }
0x269: {  	[sflag:s2] =	ssyncadd.s32 s0  }
0x26a: {  	v1 =	vld.msk [tilespmem:s19+$0x0], $0x1;
	_ =	sdelay $0x4  }
0x26b: {  	(v2sf) =	vpush v1, $0x0;
	_ =	sdelay $0xe  }
0x26c: {  	s23 =	spop (v2sf)  }
0x26d: {  	p2 =	sne.s32 s24, s23  }
0x26e: {  	p4 =	sne.s32 @p2 s24, s20  }
0x26f: {  	p3 =	por !p4, !p2  }
0x270: {  	s0 =	simm.s32 @!p3 $0x0  }
0x271: {  	v1 =	vld.msk @!p3 [tilespmem:s0+$0x1B38], $0xff  }
0x272: {  	p5 =	sgt.u32 @!p3 s24, $0x270FF  }
0x273: {  	s2 =	sshll.u32 @!p3 s18, $0x6;
	p6 =	por @p2 p5, !p4  }
0x274: {  	s2 =	sshra.s32 @!p3 s2, $0x2;
	p1 =	por p6, !p2;
	p6 =	por p4, !p2  }
0x275: {  	s26 =	sadd.s32 @!p3 $0x28, s2;
	s28 =	sand.u32 @!p1 $0x3FFF8, s24;
	s29 =	sshll.u32 @!p6 s18, $0x6  }
0x276: {  	s24 =	sand.u32 @!p1 $0x7, s24;
	[tilespmem:s2+$0x28] =	vst.add.f32.msk @!p3 $0xff, v1;
	s2 =	sadd.s32 @!p1 s1, s28;
	s28 =	sshra.s32 @!p6 s29, $0x2  }
0x277: {  	[hbm4b:s2+s24] =	stream.linear.scatter @!p1 [tilespmem:s26], [sflag:$0xA], $0x8, $0x38;
	[tilespmem:$0x1F0E8] =	vst v63  }
0x278: {  	s0 =	rddreg [dreg:$0x3];
	s2 =	sadd.s32 @!p6 $0x28, s28;
	s24 =	simm.s32 @!p6 $0x1  }
0x279: {  	[spmem:s0] =	stream.linear.scatter @!p6 [tilespmem:s2], [sflag:$0x1], $0x8, $0x38;
	[tilespmem:$0x1F0E8] =	vst v63  }
0x27a: {  	s0 =	sadd.s32 @p2 $0x1, s18;
	_ =	swait.ge @!p6 [sflag:s24], $0x8  }
0x27b: {  	s2 =	sshrl.u32 @p2 s0, $0x4;
	[sflag:s24] =	ssyncset.done @!p6 $0x0  }
0x27c: {  	s2 =	smulhi.u32 @p2 $0x97B425F, s2;
	[sflag:s24] =	ssyncadd.s32 @!p6 $0xFFFFFFF8  }
0x27d: {  	s24 =	sadd.s32 $0x1, s25;
	v1 =	vld.msk @p2 [tilespmem:s21+$0x0], $0xff  }
0x27e: {  	p1 =	por @p2 !p5, !p4;
	s2 =	smul.u32 @p2 $0x1B0, s2;
	p4 =	seq.s32 s24, $0x0  }
.Ltmp15:
0x27f: {  	p1 =	por !p1, !p2;
	s25 =	simm.s32 @!p3 $0x0;
	(pc) =	sbr.rel @p4 .LBB2_17-.Ltmp15, $4  }
0x280: {  	s26 =	sshll.u32 @!p2 s18, $0x6;
	s25 =	simm.s32 @!p1 $0x20;
	s0 =	ssub.s32 @p2 s0, s2  }
0x281: {  	s26 =	sshra.s32 @!p2 s26, $0x2;
	s28 =	sadd.s32 @!p3 $0x0, s25;
	s29 =	sshll.u32 @p2 s0, $0x4  }
0x282: {  	s25 =	simm.s32 $0x0;
	s2 =	simm.s32 @p2 $0x1;
	s28 =	smov.u32 @p3 s22;
	[tilespmem:s29+$0x28] =	vst.msk @p2 $0xff, v1  }
0x283: {  	s18 =	smov.u32 @p2 s0;
	s25 =	smov.u32 @p2 s28;
	s22 =	smov.u32 @p2 s2;
	v1 =	vld.msk @!p2 [tilespmem:s21+$0x0], $0xff  }
.LBB2_16:
0x284: {  	_ =	sdelay $0x3  }
0x285: {  	s19 =	sadd.s32 $0x1, s19;
	[tilespmem:s26+$0x28] =	vst.add.f32.msk @!p2 $0xff, v1  }
0x286: {  	v1 =	vld.msk [tilespmem:s19+$0x0], $0x1;
	_ =	sdelay $0x4  }
0x287: {  	(v2sf) =	vpush v1, $0x0;
	_ =	sdelay $0xe  }
0x288: {  	s0 =	smov.u32 s23;
	s23 =	spop (v2sf)  }
0x289: {  	p2 =	sne.s32 s0, s23  }
0x28a: {  	p5 =	sne.s32 @p2 s0, s20  }
0x28b: {  	p4 =	por !p5, !p2  }
0x28c: {  	s30 =	sshll.u32 @!p4 s22, $0x6  }
0x28d: {  	s30 =	sshra.s32 @!p4 s30, $0x2  }
0x28e: {  	p1 =	sgt.u32 @!p4 s0, $0x270FF;
	v1 =	vld.msk @!p4 [tilespmem:s30+$0x1B38], $0xff  }
0x28f: {  	s31 =	sshll.u32 @!p4 s18, $0x6;
	p6 =	por @p2 p1, !p5;
	p1 =	por @p2 !p1, !p5  }
0x290: {  	s5 =	simm.s32 @!p4 $0x0;
	s31 =	sshra.s32 @!p4 s31, $0x2;
	p1 =	por !p1, !p2  }
0x291: {  	p5 =	por p5, !p2;
	s5 =	simm.s32 @!p1 $0x20;
	p1 =	por p6, !p2  }
0x292: {  	s30 =	sadd.s32 @!p4 $0x28, s31;
	s6 =	sshll.u32 @!p5 s18, $0x6;
	s10 =	sand.u32 @!p1 $0x3FFF8, s0  }
0x293: {  	s6 =	sshra.s32 @!p5 s6, $0x2;
	s0 =	sand.u32 @!p1 $0x7, s0;
	s10 =	sadd.s32 @!p1 s1, s10;
	[tilespmem:s31+$0x28] =	vst.add.f32.msk @!p4 $0xff, v1  }
0x294: {  	[hbm4b:s10+s0] =	stream.linear.scatter @!p1 [tilespmem:s30], [sflag:$0xA], $0x8, $0x38;
	[tilespmem:$0x1F0E8] =	vst v63  }
0x295: {  	s2 =	rddreg [dreg:$0x3];
	s0 =	sadd.s32 @!p5 $0x28, s6;
	s6 =	simm.s32 @!p5 $0x1  }
0x296: {  	[spmem:s2] =	stream.linear.scatter @!p5 [tilespmem:s0], [sflag:$0x1], $0x8, $0x38;
	[tilespmem:$0x1F0E8] =	vst v63  }
0x297: {  	s28 =	sadd.s32 @p2 $0x1, s18;
	_ =	swait.ge @!p5 [sflag:s6], $0x8  }
0x298: {  	s29 =	sshrl.u32 @p2 s28, $0x4;
	[sflag:s6] =	ssyncset.done @!p5 $0x0  }
0x299: {  	s21 =	sadd.s32 $0x80, s21;
	s29 =	smulhi.u32 @p2 $0x97B425F, s29;
	[sflag:s6] =	ssyncadd.s32 @!p5 $0xFFFFFFF8  }
0x29a: {  	s24 =	sadd.s32 $0x1, s24;
	v1 =	vld.msk @p2 [tilespmem:s21+$0x0], $0xff  }
0x29b: {  	p3 =	seq.s32 s24, $0x0;
	s29 =	smul.u32 @p2 $0x1B0, s29  }
.Ltmp16:
0x29c: {  	_ = 	snop;
	(pc) =	sbr.rel @!p3 .LBB2_16-.Ltmp16, $4  }
0x29d: {  	s28 =	ssub.s32 @p2 s28, s29  }
0x29e: {  	s26 =	sshll.u32 @!p2 s18, $0x6;
	s5 =	sadd.s32 @!p4 s5, s25;
	s10 =	sshll.u32 @p2 s28, $0x4  }
0x29f: {  	s9 =	sadd.s32 @p2 $0x1, s22;
	s26 =	sshra.s32 @!p2 s26, $0x2;
	s5 =	smov.u32 @p4 s25;
	[tilespmem:s10+$0x28] =	vst.msk @p2 $0xff, v1  }
0x2a0: {  	s22 =	smov.u32 @p2 s9;
	s18 =	smov.u32 @p2 s28;
	s25 =	smov.u32 @p2 s5;
	v1 =	vld.msk @!p2 [tilespmem:s21+$0x0], $0xff  }
.LBB2_17:
.Ltmp17:
0x2a1: {  	_ = 	snop;
	(pc) =	sbr.rel .LBB2_19-.Ltmp17, $4  }
0x2a2: {  	s2 =	sld [smem:$0x7FD]  }
0x2a3: {  	s0 =	sshrl.u32 s25, $0x2  }
0x2a4: {  	s24 =	smov.u32 s23;
	s6 =	smov.u32 s8;
	s5 =	smov.u32 s12  }
0x2a5: {  	s8 =	smov.u32 s3;
	s3 =	rddreg [dreg:$0x4];
	p4 =	seq.s32 s2, $0x1;
	[tilespmem:s26+$0x28] =	vst.add.f32.msk @!p2 $0xff, v1  }
.LBB2_21:
0x2a6: {  	_ =	sfence.sel $0x180000  }
0x2a7: {  	s0 =	simm.s32 $0x7;
	[bflag:$0x0] =	sbarrier.arrive $0xFFFF  }
0x2a8: {  	s25 =	simm.s32 $0x8;
	[sflag:s0] =	ssyncpa.u1 $0x1  }
0x2a9: {  	s26 =	simm.s32 $0x9;
	[sflag:s25] =	ssyncpa.u1 $0x1  }
0x2aa: {  	s28 =	simm.s32 $0x2;
	[sflag:s26] =	ssyncpa.u1 $0x1  }
0x2ab: {  	[sflag:s28] =	ssyncpa.u1 $0x1  }
0x2ac: {  	v0 =	vld [tilespmem:$0x3648];
	_ =	sdelay $0x4  }
0x2ad: {  	(v2sf) =	vpush v0, $0x0  }
0x2ae: {  	(v2sf) =	vpush v0, $0x1;
	_ =	sdelay $0x1  }
0x2af: {  	(v2sf) =	vpush v0, $0x2;
	_ =	sdelay $0xb  }
0x2b0: {  	s0 =	spop (v2sf)  }
0x2b1: {  	s2 =	spop (v2sf)  }
0x2b2: {  	s3 =	smov.u32 s0;
	p0 =	sne.s32 s0, s2  }
0x2b3: {  	s4 =	spop (v2sf);
	s3 =	simm.s32 @!p0 $0xFFFFFFFF  }
0x2b4: {  	v2 =	vimm.s32 $0x1;
	v3 =	vlaneseq.u32;
	p0 =	seq.s32 s4, $0xFFFFFFFF;
	v1 =	vmov s3  }
0x2b5: {  	s7 =	stileid.u32;
	v0 =	vperm.xlane v0, v2;
	p1 =	sne.s32 @!p0 s0, s2;
	v1 =	vperm.xlane v1, v3  }
0x2b6: {  	vm0 =	vcmask $0x3F04;
	s6 =	simm.s32 $0x3648;
	s0 =	simm.s32 @!p0 $0x1;
	p1 =	por !p1, p0  }
0x2b7: {  	s3 =	sshll.u32 s7, $0x1;
	s2 =	sshll.u32 @!p0 s4, $0x6;
	s0 =	simm.s32 @p1 $0x0;
	v0 =	vsel vm0, v1, v0  }
0x2b8: {  	s5 =	sor.u32 $0x200, s3;
	s2 =	sshra.s32 @!p0 s2, $0x2;
	s0 =	sor.u32 @!p0 s0, s3;
	[tilespmem:$0x3648] =	vst v0  }
0x2b9: {  	[spmem:s5] =	stream.linear.scatter [tilespmem:s6], [sflag:$0x1], $0x2, $0x38;
	[tilespmem:$0x1F0E8] =	vst v63  }
0x2ba: {  	s2 =	sadd.s32 @!p0 $0x28, s2;
	s0 =	sshll.u32 @!p0 s0, $0x4  }
0x2bb: {  	[spmem:s0] =	stream.linear.scatter @!p0 [tilespmem:s2], [sflag:$0x1], $0x10, $0x38;
	[tilespmem:$0x1F0E8] =	vst v63  }
0x2bc: {  	s0 =	simm.s32 @!p0 $0x12  }
0x2bd: {  	s3 =	simm.s32 $0x1;
	s0 =	simm.s32 @p0 $0x2  }
0x2be: {  	_ =	swait.ge [sflag:s3], s0  }
0x2bf: {  	s0 =	ssub.s32 $0x0, s0;
	[sflag:s3] =	ssyncset.done $0x0  }
0x2c0: {  	[sflag:s3] =	ssyncadd.s32 s0  }
0x2c1: {  	_ =	sfence.stream.spmem  }
0x2c2: {  	s29 =	simm.s32 $0x3;
	[bflag:$0x0] =	sbarrier.arrive $0xFFFF  }
0x2c3: {  	s30 =	simm.s32 $0x4;
	[sflag:s29] =	ssyncpa.u1 $0x1  }
0x2c4: {  	s31 =	simm.s32 $0x3C;
	[sflag:s30] =	ssyncpa.u1 $0x1  }
0x2c5: {  	p0 =	sne.s32 s7, $0x0;
	[sflag:s31] =	ssyncpa.u1 $0x1  }
0x2c6: {  	_ =	sfence @p0  }
0x2c7: {  	[sflag:s3] =	ssyncpa.u1 @p0 $0x1  }
0x2c8: {  	_ =	strace @p0 $0x9000004A  }
0x2c9: {  	[bflag:$0x2] =	sbarrier.arrive @p0 $0xFFFF  }
0x2ca: {  	_ =	shalt @p0  }
.LBB2_22:
0x2cb: {  	_ =	sfence.stream.spmem;
	s0 =	simm.s32 $0x5  }
0x2cc: {  	s2 =	simm.s32 $0x200;
	s3 =	simm.s32 $0x3658;
	[sflag:s0] =	ssyncpa.u1 $0x0  }
0x2cd: {  	[tilespmem:s3], [sflag:$0x5] =	stream.linear.gather [spmem:s2], $0x20, $0x38;
	[tilespmem:$0x1F0E8] =	vst v63  }
0x2ce: {  	s30 =	simm.s32 $0x3678;
	s2 =	simm.s32 $0x0  }
0x2cf: {  	[tilespmem:s30], [sflag:$0x5] =	stream.linear.gather [spmem:s2], $0x200, $0x38;
	[tilespmem:$0x1F0E8] =	vst v63  }
.Ltmp18:
0x2d0: {  	_ = 	snop;
	(pc) =	sbr.rel .LBB2_23-.Ltmp18, $4  }
0x2d1: {  	_ =	swait.ge [sflag:s0], $0x220  }
0x2d2: {  	[sflag:s0] =	ssyncset.done $0x0  }
0x2d3: {  	s31 =	simm.s32 $0x6;
	[sflag:s0] =	ssyncadd.s32 $0xFFFFFDE0  }
0x2d4: {  	s3 =	simm.s32 $0x0;
	[sflag:s31] =	ssyncpa.u1 $0x0  }
.LBB2_28:
0x2d5: {  	p0 =	slt.u32 s4, $0x27100  }
0x2d6: {  	s0 =	sand.u32 @p0 $0x3FFF8, s4  }
0x2d7: {  	s4 =	sand.u32 @p0 $0x7, s4;
	s5 =	simm.s32 @p0 $0x3638;
	s0 =	sadd.s32 @p0 s1, s0  }
0x2d8: {  	[tilespmem:s5], [sflag:$0x6] =	stream.linear.gather @p0 [hbm4b:s0+s4], $0x8, $0x38;
	[tilespmem:$0x1F0E8] =	vst v63  }
0x2d9: {  	s0 =	simm.s32 @p0 $0x6  }
0x2da: {  	_ =	swait.ge @p0 [sflag:s0], $0x8  }
0x2db: {  	[sflag:s0] =	ssyncset.done @p0 $0x0  }
0x2dc: {  	[sflag:s0] =	ssyncadd.s32 @p0 $0xFFFFFFF8  }
0x2dd: {  	v1 =	vld @p0 [tilespmem:$0x3638];
	_ =	sdelay $0x2  }
0x2de: {  	s0 =	sshll.u32 @p0 s3, $0x6  }
0x2df: {  	s5 =	sshll.u32 @!p0 s3, $0x6;
	s4 =	sshrl.u32 @p0 s0, $0x2  }
0x2e0: {  	s5 =	smov.u32 @p0 s0;
	[tilespmem:s4+$0x3678] =	vst.add.f32.msk @p0 $0xffff, v1  }
0x2e1: {  	s0 =	sshrl.u32 s5, $0x2;
	[tilespmem:s2+$0x3658] =	vst.msk $0x1, v0  }
0x2e2: {  	v0 =	vld [tilespmem:s0+$0x3678];
	_ =	sdelay $0x2  }
0x2e3: {  	s31 =	sshll.u32 s2, $0x6  }
0x2e4: {  	s0 =	sshra.s32 s31, $0x2  }
0x2e5: {  	s2 =	sadd.s32 $0x1, s2;
	[tilespmem:s0+$0x3678] =	vst v0  }
.LBB2_30:
0x2e6: {  	s3 =	sadd.s32 $0x1, s3  }
0x2e7: {  	p0 =	sne.s32 s3, $0x20  }
.Ltmp19:
0x2e8: {  	_ = 	snop;
	(pc) =	sbr.rel @!p0 .LBB2_31-.Ltmp19, $1  }
0x2e9: {  	_ =	sdelay $0x3  }
.LBB2_23:
0x2ea: {  	v0 =	vld.msk [tilespmem:s3+$0x3658], $0x1;
	_ =	sdelay $0x4  }
0x2eb: {  	(v2sf) =	vpush v0, $0x0;
	_ =	sdelay $0xe  }
0x2ec: {  	s4 =	spop (v2sf)  }
0x2ed: {  	p0 =	seq.s32 s4, $0xFFFFFFFF  }
.Ltmp20:
0x2ee: {  	_ = 	snop;
	(pc) =	sbr.rel @p0 .LBB2_30-.Ltmp20, $1  }
0x2ef: {  	_ =	sdelay $0x3  }
0x2f0: {  	p0 =	slt.s32 s2, $0x1  }
.Ltmp21:
0x2f1: {  	_ = 	snop;
	(pc) =	sbr.rel @p0 .LBB2_28-.Ltmp21, $1  }
0x2f2: {  	_ =	sdelay $0x3  }
0x2f3: {  	s5 =	simm.s32 $0x3658;
	p0 =	por $0x0, $0x0  }
0x2f4: {  	v1 =	vld.msk @!p0 [tilespmem:s5+$0x0], $0x1;
	_ =	sdelay $0x4  }
0x2f5: {  	(v2sf) =	vpush @!p0 v1, $0x0;
	_ =	sdelay $0xd  }
0x2f6: {  	p2 =	sne.s32 s2, $0x1  }
.Ltmp22:
0x2f7: {  	s0 =	spop @!p0 (v2sf);
	(pc) =	sbr.rel @!p2 .LBB2_27-.Ltmp22, $4  }
0x2f8: {  	p1 =	seq.s32 @!p0 s4, s0  }
0x2f9: {  	s6 =	simm.s32 $0x0;
	p1 =	por !p1, p0  }
0x2fa: {  	s0 =	simm.s32 $0xFFFFFFFF;
	s6 =	simm.s32 @p1 $0xFFFFFFFF  }
0x2fb: {  	s7 =	simm.s32 $0x1;
	s6 =	smov.u32 @p0 s0  }
.LBB2_26:
0x2fc: {  	s0 =	smov.u32 s6;
	p0 =	sne.s32 s6, $0xFFFFFFFF  }
0x2fd: {  	s5 =	sadd.s32 $0x1, s5;
	s6 =	smov.u32 s7;
	s7 =	sadd.s32 $0x1, s7  }
0x2fe: {  	p1 =	sne.s32 s2, s7;
	v1 =	vld.msk @!p0 [tilespmem:s5+$0x0], $0x1;
	_ =	sdelay $0x4  }
0x2ff: {  	(v2sf) =	vpush @!p0 v1, $0x0;
	_ =	sdelay $0xe  }
.Ltmp23:
0x300: {  	s8 =	spop @!p0 (v2sf);
	(pc) =	sbr.rel @p1 .LBB2_26-.Ltmp23, $4  }
0x301: {  	p2 =	seq.s32 @!p0 s4, s8  }
0x302: {  	p2 =	por !p2, p0  }
0x303: {  	s6 =	simm.s32 @p2 $0xFFFFFFFF  }
0x304: {  	s6 =	smov.u32 @p0 s0  }
.LBB2_27:
0x305: {  	p0 =	sne.s32 s6, $0xFFFFFFFF  }
.Ltmp24:
0x306: {  	_ = 	snop;
	(pc) =	sbr.rel @!p0 .LBB2_28-.Ltmp24, $1  }
0x307: {  	_ =	sdelay $0x3  }
0x308: {  	s0 =	sshll.u32 s3, $0x4  }
0x309: {  	s0 =	sand.u32 $0x3FFFFFF0, s0  }
0x30a: {  	v0 =	vld [tilespmem:s0+$0x3678]  }
.Ltmp25:
0x30b: {  	_ = 	snop;
	(pc) =	sbr.rel .LBB2_30-.Ltmp25, $4  }
0x30c: {  	_ = 	snop  }
0x30d: {  	s31 =	sshll.u32 s6, $0x6  }
0x30e: {  	s0 =	sshra.s32 s31, $0x2  }
0x30f: {  	[tilespmem:s0+$0x3678] =	vst.add.f32.msk $0xffff, v0  }
.LBB2_31:
0x310: {  	p0 =	slt.s32 s2, $0x1  }
.Ltmp26:
0x311: {  	_ = 	snop;
	(pc) =	sbr.rel @p0 .LBB2_35-.Ltmp26, $3  }
0x312: {  	_ =	sdelay $0x1  }
0x313: {  	s0 =	simm.s32 $0x6  }
0x314: {  	s3 =	simm.s32 $0x0;
	[sflag:s0] =	ssyncpa.u1 $0x1  }
0x315: {  	s0 =	simm.s32 $0x3658  }
0x316: {  	v0 =	vld.msk [tilespmem:s0+$0x0], $0x1;
	_ =	sdelay $0x4  }
0x317: {  	(v2sf) =	vpush v0, $0x0;
	_ =	sdelay $0xd  }
0x318: {  	s2 =	sadd.s32 $0xFFFFFFFF, s2  }
0x319: {  	p1 =	sne.s32 s2, $0x0;
	s0 =	spop (v2sf)  }
.Ltmp27:
0x31a: {  	p0 =	sgt.u32 s0, $0x270FF;
	(pc) =	sbr.rel @!p1 .LBB2_34-.Ltmp27, $4  }
0x31b: {  	s4 =	simm.s32 $0x3678;
	s5 =	sand.u32 @!p0 $0x3FFF8, s0  }
0x31c: {  	s6 =	simm.s32 $0x0;
	s0 =	sand.u32 @!p0 $0x7, s0;
	s5 =	sadd.s32 @!p0 s1, s5  }
0x31d: {  	[hbm4b:s5+s0] =	stream.linear.scatter @!p0 [tilespmem:s4], [sflag:$0x5], $0x8, $0x38;
	[tilespmem:$0x1F0E8] =	vst v63  }
0x31e: {  	s6 =	simm.s32 @!p0 $0x20;
	s5 =	simm.s32 $0x3659  }
.LBB2_33:
0x31f: {  	v0 =	vld.msk [tilespmem:s5+$0x0], $0x1;
	s2 =	sadd.s32 $0xFFFFFFFF, s2;
	s3 =	sadd.s32 s3, s6  }
0x320: {  	p0 =	sne.s32 s2, $0x0;
	_ =	sdelay $0x3  }
0x321: {  	(v2sf) =	vpush v0, $0x0;
	_ =	sdelay $0xe  }
.Ltmp28:
0x322: {  	s0 =	spop (v2sf);
	(pc) =	sbr.rel @p0 .LBB2_33-.Ltmp28, $4  }
0x323: {  	s6 =	simm.s32 $0x0;
	p1 =	sgt.u32 s0, $0x270FF  }
0x324: {  	s4 =	sadd.s32 $0x10, s4;
	s6 =	simm.s32 @!p1 $0x20;
	s7 =	sand.u32 @!p1 $0x3FFF8, s0  }
0x325: {  	s5 =	sadd.s32 $0x1, s5;
	s0 =	sand.u32 @!p1 $0x7, s0;
	s7 =	sadd.s32 @!p1 s1, s7  }
0x326: {  	[hbm4b:s7+s0] =	stream.linear.scatter @!p1 [tilespmem:s4], [sflag:$0x5], $0x8, $0x38;
	[tilespmem:$0x1F0E8] =	vst v63  }
.LBB2_34:
0x327: {  	s0 =	sadd.s32 s3, s6  }
0x328: {  	s3 =	sshrl.u32 s0, $0x2  }
.LBB2_35:
0x329: {  	s0 =	simm.s32 $0x5  }
0x32a: {  	_ =	swait.ge [sflag:s0], s3  }
0x32b: {  	s1 =	ssub.s32 $0x0, s3;
	[sflag:s0] =	ssyncset.done $0x0  }
0x32c: {  	[sflag:s0] =	ssyncadd.s32 s1  }
0x32d: {  	[sflag:s0] =	ssyncpa.u1 $0x1  }
0x32e: {  	s30 =	simm.s32 $0x1;
	_ =	sfence  }
0x32f: {  	[sflag:s30] =	ssyncpa.u1 $0x1  }
0x330: {  	_ =	strace $0x9000004A  }
0x331: {  	[bflag:$0x2] =	sbarrier.arrive $0xFFFF  }
0x332: {  	s31 =	rddreg [dreg:$0x2]  }
0x333: {  	s0 =	sadd.s32 $0x100000, s31  }
0x334: {  	[sflag:s0] =	ssyncadd.tile.s32 $0x1;
	_ =	shalt  }
.Lfunc_end2:
_tile_overlayer_lowered:
.L_overlay_start_2:
0x335: {  	(tag) =	ssettag $0x2  }
0x336: {  	s0 =	rddreg [dreg:$0x0];
	s2 =	stileid.u32  }
0x337: {  	s1 =	rddreg [dreg:$0x1];
	p0 =	sne.s32 s2, $0x0  }
0x338: {  	s3 =	rddreg [dreg:$0x2];
	[bflag:$0x3] =	sbarrier.arrive $0xFFFF;
	s2 =	simm.s32 @!p0 $0x1C01  }
0x339: {  	[timem:s3], [sflag:s2] =	dma.local @!p0 [hbm:s0], s1  }
0x33a: {  	s0 =	simm.s32 @!p0 $0x1  }
0x33b: {  	_ =	swait.ge @!p0 [sflag:s0], s1  }
0x33c: {  	s1 =	ssub.s32 @!p0 $0x0, s1;
	[sflag:s0] =	ssyncset.done @!p0 $0x0  }
0x33d: {  	[sflag:s0] =	ssyncadd.s32 @!p0 s1  }
0x33e: {  	[bflag:$0x3] =	sbarrier.arrive $0xFFFF  }
0x33f: {  	_ =	shalt  }

// kernel: scatter_offload_async_start.2
scs
__scs_entry_jumppad:
0x0: {  	(pc) =	sbr.rel $0x88, $3  }
0x1: {  	(tag) =	ssettag $0x0;
	lr =	simm.s32 $0x1  }
0x2: {  	[smem:$0x3F92] =	sst lr;
	_ =	strace $0xD0000000  }
0x3: {  	_ = 	snop  }
0x4: {  	_ = 	snop  }
0x5: {  	_ = 	snop  }
0x6: {  	_ = 	snop  }
0x7: {  	_ = 	snop  }
__scs_overlays_trampoline_lowered:
0x8: {  	[smem:$0x3FA1] =	sst s0  }
0x9: {  	[smem:$0x3FA2] =	sst s1  }
0xa: {  	[smem:$0x3FA3] =	sst s2  }
0xb: {  	[smem:$0x3FA4] =	sst s3  }
0xc: {  	[smem:$0x3FA5] =	sst s4  }
0xd: {  	[smem:$0x3FA6] =	sst s5  }
0xe: {  	[smem:$0x3FA7] =	sst s6  }
0xf: {  	[smem:$0x3FA8] =	sst s7  }
0x10: {  	[smem:$0x3FA9] =	sst s8  }
0x11: {  	[smem:$0x3FAA] =	sst s9;
	s0 =	simm.s32 @!p0 $0x0  }
0x12: {  	s1 =	sld [smem:$0x3F90];
	s0 =	simm.s32 @p0 $0x1  }
0x13: {  	[smem:$0x3FAB] =	sst s0;
	s0 =	simm.s32 @!p1 $0x0  }
0x14: {  	s2 =	sld [smem:$0x3F8F];
	s0 =	simm.s32 @p1 $0x1  }
0x15: {  	[smem:$0x3FAC] =	sst s0;
	s0 =	simm.s32 @!p2 $0x0  }
0x16: {  	s3 =	sld [smem:$0x3FDB];
	s0 =	simm.s32 @p2 $0x1  }
0x17: {  	s4 =	simm.s32 $0x1BF5;
	[smem:$0x3FAE] =	sst s0  }
0x18: {  	s0 =	sld [smem:$0x3F91];
	_ =	swait.ge [sflag:s4], $0x0  }
0x19: {  	s7 =	sld [smem:$0x3F92]  }
0x1a: {  	s8 =	sadd.s32 $0xFFFFE003, lr  }
0x1b: {  	s9 =	sadd.s32 $0xFFFFFEF7, lr;
	s5 =	simm.s32 $0xFFFFFFFF;
	p2 =	slt.u32 s8, $0xFFFFF086  }
0x1c: {  	p1 =	slt.u32 s9, $0xF7A;
	s5 =	simm.s32 @!p2 $0x0  }
0x1d: {  	s5 =	simm.s32 @p1 $0x1;
	p0 =	seq.s32 s7, s2  }
0x1e: {  	s7 =	smul.u32 @!p0 $0xF7A, s2;
	p2 =	seq.s32 @!p0 s5, $0x0  }
0x1f: {  	s9 =	smul.u32 $0xF7A, s1;
	s8 =	simm.s32 @!p0 $0x1BF5;
	p2 =	por !p2, p0  }
0x20: {  	[sflag:s8] =	ssyncset.s32 @!p0 $0xFFFFF086;
	s6 =	sadd.s32 @!p0 s3, s7;
	s7 =	simm.s32 @!p0 $0x108  }
0x21: {  	s3 =	sadd.s32 s3, s9;
	s6 =	sadd.s32 @!p0 $0x88, s6;
	s7 =	simm.s32 @p2 $0x1082  }
0x22: {  	[simem:s7], [sflag:s8] =	dma.local @!p0 [hbm:s6], $0xF7A  }
0x23: {  	s9 =	sor.u32 $0xD0000000, s2;
	s6 =	simm.s32 $0x108;
	_ =	swait.ge @!p0 [sflag:s8], $0x0  }
0x24: {  	s3 =	sadd.s32 $0x88, s3;
	s6 =	simm.s32 @!p1 $0x1082;
	[sflag:s4] =	ssyncset.s32 $0xFFFFF086  }
0x25: {  	[simem:s6], [sflag:s4] =	dma.local [hbm:s3], $0xF7A  }
0x26: {  	[smem:$0x3F92] =	sst s1;
	(tag) =	ssettag s2;
	_ =	strace s9  }
0x27: {  	s1 =	sld [smem:$0x3FA2]  }
0x28: {  	s2 =	sld [smem:$0x3FA3]  }
0x29: {  	s4 =	sld [smem:$0x3FA5]  }
0x2a: {  	p0 =	seq.s32 s5, $0x0;
	s5 =	sld [smem:$0x3FA6]  }
0x2b: {  	s6 =	sld [smem:$0x3FA7]  }
0x2c: {  	s7 =	sld [smem:$0x3FA8]  }
0x2d: {  	s3 =	simm.s32 $0x108;
	s8 =	sld [smem:$0x3FA9]  }
0x2e: {  	s3 =	simm.s32 @!p0 $0x1082;
	s9 =	sld [smem:$0x3FAA]  }
0x2f: {  	lr =	sadd.s32 s0, s3;
	s0 =	sld [smem:$0x3FA1]  }
0x30: {  	s3 =	sld [smem:$0x3FA4]  }
0x31: {  	[smem:$0x3FAD] =	sst s10  }
0x32: {  	s10 =	sld [smem:$0x3FAB];
	_ =	sdelay $0x3  }
0x33: {  	p0 =	seq.s32 s10, $0x1;
	s10 =	sld [smem:$0x3FAD];
	_ =	sdelay $0x3  }
0x34: {  	[smem:$0x3FAD] =	sst s10  }
0x35: {  	s10 =	sld [smem:$0x3FAC];
	_ =	sdelay $0x3  }
0x36: {  	p1 =	seq.s32 s10, $0x1;
	s10 =	sld [smem:$0x3FAD];
	_ =	sdelay $0x3  }
0x37: {  	[smem:$0x3FAD] =	sst s10  }
0x38: {  	s10 =	sld [smem:$0x3FAE]  }
0x39: {  	_ = 	snop;
	(pc) =	sbr.ind lr, $3  }
0x3a: {  	_ = 	snop  }
0x3b: {  	_ = 	snop  }
0x3c: {  	p2 =	seq.s32 s10, $0x1;
	s10 =	sld [smem:$0x3FAD]  }
0x3d: {  	_ =	shalt  }
0x3e: {  	_ =	shalt  }
0x3f: {  	_ =	shalt  }
0x40: {  	_ =	shalt  }
0x41: {  	_ =	shalt  }
0x42: {  	_ =	shalt  }
0x43: {  	_ =	shalt  }
0x44: {  	_ =	shalt  }
0x45: {  	_ =	shalt  }
0x46: {  	_ =	shalt  }
0x47: {  	_ =	shalt  }
0x48: {  	_ =	shalt  }
0x49: {  	_ =	shalt  }
0x4a: {  	_ =	shalt  }
0x4b: {  	_ =	shalt  }
0x4c: {  	_ =	shalt  }
0x4d: {  	_ =	shalt  }
0x4e: {  	_ =	shalt  }
0x4f: {  	_ =	shalt  }
0x50: {  	_ =	shalt  }
0x51: {  	_ =	shalt  }
0x52: {  	_ =	shalt  }
0x53: {  	_ =	shalt  }
0x54: {  	_ =	shalt  }
0x55: {  	_ =	shalt  }
0x56: {  	_ =	shalt  }
0x57: {  	_ =	shalt  }
0x58: {  	_ =	shalt  }
0x59: {  	_ =	shalt  }
0x5a: {  	_ =	shalt  }
0x5b: {  	_ =	shalt  }
0x5c: {  	_ =	shalt  }
0x5d: {  	_ =	shalt  }
0x5e: {  	_ =	shalt  }
0x5f: {  	_ =	shalt  }
0x60: {  	_ =	shalt  }
0x61: {  	_ =	shalt  }
0x62: {  	_ =	shalt  }
0x63: {  	_ =	shalt  }
0x64: {  	_ =	shalt  }
0x65: {  	_ =	shalt  }
0x66: {  	_ =	shalt  }
0x67: {  	_ =	shalt  }
0x68: {  	_ =	shalt  }
0x69: {  	_ =	shalt  }
0x6a: {  	_ =	shalt  }
0x6b: {  	_ =	shalt  }
0x6c: {  	_ =	shalt  }
0x6d: {  	_ =	shalt  }
0x6e: {  	_ =	shalt  }
0x6f: {  	_ =	shalt  }
0x70: {  	_ =	shalt  }
0x71: {  	_ =	shalt  }
0x72: {  	_ =	shalt  }
0x73: {  	_ =	shalt  }
0x74: {  	_ =	shalt  }
0x75: {  	_ =	shalt  }
0x76: {  	_ =	shalt  }
0x77: {  	_ =	shalt  }
0x78: {  	_ =	shalt  }
0x79: {  	_ =	shalt  }
0x7a: {  	_ =	shalt  }
0x7b: {  	_ =	shalt  }
0x7c: {  	_ =	shalt  }
0x7d: {  	_ =	shalt  }
0x7e: {  	_ =	shalt  }
0x7f: {  	_ =	shalt  }
0x80: {  	_ =	shalt  }
0x81: {  	_ =	shalt  }
0x82: {  	_ =	shalt  }
0x83: {  	_ =	shalt  }
0x84: {  	_ =	shalt  }
0x85: {  	_ =	shalt  }
0x86: {  	_ =	shalt  }
0x87: {  	_ =	shalt  }
.Lfunc_end0:
.L_simem_size_0:
called_computation.2_lowered:
.L_overlay_start_0:
0x88: {  	s0 =	sld [smem:$0x3FD9]  }
0x89: {  	s1 =	sld [smem:$0x3FFE];
	_ =	sdelay $0x3  }
0x8a: {  	s0 =	sadd.s32 s1, s0  }
0x8b: {  	[smem:$0x3FB9] =	sst s0  }
0x8c: {  	_ = 	snop  }
0x8d: {  	s0 =	sld [smem:$0x3FD0];
	_ =	sdelay $0x2  }
0x8e: {  	s13 =	simm.s32 $0xB;
	s2 =	simm.s32 $0x10  }
0x8f: {  	[smem:s2], [sflag:s13] =	dma.local [hbm:s0], $0x1  }
0x90: {  	_ =	swait.eq [sflag:s13], $0x1  }
0x91: {  	[sflag:s13] =	ssyncset.done $0x0  }
0x92: {  	[sflag:s13] =	ssyncadd.s32 $0xFFFFFFFF  }
0x93: {  	s14 =	sld [smem:$0x14];
	(tm) =	ssettm $0x1  }
0x94: {  	s15 =	sld [smem:$0x3FFB];
	_ =	sdelay $0x3  }
0x95: {  	_ =	strace s15  }
0x96: {  	s1 =	sld [smem:$0x3FFC];
	_ =	sdelay $0x3  }
0x97: {  	_ =	strace s1  }
0x98: {  	s1 =	sld [smem:$0x3FFD];
	_ =	sdelay $0x3  }
0x99: {  	_ =	strace s1  }
0x9a: {  	_ =	strace $0x8FFFFFFF  }
0x9b: {  	s16 =	sld [smem:$0x3FDB];
	_ =	sdelay $0x1  }
0x9c: {  	s17 =	simm.s32 $_scs_section_size  }
0x9d: {  	s3 =	simm.s32 $_size__tile_overlayer_lowered;
	s4 =	simm.s32 $_tile_overlayer_lowered  }
0x9e: {  	s20 =	simm.s32 $0x1BFF;
	s19 =	sshll.u32 s4, $0x1;
	s1 =	sadd.s32 s17, s16  }
0x9f: {  	s5 =	simm.s32 $0x0;
	s18 =	sshll.u32 s3, $0x1;
	s3 =	sadd.s32 s19, s1  }
0xa0: {  	[timem:s5], [sflag:s20] =	dma.local [hbm:s3], s18  }
0xa1: {  	_ =	swait.ge [sflag:s20], s18  }
0xa2: {  	s2 =	ssub.s32 $0x0, s18;
	[sflag:s20] =	ssyncset.done $0x0  }
0xa3: {  	[sflag:s20] =	ssyncadd.s32 s2;
	_ =	sdelay $0x1  }
0xa4: {  	s21 =	simm.s32 $0x1B8B  }
0xa5: {  	_ =	swait.ge [sflag:s21], $0x1  }
0xa6: {  	[sflag:s21] =	ssyncset.done $0x0  }
0xa7: {  	s23 =	simm.s32 $0x1B8E;
	s22 =	sld [smem:$0x3FFE];
	[sflag:s21] =	ssyncadd.s32 $0xFFFFFFFF  }
0xa8: {  	s24 =	simm.s32 $execute0_lowered;
	[smem:$0x3FD2] =	sst s23  }
0xa9: {  	s3 =	sshll.u32 s24, $0x1;
	_ =	strace $0x80000055;
	[dreg:$0x1] =	wrdreg $0xFFFFFFFF  }
0xaa: {  	s25 =	simm.s32 $_size_execute0_lowered;
	s1 =	sadd.s32 s1, s3;
	[dreg:$0x0] =	wrdreg $0x0  }
0xab: {  	s3 =	sshll.u32 s25, $0x1;
	[dreg:$0x2] =	wrdreg s1  }
0xac: {  	[dreg:$0x3] =	wrdreg s3  }
0xad: {  	[dreg:$0x4] =	wrdreg $0xC0  }
0xae: {  	_ =	task [dreg:s5], $0x5FFFF  }
0xaf: {  	[dreg:$0x1] =	wrdreg $0xFFFFFFFF  }
0xb0: {  	[dreg:$0x0] =	wrdreg $0x60  }
0xb1: {  	[dreg:$0x2] =	wrdreg s14  }
0xb2: {  	[dreg:$0x3] =	wrdreg s22  }
0xb3: {  	[dreg:$0x4] =	wrdreg $0x9  }
0xb4: {  	_ =	task.clear_ibuf [dreg:s5], $0x5FFFF;
	_ =	strace $0x90000055  }
0xb5: {  	s26 =	simm.s32 $0x9;
	_ =	strace $0x80000057  }
0xb6: {  	_ =	swait.ge [sflag:s26], $0x1  }
0xb7: {  	[sflag:s26] =	ssyncadd.s32 $0xFFFFFFFF  }
0xb8: {  	_ =	strace $0x90000057  }
0xb9: {  	_ =	sfence  }
0xba: {  	s28 =	sld [smem:$0x0];
	_ =	sdelay $0x1  }
0xbb: {  	s29 =	srdreg.scid  }
0xbc: {  	s30 =	sshll.u32 s29, $0xD;
	s31 =	sshrl.u32 s29, $0x2  }
0xbd: {  	s2 =	sand.u32 $0x4000, s30;
	s1 =	sand.u32 $0x1, s29;
	s0 =	sadd.s32 s31, s28  }
0xbe: {  	s1 =	sor.u32 s2, s1;
	s0 =	sshll.u32 s0, $0x11  }
0xbf: {  	s0 =	sor.u32 s0, s1  }
0xc0: {  	s0 =	sadd.s32 $0x8F2B, s0  }
0xc1: {  	[sflag:s0] =	ssyncadd.remote.s32 $0x1  }
0xc2: {  	_ =	sfence.sel $0xFFFF  }
0xc3: {  	[dreg:$0x0] =	wrdreg $0xFFFFFFFF;
	(pc) =	sbr.abs _section_cstart, $3  }
0xc4: {  	[dreg:$0x1] =	wrdreg $0xFFFFFFFF  }
0xc5: {  	_ =	task.clear_ibuf [dreg:s5], $0x2FFFF;
	_ =	strace $0x9FFFFFFF  }
0xc6: {  	(tm) =	ssettm $0x7FFFFFFF  }
0xc7: {  	_ =	shalt  }
tec
execute0_lowered:
.L_overlay_start_1:
0x0: {  	(tag) =	ssettag $0x1  }
0x1: {  	s1 =	rddreg [dreg:$0x0]  }
0x2: {  	s0 =	rddreg [dreg:$0x1];
	_ =	strace $0x80000056;
	s2 =	simm.s32 $0x1  }
0x3: {  	s11 =	stileid.u32;
	v1 =	vimm.s32 $0xFFFFFFFF;
	[sflag:s2] =	ssyncpa.u1 $0x0  }
0x4: {  	s3 =	smin.u32 s11, $0x9;
	[tilespmem:$0x10] =	vst v1  }
0x5: {  	v0 =	vimm.f32 $-Inf;
	s3 =	sadd.s32 s11, s3;
	[tilespmem:$0x20] =	vst v1  }
0x6: {  	s4 =	simm.s32 $0x3520;
	p0 =	slt.u32 s11, $0x9;
	[tilespmem:$0x30] =	vst v0;
	s3 =	smul.u32 $0x1A90, s3  }
0x7: {  	s4 =	simm.s32 @!p0 $0x1A90;
	[tilespmem:$0x40] =	vst v0  }
0x8: {  	[tilespmem:$0x50] =	vst v0;
	s4 =	sadd.s32 s4, s3  }
0x9: {  	[tilespmem:$0x60] =	vst v1;
	s4 =	smin.u32 s4, $0x29810  }
0xa: {  	s7 =	simm.s32 $0x2;
	s8 =	simm.s32 $0x8;
	[tilespmem:$0x70] =	vst v1;
	s6 =	ssub.s32 s4, s3  }
0xb: {  	s29 =	simm.s32 $0x9;
	s16 =	simm.s32 $0x0;
	[tilespmem:$0x80] =	vst v1;
	p0 =	sgt.s32 s6, $0x0  }
0xc: {  	s17 =	simm.s32 $0xF0;
	s18 =	simm.s32 $0xFFFFFFFF;
	v1 =	vimm.s32 $0x0;
	[tilespmem:$0xB0] =	vst v0;
	s6 =	simm.s32 @!p0 $0x0  }
0xd: {  	s19 =	simm.s32 $0xFFFFCBE0;
	s20 =	simm.s32 $0xFFFFFFFE;
	[tilespmem:$0x90] =	vst v1;
	s5 =	smulhi.u32 $0x134679AD, s6  }
0xe: {  	s21 =	simm.s32 $0xF;
	[tilespmem:$0xA0] =	vst v1;
	[sflag:s7] =	ssyncpa.u1 $0x0;
	s7 =	simm.s32 $0x7  }
0xf: {  	s25 =	simm.s32 $0x0;
	[sflag:s7] =	ssyncpa.u1 $0x0;
	s9 =	sshrl.u32 s5, $0x9  }
0x10: {  	s24 =	simm.s32 $0x0;
	[sflag:s8] =	ssyncpa.u1 $0x0;
	s10 =	smul.u32 $0x1A90, s9  }
0x11: {  	s14 =	sshllo.u32 s11, $0x1;
	s23 =	smov.u32 s3;
	[sflag:s29] =	ssyncpa.u1 $0x0  }
.Ltmp0:
0x12: {  	s5 =	sadd.s32 $0x4FD000, s0;
	p0 =	sne.s32 s6, s10;
	(pc) =	sbr.rel .LBB2_1-.Ltmp0, $4  }
0x13: {  	s0 =	sadd.s32 $0x502400, s0;
	s10 =	sshll.u32 s11, $0x1;
	s2 =	simm.s32 @!p0 $0x0  }
0x14: {  	[dreg:$0x3] =	wrdreg s0;
	s31 =	sor.u32 $0x81, s10;
	s9 =	sadd.s32 s2, s9  }
0x15: {  	vm0 =	vmmov $0xffff;
	v2 =	vlaneseq.u32;
	vm1 =	vmxor vm1, vm1;
	s15 =	sor.u32 $0x80, s10;
	[dreg:$0x5] =	wrdreg s31;
	s30 =	sadd.s32 $0x1, s9  }
0x16: {  	vm2 =	vmmov $0x1;
	v3 =	vimm.f32 $0.0e+00;
	vm3 =	vcmask $0x3F3C;
	p0 =	por $0x0, $0x0;
	s12 =	sadd.s32 $0x2, s9;
	[dreg:$0x4] =	wrdreg s30  }
.LBB2_9:
0x17: {  	p1 =	slt.u32 s24, $0x3  }
0x18: {  	s0 =	simm.s32 @!p1 $0x2  }
0x19: {  	_ =	swait.ge @!p1 [sflag:s0], $0x1A90  }
0x1a: {  	[sflag:s0] =	ssyncset.done @!p1 $0x0  }
0x1b: {  	[sflag:s0] =	ssyncadd.s32 @!p1 $0xFFFFE570;
	s0 =	simm.s32 @!p1 $0x9  }
0x1c: {  	_ =	swait.ge @!p1 [sflag:s0], $0x10  }
0x1d: {  	[sflag:s0] =	ssyncset.done @!p1 $0x0  }
0x1e: {  	[sflag:s0] =	ssyncadd.s32 @!p1 $0xFFFFFFF0;
	p1 =	sne.s32 s24, s12  }
.Ltmp1:
0x1f: {  	s2 =	sadd.s32 $0x1A90, s23;
	(pc) =	sbr.rel @!p1 .LBB2_10-.Ltmp1, $4  }
0x20: {  	s6 =	smov.u32 s3;
	s31 =	sadd.s32 $0x1, s24;
	s17 =	sadd.s32 $0x1A90, s17  }
0x21: {  	s18 =	sadd.s32 $0x1, s18;
	s25 =	smov.u32 s23;
	p2 =	slt.s32 s2, s4  }
0x22: {  	p0 =	por !p0, !p0;
	s19 =	sadd.s32 $0x1A90, s19;
	s6 =	smov.u32 @p2 s2  }
0x23: {  	s20 =	sadd.s32 $0x1, s20;
	s23 =	smov.u32 s6;
	s24 =	smov.u32 s31  }
.LBB2_1:
0x24: {  	p1 =	sge.u32 s24, s9  }
0x25: {  	s0 =	smulhi.u32 @!p1 $0xAAAAAAAB, s24;
	_ =	sdelay $0x1  }
0x26: {  	s0 =	sshrl.u32 @!p1 s0, $0x1  }
0x27: {  	s0 =	smul.u32 @!p1 $0x3, s0;
	_ =	sdelay $0x1  }
0x28: {  	s0 =	ssub.s32 @!p1 s24, s0  }
0x29: {  	s0 =	smul.u32 @!p1 $0x6A40, s0;
	_ =	sdelay $0x1  }
0x2a: {  	s2 =	sshrl.u32 @!p1 s23, $0x3;
	s0 =	sshrl.u32 @!p1 s0, $0x2  }
0x2b: {  	s6 =	sand.u32 @!p1 $0x7, s23;
	s2 =	sadd.s32 @!p1 s5, s2;
	s0 =	sadd.s32 @!p1 $0x100, s0  }
0x2c: {  	[tilespmem:s0], [sflag:$0x7] =	stream.linear.gather @!p1 [hbm4b:s2+s6], $0x1A90, $0x38;
	[tilespmem:$0xF030] =	vst v63  }
0x2d: {  	s0 =	sadd.s32 $0xFFFFFFFF, s24  }
0x2e: {  	p1 =	sge.u32 s0, s9  }
.Ltmp2:
0x2f: {  	_ = 	snop;
	(pc) =	sbr.rel @p1 .LBB2_5-.Ltmp2, $1  }
0x30: {  	_ =	sdelay $0x3  }
0x31: {  	s2 =	smulhi.u32 $0xAAAAAAAB, s0;
	_ =	sdelay $0x1  }
0x32: {  	s2 =	sshrl.u32 s2, $0x1  }
0x33: {  	s2 =	smul.u32 $0x3, s2;
	_ =	sdelay $0x1  }
0x34: {  	s2 =	ssub.s32 s0, s2  }
0x35: {  	s2 =	smul.u32 $0x6A40, s2  }
0x36: {  	_ =	swait.ge [sflag:s7], $0x1A90  }
0x37: {  	[sflag:s7] =	ssyncset.done $0x0;
	s2 =	sshrl.u32 s2, $0x2  }
0x38: {  	[sflag:s7] =	ssyncadd.s32 $0xFFFFE570;
	(ifvalue) =	ssetifvalue $0xFFFFFFFF;
	v4 =	vld.msk [tilespmem:s2+$0x100 ss:$0x1], $0xffff;
	_ =	sdelay $0x2  }
0x39: {  	s29 =	smulhi.u32 $0xAAAAAAAB, s18;
	p1 =	sne.s32 s24, $0x1  }
0x3a: {  	v5 =	vimm.s32 @!p1 $0x0  }
0x3b: {  	s2 =	sshrl.u32 s29, $0x1;
	v5 =	vperm.xlane @!p1 v4, v5  }
0x3c: {  	s6 =	sshll.u32 s24, $0x4;
	s2 =	smul.u32 $0xFFFEC140, s2;
	vm4 =	vlt.u32 v4, $0x2800  }
0x3d: {  	s6 =	sand.u32 $0x10, s6;
	v4 =	vnsel vm4, $0xFFFFFFFE, v4;
	vm4 =	vlt.u32 @!p1 v5, $0x2800  }
0x3e: {  	s2 =	sshra.s32 s2, $0x2;
	[tilespmem:s6+$0x60] =	vst v4;
	v4 =	vnsel @!p1 vm4, $0xFFFFFFFE, v5  }
0x3f: {  	s30 =	sadd.s32 s2, s17;
	[tilespmem:$0x80] =	vst @!p1 v4  }
0x40: {  	v4 =	vld.msk [tilespmem:s30+$0x0 ss:$0x1], $0xffff;
	_ =	sdelay $0x4  }
0x41: {  	(xrf1) =	vunique.msk.u32 $0xffff, v4;
	_ =	sdelay $0xd  }
0x42: {  	v5 =	vimm.s32 $0xFFFFFFFF;
	v6, _, _ =	vpop (xrf1)  }
0x43: {  	vm5 =	vne.s32 v4, v5;
	vm4 =	veq.s32 v6, v2  }
0x44: {  	vm6 =	vlt.u32 v4, $0x2800;
	vm4 =	vmand vm5, vm4  }
0x45: {  	vm4 =	vmand vm6, vm4  }
0x46: {  	v5 =	vnsel vm4, $0xFFFFFFFF, v4  }
0x47: {  	s31 =	sand.u32 $0x1, s0  }
0x48: {  	s26 =	simm.s32 $0x1A90;
	p1 =	seq.s32 s31, $0x1  }
0x49: {  	s26 =	simm.s32 @!p1 $0x0  }
0x4a: {  	s28 =	sadd.s32 $0x6B30, s26;
	(ifvalue) =	ssetifvalue $0xFFFFFFFF  }
0x4b: {  	v4 =	vperm.xlane v4, v1;
	[tilespmem:s28], [sflag:$0x8] =	stream.indirect_vreg.gather [hbm4b:s1+s16], $0x1, v5, vm0, $0x4038;
	v5 =	vnsel vm6, $0xFFFFFFFE, v5;
	[tilespmem:$0xF030] =	vst v63  }
0x4c: {  	s0 =	simm.s32 $0x0;
	s2 =	sadd.s32 $0xFFFFFFF0, s30;
	[tilespmem:s30+$0x0] =	vst v5  }
.LBB2_3:
0x4d: {  	v5 =	vld.msk [tilespmem:s2+$0x0 ss:$0x1], $0xffff;
	s0 =	sadd.s32 $0x10, s0;
	v6 =	vmov v4;
	s6 =	smov.u32 s2  }
0x4e: {  	p1 =	slt.u32 s0, $0x1A80;
	_ =	sdelay $0x4  }
0x4f: {  	v4 =	vperm.xlane v5, v1;
	(xrf1) =	vunique.msk.u32 $0xffff, v5;
	_ =	sdelay $0xd  }
0x50: {  	v7, _, _ =	vpop (xrf1)  }
0x51: {  	vm5 =	vne.s32 v5, v6;
	vm4 =	veq.s32 v7, v2  }
0x52: {  	vm6 =	vlt.u32 v5, $0x2800;
	vm4 =	vmand vm5, vm4  }
0x53: {  	vm4 =	vmand vm6, vm4  }
0x54: {  	v5 =	vnsel vm4, $0xFFFFFFFF, v5  }
.Ltmp3:
0x55: {  	v6 =	vnsel vm6, $0xFFFFFFFE, v5;
	(pc) =	sbr.rel @p1 .LBB2_3-.Ltmp3, $3  }
0x56: {  	_ =	sdelay $0x1  }
0x57: {  	s2 =	sadd.s32 $0xFFFFFFF0, s2;
	s28 =	sadd.s32 $0xFFFFFFF0, s28;
	(ifvalue) =	ssetifvalue $0xFFFFFFFF  }
0x58: {  	[tilespmem:s28], [sflag:$0x8] =	stream.indirect_vreg.gather [hbm4b:s1+s16], $0x1, v5, vm0, $0x4038;
	[tilespmem:s6+$0x0] =	vst v6  }
0x59: {  	s0 =	sshrl.u32 s25, $0x3;
	s2 =	rddreg [dreg:$0x3]  }
0x5a: {  	s31 =	sadd.s32 $0x85D0, s26;
	s0 =	sadd.s32 s2, s0  }
0x5b: {  	[tilespmem:s31], [sflag:$0x8] =	stream.linear.gather [hbm:s0], $0x1A90, $0x38;
	[tilespmem:$0xF030] =	vst v63  }
.LBB2_5:
0x5c: {  	p1 =	slt.u32 s24, $0x2  }
0x5d: {  	p2 =	sge.u32 @!p1 s24, s12  }
0x5e: {  	p1 =	por p1, p2  }
.Ltmp4:
0x5f: {  	_ = 	snop;
	(pc) =	sbr.rel @p1 .LBB2_9-.Ltmp4, $1  }
0x60: {  	_ =	sdelay $0x3  }
0x61: {  	s0 =	sadd.s32 $0xFFFFFFFE, s24  }
0x62: {  	s2 =	smulhi.u32 $0xAAAAAAAB, s0;
	_ =	sdelay $0x1  }
0x63: {  	s2 =	sshrl.u32 s2, $0x1  }
0x64: {  	s2 =	smul.u32 $0x3, s2;
	_ =	sdelay $0x1  }
0x65: {  	_ =	swait.ge [sflag:s8], $0x3520;
	s0 =	ssub.s32 s0, s2  }
0x66: {  	s6 =	rddreg [dreg:$0x4];
	s0 =	smul.u32 $0x1A90, s0  }
0x67: {  	[sflag:s8] =	ssyncset.done $0x0;
	p1 =	sne.s32 s24, s6  }
0x68: {  	[sflag:s8] =	ssyncadd.s32 $0xFFFFCAE0;
	s6 =	rddreg [dreg:$0x5];
	s2 =	sadd.s32 @!p1 $0x1B8F, s0  }
0x69: {  	[spmem:s6] =	stream.linear.scatter @!p1 [tilespmem:s2], [sflag:$0x1], $0x1, $0x38;
	[tilespmem:$0xF030] =	vst v63  }
0x6a: {  	s2 =	simm.s32 @!p1 $0x1  }
0x6b: {  	_ =	swait.ge @!p1 [sflag:s2], $0x1  }
0x6c: {  	s11 =	sshll.u32 s24, $0x4;
	[sflag:s2] =	ssyncset.done @!p1 $0x0  }
0x6d: {  	s25 =	sand.u32 $0x10, s11;
	[sflag:s2] =	ssyncadd.s32 @!p1 $0xFFFFFFFF  }
0x6e: {  	s2 =	sxor.u32 $0x10, s25;
	v5 =	vld [tilespmem:s25+$0x10]  }
0x6f: {  	v6 =	vld [tilespmem:s2+$0x60]  }
0x70: {  	v4 =	vld [tilespmem:$0x80];
	_ =	sdelay $0x2  }
0x71: {  	(v2sf) =	vpush v5, $0x0  }
0x72: {  	(v2sf) =	vpush v6, $0x0  }
0x73: {  	(v2sf) =	vpush v4, $0x0;
	_ =	sdelay $0xc  }
0x74: {  	s13 =	spop (v2sf)  }
0x75: {  	s22 =	spop (v2sf)  }
0x76: {  	s26 =	spop (v2sf)  }
0x77: {  	p2 =	seq.s32 s13, s22;
	p3 =	seq.s32 s26, s13  }
0x78: {  	p3 =	por p2, p3  }
0x79: {  	s22 =	sand.u32 $0x1, s24;
	v5 =	vpsel p3, $0xFFFFFFFF, v5  }
0x7a: {  	s28 =	smul.u32 $0x1A90, s22;
	[tilespmem:s25+$0x10] =	vst.msk $0x1, v5  }
0x7b: {  	v5 =	vld [tilespmem:$0x30]  }
0x7c: {  	v6 =	vld [tilespmem:s28+$0x85D0]  }
0x7d: {  	v7 =	vld [tilespmem:s25+$0x40];
	_ =	sdelay $0x2  }
0x7e: {  	vm4 =	vmmov vm1  }
0x7f: {  	vm5 =	vmmov vm2;
	vm4 =	vmmov @p2 vm2;
	v6 =	vmax.f32 v5, v6  }
0x80: {  	s6 =	sshll.u32 s22, $0x4;
	vm5 =	vmmov @p3 vm1;
	v5 =	vmax.f32 v5, v7;
	[tilespmem:s28+$0x85D0] =	vst.msk vm4, v6  }
0x81: {  	[tilespmem:s6+$0xF010] =	vst.msk vm5, v5  }
0x82: {  	v5 =	vld [tilespmem:s28+$0x6B30];
	_ =	sdelay $0x4  }
0x83: {  	v5 =	vshift.insert v5, v3, s21  }
0x84: {  	s11 =	sor.u32 $0x40, s2  }
0x85: {  	v6 =	vimm.f32 $-Inf;
	[tilespmem:s11+$0x0] =	vst.msk $0x1, v5  }
0x86: {  	[tilespmem:s28+$0x6B3F] =	vst.msk $0x1, v6  }
0x87: {  	v5 =	vld [tilespmem:s0+$0x1B80]  }
0x88: {  	s13 =	smulhi.u32 $0xAAAAAAAB, s20;
	_ =	sdelay $0x1  }
0x89: {  	s22 =	simm.s32 $0x1;
	s0 =	sshrl.u32 s13, $0x1  }
0x8a: {  	s22 =	simm.s32 @!p0 $0x0;
	s0 =	smul.u32 $0xFFFEC140, s0  }
0x8b: {  	s22 =	smul.u32 $0x6A40, s22;
	v5 =	vshift.insert v5, v1, s21  }
0x8c: {  	s0 =	sshra.s32 s0, $0x2  }
0x8d: {  	s22 =	sshrl.u32 s22, $0x2;
	s11 =	sadd.s32 s0, s19;
	[tilespmem:s2+$0x10] =	vst.msk $0x1, v5  }
0x8e: {  	s2 =	sadd.s32 $0x85D0, s22;
	v7 =	vld [tilespmem:s11+$0x0]  }
0x8f: {  	v8 =	vld [tilespmem:s2+$0x0];
	_ =	sdelay $0x4  }
0x90: {  	vm4 =	vne.s32 v7, $0xFFFFFFFF;
	v6 =	vmax.f32 v8, v6  }
0x91: {  	(xrf0) =	vmax.seg.scan.f32 vm4, v6  }
0x92: {  	s13 =	sadd.s32 $0x50B0, s22;
	v8 =	vld [tilespmem:$0xA0]  }
0x93: {  	v9 =	vld [tilespmem:s13+$0x0];
	_ =	sdelay $0x1  }
0x94: {  	v6 =	vperm.xlane v5, v1;
	_ =	sdelay $0x1  }
0x95: {  	vm6 =	veq.s32 v7, v4;
	vm7 =	veq.s32 v7, v6;
	vm5 =	veq.s32 v8, $0x1;
	v8, _, _ =	vpop (xrf0)  }
0x96: {  	vm8 =	vgt.u32 v7, $0xFFFFFFFD;
	vm7 =	vmor vm7, vm6;
	v9 =	vmax.f32 v8, v9  }
0x97: {  	s30 =	sadd.s32 $0xBAF0, s22;
	v10 =	vld [tilespmem:$0x90];
	vm7 =	vmor vm7, vm8;
	v9 =	vsel vm6, v8, v9  }
0x98: {  	[tilespmem:s30+$0x0] =	vst v9;
	v9 =	vsel vm7, $0xFFFFFFFF, v7;
	_ =	sdelay $0x1  }
0x99: {  	s31 =	simm.s32 $0x0;
	vm9 =	vmand vm4, vm3  }
0x9a: {  	s29 =	sadd.s32 $0xF010, s6;
	s6 =	sadd.s32 $0x10, s13;
	s22 =	sadd.s32 $0x10, s30;
	v11 =	vsel vm9, $0xFF800000, v8  }
0x9b: {  	s0 =	sadd.s32 $0x10, s2;
	s2 =	sadd.s32 $0x10, s11;
	vm4 =	vmor vm5, vm6;
	v7 =	vsel vm6, v8, v10;
	v8 =	vshift.insert v11, v0, s21;
	(ifvalue) =	ssetifvalue $0xFFFFFFFF  }
.LBB2_7:
0x9c: {  	[hbm4b:s1+s16] =	stream.indirect_vreg.scatter [tilespmem:s30], [sflag:$0x2], $0x1, v9, vm0, $0x4038;
	[tilespmem:$0xF030] =	vst v63  }
0x9d: {  	s31 =	sadd.s32 $0x10, s31;
	s30 =	smov.u32 s22;
	v9 =	vld [tilespmem:s2+$0x0]  }
0x9e: {  	p2 =	slt.u32 s31, $0x1A80;
	v10 =	vld [tilespmem:s0+$0x0];
	_ =	sdelay $0x4  }
0x9f: {  	vm5 =	vne.s32 v9, $0xFFFFFFFF;
	v8 =	vmax.f32 v10, v8  }
0xa0: {  	(xrf0) =	vmax.seg.scan.f32 vm5, v8;
	_ =	sdelay $0x1  }
0xa1: {  	v8 =	vld [tilespmem:s6+$0x0]  }
0xa2: {  	vm6 =	veq.s32 v9, v4;
	vm7 =	veq.s32 v9, v6  }
0xa3: {  	vm8 =	vgt.u32 v9, $0xFFFFFFFD;
	vm4 =	vmor vm4, vm6;
	vm7 =	vmor vm7, vm6  }
0xa4: {  	vm7 =	vmor vm7, vm8  }
.Ltmp5:
0xa5: {  	vm5 =	vmand vm5, vm3;
	v9 =	vsel vm7, $0xFFFFFFFF, v9;
	v10, _, _ =	vpop (xrf0);
	(pc) =	sbr.rel @p2 .LBB2_7-.Ltmp5, $4  }
0xa6: {  	v7 =	vsel vm6, v10, v7;
	v8 =	vmax.f32 v10, v8;
	v11 =	vsel vm5, $0xFF800000, v10  }
0xa7: {  	v10 =	vsel vm6, v10, v8;
	v8 =	vshift.insert v11, v0, s21  }
0xa8: {  	s2 =	sadd.s32 $0x10, s2;
	s0 =	sadd.s32 $0x10, s0;
	[tilespmem:s22+$0x0] =	vst v10  }
0xa9: {  	s6 =	sadd.s32 $0x10, s6;
	s22 =	sadd.s32 $0x10, s22;
	(ifvalue) =	ssetifvalue $0xFFFFFFFF  }
0xaa: {  	_ =	sdelay $0x3  }
0xab: {  	[hbm4b:s1+s16] =	stream.indirect_vreg.scatter [tilespmem:s30], [sflag:$0x2], $0x1, v9, vm0, $0x4038;
	[tilespmem:$0xF030] =	vst v63  }
0xac: {  	v4 =	vld [tilespmem:s28+$0xD570];
	_ =	sdelay $0x4  }
0xad: {  	v4 =	vshift.insert v4, v3, s21  }
0xae: {  	s0 =	simm.s32 $0x30  }
0xaf: {  	[tilespmem:s0+$0x0] =	vst.msk $0x1, v4  }
0xb0: {  	v4 =	vsel vm4, $0x1, v1;
	[tilespmem:$0x90] =	vst v7  }
0xb1: {  	s0 =	sadd.s32 @!p1 $0xD57F, s28;
	[tilespmem:$0xA0] =	vst v4  }
0xb2: {  	[spmem:s14] =	stream.linear.scatter @!p1 [tilespmem:s0], [sflag:$0x1], $0x1, $0x38;
	[tilespmem:$0xF030] =	vst v63  }
0xb3: {  	s0 =	simm.s32 @!p1 $0x1  }
0xb4: {  	v4 =	vmctz.xlane @!p1 vm4;
	_ =	swait.ge @!p1 [sflag:s0], $0x1  }
0xb5: {  	(v2sf) =	vpush @!p1 v5, $0x0  }
0xb6: {  	(v2sf) =	vpush @!p1 v4, $0x0;
	_ =	sdelay $0xd  }
0xb7: {  	s2 =	spop @!p1 (v2sf)  }
0xb8: {  	s6 =	spop @!p1 (v2sf)  }
0xb9: {  	p2 =	sne.s32 @!p1 s26, s2;
	p3 =	slt.s32 @!p1 s6, $0xF  }
0xba: {  	[sflag:s0] =	ssyncset.done @!p1 $0x0;
	p2 =	por p2, p1;
	p3 =	por !p3, p1  }
0xbb: {  	[sflag:s0] =	ssyncadd.s32 @!p1 $0xFFFFFFFF;
	v4 =	vimm.s32 @!p2 $0xFFFFFFFF;
	s6 =	simm.s32 @p3 $0xF  }
0xbc: {  	[tilespmem:$0x80] =	vst @!p2 v4;
	s2 =	sadd.s32 @!p1 $0x90, s6  }
0xbd: {  	[spmem:s10] =	stream.linear.scatter @!p1 [tilespmem:s2], [sflag:$0x1], $0x1, $0x38;
	[tilespmem:$0xF030] =	vst v63  }
0xbe: {  	_ =	swait.ge @!p1 [sflag:s0], $0x1  }
0xbf: {  	[sflag:s0] =	ssyncset.done @!p1 $0x0  }
0xc0: {  	s2 =	simm.s32 @!p1 $0x80;
	[sflag:s0] =	ssyncadd.s32 @!p1 $0xFFFFFFFF  }
0xc1: {  	[spmem:s15] =	stream.linear.scatter @!p1 [tilespmem:s2], [sflag:$0x1], $0x1, $0x38;
	[tilespmem:$0xF030] =	vst v63  }
0xc2: {  	_ =	swait.ge @!p1 [sflag:s0], $0x1  }
0xc3: {  	[sflag:s0] =	ssyncset.done @!p1 $0x0  }
0xc4: {  	[sflag:s0] =	ssyncadd.s32 @!p1 $0xFFFFFFFF;
	(ifvalue) =	ssetifvalue $0xFFFFFFFF;
	v4 =	vld [tilespmem:s25+$0x10];
	_ =	sdelay $0x3  }
.Ltmp6:
0xc5: {  	_ = 	snop;
	(pc) =	sbr.rel .LBB2_9-.Ltmp6, $3  }
0xc6: {  	_ =	sdelay $0x1  }
0xc7: {  	(ifvalue) =	ssetifvalue $0xFFFFFFFF  }
0xc8: {  	[hbm4b:s1+s16] =	stream.indirect_vreg.scatter [tilespmem:s29], [sflag:$0x9], $0x1, v4, vm0, $0x4038;
	[tilespmem:$0xF030] =	vst v63  }
.LBB2_10:
0xc9: {  	_ =	sfence.sel $0x180000  }
0xca: {  	s0 =	simm.s32 $0x7;
	[bflag:$0x0] =	sbarrier.arrive $0xFFFF  }
0xcb: {  	s26 =	simm.s32 $0x8;
	[sflag:s0] =	ssyncpa.u1 $0x1  }
0xcc: {  	s28 =	simm.s32 $0x9;
	[sflag:s26] =	ssyncpa.u1 $0x1  }
0xcd: {  	[sflag:s28] =	ssyncpa.u1 $0x1  }
0xce: {  	_ =	sfence.stream.spmem  }
0xcf: {  	s29 =	simm.s32 $0x3;
	[bflag:$0x0] =	sbarrier.arrive $0xFFFF  }
0xd0: {  	s30 =	simm.s32 $0x4;
	[sflag:s29] =	ssyncpa.u1 $0x1  }
0xd1: {  	s31 =	simm.s32 $0x3C;
	s2 =	stileid.u32;
	[sflag:s30] =	ssyncpa.u1 $0x1  }
0xd2: {  	p0 =	sne.s32 s2, $0x0;
	[sflag:s31] =	ssyncpa.u1 $0x1  }
0xd3: {  	s0 =	simm.s32 @p0 $0x1;
	_ =	sfence @p0  }
0xd4: {  	[sflag:s0] =	ssyncpa.u1 @p0 $0x1;
	s0 =	simm.s32 @p0 $0x2  }
0xd5: {  	[sflag:s0] =	ssyncpa.u1 @p0 $0x1  }
0xd6: {  	_ =	strace @p0 $0x90000056  }
0xd7: {  	[bflag:$0x2] =	sbarrier.arrive @p0 $0xFFFF  }
0xd8: {  	_ =	shalt @p0  }
.LBB2_11:
0xd9: {  	_ =	sfence.stream.spmem;
	s0 =	simm.s32 $0x5  }
0xda: {  	s2 =	simm.s32 $0x80;
	s3 =	simm.s32 $0xC0;
	[sflag:s0] =	ssyncpa.u1 $0x0  }
0xdb: {  	[tilespmem:s3], [sflag:$0x5] =	stream.linear.gather [spmem:s2], $0x20, $0x38;
	[tilespmem:$0xF030] =	vst v63  }
0xdc: {  	s30 =	simm.s32 $0xE0;
	s2 =	simm.s32 $0x0  }
0xdd: {  	[tilespmem:s30], [sflag:$0x5] =	stream.linear.gather [spmem:s2], $0x20, $0x38;
	[tilespmem:$0xF030] =	vst v63  }
.Ltmp7:
0xde: {  	_ = 	snop;
	(pc) =	sbr.rel .LBB2_12-.Ltmp7, $4  }
0xdf: {  	_ =	swait.ge [sflag:s0], $0x40  }
0xe0: {  	[sflag:s0] =	ssyncset.done $0x0  }
0xe1: {  	s31 =	simm.s32 $0x6;
	[sflag:s0] =	ssyncadd.s32 $0xFFFFFFC0  }
0xe2: {  	s3 =	simm.s32 $0x0;
	[sflag:s31] =	ssyncpa.u1 $0x0  }
.LBB2_17:
0xe3: {  	p0 =	sgt.u32 s4, $0x27FF  }
0xe4: {  	s0 =	sshrl.u32 @!p0 s4, $0x3  }
0xe5: {  	s4 =	sand.u32 @!p0 $0x7, s4;
	s5 =	simm.s32 @!p0 $0xB0;
	s0 =	sadd.s32 @!p0 s1, s0  }
0xe6: {  	[tilespmem:s5], [sflag:$0x6] =	stream.linear.gather @!p0 [hbm4b:s0+s4], $0x1, $0x38;
	[tilespmem:$0xF030] =	vst v63  }
0xe7: {  	s0 =	simm.s32 @!p0 $0x6  }
0xe8: {  	_ =	swait.ge @!p0 [sflag:s0], $0x1  }
0xe9: {  	[sflag:s0] =	ssyncset.done @!p0 $0x0  }
0xea: {  	[sflag:s0] =	ssyncadd.s32 @!p0 $0xFFFFFFFF  }
0xeb: {  	v1 =	vld.msk @!p0 [tilespmem:$0xB0], $0x1  }
0xec: {  	v2 =	vld.msk @!p0 [tilespmem:s3+$0xE0], $0x1;
	_ =	sdelay $0x4  }
0xed: {  	v1 =	vmax.f32 @!p0 v2, v1  }
0xee: {  	[tilespmem:s3+$0xE0] =	vst.msk @!p0 $0x1, v1  }
0xef: {  	[tilespmem:s2+$0xC0] =	vst.msk $0x1, v0  }
0xf0: {  	v0 =	vld.msk [tilespmem:s3+$0xE0], $0x1;
	_ =	sdelay $0x4  }
0xf1: {  	[tilespmem:s2+$0xE0] =	vst.msk $0x1, v0;
	s2 =	sadd.s32 $0x1, s2  }
.LBB2_19:
0xf2: {  	s3 =	sadd.s32 $0x1, s3  }
0xf3: {  	p0 =	sne.s32 s3, $0x20  }
.Ltmp8:
0xf4: {  	_ = 	snop;
	(pc) =	sbr.rel @!p0 .LBB2_20-.Ltmp8, $1  }
0xf5: {  	_ =	sdelay $0x3  }
.LBB2_12:
0xf6: {  	v0 =	vld.msk [tilespmem:s3+$0xC0], $0x1;
	_ =	sdelay $0x4  }
0xf7: {  	(v2sf) =	vpush v0, $0x0;
	_ =	sdelay $0xe  }
0xf8: {  	s4 =	spop (v2sf)  }
0xf9: {  	p0 =	seq.s32 s4, $0xFFFFFFFF  }
.Ltmp9:
0xfa: {  	_ = 	snop;
	(pc) =	sbr.rel @p0 .LBB2_19-.Ltmp9, $1  }
0xfb: {  	_ =	sdelay $0x3  }
0xfc: {  	p0 =	slt.s32 s2, $0x1  }
.Ltmp10:
0xfd: {  	_ = 	snop;
	(pc) =	sbr.rel @p0 .LBB2_17-.Ltmp10, $1  }
0xfe: {  	_ =	sdelay $0x3  }
0xff: {  	s0 =	simm.s32 $0xC0;
	p0 =	por $0x0, $0x0  }
0x100: {  	v1 =	vld.msk @!p0 [tilespmem:s0+$0x0], $0x1;
	_ =	sdelay $0x4  }
0x101: {  	(v2sf) =	vpush @!p0 v1, $0x0;
	_ =	sdelay $0xd  }
0x102: {  	p2 =	sne.s32 s2, $0x1  }
.Ltmp11:
0x103: {  	s5 =	spop @!p0 (v2sf);
	(pc) =	sbr.rel @!p2 .LBB2_16-.Ltmp11, $4  }
0x104: {  	p1 =	seq.s32 @!p0 s4, s5  }
0x105: {  	s5 =	simm.s32 $0x0;
	p1 =	por !p1, p0  }
0x106: {  	s7 =	simm.s32 $0xFFFFFFFF;
	s5 =	simm.s32 @p1 $0xFFFFFFFF  }
0x107: {  	s6 =	simm.s32 $0x1;
	s5 =	smov.u32 @p0 s7  }
.LBB2_15:
0x108: {  	s7 =	smov.u32 s5;
	p0 =	sne.s32 s5, $0xFFFFFFFF  }
0x109: {  	s0 =	sadd.s32 $0x1, s0;
	s5 =	smov.u32 s6;
	s6 =	sadd.s32 $0x1, s6  }
0x10a: {  	p1 =	sne.s32 s2, s6;
	v1 =	vld.msk @!p0 [tilespmem:s0+$0x0], $0x1;
	_ =	sdelay $0x4  }
0x10b: {  	(v2sf) =	vpush @!p0 v1, $0x0;
	_ =	sdelay $0xe  }
.Ltmp12:
0x10c: {  	s8 =	spop @!p0 (v2sf);
	(pc) =	sbr.rel @p1 .LBB2_15-.Ltmp12, $4  }
0x10d: {  	p2 =	seq.s32 @!p0 s4, s8  }
0x10e: {  	p2 =	por !p2, p0  }
0x10f: {  	s5 =	simm.s32 @p2 $0xFFFFFFFF  }
0x110: {  	s5 =	smov.u32 @p0 s7  }
.LBB2_16:
0x111: {  	p0 =	sne.s32 s5, $0xFFFFFFFF  }
.Ltmp13:
0x112: {  	_ = 	snop;
	(pc) =	sbr.rel @!p0 .LBB2_17-.Ltmp13, $1  }
0x113: {  	_ =	sdelay $0x3  }
0x114: {  	v0 =	vld.msk [tilespmem:s3+$0xE0], $0x1  }
0x115: {  	v1 =	vld.msk [tilespmem:s5+$0xE0], $0x1;
	_ =	sdelay $0x1  }
.Ltmp14:
0x116: {  	_ = 	snop;
	(pc) =	sbr.rel .LBB2_19-.Ltmp14, $3  }
0x117: {  	_ =	sdelay $0x1  }
0x118: {  	v0 =	vmax.f32 v1, v0  }
0x119: {  	[tilespmem:s5+$0xE0] =	vst.msk $0x1, v0  }
.LBB2_20:
0x11a: {  	p0 =	slt.s32 s2, $0x1  }
.Ltmp15:
0x11b: {  	_ = 	snop;
	(pc) =	sbr.rel @p0 .LBB2_24-.Ltmp15, $3  }
0x11c: {  	_ =	sdelay $0x1  }
0x11d: {  	s0 =	simm.s32 $0x6  }
0x11e: {  	s3 =	simm.s32 $0x0;
	[sflag:s0] =	ssyncpa.u1 $0x1  }
0x11f: {  	s0 =	simm.s32 $0xC0  }
0x120: {  	v0 =	vld.msk [tilespmem:s0+$0x0], $0x1;
	_ =	sdelay $0x4  }
0x121: {  	(v2sf) =	vpush v0, $0x0;
	_ =	sdelay $0xe  }
0x122: {  	s2 =	sadd.s32 $0xFFFFFFFF, s2;
	s4 =	spop (v2sf)  }
0x123: {  	p1 =	sne.s32 s2, $0x0;
	p0 =	sgt.u32 s4, $0x27FF  }
.Ltmp16:
0x124: {  	s5 =	sshrl.u32 @!p0 s4, $0x3;
	(pc) =	sbr.rel @!p1 .LBB2_23-.Ltmp16, $4  }
0x125: {  	s0 =	simm.s32 $0xE0;
	s4 =	sand.u32 @!p0 $0x7, s4;
	s5 =	sadd.s32 @!p0 s1, s5  }
0x126: {  	[hbm4b:s5+s4] =	stream.linear.scatter @!p0 [tilespmem:s0], [sflag:$0x5], $0x1, $0x38;
	[tilespmem:$0xF030] =	vst v63  }
0x127: {  	s5 =	simm.s32 $0x0  }
0x128: {  	s4 =	simm.s32 $0xC1;
	s5 =	simm.s32 @!p0 $0x4  }
.LBB2_22:
0x129: {  	v0 =	vld.msk [tilespmem:s4+$0x0], $0x1;
	s2 =	sadd.s32 $0xFFFFFFFF, s2;
	s3 =	sadd.s32 s3, s5  }
0x12a: {  	p0 =	sne.s32 s2, $0x0;
	_ =	sdelay $0x3  }
0x12b: {  	(v2sf) =	vpush v0, $0x0;
	_ =	sdelay $0xe  }
.Ltmp17:
0x12c: {  	s6 =	spop (v2sf);
	(pc) =	sbr.rel @p0 .LBB2_22-.Ltmp17, $4  }
0x12d: {  	s5 =	simm.s32 $0x0;
	p1 =	sgt.u32 s6, $0x27FF  }
0x12e: {  	s0 =	sadd.s32 $0x1, s0;
	s5 =	simm.s32 @!p1 $0x4;
	s7 =	sshrl.u32 @!p1 s6, $0x3  }
0x12f: {  	s4 =	sadd.s32 $0x1, s4;
	s6 =	sand.u32 @!p1 $0x7, s6;
	s7 =	sadd.s32 @!p1 s1, s7  }
0x130: {  	[hbm4b:s7+s6] =	stream.linear.scatter @!p1 [tilespmem:s0], [sflag:$0x5], $0x1, $0x38;
	[tilespmem:$0xF030] =	vst v63  }
.LBB2_23:
0x131: {  	s0 =	sadd.s32 s3, s5  }
0x132: {  	s3 =	sshrl.u32 s0, $0x2  }
.LBB2_24:
0x133: {  	s0 =	simm.s32 $0x5  }
0x134: {  	_ =	swait.ge [sflag:s0], s3  }
0x135: {  	s1 =	ssub.s32 $0x0, s3;
	[sflag:s0] =	ssyncset.done $0x0  }
0x136: {  	[sflag:s0] =	ssyncadd.s32 s1  }
0x137: {  	[sflag:s0] =	ssyncpa.u1 $0x1  }
0x138: {  	s29 =	simm.s32 $0x1;
	_ =	sfence  }
0x139: {  	s30 =	simm.s32 $0x2;
	[sflag:s29] =	ssyncpa.u1 $0x1  }
0x13a: {  	[sflag:s30] =	ssyncpa.u1 $0x1  }
0x13b: {  	_ =	strace $0x90000056  }
0x13c: {  	[bflag:$0x2] =	sbarrier.arrive $0xFFFF  }
0x13d: {  	s31 =	rddreg [dreg:$0x2]  }
0x13e: {  	s0 =	sadd.s32 $0x100000, s31  }
0x13f: {  	[sflag:s0] =	ssyncadd.tile.s32 $0x1;
	_ =	shalt  }
.Lfunc_end2:
_tile_overlayer_lowered:
.L_overlay_start_2:
0x140: {  	(tag) =	ssettag $0x2  }
0x141: {  	s0 =	rddreg [dreg:$0x0];
	s2 =	stileid.u32  }
0x142: {  	s1 =	rddreg [dreg:$0x1];
	p0 =	sne.s32 s2, $0x0  }
0x143: {  	s3 =	rddreg [dreg:$0x2];
	[bflag:$0x3] =	sbarrier.arrive $0xFFFF;
	s2 =	simm.s32 @!p0 $0x1C01  }
0x144: {  	[timem:s3], [sflag:s2] =	dma.local @!p0 [hbm:s0], s1  }
0x145: {  	s0 =	simm.s32 @!p0 $0x1  }
0x146: {  	_ =	swait.ge @!p0 [sflag:s0], s1  }
0x147: {  	s1 =	ssub.s32 @!p0 $0x0, s1;
	[sflag:s0] =	ssyncset.done @!p0 $0x0  }
0x148: {  	[sflag:s0] =	ssyncadd.s32 @!p0 s1  }
0x149: {  	[bflag:$0x3] =	sbarrier.arrive $0xFFFF  }
0x14a: {  	_ =	shalt  }

// kernel: scatter_offload_async_start.3
scs
__scs_entry_jumppad:
0x0: {  	(pc) =	sbr.rel $0x88, $3  }
0x1: {  	(tag) =	ssettag $0x0;
	lr =	simm.s32 $0x1  }
0x2: {  	[smem:$0x3F92] =	sst lr;
	_ =	strace $0xD0000000  }
0x3: {  	_ = 	snop  }
0x4: {  	_ = 	snop  }
0x5: {  	_ = 	snop  }
0x6: {  	_ = 	snop  }
0x7: {  	_ = 	snop  }
__scs_overlays_trampoline_lowered:
0x8: {  	[smem:$0x3FA1] =	sst s0  }
0x9: {  	[smem:$0x3FA2] =	sst s1  }
0xa: {  	[smem:$0x3FA3] =	sst s2  }
0xb: {  	[smem:$0x3FA4] =	sst s3  }
0xc: {  	[smem:$0x3FA5] =	sst s4  }
0xd: {  	[smem:$0x3FA6] =	sst s5  }
0xe: {  	[smem:$0x3FA7] =	sst s6  }
0xf: {  	[smem:$0x3FA8] =	sst s7  }
0x10: {  	[smem:$0x3FA9] =	sst s8  }
0x11: {  	[smem:$0x3FAA] =	sst s9;
	s0 =	simm.s32 @!p0 $0x0  }
0x12: {  	s1 =	sld [smem:$0x3F90];
	s0 =	simm.s32 @p0 $0x1  }
0x13: {  	[smem:$0x3FAB] =	sst s0;
	s0 =	simm.s32 @!p1 $0x0  }
0x14: {  	s2 =	sld [smem:$0x3F8F];
	s0 =	simm.s32 @p1 $0x1  }
0x15: {  	[smem:$0x3FAC] =	sst s0;
	s0 =	simm.s32 @!p2 $0x0  }
0x16: {  	s3 =	sld [smem:$0x3FDB];
	s0 =	simm.s32 @p2 $0x1  }
0x17: {  	s4 =	simm.s32 $0x1BF5;
	[smem:$0x3FAE] =	sst s0  }
0x18: {  	s0 =	sld [smem:$0x3F91];
	_ =	swait.ge [sflag:s4], $0x0  }
0x19: {  	s7 =	sld [smem:$0x3F92]  }
0x1a: {  	s8 =	sadd.s32 $0xFFFFE003, lr  }
0x1b: {  	s9 =	sadd.s32 $0xFFFFFEF7, lr;
	s5 =	simm.s32 $0xFFFFFFFF;
	p2 =	slt.u32 s8, $0xFFFFF086  }
0x1c: {  	p1 =	slt.u32 s9, $0xF7A;
	s5 =	simm.s32 @!p2 $0x0  }
0x1d: {  	s5 =	simm.s32 @p1 $0x1;
	p0 =	seq.s32 s7, s2  }
0x1e: {  	s7 =	smul.u32 @!p0 $0xF7A, s2;
	p2 =	seq.s32 @!p0 s5, $0x0  }
0x1f: {  	s9 =	smul.u32 $0xF7A, s1;
	s8 =	simm.s32 @!p0 $0x1BF5;
	p2 =	por !p2, p0  }
0x20: {  	[sflag:s8] =	ssyncset.s32 @!p0 $0xFFFFF086;
	s6 =	sadd.s32 @!p0 s3, s7;
	s7 =	simm.s32 @!p0 $0x108  }
0x21: {  	s3 =	sadd.s32 s3, s9;
	s6 =	sadd.s32 @!p0 $0x88, s6;
	s7 =	simm.s32 @p2 $0x1082  }
0x22: {  	[simem:s7], [sflag:s8] =	dma.local @!p0 [hbm:s6], $0xF7A  }
0x23: {  	s9 =	sor.u32 $0xD0000000, s2;
	s6 =	simm.s32 $0x108;
	_ =	swait.ge @!p0 [sflag:s8], $0x0  }
0x24: {  	s3 =	sadd.s32 $0x88, s3;
	s6 =	simm.s32 @!p1 $0x1082;
	[sflag:s4] =	ssyncset.s32 $0xFFFFF086  }
0x25: {  	[simem:s6], [sflag:s4] =	dma.local [hbm:s3], $0xF7A  }
0x26: {  	[smem:$0x3F92] =	sst s1;
	(tag) =	ssettag s2;
	_ =	strace s9  }
0x27: {  	s1 =	sld [smem:$0x3FA2]  }
0x28: {  	s2 =	sld [smem:$0x3FA3]  }
0x29: {  	s4 =	sld [smem:$0x3FA5]  }
0x2a: {  	p0 =	seq.s32 s5, $0x0;
	s5 =	sld [smem:$0x3FA6]  }
0x2b: {  	s6 =	sld [smem:$0x3FA7]  }
0x2c: {  	s7 =	sld [smem:$0x3FA8]  }
0x2d: {  	s3 =	simm.s32 $0x108;
	s8 =	sld [smem:$0x3FA9]  }
0x2e: {  	s3 =	simm.s32 @!p0 $0x1082;
	s9 =	sld [smem:$0x3FAA]  }
0x2f: {  	lr =	sadd.s32 s0, s3;
	s0 =	sld [smem:$0x3FA1]  }
0x30: {  	s3 =	sld [smem:$0x3FA4]  }
0x31: {  	[smem:$0x3FAD] =	sst s10  }
0x32: {  	s10 =	sld [smem:$0x3FAB];
	_ =	sdelay $0x3  }
0x33: {  	p0 =	seq.s32 s10, $0x1;
	s10 =	sld [smem:$0x3FAD];
	_ =	sdelay $0x3  }
0x34: {  	[smem:$0x3FAD] =	sst s10  }
0x35: {  	s10 =	sld [smem:$0x3FAC];
	_ =	sdelay $0x3  }
0x36: {  	p1 =	seq.s32 s10, $0x1;
	s10 =	sld [smem:$0x3FAD];
	_ =	sdelay $0x3  }
0x37: {  	[smem:$0x3FAD] =	sst s10  }
0x38: {  	s10 =	sld [smem:$0x3FAE]  }
0x39: {  	_ = 	snop;
	(pc) =	sbr.ind lr, $3  }
0x3a: {  	_ = 	snop  }
0x3b: {  	_ = 	snop  }
0x3c: {  	p2 =	seq.s32 s10, $0x1;
	s10 =	sld [smem:$0x3FAD]  }
0x3d: {  	_ =	shalt  }
0x3e: {  	_ =	shalt  }
0x3f: {  	_ =	shalt  }
0x40: {  	_ =	shalt  }
0x41: {  	_ =	shalt  }
0x42: {  	_ =	shalt  }
0x43: {  	_ =	shalt  }
0x44: {  	_ =	shalt  }
0x45: {  	_ =	shalt  }
0x46: {  	_ =	shalt  }
0x47: {  	_ =	shalt  }
0x48: {  	_ =	shalt  }
0x49: {  	_ =	shalt  }
0x4a: {  	_ =	shalt  }
0x4b: {  	_ =	shalt  }
0x4c: {  	_ =	shalt  }
0x4d: {  	_ =	shalt  }
0x4e: {  	_ =	shalt  }
0x4f: {  	_ =	shalt  }
0x50: {  	_ =	shalt  }
0x51: {  	_ =	shalt  }
0x52: {  	_ =	shalt  }
0x53: {  	_ =	shalt  }
0x54: {  	_ =	shalt  }
0x55: {  	_ =	shalt  }
0x56: {  	_ =	shalt  }
0x57: {  	_ =	shalt  }
0x58: {  	_ =	shalt  }
0x59: {  	_ =	shalt  }
0x5a: {  	_ =	shalt  }
0x5b: {  	_ =	shalt  }
0x5c: {  	_ =	shalt  }
0x5d: {  	_ =	shalt  }
0x5e: {  	_ =	shalt  }
0x5f: {  	_ =	shalt  }
0x60: {  	_ =	shalt  }
0x61: {  	_ =	shalt  }
0x62: {  	_ =	shalt  }
0x63: {  	_ =	shalt  }
0x64: {  	_ =	shalt  }
0x65: {  	_ =	shalt  }
0x66: {  	_ =	shalt  }
0x67: {  	_ =	shalt  }
0x68: {  	_ =	shalt  }
0x69: {  	_ =	shalt  }
0x6a: {  	_ =	shalt  }
0x6b: {  	_ =	shalt  }
0x6c: {  	_ =	shalt  }
0x6d: {  	_ =	shalt  }
0x6e: {  	_ =	shalt  }
0x6f: {  	_ =	shalt  }
0x70: {  	_ =	shalt  }
0x71: {  	_ =	shalt  }
0x72: {  	_ =	shalt  }
0x73: {  	_ =	shalt  }
0x74: {  	_ =	shalt  }
0x75: {  	_ =	shalt  }
0x76: {  	_ =	shalt  }
0x77: {  	_ =	shalt  }
0x78: {  	_ =	shalt  }
0x79: {  	_ =	shalt  }
0x7a: {  	_ =	shalt  }
0x7b: {  	_ =	shalt  }
0x7c: {  	_ =	shalt  }
0x7d: {  	_ =	shalt  }
0x7e: {  	_ =	shalt  }
0x7f: {  	_ =	shalt  }
0x80: {  	_ =	shalt  }
0x81: {  	_ =	shalt  }
0x82: {  	_ =	shalt  }
0x83: {  	_ =	shalt  }
0x84: {  	_ =	shalt  }
0x85: {  	_ =	shalt  }
0x86: {  	_ =	shalt  }
0x87: {  	_ =	shalt  }
.Lfunc_end0:
.L_simem_size_0:
called_computation.3_lowered:
.L_overlay_start_0:
0x88: {  	s0 =	sld [smem:$0x3FD9]  }
0x89: {  	s1 =	sld [smem:$0x3FFE];
	_ =	sdelay $0x3  }
0x8a: {  	s0 =	sadd.s32 s1, s0  }
0x8b: {  	[smem:$0x3FB9] =	sst s0  }
0x8c: {  	_ = 	snop  }
0x8d: {  	s0 =	sld [smem:$0x3FD0];
	_ =	sdelay $0x2  }
0x8e: {  	s14 =	simm.s32 $0xB;
	s2 =	simm.s32 $0x10  }
0x8f: {  	[smem:s2], [sflag:s14] =	dma.local [hbm:s0], $0x1  }
0x90: {  	_ =	swait.eq [sflag:s14], $0x1  }
0x91: {  	s15 =	sld [smem:$0x12];
	[sflag:s14] =	ssyncset.done $0x0  }
0x92: {  	s16 =	sld [smem:$0x13];
	[sflag:s14] =	ssyncadd.s32 $0xFFFFFFFF  }
0x93: {  	s17 =	sld [smem:$0x14];
	(tm) =	ssettm $0x1  }
0x94: {  	s3 =	sld [smem:$0x3FFB];
	_ =	sdelay $0x3  }
0x95: {  	_ =	strace s3  }
0x96: {  	s3 =	sld [smem:$0x3FFC];
	_ =	sdelay $0x3  }
0x97: {  	_ =	strace s3  }
0x98: {  	s3 =	sld [smem:$0x3FFD];
	_ =	sdelay $0x3  }
0x99: {  	_ =	strace s3  }
0x9a: {  	_ =	strace $0x8FFFFFFF  }
0x9b: {  	s18 =	sld [smem:$0x3FDB];
	_ =	sdelay $0x1  }
0x9c: {  	s4 =	simm.s32 $_scs_section_size  }
0x9d: {  	s5 =	simm.s32 $_size__tile_overlayer_lowered;
	s6 =	simm.s32 $_tile_overlayer_lowered  }
0x9e: {  	s21 =	simm.s32 $0x1BFF;
	s20 =	sshll.u32 s6, $0x1;
	s3 =	sadd.s32 s4, s18  }
0x9f: {  	s7 =	simm.s32 $0x0;
	s19 =	sshll.u32 s5, $0x1;
	s5 =	sadd.s32 s20, s3  }
0xa0: {  	[timem:s7], [sflag:s21] =	dma.local [hbm:s5], s19  }
0xa1: {  	_ =	swait.ge [sflag:s21], s19  }
0xa2: {  	s4 =	ssub.s32 $0x0, s19;
	[sflag:s21] =	ssyncset.done $0x0  }
0xa3: {  	[sflag:s21] =	ssyncadd.s32 s4;
	_ =	sdelay $0x1  }
0xa4: {  	s22 =	simm.s32 $0x1B8B  }
0xa5: {  	_ =	swait.ge [sflag:s22], $0x1  }
0xa6: {  	[sflag:s22] =	ssyncset.done $0x0  }
0xa7: {  	s23 =	simm.s32 $0x1B8E;
	[sflag:s22] =	ssyncadd.s32 $0xFFFFFFFF  }
0xa8: {  	s24 =	simm.s32 $execute0_lowered;
	[smem:$0x3FD2] =	sst s23  }
0xa9: {  	s4 =	sshll.u32 s24, $0x1;
	_ =	strace $0x80000058;
	[dreg:$0x1] =	wrdreg $0xFFFFFFFF  }
0xaa: {  	s25 =	simm.s32 $_size_execute0_lowered;
	s3 =	sadd.s32 s3, s4;
	[dreg:$0x0] =	wrdreg $0x0  }
0xab: {  	s4 =	sshll.u32 s25, $0x1;
	[dreg:$0x2] =	wrdreg s3  }
0xac: {  	[dreg:$0x3] =	wrdreg s4  }
0xad: {  	[dreg:$0x4] =	wrdreg $0xC0  }
0xae: {  	_ =	task [dreg:s7], $0x5FFFF  }
0xaf: {  	[dreg:$0x1] =	wrdreg $0xFFFFFFFF  }
0xb0: {  	[dreg:$0x0] =	wrdreg $0x60  }
0xb1: {  	[dreg:$0x2] =	wrdreg s17  }
0xb2: {  	[dreg:$0x3] =	wrdreg s16  }
0xb3: {  	[dreg:$0x4] =	wrdreg s15  }
0xb4: {  	[dreg:$0x5] =	wrdreg $0x9  }
0xb5: {  	_ =	task.clear_ibuf [dreg:s7], $0x6FFFF;
	_ =	strace $0x90000058  }
0xb6: {  	s26 =	simm.s32 $0x9;
	_ =	strace $0x8000005A  }
0xb7: {  	_ =	swait.ge [sflag:s26], $0x1  }
0xb8: {  	[sflag:s26] =	ssyncadd.s32 $0xFFFFFFFF  }
0xb9: {  	_ =	strace $0x9000005A  }
0xba: {  	_ =	sfence  }
0xbb: {  	s28 =	sld [smem:$0x0];
	_ =	sdelay $0x1  }
0xbc: {  	s29 =	srdreg.scid  }
0xbd: {  	s30 =	sshll.u32 s29, $0xD;
	s31 =	sshrl.u32 s29, $0x2  }
0xbe: {  	s1 =	sand.u32 $0x1, s29;
	s2 =	sand.u32 $0x4000, s30;
	s0 =	sadd.s32 s31, s28  }
0xbf: {  	s1 =	sor.u32 s2, s1;
	s0 =	sshll.u32 s0, $0x11  }
0xc0: {  	s0 =	sor.u32 s0, s1  }
0xc1: {  	s0 =	sadd.s32 $0x8F2B, s0  }
0xc2: {  	[sflag:s0] =	ssyncadd.remote.s32 $0x1  }
0xc3: {  	_ =	sfence.sel $0xFFFF  }
0xc4: {  	[dreg:$0x0] =	wrdreg $0xFFFFFFFF;
	(pc) =	sbr.abs _section_cstart, $3  }
0xc5: {  	[dreg:$0x1] =	wrdreg $0xFFFFFFFF  }
0xc6: {  	_ =	task.clear_ibuf [dreg:s7], $0x2FFFF;
	_ =	strace $0x9FFFFFFF  }
0xc7: {  	(tm) =	ssettm $0x7FFFFFFF  }
tec
execute0_lowered:
.L_overlay_start_1:
0x0: {  	(tag) =	ssettag $0x1  }
0x1: {  	s1 =	rddreg [dreg:$0x0]  }
0x2: {  	s3 =	rddreg [dreg:$0x1];
	s14 =	stileid.u32  }
0x3: {  	_ =	strace $0x80000059;
	s0 =	simm.s32 $0x1;
	s2 =	smin.u32 s14, $0x9  }
0x4: {  	[sflag:s0] =	ssyncpa.u1 $0x0;
	s2 =	sadd.s32 s14, s2  }
0x5: {  	v1 =	vimm.s32 $0xFFFFFFFF;
	p0 =	slt.u32 s14, $0x9;
	s5 =	smul.u32 $0x1A90, s2;
	s2 =	simm.s32 $0x3520  }
0x6: {  	[tilespmem:$0x10] =	vst v1;
	s2 =	simm.s32 @!p0 $0x1A90  }
0x7: {  	v0 =	vimm.f32 $0.0e+00;
	[tilespmem:$0x20] =	vst v1;
	s2 =	sadd.s32 s2, s5  }
0x8: {  	[tilespmem:$0x30] =	vst v0;
	s6 =	smin.u32 s2, $0x29810  }
0x9: {  	[tilespmem:$0x40] =	vst v0;
	s2 =	ssub.s32 s6, s5  }
0xa: {  	s7 =	simm.s32 $0x2;
	s8 =	simm.s32 $0x8;
	[tilespmem:$0x50] =	vst v0;
	p0 =	sgt.s32 s2, $0x0  }
0xb: {  	s31 =	simm.s32 $0x9;
	s16 =	simm.s32 $0x0;
	[tilespmem:$0x60] =	vst v1;
	s2 =	simm.s32 @!p0 $0x0  }
0xc: {  	s17 =	simm.s32 $0xF0;
	s18 =	simm.s32 $0xFFFFFFFF;
	[tilespmem:$0x70] =	vst v1;
	s4 =	smulhi.u32 $0x134679AD, s2  }
0xd: {  	s19 =	simm.s32 $0xFFFFCBE0;
	s20 =	simm.s32 $0xFFFFFFFE;
	s21 =	simm.s32 $0xF;
	[tilespmem:$0x80] =	vst v1  }
0xe: {  	s25 =	simm.s32 $0x0;
	s10 =	sshll.u32 s14, $0x1;
	v1 =	vimm.s32 $0x0;
	[tilespmem:$0xB0] =	vst v0;
	s4 =	sshrl.u32 s4, $0x9  }
0xf: {  	s24 =	simm.s32 $0x0;
	s13 =	sor.u32 $0x81, s10;
	[tilespmem:$0x90] =	vst v1;
	s9 =	smul.u32 $0x1A90, s4  }
.Ltmp0:
0x10: {  	[tilespmem:$0xA0] =	vst v1;
	[sflag:s7] =	ssyncpa.u1 $0x0;
	s7 =	simm.s32 $0x7;
	(pc) =	sbr.rel .LBB2_1-.Ltmp0, $4  }
0x11: {  	s14 =	sshllo.u32 s14, $0x1;
	[sflag:s7] =	ssyncpa.u1 $0x0;
	p0 =	sne.s32 s2, s9  }
0x12: {  	s15 =	sor.u32 $0x80, s10;
	[sflag:s8] =	ssyncpa.u1 $0x0;
	s0 =	simm.s32 @!p0 $0x0  }
0x13: {  	vm0 =	vmmov $0xffff;
	v2 =	vlaneseq.u32;
	s23 =	smov.u32 s5;
	[sflag:s31] =	ssyncpa.u1 $0x0;
	s9 =	sadd.s32 s0, s4  }
0x14: {  	vm1 =	vmxor vm1, vm1;
	vm2 =	vmmov $0x1;
	vm3 =	vcmask $0x3F3C;
	p0 =	por $0x0, $0x0;
	s11 =	sadd.s32 $0x1, s9;
	s12 =	sadd.s32 $0x2, s9  }
.LBB2_9:
0x15: {  	p1 =	slt.u32 s24, $0x3  }
0x16: {  	s0 =	simm.s32 @!p1 $0x2  }
0x17: {  	_ =	swait.ge @!p1 [sflag:s0], $0x1A90  }
0x18: {  	[sflag:s0] =	ssyncset.done @!p1 $0x0  }
0x19: {  	[sflag:s0] =	ssyncadd.s32 @!p1 $0xFFFFE570;
	s0 =	simm.s32 @!p1 $0x9  }
0x1a: {  	_ =	swait.ge @!p1 [sflag:s0], $0x10  }
0x1b: {  	[sflag:s0] =	ssyncset.done @!p1 $0x0  }
0x1c: {  	[sflag:s0] =	ssyncadd.s32 @!p1 $0xFFFFFFF0;
	p1 =	sne.s32 s24, s12  }
.Ltmp1:
0x1d: {  	s2 =	sadd.s32 $0x1A90, s23;
	(pc) =	sbr.rel @!p1 .LBB2_10-.Ltmp1, $4  }
0x1e: {  	s4 =	smov.u32 s5;
	s31 =	sadd.s32 $0x1, s24;
	s17 =	sadd.s32 $0x1A90, s17  }
0x1f: {  	s18 =	sadd.s32 $0x1, s18;
	s25 =	smov.u32 s23;
	p2 =	slt.s32 s2, s6  }
0x20: {  	p0 =	por !p0, !p0;
	s19 =	sadd.s32 $0x1A90, s19;
	s4 =	smov.u32 @p2 s2  }
0x21: {  	s20 =	sadd.s32 $0x1, s20;
	s23 =	smov.u32 s4;
	s24 =	smov.u32 s31  }
.LBB2_1:
0x22: {  	p1 =	sge.u32 s24, s9  }
0x23: {  	s0 =	smulhi.u32 @!p1 $0xAAAAAAAB, s24;
	_ =	sdelay $0x1  }
0x24: {  	s0 =	sshrl.u32 @!p1 s0, $0x1  }
0x25: {  	s0 =	smul.u32 @!p1 $0x3, s0;
	_ =	sdelay $0x1  }
0x26: {  	s0 =	ssub.s32 @!p1 s24, s0  }
0x27: {  	s0 =	smul.u32 @!p1 $0x6A40, s0;
	_ =	sdelay $0x1  }
0x28: {  	s2 =	sshrl.u32 @!p1 s23, $0x3;
	s0 =	sshrl.u32 @!p1 s0, $0x2  }
0x29: {  	s4 =	sand.u32 @!p1 $0x7, s23;
	s2 =	sadd.s32 @!p1 s3, s2;
	s0 =	sadd.s32 @!p1 $0x100, s0  }
0x2a: {  	[tilespmem:s0], [sflag:$0x7] =	stream.linear.gather @!p1 [hbm4b:s2+s4], $0x1A90, $0x38;
	[tilespmem:$0xF030] =	vst v63  }
0x2b: {  	s0 =	sadd.s32 $0xFFFFFFFF, s24  }
0x2c: {  	p1 =	sge.u32 s0, s9  }
.Ltmp2:
0x2d: {  	_ = 	snop;
	(pc) =	sbr.rel @p1 .LBB2_5-.Ltmp2, $1  }
0x2e: {  	_ =	sdelay $0x3  }
0x2f: {  	s2 =	smulhi.u32 $0xAAAAAAAB, s0;
	_ =	sdelay $0x1  }
0x30: {  	s2 =	sshrl.u32 s2, $0x1  }
0x31: {  	s2 =	smul.u32 $0x3, s2;
	_ =	sdelay $0x1  }
0x32: {  	s2 =	ssub.s32 s0, s2  }
0x33: {  	s2 =	smul.u32 $0x6A40, s2  }
0x34: {  	_ =	swait.ge [sflag:s7], $0x1A90  }
0x35: {  	[sflag:s7] =	ssyncset.done $0x0;
	s2 =	sshrl.u32 s2, $0x2  }
0x36: {  	[sflag:s7] =	ssyncadd.s32 $0xFFFFE570;
	(ifvalue) =	ssetifvalue $0xFFFFFFFF;
	v3 =	vld.msk [tilespmem:s2+$0x100 ss:$0x1], $0xffff;
	_ =	sdelay $0x2  }
0x37: {  	s30 =	smulhi.u32 $0xAAAAAAAB, s18;
	p1 =	sne.s32 s24, $0x1  }
0x38: {  	v4 =	vimm.s32 @!p1 $0x0  }
0x39: {  	s2 =	sshrl.u32 s30, $0x1;
	v4 =	vperm.xlane @!p1 v3, v4  }
0x3a: {  	s4 =	sshll.u32 s24, $0x4;
	s2 =	smul.u32 $0xFFFEC140, s2;
	vm4 =	vlt.u32 v3, $0x2800  }
0x3b: {  	s4 =	sand.u32 $0x10, s4;
	v3 =	vnsel vm4, $0xFFFFFFFE, v3;
	vm4 =	vlt.u32 @!p1 v4, $0x2800  }
0x3c: {  	s2 =	sshra.s32 s2, $0x2;
	[tilespmem:s4+$0x60] =	vst v3;
	v3 =	vnsel @!p1 vm4, $0xFFFFFFFE, v4  }
0x3d: {  	s28 =	sadd.s32 s2, s17;
	[tilespmem:$0x80] =	vst @!p1 v3  }
0x3e: {  	v3 =	vld.msk [tilespmem:s28+$0x0 ss:$0x1], $0xffff;
	_ =	sdelay $0x4  }
0x3f: {  	(xrf1) =	vunique.msk.u32 $0xffff, v3;
	_ =	sdelay $0xd  }
0x40: {  	v4 =	vimm.s32 $0xFFFFFFFF;
	v5, _, _ =	vpop (xrf1)  }
0x41: {  	vm5 =	vne.s32 v3, v4;
	vm4 =	veq.s32 v5, v2  }
0x42: {  	vm6 =	vlt.u32 v3, $0x2800;
	vm4 =	vmand vm5, vm4  }
0x43: {  	vm4 =	vmand vm6, vm4  }
0x44: {  	v4 =	vnsel vm4, $0xFFFFFFFF, v3  }
0x45: {  	s31 =	sand.u32 $0x1, s0  }
0x46: {  	s0 =	simm.s32 $0x1A90;
	p1 =	seq.s32 s31, $0x1  }
0x47: {  	s0 =	simm.s32 @!p1 $0x0  }
0x48: {  	s26 =	sadd.s32 $0x6B30, s0;
	(ifvalue) =	ssetifvalue $0xFFFFFFFF  }
0x49: {  	v3 =	vperm.xlane v3, v1;
	[tilespmem:s26], [sflag:$0x8] =	stream.indirect_vreg.gather [hbm4b:s1+s16], $0x1, v4, vm0, $0x4038;
	v4 =	vnsel vm6, $0xFFFFFFFE, v4;
	[tilespmem:$0xF030] =	vst v63  }
0x4a: {  	s2 =	simm.s32 $0x0;
	s4 =	sadd.s32 $0xFFFFFFF0, s28;
	[tilespmem:s28+$0x0] =	vst v4  }
.LBB2_3:
0x4b: {  	v4 =	vld.msk [tilespmem:s4+$0x0 ss:$0x1], $0xffff;
	s2 =	sadd.s32 $0x10, s2;
	v5 =	vmov v3;
	s28 =	smov.u32 s4  }
0x4c: {  	p1 =	slt.u32 s2, $0x1A80;
	_ =	sdelay $0x4  }
0x4d: {  	v3 =	vperm.xlane v4, v1;
	(xrf1) =	vunique.msk.u32 $0xffff, v4;
	_ =	sdelay $0xd  }
0x4e: {  	v6, _, _ =	vpop (xrf1)  }
0x4f: {  	vm5 =	vne.s32 v4, v5;
	vm4 =	veq.s32 v6, v2  }
0x50: {  	vm6 =	vlt.u32 v4, $0x2800;
	vm4 =	vmand vm5, vm4  }
0x51: {  	vm4 =	vmand vm6, vm4  }
0x52: {  	v4 =	vnsel vm4, $0xFFFFFFFF, v4  }
.Ltmp3:
0x53: {  	v5 =	vnsel vm6, $0xFFFFFFFE, v4;
	(pc) =	sbr.rel @p1 .LBB2_3-.Ltmp3, $3  }
0x54: {  	_ =	sdelay $0x1  }
0x55: {  	s4 =	sadd.s32 $0xFFFFFFF0, s4;
	s26 =	sadd.s32 $0xFFFFFFF0, s26;
	(ifvalue) =	ssetifvalue $0xFFFFFFFF  }
0x56: {  	[tilespmem:s26], [sflag:$0x8] =	stream.indirect_vreg.gather [hbm4b:s1+s16], $0x1, v4, vm0, $0x4038;
	[tilespmem:s28+$0x0] =	vst v5  }
0x57: {  	s2 =	sshrl.u32 s25, $0x3;
	s4 =	rddreg [dreg:$0x2]  }
0x58: {  	s0 =	sadd.s32 $0x85D0, s0;
	s2 =	sadd.s32 s4, s2  }
0x59: {  	[tilespmem:s0], [sflag:$0x8] =	stream.linear.gather [hbm:s2], $0x1A90, $0x38;
	[tilespmem:$0xF030] =	vst v63  }
.LBB2_5:
0x5a: {  	p1 =	slt.u32 s24, $0x2  }
0x5b: {  	p2 =	sge.u32 @!p1 s24, s12  }
0x5c: {  	p1 =	por p1, p2  }
.Ltmp4:
0x5d: {  	_ = 	snop;
	(pc) =	sbr.rel @p1 .LBB2_9-.Ltmp4, $1  }
0x5e: {  	_ =	sdelay $0x3  }
0x5f: {  	s0 =	sadd.s32 $0xFFFFFFFE, s24  }
0x60: {  	s2 =	smulhi.u32 $0xAAAAAAAB, s0;
	_ =	sdelay $0x1  }
0x61: {  	s2 =	sshrl.u32 s2, $0x1  }
0x62: {  	s2 =	smul.u32 $0x3, s2;
	_ =	sdelay $0x1  }
0x63: {  	s0 =	ssub.s32 s0, s2  }
0x64: {  	_ =	swait.ge [sflag:s8], $0x3520;
	s0 =	smul.u32 $0x1A90, s0  }
0x65: {  	p1 =	sne.s32 s24, s11;
	[sflag:s8] =	ssyncset.done $0x0  }
0x66: {  	[sflag:s8] =	ssyncadd.s32 $0xFFFFCAE0;
	s2 =	sadd.s32 @!p1 $0x1B8F, s0  }
0x67: {  	[spmem:s13] =	stream.linear.scatter @!p1 [tilespmem:s2], [sflag:$0x1], $0x1, $0x38;
	[tilespmem:$0xF030] =	vst v63  }
0x68: {  	s2 =	simm.s32 @!p1 $0x1  }
0x69: {  	_ =	swait.ge @!p1 [sflag:s2], $0x1  }
0x6a: {  	s4 =	sshll.u32 s24, $0x4;
	[sflag:s2] =	ssyncset.done @!p1 $0x0  }
0x6b: {  	s25 =	sand.u32 $0x10, s4;
	[sflag:s2] =	ssyncadd.s32 @!p1 $0xFFFFFFFF  }
0x6c: {  	s2 =	sxor.u32 $0x10, s25;
	v4 =	vld [tilespmem:s25+$0x10]  }
0x6d: {  	v5 =	vld [tilespmem:s2+$0x60]  }
0x6e: {  	v3 =	vld [tilespmem:$0x80];
	_ =	sdelay $0x2  }
0x6f: {  	(v2sf) =	vpush v4, $0x0  }
0x70: {  	(v2sf) =	vpush v5, $0x0  }
0x71: {  	(v2sf) =	vpush v3, $0x0;
	_ =	sdelay $0xc  }
0x72: {  	s22 =	spop (v2sf)  }
0x73: {  	s28 =	spop (v2sf)  }
0x74: {  	s26 =	spop (v2sf)  }
0x75: {  	p2 =	seq.s32 s22, s28;
	p3 =	seq.s32 s26, s22  }
0x76: {  	p3 =	por p2, p3  }
0x77: {  	s22 =	sand.u32 $0x1, s24;
	v4 =	vpsel p3, $0xFFFFFFFF, v4  }
0x78: {  	s28 =	smul.u32 $0x1A90, s22;
	[tilespmem:s25+$0x10] =	vst.msk $0x1, v4  }
0x79: {  	v4 =	vld [tilespmem:$0x30]  }
0x7a: {  	v5 =	vld [tilespmem:s28+$0x85D0]  }
0x7b: {  	v6 =	vld [tilespmem:s25+$0x40];
	_ =	sdelay $0x3  }
0x7c: {  	vm4 =	vmmov vm1;
	v5 =	vadd.f32 v5, v4  }
0x7d: {  	vm5 =	vmmov vm2;
	vm4 =	vmmov @p2 vm2;
	v4 =	vadd.f32 v6, v4  }
0x7e: {  	s4 =	sshll.u32 s22, $0x4;
	vm5 =	vmmov @p3 vm1;
	[tilespmem:s28+$0x85D0] =	vst.msk vm4, v5  }
0x7f: {  	[tilespmem:s4+$0xF010] =	vst.msk vm5, v4  }
0x80: {  	v4 =	vld [tilespmem:s28+$0x6B30];
	_ =	sdelay $0x3  }
0x81: {  	v5 =	vimm.f32 $0.0e+00  }
0x82: {  	v4 =	vshift.insert v4, v5, s21  }
0x83: {  	s29 =	sor.u32 $0x40, s2  }
0x84: {  	[tilespmem:s29+$0x0] =	vst.msk $0x1, v4  }
0x85: {  	[tilespmem:s28+$0x6B3F] =	vst.msk $0x1, v5  }
0x86: {  	v4 =	vld [tilespmem:s0+$0x1B80];
	_ =	sdelay $0x1  }
0x87: {  	s29 =	smulhi.u32 $0xAAAAAAAB, s20;
	s0 =	simm.s32 $0x1  }
0x88: {  	s0 =	simm.s32 @!p0 $0x0  }
0x89: {  	s29 =	sshrl.u32 s29, $0x1;
	s0 =	smul.u32 $0x6A40, s0  }
0x8a: {  	s29 =	smul.u32 $0xFFFEC140, s29;
	v4 =	vshift.insert v4, v1, s21  }
0x8b: {  	s0 =	sshrl.u32 s0, $0x2  }
0x8c: {  	s29 =	sshra.s32 s29, $0x2;
	s30 =	sadd.s32 $0x85D0, s0;
	[tilespmem:s2+$0x10] =	vst.msk $0x1, v4  }
0x8d: {  	s22 =	sadd.s32 s29, s19;
	v6 =	vld [tilespmem:s30+$0x0]  }
0x8e: {  	v7 =	vld [tilespmem:s22+$0x0];
	_ =	sdelay $0x3  }
0x8f: {  	v5 =	vadd.f32 v6, v5  }
0x90: {  	vm4 =	vne.s32 v7, $0xFFFFFFFF  }
0x91: {  	(xrf2) =	vadd.seg.scan.f32 vm4, v5;
	_ =	sdelay $0x3  }
0x92: {  	s31 =	sadd.s32 $0x50B0, s0;
	v5 =	vperm.xlane v4, v1  }
0x93: {  	v6 =	vld [tilespmem:s31+$0x0]  }
0x94: {  	vm5 =	veq.s32 v7, v3;
	vm6 =	veq.s32 v7, v5  }
0x95: {  	vm7 =	vgt.u32 v7, $0xFFFFFFFD;
	vm6 =	vmor vm6, vm5  }
0x96: {  	vm6 =	vmor vm6, vm7  }
0x97: {  	v9 =	vld [tilespmem:$0xA0];
	v7 =	vsel vm6, $0xFFFFFFFF, v7  }
0x98: {  	v10 =	vld [tilespmem:$0x90];
	v6 =	vsel vm5, $0x0, v6;
	v8, _, _ =	vpop (xrf2)  }
0x99: {  	v6 =	vadd.f32 v8, v6  }
0x9a: {  	s0 =	sadd.s32 $0xBAF0, s0  }
0x9b: {  	vm4 =	vmand vm4, vm3;
	[tilespmem:s0+$0x0] =	vst v6;
	(ifvalue) =	ssetifvalue $0xFFFFFFFF  }
0x9c: {  	vm6 =	veq.s32 v9, $0x1;
	[hbm4b:s1+s16] =	stream.indirect_vreg.scatter [tilespmem:s0], [sflag:$0x2], $0x1, v7, vm0, $0x4038;
	v7 =	vsel vm4, $0x0, v8;
	[tilespmem:$0xF030] =	vst v63  }
0x9d: {  	s29 =	sadd.s32 $0xF010, s4;
	s4 =	sadd.s32 $0x10, s22;
	s2 =	simm.s32 $0x0;
	vm4 =	vmor vm6, vm5;
	v6 =	vsel vm5, v8, v10;
	v7 =	vshift.insert v7, v0, s21  }
.LBB2_7:
0x9e: {  	v8 =	vld [tilespmem:s4+$0x0];
	s30 =	sadd.s32 $0x10, s30  }
0x9f: {  	s31 =	sadd.s32 $0x10, s31;
	v9 =	vld [tilespmem:s30+$0x0]  }
0xa0: {  	s2 =	sadd.s32 $0x10, s2;
	v10 =	vld [tilespmem:s31+$0x0]  }
0xa1: {  	p2 =	slt.u32 s2, $0x1A80;
	_ =	sdelay $0x2  }
0xa2: {  	v7 =	vadd.f32 v9, v7  }
0xa3: {  	vm5 =	vne.s32 v8, $0xFFFFFFFF  }
0xa4: {  	vm6 =	vmand vm5, vm3;
	(xrf2) =	vadd.seg.scan.f32 vm5, v7;
	_ =	sdelay $0x5  }
0xa5: {  	vm7 =	veq.s32 v8, v5;
	vm5 =	veq.s32 v8, v3  }
0xa6: {  	vm8 =	vgt.u32 v8, $0xFFFFFFFD;
	vm4 =	vmor vm4, vm5;
	vm7 =	vmor vm7, vm5  }
0xa7: {  	vm7 =	vmor vm7, vm8  }
0xa8: {  	v8 =	vsel vm7, $0xFFFFFFFF, v8  }
.Ltmp5:
0xa9: {  	v7 =	vsel vm5, $0x0, v10;
	v9, _, _ =	vpop (xrf2);
	(pc) =	sbr.rel @p2 .LBB2_7-.Ltmp5, $4  }
0xaa: {  	v6 =	vsel vm5, v9, v6;
	v10 =	vadd.f32 v9, v7;
	v7 =	vsel vm6, $0x0, v9  }
0xab: {  	s0 =	sadd.s32 $0x10, s0;
	v7 =	vshift.insert v7, v0, s21  }
0xac: {  	s4 =	sadd.s32 $0x10, s4;
	[tilespmem:s0+$0x0] =	vst v10;
	(ifvalue) =	ssetifvalue $0xFFFFFFFF  }
0xad: {  	[hbm4b:s1+s16] =	stream.indirect_vreg.scatter [tilespmem:s0], [sflag:$0x2], $0x1, v8, vm0, $0x4038;
	[tilespmem:$0xF030] =	vst v63  }
0xae: {  	v3 =	vld [tilespmem:s28+$0xD570];
	_ =	sdelay $0x4  }
0xaf: {  	v3 =	vshift.insert v3, v0, s21  }
0xb0: {  	s0 =	simm.s32 $0x30  }
0xb1: {  	[tilespmem:s0+$0x0] =	vst.msk $0x1, v3  }
0xb2: {  	v3 =	vsel vm4, $0x1, v1;
	[tilespmem:$0x90] =	vst v6  }
0xb3: {  	s0 =	sadd.s32 @!p1 $0xD57F, s28;
	[tilespmem:$0xA0] =	vst v3  }
0xb4: {  	[spmem:s14] =	stream.linear.scatter @!p1 [tilespmem:s0], [sflag:$0x1], $0x1, $0x38;
	[tilespmem:$0xF030] =	vst v63  }
0xb5: {  	s0 =	simm.s32 @!p1 $0x1  }
0xb6: {  	v3 =	vmctz.xlane @!p1 vm4;
	_ =	swait.ge @!p1 [sflag:s0], $0x1  }
0xb7: {  	(v2sf) =	vpush @!p1 v4, $0x0  }
0xb8: {  	(v2sf) =	vpush @!p1 v3, $0x0;
	_ =	sdelay $0xd  }
0xb9: {  	s2 =	spop @!p1 (v2sf)  }
0xba: {  	s4 =	spop @!p1 (v2sf)  }
0xbb: {  	p2 =	sne.s32 @!p1 s26, s2;
	p3 =	slt.s32 @!p1 s4, $0xF  }
0xbc: {  	[sflag:s0] =	ssyncset.done @!p1 $0x0;
	p2 =	por p2, p1;
	p3 =	por !p3, p1  }
0xbd: {  	[sflag:s0] =	ssyncadd.s32 @!p1 $0xFFFFFFFF;
	v3 =	vimm.s32 @!p2 $0xFFFFFFFF;
	s4 =	simm.s32 @p3 $0xF  }
0xbe: {  	[tilespmem:$0x80] =	vst @!p2 v3;
	s2 =	sadd.s32 @!p1 $0x90, s4  }
0xbf: {  	[spmem:s10] =	stream.linear.scatter @!p1 [tilespmem:s2], [sflag:$0x1], $0x1, $0x38;
	[tilespmem:$0xF030] =	vst v63  }
0xc0: {  	_ =	swait.ge @!p1 [sflag:s0], $0x1  }
0xc1: {  	[sflag:s0] =	ssyncset.done @!p1 $0x0  }
0xc2: {  	s2 =	simm.s32 @!p1 $0x80;
	[sflag:s0] =	ssyncadd.s32 @!p1 $0xFFFFFFFF  }
0xc3: {  	[spmem:s15] =	stream.linear.scatter @!p1 [tilespmem:s2], [sflag:$0x1], $0x1, $0x38;
	[tilespmem:$0xF030] =	vst v63  }
0xc4: {  	_ =	swait.ge @!p1 [sflag:s0], $0x1  }
0xc5: {  	[sflag:s0] =	ssyncset.done @!p1 $0x0  }
0xc6: {  	[sflag:s0] =	ssyncadd.s32 @!p1 $0xFFFFFFFF;
	(ifvalue) =	ssetifvalue $0xFFFFFFFF;
	v3 =	vld [tilespmem:s25+$0x10];
	_ =	sdelay $0x3  }
.Ltmp6:
0xc7: {  	_ = 	snop;
	(pc) =	sbr.rel .LBB2_9-.Ltmp6, $3  }
0xc8: {  	_ =	sdelay $0x1  }
0xc9: {  	(ifvalue) =	ssetifvalue $0xFFFFFFFF  }
0xca: {  	[hbm4b:s1+s16] =	stream.indirect_vreg.scatter [tilespmem:s29], [sflag:$0x9], $0x1, v3, vm0, $0x4038;
	[tilespmem:$0xF030] =	vst v63  }
.LBB2_10:
0xcb: {  	_ =	sfence.sel $0x180000  }
0xcc: {  	s0 =	simm.s32 $0x7;
	[bflag:$0x0] =	sbarrier.arrive $0xFFFF  }
0xcd: {  	s26 =	simm.s32 $0x8;
	[sflag:s0] =	ssyncpa.u1 $0x1  }
0xce: {  	s28 =	simm.s32 $0x9;
	[sflag:s26] =	ssyncpa.u1 $0x1  }
0xcf: {  	[sflag:s28] =	ssyncpa.u1 $0x1  }
0xd0: {  	_ =	sfence.stream.spmem  }
0xd1: {  	s29 =	simm.s32 $0x3;
	[bflag:$0x0] =	sbarrier.arrive $0xFFFF  }
0xd2: {  	s30 =	simm.s32 $0x4;
	[sflag:s29] =	ssyncpa.u1 $0x1  }
0xd3: {  	s31 =	simm.s32 $0x3C;
	s2 =	stileid.u32;
	[sflag:s30] =	ssyncpa.u1 $0x1  }
0xd4: {  	p0 =	sne.s32 s2, $0x0;
	[sflag:s31] =	ssyncpa.u1 $0x1  }
0xd5: {  	s0 =	simm.s32 @p0 $0x1;
	_ =	sfence @p0  }
0xd6: {  	[sflag:s0] =	ssyncpa.u1 @p0 $0x1;
	s0 =	simm.s32 @p0 $0x2  }
0xd7: {  	[sflag:s0] =	ssyncpa.u1 @p0 $0x1  }
0xd8: {  	_ =	strace @p0 $0x90000059  }
0xd9: {  	[bflag:$0x2] =	sbarrier.arrive @p0 $0xFFFF  }
0xda: {  	_ =	shalt @p0  }
.LBB2_11:
0xdb: {  	_ =	sfence.stream.spmem;
	s0 =	simm.s32 $0x5  }
0xdc: {  	s2 =	simm.s32 $0x80;
	s3 =	simm.s32 $0xC0;
	[sflag:s0] =	ssyncpa.u1 $0x0  }
0xdd: {  	[tilespmem:s3], [sflag:$0x5] =	stream.linear.gather [spmem:s2], $0x20, $0x38;
	[tilespmem:$0xF030] =	vst v63  }
0xde: {  	s2 =	simm.s32 $0x0;
	s3 =	simm.s32 $0xE0  }
0xdf: {  	[tilespmem:s3], [sflag:$0x5] =	stream.linear.gather [spmem:s2], $0x20, $0x38;
	[tilespmem:$0xF030] =	vst v63  }
.Ltmp7:
0xe0: {  	_ = 	snop;
	(pc) =	sbr.rel .LBB2_12-.Ltmp7, $4  }
0xe1: {  	_ =	swait.ge [sflag:s0], $0x40  }
0xe2: {  	[sflag:s0] =	ssyncset.done $0x0  }
0xe3: {  	s31 =	simm.s32 $0x6;
	[sflag:s0] =	ssyncadd.s32 $0xFFFFFFC0  }
0xe4: {  	s4 =	simm.s32 $0x0;
	[sflag:s31] =	ssyncpa.u1 $0x0  }
.LBB2_17:
0xe5: {  	p0 =	sgt.u32 s5, $0x27FF  }
0xe6: {  	s0 =	sshrl.u32 @!p0 s5, $0x3  }
0xe7: {  	s5 =	sand.u32 @!p0 $0x7, s5;
	s6 =	simm.s32 @!p0 $0xB0;
	s0 =	sadd.s32 @!p0 s1, s0  }
0xe8: {  	[tilespmem:s6], [sflag:$0x6] =	stream.linear.gather @!p0 [hbm4b:s0+s5], $0x1, $0x38;
	[tilespmem:$0xF030] =	vst v63  }
0xe9: {  	s0 =	simm.s32 @!p0 $0x6  }
0xea: {  	_ =	swait.ge @!p0 [sflag:s0], $0x1  }
0xeb: {  	[sflag:s0] =	ssyncset.done @!p0 $0x0  }
0xec: {  	[sflag:s0] =	ssyncadd.s32 @!p0 $0xFFFFFFFF  }
0xed: {  	v2 =	vmov @!p0 s4;
	v1 =	vld.msk @!p0 [tilespmem:$0xB0], $0x1;
	_ =	sdelay $0x3  }
0xee: {  	s0 =	simm.s32 @!p0 $0xE0  }
0xef: {  	[tilespmem:v2+s0+$0x0], v1 =	vst.idx.ret.add.f32.msk @!p0 $0x1, v1  }
0xf0: {  	[tilespmem:s2+$0xC0] =	vst.msk $0x1, v0  }
0xf1: {  	v0 =	vld.msk [tilespmem:s4+$0xE0], $0x1;
	_ =	sdelay $0x4  }
0xf2: {  	[tilespmem:s2+$0xE0] =	vst.msk $0x1, v0;
	s2 =	sadd.s32 $0x1, s2  }
.LBB2_19:
0xf3: {  	s4 =	sadd.s32 $0x1, s4  }
0xf4: {  	p0 =	sne.s32 s4, $0x20  }
.Ltmp8:
0xf5: {  	_ = 	snop;
	(pc) =	sbr.rel @!p0 .LBB2_20-.Ltmp8, $1  }
0xf6: {  	_ =	sdelay $0x3  }
.LBB2_12:
0xf7: {  	v0 =	vld.msk [tilespmem:s4+$0xC0], $0x1;
	_ =	sdelay $0x4  }
0xf8: {  	(v2sf) =	vpush v0, $0x0;
	_ =	sdelay $0xe  }
0xf9: {  	s5 =	spop (v2sf)  }
0xfa: {  	p0 =	seq.s32 s5, $0xFFFFFFFF  }
.Ltmp9:
0xfb: {  	_ = 	snop;
	(pc) =	sbr.rel @p0 .LBB2_19-.Ltmp9, $1  }
0xfc: {  	_ =	sdelay $0x3  }
0xfd: {  	p0 =	slt.s32 s2, $0x1  }
.Ltmp10:
0xfe: {  	_ = 	snop;
	(pc) =	sbr.rel @p0 .LBB2_17-.Ltmp10, $1  }
0xff: {  	_ =	sdelay $0x3  }
0x100: {  	s0 =	simm.s32 $0xC0;
	p0 =	por $0x0, $0x0  }
0x101: {  	v1 =	vld.msk @!p0 [tilespmem:s0+$0x0], $0x1;
	_ =	sdelay $0x4  }
0x102: {  	(v2sf) =	vpush @!p0 v1, $0x0;
	_ =	sdelay $0xd  }
0x103: {  	p2 =	sne.s32 s2, $0x1  }
.Ltmp11:
0x104: {  	s6 =	spop @!p0 (v2sf);
	(pc) =	sbr.rel @!p2 .LBB2_16-.Ltmp11, $4  }
0x105: {  	p1 =	seq.s32 @!p0 s5, s6  }
0x106: {  	s6 =	simm.s32 $0x0;
	p1 =	por !p1, p0  }
0x107: {  	s8 =	simm.s32 $0xFFFFFFFF;
	s6 =	simm.s32 @p1 $0xFFFFFFFF  }
0x108: {  	s7 =	simm.s32 $0x1;
	s6 =	smov.u32 @p0 s8  }
.LBB2_15:
0x109: {  	s8 =	smov.u32 s6;
	p0 =	sne.s32 s6, $0xFFFFFFFF  }
0x10a: {  	s0 =	sadd.s32 $0x1, s0;
	s6 =	smov.u32 s7;
	s7 =	sadd.s32 $0x1, s7  }
0x10b: {  	p1 =	sne.s32 s2, s7;
	v1 =	vld.msk @!p0 [tilespmem:s0+$0x0], $0x1;
	_ =	sdelay $0x4  }
0x10c: {  	(v2sf) =	vpush @!p0 v1, $0x0;
	_ =	sdelay $0xe  }
.Ltmp12:
0x10d: {  	s9 =	spop @!p0 (v2sf);
	(pc) =	sbr.rel @p1 .LBB2_15-.Ltmp12, $4  }
0x10e: {  	p2 =	seq.s32 @!p0 s5, s9  }
0x10f: {  	p2 =	por !p2, p0  }
0x110: {  	s6 =	simm.s32 @p2 $0xFFFFFFFF  }
0x111: {  	s6 =	smov.u32 @p0 s8  }
.LBB2_16:
0x112: {  	p0 =	sne.s32 s6, $0xFFFFFFFF  }
.Ltmp13:
0x113: {  	_ = 	snop;
	(pc) =	sbr.rel @!p0 .LBB2_17-.Ltmp13, $1  }
0x114: {  	_ =	sdelay $0x3  }
0x115: {  	v0 =	vld.msk [tilespmem:s4+$0xE0], $0x1;
	v1 =	vmov s6  }
.Ltmp14:
0x116: {  	_ = 	snop;
	(pc) =	sbr.rel .LBB2_19-.Ltmp14, $2  }
0x117: {  	_ =	sdelay $0x2  }
0x118: {  	[tilespmem:v1+s3+$0x0], v0 =	vst.idx.ret.add.f32.msk $0x1, v0  }
.LBB2_20:
0x119: {  	p0 =	slt.s32 s2, $0x1  }
.Ltmp15:
0x11a: {  	_ = 	snop;
	(pc) =	sbr.rel @p0 .LBB2_24-.Ltmp15, $3  }
0x11b: {  	_ =	sdelay $0x1  }
0x11c: {  	s0 =	simm.s32 $0x6  }
0x11d: {  	s3 =	simm.s32 $0x0;
	[sflag:s0] =	ssyncpa.u1 $0x1  }
0x11e: {  	s0 =	simm.s32 $0xC0  }
0x11f: {  	v0 =	vld.msk [tilespmem:s0+$0x0], $0x1;
	_ =	sdelay $0x4  }
0x120: {  	(v2sf) =	vpush v0, $0x0;
	_ =	sdelay $0xe  }
0x121: {  	s2 =	sadd.s32 $0xFFFFFFFF, s2;
	s4 =	spop (v2sf)  }
0x122: {  	p1 =	sne.s32 s2, $0x0;
	p0 =	sgt.u32 s4, $0x27FF  }
.Ltmp16:
0x123: {  	s5 =	sshrl.u32 @!p0 s4, $0x3;
	(pc) =	sbr.rel @!p1 .LBB2_23-.Ltmp16, $4  }
0x124: {  	s0 =	simm.s32 $0xE0;
	s4 =	sand.u32 @!p0 $0x7, s4;
	s5 =	sadd.s32 @!p0 s1, s5  }
0x125: {  	[hbm4b:s5+s4] =	stream.linear.scatter @!p0 [tilespmem:s0], [sflag:$0x5], $0x1, $0x38;
	[tilespmem:$0xF030] =	vst v63  }
0x126: {  	s5 =	simm.s32 $0x0  }
0x127: {  	s4 =	simm.s32 $0xC1;
	s5 =	simm.s32 @!p0 $0x4  }
.LBB2_22:
0x128: {  	v0 =	vld.msk [tilespmem:s4+$0x0], $0x1;
	s2 =	sadd.s32 $0xFFFFFFFF, s2;
	s3 =	sadd.s32 s3, s5  }
0x129: {  	p0 =	sne.s32 s2, $0x0;
	_ =	sdelay $0x3  }
0x12a: {  	(v2sf) =	vpush v0, $0x0;
	_ =	sdelay $0xe  }
.Ltmp17:
0x12b: {  	s6 =	spop (v2sf);
	(pc) =	sbr.rel @p0 .LBB2_22-.Ltmp17, $4  }
0x12c: {  	s5 =	simm.s32 $0x0;
	p1 =	sgt.u32 s6, $0x27FF  }
0x12d: {  	s0 =	sadd.s32 $0x1, s0;
	s5 =	simm.s32 @!p1 $0x4;
	s7 =	sshrl.u32 @!p1 s6, $0x3  }
0x12e: {  	s4 =	sadd.s32 $0x1, s4;
	s6 =	sand.u32 @!p1 $0x7, s6;
	s7 =	sadd.s32 @!p1 s1, s7  }
0x12f: {  	[hbm4b:s7+s6] =	stream.linear.scatter @!p1 [tilespmem:s0], [sflag:$0x5], $0x1, $0x38;
	[tilespmem:$0xF030] =	vst v63  }
.LBB2_23:
0x130: {  	s0 =	sadd.s32 s3, s5  }
0x131: {  	s3 =	sshrl.u32 s0, $0x2  }
.LBB2_24:
0x132: {  	s0 =	simm.s32 $0x5  }
0x133: {  	_ =	swait.ge [sflag:s0], s3  }
0x134: {  	s1 =	ssub.s32 $0x0, s3;
	[sflag:s0] =	ssyncset.done $0x0  }
0x135: {  	[sflag:s0] =	ssyncadd.s32 s1  }
0x136: {  	[sflag:s0] =	ssyncpa.u1 $0x1  }
0x137: {  	s29 =	simm.s32 $0x1;
	_ =	sfence  }
0x138: {  	s30 =	simm.s32 $0x2;
	[sflag:s29] =	ssyncpa.u1 $0x1  }
0x139: {  	[sflag:s30] =	ssyncpa.u1 $0x1  }
0x13a: {  	_ =	strace $0x90000059  }
0x13b: {  	[bflag:$0x2] =	sbarrier.arrive $0xFFFF  }
0x13c: {  	s31 =	rddreg [dreg:$0x3]  }
0x13d: {  	s0 =	sadd.s32 $0x100000, s31  }
0x13e: {  	[sflag:s0] =	ssyncadd.tile.s32 $0x1;
	_ =	shalt  }
.Lfunc_end2:
_tile_overlayer_lowered:
.L_overlay_start_2:
0x13f: {  	(tag) =	ssettag $0x2  }
0x140: {  	s0 =	rddreg [dreg:$0x0];
	s2 =	stileid.u32  }
0x141: {  	s1 =	rddreg [dreg:$0x1];
	p0 =	sne.s32 s2, $0x0  }
0x142: {  	s3 =	rddreg [dreg:$0x2];
	[bflag:$0x3] =	sbarrier.arrive $0xFFFF;
	s2 =	simm.s32 @!p0 $0x1C01  }
0x143: {  	[timem:s3], [sflag:s2] =	dma.local @!p0 [hbm:s0], s1  }
0x144: {  	s0 =	simm.s32 @!p0 $0x1  }
0x145: {  	_ =	swait.ge @!p0 [sflag:s0], s1  }
0x146: {  	s1 =	ssub.s32 @!p0 $0x0, s1;
	[sflag:s0] =	ssyncset.done @!p0 $0x0  }
0x147: {  	[sflag:s0] =	ssyncadd.s32 @!p0 s1  }
0x148: {  	[bflag:$0x3] =	sbarrier.arrive $0xFFFF  }
0x149: {  	_ =	shalt  }

// kernel: scatter_offload_async_start.4
scs
__scs_entry_jumppad:
0x0: {  	(pc) =	sbr.rel $0x88, $3  }
0x1: {  	(tag) =	ssettag $0x0;
	lr =	simm.s32 $0x1  }
0x2: {  	[smem:$0x3F92] =	sst lr;
	_ =	strace $0xD0000000  }
0x3: {  	_ = 	snop  }
0x4: {  	_ = 	snop  }
0x5: {  	_ = 	snop  }
0x6: {  	_ = 	snop  }
0x7: {  	_ = 	snop  }
__scs_overlays_trampoline_lowered:
0x8: {  	[smem:$0x3FA1] =	sst s0  }
0x9: {  	[smem:$0x3FA2] =	sst s1  }
0xa: {  	[smem:$0x3FA3] =	sst s2  }
0xb: {  	[smem:$0x3FA4] =	sst s3  }
0xc: {  	[smem:$0x3FA5] =	sst s4  }
0xd: {  	[smem:$0x3FA6] =	sst s5  }
0xe: {  	[smem:$0x3FA7] =	sst s6  }
0xf: {  	[smem:$0x3FA8] =	sst s7  }
0x10: {  	[smem:$0x3FA9] =	sst s8  }
0x11: {  	[smem:$0x3FAA] =	sst s9;
	s0 =	simm.s32 @!p0 $0x0  }
0x12: {  	s1 =	sld [smem:$0x3F90];
	s0 =	simm.s32 @p0 $0x1  }
0x13: {  	[smem:$0x3FAB] =	sst s0;
	s0 =	simm.s32 @!p1 $0x0  }
0x14: {  	s2 =	sld [smem:$0x3F8F];
	s0 =	simm.s32 @p1 $0x1  }
0x15: {  	[smem:$0x3FAC] =	sst s0;
	s0 =	simm.s32 @!p2 $0x0  }
0x16: {  	s3 =	sld [smem:$0x3FDB];
	s0 =	simm.s32 @p2 $0x1  }
0x17: {  	s4 =	simm.s32 $0x1BF5;
	[smem:$0x3FAE] =	sst s0  }
0x18: {  	s0 =	sld [smem:$0x3F91];
	_ =	swait.ge [sflag:s4], $0x0  }
0x19: {  	s7 =	sld [smem:$0x3F92]  }
0x1a: {  	s8 =	sadd.s32 $0xFFFFE003, lr  }
0x1b: {  	s9 =	sadd.s32 $0xFFFFFEF7, lr;
	s5 =	simm.s32 $0xFFFFFFFF;
	p2 =	slt.u32 s8, $0xFFFFF086  }
0x1c: {  	p1 =	slt.u32 s9, $0xF7A;
	s5 =	simm.s32 @!p2 $0x0  }
0x1d: {  	s5 =	simm.s32 @p1 $0x1;
	p0 =	seq.s32 s7, s2  }
0x1e: {  	s7 =	smul.u32 @!p0 $0xF7A, s2;
	p2 =	seq.s32 @!p0 s5, $0x0  }
0x1f: {  	s9 =	smul.u32 $0xF7A, s1;
	s8 =	simm.s32 @!p0 $0x1BF5;
	p2 =	por !p2, p0  }
0x20: {  	[sflag:s8] =	ssyncset.s32 @!p0 $0xFFFFF086;
	s6 =	sadd.s32 @!p0 s3, s7;
	s7 =	simm.s32 @!p0 $0x108  }
0x21: {  	s3 =	sadd.s32 s3, s9;
	s6 =	sadd.s32 @!p0 $0x88, s6;
	s7 =	simm.s32 @p2 $0x1082  }
0x22: {  	[simem:s7], [sflag:s8] =	dma.local @!p0 [hbm:s6], $0xF7A  }
0x23: {  	s9 =	sor.u32 $0xD0000000, s2;
	s6 =	simm.s32 $0x108;
	_ =	swait.ge @!p0 [sflag:s8], $0x0  }
0x24: {  	s3 =	sadd.s32 $0x88, s3;
	s6 =	simm.s32 @!p1 $0x1082;
	[sflag:s4] =	ssyncset.s32 $0xFFFFF086  }
0x25: {  	[simem:s6], [sflag:s4] =	dma.local [hbm:s3], $0xF7A  }
0x26: {  	[smem:$0x3F92] =	sst s1;
	(tag) =	ssettag s2;
	_ =	strace s9  }
0x27: {  	s1 =	sld [smem:$0x3FA2]  }
0x28: {  	s2 =	sld [smem:$0x3FA3]  }
0x29: {  	s4 =	sld [smem:$0x3FA5]  }
0x2a: {  	p0 =	seq.s32 s5, $0x0;
	s5 =	sld [smem:$0x3FA6]  }
0x2b: {  	s6 =	sld [smem:$0x3FA7]  }
0x2c: {  	s7 =	sld [smem:$0x3FA8]  }
0x2d: {  	s3 =	simm.s32 $0x108;
	s8 =	sld [smem:$0x3FA9]  }
0x2e: {  	s3 =	simm.s32 @!p0 $0x1082;
	s9 =	sld [smem:$0x3FAA]  }
0x2f: {  	lr =	sadd.s32 s0, s3;
	s0 =	sld [smem:$0x3FA1]  }
0x30: {  	s3 =	sld [smem:$0x3FA4]  }
0x31: {  	[smem:$0x3FAD] =	sst s10  }
0x32: {  	s10 =	sld [smem:$0x3FAB];
	_ =	sdelay $0x3  }
0x33: {  	p0 =	seq.s32 s10, $0x1;
	s10 =	sld [smem:$0x3FAD];
	_ =	sdelay $0x3  }
0x34: {  	[smem:$0x3FAD] =	sst s10  }
0x35: {  	s10 =	sld [smem:$0x3FAC];
	_ =	sdelay $0x3  }
0x36: {  	p1 =	seq.s32 s10, $0x1;
	s10 =	sld [smem:$0x3FAD];
	_ =	sdelay $0x3  }
0x37: {  	[smem:$0x3FAD] =	sst s10  }
0x38: {  	s10 =	sld [smem:$0x3FAE]  }
0x39: {  	_ = 	snop;
	(pc) =	sbr.ind lr, $3  }
0x3a: {  	_ = 	snop  }
0x3b: {  	_ = 	snop  }
0x3c: {  	p2 =	seq.s32 s10, $0x1;
	s10 =	sld [smem:$0x3FAD]  }
0x3d: {  	_ =	shalt  }
0x3e: {  	_ =	shalt  }
0x3f: {  	_ =	shalt  }
0x40: {  	_ =	shalt  }
0x41: {  	_ =	shalt  }
0x42: {  	_ =	shalt  }
0x43: {  	_ =	shalt  }
0x44: {  	_ =	shalt  }
0x45: {  	_ =	shalt  }
0x46: {  	_ =	shalt  }
0x47: {  	_ =	shalt  }
0x48: {  	_ =	shalt  }
0x49: {  	_ =	shalt  }
0x4a: {  	_ =	shalt  }
0x4b: {  	_ =	shalt  }
0x4c: {  	_ =	shalt  }
0x4d: {  	_ =	shalt  }
0x4e: {  	_ =	shalt  }
0x4f: {  	_ =	shalt  }
0x50: {  	_ =	shalt  }
0x51: {  	_ =	shalt  }
0x52: {  	_ =	shalt  }
0x53: {  	_ =	shalt  }
0x54: {  	_ =	shalt  }
0x55: {  	_ =	shalt  }
0x56: {  	_ =	shalt  }
0x57: {  	_ =	shalt  }
0x58: {  	_ =	shalt  }
0x59: {  	_ =	shalt  }
0x5a: {  	_ =	shalt  }
0x5b: {  	_ =	shalt  }
0x5c: {  	_ =	shalt  }
0x5d: {  	_ =	shalt  }
0x5e: {  	_ =	shalt  }
0x5f: {  	_ =	shalt  }
0x60: {  	_ =	shalt  }
0x61: {  	_ =	shalt  }
0x62: {  	_ =	shalt  }
0x63: {  	_ =	shalt  }
0x64: {  	_ =	shalt  }
0x65: {  	_ =	shalt  }
0x66: {  	_ =	shalt  }
0x67: {  	_ =	shalt  }
0x68: {  	_ =	shalt  }
0x69: {  	_ =	shalt  }
0x6a: {  	_ =	shalt  }
0x6b: {  	_ =	shalt  }
0x6c: {  	_ =	shalt  }
0x6d: {  	_ =	shalt  }
0x6e: {  	_ =	shalt  }
0x6f: {  	_ =	shalt  }
0x70: {  	_ =	shalt  }
0x71: {  	_ =	shalt  }
0x72: {  	_ =	shalt  }
0x73: {  	_ =	shalt  }
0x74: {  	_ =	shalt  }
0x75: {  	_ =	shalt  }
0x76: {  	_ =	shalt  }
0x77: {  	_ =	shalt  }
0x78: {  	_ =	shalt  }
0x79: {  	_ =	shalt  }
0x7a: {  	_ =	shalt  }
0x7b: {  	_ =	shalt  }
0x7c: {  	_ =	shalt  }
0x7d: {  	_ =	shalt  }
0x7e: {  	_ =	shalt  }
0x7f: {  	_ =	shalt  }
0x80: {  	_ =	shalt  }
0x81: {  	_ =	shalt  }
0x82: {  	_ =	shalt  }
0x83: {  	_ =	shalt  }
0x84: {  	_ =	shalt  }
0x85: {  	_ =	shalt  }
0x86: {  	_ =	shalt  }
0x87: {  	_ =	shalt  }
.Lfunc_end0:
.L_simem_size_0:
called_computation.4_lowered:
.L_overlay_start_0:
0x88: {  	s0 =	sld [smem:$0x3FD9]  }
0x89: {  	s1 =	sld [smem:$0x3FFE];
	_ =	sdelay $0x3  }
0x8a: {  	s0 =	sadd.s32 s1, s0  }
0x8b: {  	[smem:$0x3FB9] =	sst s0  }
0x8c: {  	_ = 	snop  }
0x8d: {  	(tm) =	ssettm $0x1  }
0x8e: {  	s15 =	sld [smem:$0x3FFB];
	_ =	sdelay $0x3  }
0x8f: {  	_ =	strace s15  }
0x90: {  	s0 =	sld [smem:$0x3FFC];
	_ =	sdelay $0x3  }
0x91: {  	_ =	strace s0  }
0x92: {  	s0 =	sld [smem:$0x3FFD];
	_ =	sdelay $0x3  }
0x93: {  	_ =	strace s0  }
0x94: {  	_ =	strace $0x8FFFFFFF  }
0x95: {  	s16 =	sld [smem:$0x3FDB];
	_ =	sdelay $0x1  }
0x96: {  	s17 =	simm.s32 $_scs_section_size  }
0x97: {  	s2 =	simm.s32 $_size__tile_overlayer_lowered;
	s3 =	simm.s32 $_tile_overlayer_lowered  }
0x98: {  	s20 =	simm.s32 $0x1BFF;
	s19 =	sshll.u32 s3, $0x1;
	s0 =	sadd.s32 s17, s16  }
0x99: {  	s4 =	simm.s32 $0x0;
	s18 =	sshll.u32 s2, $0x1;
	s2 =	sadd.s32 s19, s0  }
0x9a: {  	[timem:s4], [sflag:s20] =	dma.local [hbm:s2], s18  }
0x9b: {  	_ =	swait.ge [sflag:s20], s18  }
0x9c: {  	s1 =	ssub.s32 $0x0, s18;
	[sflag:s20] =	ssyncset.done $0x0  }
0x9d: {  	[sflag:s20] =	ssyncadd.s32 s1;
	_ =	sdelay $0x1  }
0x9e: {  	s21 =	simm.s32 $0x1B8B  }
0x9f: {  	_ =	swait.ge [sflag:s21], $0x1  }
0xa0: {  	[sflag:s21] =	ssyncset.done $0x0  }
0xa1: {  	s23 =	simm.s32 $0x1B8E;
	s22 =	sld [smem:$0x3FFE];
	[sflag:s21] =	ssyncadd.s32 $0xFFFFFFFF  }
0xa2: {  	s24 =	simm.s32 $execute0_lowered;
	[smem:$0x3FD2] =	sst s23  }
0xa3: {  	s2 =	sshll.u32 s24, $0x1;
	_ =	strace $0x8000005E;
	[dreg:$0x1] =	wrdreg $0xFFFFFFFF  }
0xa4: {  	s25 =	simm.s32 $_size_execute0_lowered;
	s0 =	sadd.s32 s0, s2;
	[dreg:$0x0] =	wrdreg $0x0  }
0xa5: {  	s2 =	sshll.u32 s25, $0x1;
	[dreg:$0x2] =	wrdreg s0  }
0xa6: {  	[dreg:$0x3] =	wrdreg s2  }
0xa7: {  	[dreg:$0x4] =	wrdreg $0xC0  }
0xa8: {  	_ =	task [dreg:s4], $0x5FFFF  }
0xa9: {  	[dreg:$0x1] =	wrdreg $0xFFFFFFFF  }
0xaa: {  	[dreg:$0x0] =	wrdreg $0x60  }
0xab: {  	[dreg:$0x2] =	wrdreg s22  }
0xac: {  	[dreg:$0x3] =	wrdreg $0x9  }
0xad: {  	_ =	task.clear_ibuf [dreg:s4], $0x4FFFF;
	_ =	strace $0x9000005E  }
0xae: {  	s26 =	simm.s32 $0x9;
	_ =	strace $0x80000060  }
0xaf: {  	_ =	swait.ge [sflag:s26], $0x1  }
0xb0: {  	[sflag:s26] =	ssyncadd.s32 $0xFFFFFFFF  }
0xb1: {  	_ =	strace $0x90000060  }
0xb2: {  	_ =	sfence  }
0xb3: {  	s28 =	sld [smem:$0x0];
	_ =	sdelay $0x1  }
0xb4: {  	s29 =	srdreg.scid  }
0xb5: {  	s30 =	sshll.u32 s29, $0xD;
	s31 =	sshrl.u32 s29, $0x2  }
0xb6: {  	s1 =	sand.u32 $0x1, s29;
	s2 =	sand.u32 $0x4000, s30;
	s0 =	sadd.s32 s31, s28  }
0xb7: {  	s1 =	sor.u32 s2, s1;
	s0 =	sshll.u32 s0, $0x11  }
0xb8: {  	s0 =	sor.u32 s0, s1  }
0xb9: {  	s0 =	sadd.s32 $0x8F2B, s0  }
0xba: {  	[sflag:s0] =	ssyncadd.remote.s32 $0x1  }
0xbb: {  	_ =	sfence.sel $0xFFFF  }
0xbc: {  	[dreg:$0x0] =	wrdreg $0xFFFFFFFF;
	(pc) =	sbr.abs _section_cstart, $3  }
0xbd: {  	[dreg:$0x1] =	wrdreg $0xFFFFFFFF  }
0xbe: {  	_ =	task.clear_ibuf [dreg:s4], $0x2FFFF;
	_ =	strace $0x9FFFFFFF  }
0xbf: {  	(tm) =	ssettm $0x7FFFFFFF  }
tec
execute0_lowered:
.L_overlay_start_1:
0x0: {  	(tag) =	ssettag $0x1  }
0x1: {  	s8 =	rddreg [dreg:$0x0];
	_ =	strace $0x8000005F;
	s11 =	simm.s32 $0x1  }
0x2: {  	v0 =	vimm.s32 $0x0;
	[sflag:s11] =	ssyncpa.u1 $0x0  }
0x3: {  	[tilespmem:$0x28] =	vst v0  }
0x4: {  	[tilespmem:$0x38] =	vst v0  }
0x5: {  	[tilespmem:$0x48] =	vst v0  }
0x6: {  	[tilespmem:$0x58] =	vst v0  }
0x7: {  	[tilespmem:$0x68] =	vst v0  }
0x8: {  	[tilespmem:$0x78] =	vst v0  }
0x9: {  	[tilespmem:$0x88] =	vst v0  }
0xa: {  	[tilespmem:$0x98] =	vst v0  }
0xb: {  	[tilespmem:$0xA8] =	vst v0  }
0xc: {  	[tilespmem:$0xB8] =	vst v0  }
0xd: {  	[tilespmem:$0xC8] =	vst v0  }
0xe: {  	[tilespmem:$0xD8] =	vst v0  }
0xf: {  	[tilespmem:$0xE8] =	vst v0  }
0x10: {  	[tilespmem:$0xF8] =	vst v0  }
0x11: {  	[tilespmem:$0x108] =	vst v0  }
0x12: {  	[tilespmem:$0x118] =	vst v0  }
0x13: {  	[tilespmem:$0x128] =	vst v0  }
0x14: {  	[tilespmem:$0x138] =	vst v0  }
0x15: {  	[tilespmem:$0x148] =	vst v0  }
0x16: {  	[tilespmem:$0x158] =	vst v0  }
0x17: {  	[tilespmem:$0x168] =	vst v0  }
0x18: {  	[tilespmem:$0x178] =	vst v0  }
0x19: {  	[tilespmem:$0x188] =	vst v0  }
0x1a: {  	[tilespmem:$0x198] =	vst v0  }
0x1b: {  	[tilespmem:$0x1A8] =	vst v0  }
0x1c: {  	[tilespmem:$0x1B8] =	vst v0  }
0x1d: {  	[tilespmem:$0x1C8] =	vst v0  }
0x1e: {  	[tilespmem:$0x1D8] =	vst v0  }
0x1f: {  	[tilespmem:$0x1E8] =	vst v0  }
0x20: {  	[tilespmem:$0x1F8] =	vst v0  }
0x21: {  	[tilespmem:$0x208] =	vst v0  }
0x22: {  	[tilespmem:$0x218] =	vst v0  }
0x23: {  	[tilespmem:$0x228] =	vst v0  }
0x24: {  	[tilespmem:$0x238] =	vst v0  }
0x25: {  	[tilespmem:$0x248] =	vst v0  }
0x26: {  	[tilespmem:$0x258] =	vst v0  }
0x27: {  	[tilespmem:$0x268] =	vst v0  }
0x28: {  	[tilespmem:$0x278] =	vst v0  }
0x29: {  	[tilespmem:$0x288] =	vst v0  }
0x2a: {  	[tilespmem:$0x298] =	vst v0  }
0x2b: {  	[tilespmem:$0x2A8] =	vst v0  }
0x2c: {  	[tilespmem:$0x2B8] =	vst v0  }
0x2d: {  	[tilespmem:$0x2C8] =	vst v0  }
0x2e: {  	[tilespmem:$0x2D8] =	vst v0  }
0x2f: {  	[tilespmem:$0x2E8] =	vst v0  }
0x30: {  	[tilespmem:$0x2F8] =	vst v0  }
0x31: {  	[tilespmem:$0x308] =	vst v0  }
0x32: {  	[tilespmem:$0x318] =	vst v0  }
0x33: {  	[tilespmem:$0x328] =	vst v0  }
0x34: {  	[tilespmem:$0x338] =	vst v0  }
0x35: {  	[tilespmem:$0x348] =	vst v0  }
0x36: {  	[tilespmem:$0x358] =	vst v0  }
0x37: {  	[tilespmem:$0x368] =	vst v0  }
0x38: {  	[tilespmem:$0x378] =	vst v0  }
0x39: {  	[tilespmem:$0x388] =	vst v0  }
0x3a: {  	[tilespmem:$0x398] =	vst v0  }
0x3b: {  	[tilespmem:$0x3A8] =	vst v0  }
0x3c: {  	[tilespmem:$0x3B8] =	vst v0  }
0x3d: {  	[tilespmem:$0x3C8] =	vst v0  }
0x3e: {  	[tilespmem:$0x3D8] =	vst v0  }
0x3f: {  	[tilespmem:$0x3E8] =	vst v0  }
0x40: {  	[tilespmem:$0x3F8] =	vst v0  }
0x41: {  	[tilespmem:$0x408] =	vst v0  }
0x42: {  	[tilespmem:$0x418] =	vst v0  }
0x43: {  	[tilespmem:$0x428] =	vst v0  }
0x44: {  	[tilespmem:$0x438] =	vst v0  }
0x45: {  	[tilespmem:$0x448] =	vst v0  }
0x46: {  	[tilespmem:$0x458] =	vst v0  }
0x47: {  	[tilespmem:$0x468] =	vst v0  }
0x48: {  	[tilespmem:$0x478] =	vst v0  }
0x49: {  	[tilespmem:$0x488] =	vst v0  }
0x4a: {  	[tilespmem:$0x498] =	vst v0  }
0x4b: {  	[tilespmem:$0x4A8] =	vst v0  }
0x4c: {  	[tilespmem:$0x4B8] =	vst v0  }
0x4d: {  	[tilespmem:$0x4C8] =	vst v0  }
0x4e: {  	[tilespmem:$0x4D8] =	vst v0  }
0x4f: {  	[tilespmem:$0x4E8] =	vst v0  }
0x50: {  	[tilespmem:$0x4F8] =	vst v0  }
0x51: {  	[tilespmem:$0x508] =	vst v0  }
0x52: {  	[tilespmem:$0x518] =	vst v0  }
0x53: {  	[tilespmem:$0x528] =	vst v0  }
0x54: {  	[tilespmem:$0x538] =	vst v0  }
0x55: {  	[tilespmem:$0x548] =	vst v0  }
0x56: {  	[tilespmem:$0x558] =	vst v0  }
0x57: {  	[tilespmem:$0x568] =	vst v0  }
0x58: {  	[tilespmem:$0x578] =	vst v0  }
0x59: {  	[tilespmem:$0x588] =	vst v0  }
0x5a: {  	[tilespmem:$0x598] =	vst v0  }
0x5b: {  	[tilespmem:$0x5A8] =	vst v0  }
0x5c: {  	[tilespmem:$0x5B8] =	vst v0  }
0x5d: {  	[tilespmem:$0x5C8] =	vst v0  }
0x5e: {  	[tilespmem:$0x5D8] =	vst v0  }
0x5f: {  	[tilespmem:$0x5E8] =	vst v0  }
0x60: {  	[tilespmem:$0x5F8] =	vst v0  }
0x61: {  	[tilespmem:$0x608] =	vst v0  }
0x62: {  	[tilespmem:$0x618] =	vst v0  }
0x63: {  	[tilespmem:$0x628] =	vst v0  }
0x64: {  	[tilespmem:$0x638] =	vst v0  }
0x65: {  	[tilespmem:$0x648] =	vst v0  }
0x66: {  	[tilespmem:$0x658] =	vst v0  }
0x67: {  	[tilespmem:$0x668] =	vst v0  }
0x68: {  	[tilespmem:$0x678] =	vst v0  }
0x69: {  	[tilespmem:$0x688] =	vst v0  }
0x6a: {  	[tilespmem:$0x698] =	vst v0  }
0x6b: {  	[tilespmem:$0x6A8] =	vst v0  }
0x6c: {  	[tilespmem:$0x6B8] =	vst v0  }
0x6d: {  	[tilespmem:$0x6C8] =	vst v0  }
0x6e: {  	[tilespmem:$0x6D8] =	vst v0  }
0x6f: {  	[tilespmem:$0x6E8] =	vst v0  }
0x70: {  	[tilespmem:$0x6F8] =	vst v0  }
0x71: {  	[tilespmem:$0x708] =	vst v0  }
0x72: {  	[tilespmem:$0x718] =	vst v0  }
0x73: {  	[tilespmem:$0x728] =	vst v0  }
0x74: {  	[tilespmem:$0x738] =	vst v0  }
0x75: {  	[tilespmem:$0x748] =	vst v0  }
0x76: {  	[tilespmem:$0x758] =	vst v0  }
0x77: {  	[tilespmem:$0x768] =	vst v0  }
0x78: {  	[tilespmem:$0x778] =	vst v0  }
0x79: {  	[tilespmem:$0x788] =	vst v0  }
0x7a: {  	[tilespmem:$0x798] =	vst v0  }
0x7b: {  	[tilespmem:$0x7A8] =	vst v0  }
0x7c: {  	[tilespmem:$0x7B8] =	vst v0  }
0x7d: {  	[tilespmem:$0x7C8] =	vst v0  }
0x7e: {  	[tilespmem:$0x7D8] =	vst v0  }
0x7f: {  	[tilespmem:$0x7E8] =	vst v0  }
0x80: {  	[tilespmem:$0x7F8] =	vst v0  }
0x81: {  	[tilespmem:$0x808] =	vst v0  }
0x82: {  	[tilespmem:$0x818] =	vst v0  }
0x83: {  	[tilespmem:$0x828] =	vst v0  }
0x84: {  	[tilespmem:$0x838] =	vst v0  }
0x85: {  	[tilespmem:$0x848] =	vst v0  }
0x86: {  	[tilespmem:$0x858] =	vst v0  }
0x87: {  	[tilespmem:$0x868] =	vst v0  }
0x88: {  	[tilespmem:$0x878] =	vst v0  }
0x89: {  	[tilespmem:$0x888] =	vst v0  }
0x8a: {  	[tilespmem:$0x898] =	vst v0  }
0x8b: {  	[tilespmem:$0x8A8] =	vst v0  }
0x8c: {  	[tilespmem:$0x8B8] =	vst v0  }
0x8d: {  	[tilespmem:$0x8C8] =	vst v0  }
0x8e: {  	[tilespmem:$0x8D8] =	vst v0  }
0x8f: {  	[tilespmem:$0x8E8] =	vst v0  }
0x90: {  	[tilespmem:$0x8F8] =	vst v0  }
0x91: {  	[tilespmem:$0x908] =	vst v0  }
0x92: {  	[tilespmem:$0x918] =	vst v0  }
0x93: {  	[tilespmem:$0x928] =	vst v0  }
0x94: {  	[tilespmem:$0x938] =	vst v0  }
0x95: {  	[tilespmem:$0x948] =	vst v0  }
0x96: {  	[tilespmem:$0x958] =	vst v0  }
0x97: {  	[tilespmem:$0x968] =	vst v0  }
0x98: {  	[tilespmem:$0x978] =	vst v0  }
0x99: {  	[tilespmem:$0x988] =	vst v0  }
0x9a: {  	[tilespmem:$0x998] =	vst v0  }
0x9b: {  	[tilespmem:$0x9A8] =	vst v0  }
0x9c: {  	[tilespmem:$0x9B8] =	vst v0  }
0x9d: {  	[tilespmem:$0x9C8] =	vst v0  }
0x9e: {  	[tilespmem:$0x9D8] =	vst v0  }
0x9f: {  	[tilespmem:$0x9E8] =	vst v0  }
0xa0: {  	[tilespmem:$0x9F8] =	vst v0  }
0xa1: {  	[tilespmem:$0xA08] =	vst v0  }
0xa2: {  	[tilespmem:$0xA18] =	vst v0  }
0xa3: {  	[tilespmem:$0xA28] =	vst v0  }
0xa4: {  	[tilespmem:$0xA38] =	vst v0  }
0xa5: {  	[tilespmem:$0xA48] =	vst v0  }
0xa6: {  	[tilespmem:$0xA58] =	vst v0  }
0xa7: {  	[tilespmem:$0xA68] =	vst v0  }
0xa8: {  	[tilespmem:$0xA78] =	vst v0  }
0xa9: {  	[tilespmem:$0xA88] =	vst v0  }
0xaa: {  	[tilespmem:$0xA98] =	vst v0  }
0xab: {  	[tilespmem:$0xAA8] =	vst v0  }
0xac: {  	[tilespmem:$0xAB8] =	vst v0  }
0xad: {  	[tilespmem:$0xAC8] =	vst v0  }
0xae: {  	[tilespmem:$0xAD8] =	vst v0  }
0xaf: {  	[tilespmem:$0xAE8] =	vst v0  }
0xb0: {  	[tilespmem:$0xAF8] =	vst v0  }
0xb1: {  	[tilespmem:$0xB08] =	vst v0  }
0xb2: {  	[tilespmem:$0xB18] =	vst v0  }
0xb3: {  	[tilespmem:$0xB28] =	vst v0  }
0xb4: {  	[tilespmem:$0xB38] =	vst v0  }
0xb5: {  	[tilespmem:$0xB48] =	vst v0  }
0xb6: {  	[tilespmem:$0xB58] =	vst v0  }
0xb7: {  	[tilespmem:$0xB68] =	vst v0  }
0xb8: {  	[tilespmem:$0xB78] =	vst v0  }
0xb9: {  	[tilespmem:$0xB88] =	vst v0  }
0xba: {  	[tilespmem:$0xB98] =	vst v0  }
0xbb: {  	[tilespmem:$0xBA8] =	vst v0  }
0xbc: {  	[tilespmem:$0xBB8] =	vst v0  }
0xbd: {  	[tilespmem:$0xBC8] =	vst v0  }
0xbe: {  	[tilespmem:$0xBD8] =	vst v0  }
0xbf: {  	[tilespmem:$0xBE8] =	vst v0  }
0xc0: {  	[tilespmem:$0xBF8] =	vst v0  }
0xc1: {  	[tilespmem:$0xC08] =	vst v0  }
0xc2: {  	[tilespmem:$0xC18] =	vst v0  }
0xc3: {  	[tilespmem:$0xC28] =	vst v0  }
0xc4: {  	[tilespmem:$0xC38] =	vst v0  }
0xc5: {  	[tilespmem:$0xC48] =	vst v0  }
0xc6: {  	[tilespmem:$0xC58] =	vst v0  }
0xc7: {  	[tilespmem:$0xC68] =	vst v0  }
0xc8: {  	[tilespmem:$0xC78] =	vst v0  }
0xc9: {  	[tilespmem:$0xC88] =	vst v0  }
0xca: {  	[tilespmem:$0xC98] =	vst v0  }
0xcb: {  	[tilespmem:$0xCA8] =	vst v0  }
0xcc: {  	[tilespmem:$0xCB8] =	vst v0  }
0xcd: {  	[tilespmem:$0xCC8] =	vst v0  }
0xce: {  	[tilespmem:$0xCD8] =	vst v0  }
0xcf: {  	[tilespmem:$0xCE8] =	vst v0  }
0xd0: {  	[tilespmem:$0xCF8] =	vst v0  }
0xd1: {  	[tilespmem:$0xD08] =	vst v0  }
0xd2: {  	[tilespmem:$0xD18] =	vst v0  }
0xd3: {  	[tilespmem:$0xD28] =	vst v0  }
0xd4: {  	[tilespmem:$0xD38] =	vst v0  }
0xd5: {  	[tilespmem:$0xD48] =	vst v0  }
0xd6: {  	[tilespmem:$0xD58] =	vst v0  }
0xd7: {  	[tilespmem:$0xD68] =	vst v0  }
0xd8: {  	[tilespmem:$0xD78] =	vst v0  }
0xd9: {  	[tilespmem:$0xD88] =	vst v0  }
0xda: {  	[tilespmem:$0xD98] =	vst v0  }
0xdb: {  	[tilespmem:$0xDA8] =	vst v0  }
0xdc: {  	[tilespmem:$0xDB8] =	vst v0  }
0xdd: {  	[tilespmem:$0xDC8] =	vst v0  }
0xde: {  	[tilespmem:$0xDD8] =	vst v0  }
0xdf: {  	[tilespmem:$0xDE8] =	vst v0  }
0xe0: {  	[tilespmem:$0xDF8] =	vst v0  }
0xe1: {  	[tilespmem:$0xE08] =	vst v0  }
0xe2: {  	[tilespmem:$0xE18] =	vst v0  }
0xe3: {  	[tilespmem:$0xE28] =	vst v0  }
0xe4: {  	[tilespmem:$0xE38] =	vst v0  }
0xe5: {  	[tilespmem:$0xE48] =	vst v0  }
0xe6: {  	[tilespmem:$0xE58] =	vst v0  }
0xe7: {  	[tilespmem:$0xE68] =	vst v0  }
0xe8: {  	[tilespmem:$0xE78] =	vst v0  }
0xe9: {  	[tilespmem:$0xE88] =	vst v0  }
0xea: {  	[tilespmem:$0xE98] =	vst v0  }
0xeb: {  	[tilespmem:$0xEA8] =	vst v0  }
0xec: {  	[tilespmem:$0xEB8] =	vst v0  }
0xed: {  	[tilespmem:$0xEC8] =	vst v0  }
0xee: {  	[tilespmem:$0xED8] =	vst v0  }
0xef: {  	[tilespmem:$0xEE8] =	vst v0  }
0xf0: {  	[tilespmem:$0xEF8] =	vst v0  }
0xf1: {  	[tilespmem:$0xF08] =	vst v0  }
0xf2: {  	[tilespmem:$0xF18] =	vst v0  }
0xf3: {  	[tilespmem:$0xF28] =	vst v0  }
0xf4: {  	[tilespmem:$0xF38] =	vst v0  }
0xf5: {  	[tilespmem:$0xF48] =	vst v0  }
0xf6: {  	[tilespmem:$0xF58] =	vst v0  }
0xf7: {  	[tilespmem:$0xF68] =	vst v0  }
0xf8: {  	[tilespmem:$0xF78] =	vst v0  }
0xf9: {  	[tilespmem:$0xF88] =	vst v0  }
0xfa: {  	[tilespmem:$0xF98] =	vst v0  }
0xfb: {  	[tilespmem:$0xFA8] =	vst v0  }
0xfc: {  	[tilespmem:$0xFB8] =	vst v0  }
0xfd: {  	[tilespmem:$0xFC8] =	vst v0  }
0xfe: {  	[tilespmem:$0xFD8] =	vst v0  }
0xff: {  	[tilespmem:$0xFE8] =	vst v0  }
0x100: {  	[tilespmem:$0xFF8] =	vst v0  }
0x101: {  	[tilespmem:$0x1018] =	vst v0  }
0x102: {  	[tilespmem:$0x10D8] =	vst v0  }
0x103: {  	[tilespmem:$0x1048] =	vst v0  }
0x104: {  	[tilespmem:$0x1B28] =	vst v0  }
0x105: {  	[tilespmem:$0x1B18] =	vst v0  }
0x106: {  	[tilespmem:$0x1B08] =	vst v0  }
0x107: {  	[tilespmem:$0x1AF8] =	vst v0  }
0x108: {  	[tilespmem:$0x1AE8] =	vst v0  }
0x109: {  	[tilespmem:$0x1AD8] =	vst v0  }
0x10a: {  	[tilespmem:$0x1AC8] =	vst v0  }
0x10b: {  	[tilespmem:$0x1AB8] =	vst v0  }
0x10c: {  	[tilespmem:$0x1AA8] =	vst v0  }
0x10d: {  	[tilespmem:$0x1A98] =	vst v0  }
0x10e: {  	[tilespmem:$0x1A88] =	vst v0  }
0x10f: {  	[tilespmem:$0x1A78] =	vst v0  }
0x110: {  	[tilespmem:$0x1A68] =	vst v0  }
0x111: {  	[tilespmem:$0x1A58] =	vst v0  }
0x112: {  	[tilespmem:$0x1A48] =	vst v0  }
0x113: {  	[tilespmem:$0x1A38] =	vst v0  }
0x114: {  	[tilespmem:$0x1A28] =	vst v0  }
0x115: {  	[tilespmem:$0x1A18] =	vst v0  }
0x116: {  	[tilespmem:$0x1A08] =	vst v0  }
0x117: {  	[tilespmem:$0x19F8] =	vst v0  }
0x118: {  	[tilespmem:$0x19E8] =	vst v0  }
0x119: {  	[tilespmem:$0x19D8] =	vst v0  }
0x11a: {  	[tilespmem:$0x19C8] =	vst v0  }
0x11b: {  	[tilespmem:$0x19B8] =	vst v0  }
0x11c: {  	[tilespmem:$0x19A8] =	vst v0  }
0x11d: {  	[tilespmem:$0x1998] =	vst v0  }
0x11e: {  	[tilespmem:$0x1988] =	vst v0  }
0x11f: {  	[tilespmem:$0x1978] =	vst v0  }
0x120: {  	[tilespmem:$0x1968] =	vst v0  }
0x121: {  	[tilespmem:$0x1958] =	vst v0  }
0x122: {  	[tilespmem:$0x1948] =	vst v0  }
0x123: {  	[tilespmem:$0x1938] =	vst v0  }
0x124: {  	[tilespmem:$0x1928] =	vst v0  }
0x125: {  	[tilespmem:$0x1918] =	vst v0  }
0x126: {  	[tilespmem:$0x1908] =	vst v0  }
0x127: {  	[tilespmem:$0x18F8] =	vst v0  }
0x128: {  	[tilespmem:$0x18E8] =	vst v0  }
0x129: {  	[tilespmem:$0x18D8] =	vst v0  }
0x12a: {  	[tilespmem:$0x18C8] =	vst v0  }
0x12b: {  	[tilespmem:$0x18B8] =	vst v0  }
0x12c: {  	[tilespmem:$0x18A8] =	vst v0  }
0x12d: {  	[tilespmem:$0x1898] =	vst v0  }
0x12e: {  	[tilespmem:$0x1888] =	vst v0  }
0x12f: {  	[tilespmem:$0x1878] =	vst v0  }
0x130: {  	[tilespmem:$0x1868] =	vst v0  }
0x131: {  	[tilespmem:$0x1858] =	vst v0  }
0x132: {  	[tilespmem:$0x1848] =	vst v0  }
0x133: {  	[tilespmem:$0x1838] =	vst v0  }
0x134: {  	[tilespmem:$0x1828] =	vst v0  }
0x135: {  	[tilespmem:$0x1818] =	vst v0  }
0x136: {  	[tilespmem:$0x1808] =	vst v0  }
0x137: {  	[tilespmem:$0x17F8] =	vst v0  }
0x138: {  	[tilespmem:$0x17E8] =	vst v0  }
0x139: {  	[tilespmem:$0x17D8] =	vst v0  }
0x13a: {  	[tilespmem:$0x17C8] =	vst v0  }
0x13b: {  	[tilespmem:$0x17B8] =	vst v0  }
0x13c: {  	[tilespmem:$0x17A8] =	vst v0  }
0x13d: {  	[tilespmem:$0x1798] =	vst v0  }
0x13e: {  	[tilespmem:$0x1788] =	vst v0  }
0x13f: {  	[tilespmem:$0x1778] =	vst v0  }
0x140: {  	[tilespmem:$0x1768] =	vst v0  }
0x141: {  	[tilespmem:$0x1758] =	vst v0  }
0x142: {  	[tilespmem:$0x1748] =	vst v0  }
0x143: {  	[tilespmem:$0x1738] =	vst v0  }
0x144: {  	[tilespmem:$0x1728] =	vst v0  }
0x145: {  	[tilespmem:$0x1718] =	vst v0  }
0x146: {  	[tilespmem:$0x1708] =	vst v0  }
0x147: {  	[tilespmem:$0x16F8] =	vst v0  }
0x148: {  	[tilespmem:$0x16E8] =	vst v0  }
0x149: {  	[tilespmem:$0x16D8] =	vst v0  }
0x14a: {  	[tilespmem:$0x16C8] =	vst v0  }
0x14b: {  	[tilespmem:$0x16B8] =	vst v0  }
0x14c: {  	[tilespmem:$0x16A8] =	vst v0  }
0x14d: {  	[tilespmem:$0x1698] =	vst v0  }
0x14e: {  	[tilespmem:$0x1688] =	vst v0  }
0x14f: {  	[tilespmem:$0x1678] =	vst v0  }
0x150: {  	[tilespmem:$0x1668] =	vst v0  }
0x151: {  	[tilespmem:$0x1658] =	vst v0  }
0x152: {  	[tilespmem:$0x1648] =	vst v0  }
0x153: {  	[tilespmem:$0x1638] =	vst v0  }
0x154: {  	[tilespmem:$0x1628] =	vst v0  }
0x155: {  	[tilespmem:$0x1618] =	vst v0  }
0x156: {  	[tilespmem:$0x1608] =	vst v0  }
0x157: {  	[tilespmem:$0x15F8] =	vst v0  }
0x158: {  	[tilespmem:$0x15E8] =	vst v0  }
0x159: {  	[tilespmem:$0x15D8] =	vst v0  }
0x15a: {  	[tilespmem:$0x15C8] =	vst v0  }
0x15b: {  	[tilespmem:$0x15B8] =	vst v0  }
0x15c: {  	[tilespmem:$0x15A8] =	vst v0  }
0x15d: {  	[tilespmem:$0x1598] =	vst v0  }
0x15e: {  	[tilespmem:$0x1588] =	vst v0  }
0x15f: {  	[tilespmem:$0x1578] =	vst v0  }
0x160: {  	[tilespmem:$0x1568] =	vst v0  }
0x161: {  	[tilespmem:$0x1558] =	vst v0  }
0x162: {  	[tilespmem:$0x1548] =	vst v0  }
0x163: {  	[tilespmem:$0x1538] =	vst v0  }
0x164: {  	[tilespmem:$0x1528] =	vst v0  }
0x165: {  	[tilespmem:$0x1518] =	vst v0  }
0x166: {  	[tilespmem:$0x1508] =	vst v0  }
0x167: {  	[tilespmem:$0x14F8] =	vst v0  }
0x168: {  	[tilespmem:$0x14E8] =	vst v0  }
0x169: {  	[tilespmem:$0x14D8] =	vst v0  }
0x16a: {  	[tilespmem:$0x14C8] =	vst v0  }
0x16b: {  	[tilespmem:$0x14B8] =	vst v0  }
0x16c: {  	[tilespmem:$0x14A8] =	vst v0  }
0x16d: {  	[tilespmem:$0x1498] =	vst v0  }
0x16e: {  	[tilespmem:$0x1488] =	vst v0  }
0x16f: {  	[tilespmem:$0x1478] =	vst v0  }
0x170: {  	[tilespmem:$0x1468] =	vst v0  }
0x171: {  	[tilespmem:$0x1458] =	vst v0  }
0x172: {  	[tilespmem:$0x1448] =	vst v0  }
0x173: {  	[tilespmem:$0x1438] =	vst v0  }
0x174: {  	[tilespmem:$0x1428] =	vst v0  }
0x175: {  	[tilespmem:$0x1418] =	vst v0  }
0x176: {  	[tilespmem:$0x1408] =	vst v0  }
0x177: {  	[tilespmem:$0x13F8] =	vst v0  }
0x178: {  	[tilespmem:$0x13E8] =	vst v0  }
0x179: {  	[tilespmem:$0x13D8] =	vst v0  }
0x17a: {  	[tilespmem:$0x13C8] =	vst v0  }
0x17b: {  	[tilespmem:$0x13B8] =	vst v0  }
0x17c: {  	[tilespmem:$0x13A8] =	vst v0  }
0x17d: {  	[tilespmem:$0x1398] =	vst v0  }
0x17e: {  	[tilespmem:$0x1388] =	vst v0  }
0x17f: {  	[tilespmem:$0x1378] =	vst v0  }
0x180: {  	[tilespmem:$0x1368] =	vst v0  }
0x181: {  	[tilespmem:$0x1358] =	vst v0  }
0x182: {  	[tilespmem:$0x1348] =	vst v0  }
0x183: {  	[tilespmem:$0x1338] =	vst v0  }
0x184: {  	[tilespmem:$0x1328] =	vst v0  }
0x185: {  	[tilespmem:$0x1318] =	vst v0  }
0x186: {  	[tilespmem:$0x1308] =	vst v0  }
0x187: {  	[tilespmem:$0x12F8] =	vst v0  }
0x188: {  	[tilespmem:$0x12E8] =	vst v0  }
0x189: {  	[tilespmem:$0x12D8] =	vst v0  }
0x18a: {  	[tilespmem:$0x12C8] =	vst v0  }
0x18b: {  	[tilespmem:$0x12B8] =	vst v0  }
0x18c: {  	[tilespmem:$0x12A8] =	vst v0  }
0x18d: {  	[tilespmem:$0x1298] =	vst v0  }
0x18e: {  	[tilespmem:$0x1288] =	vst v0  }
0x18f: {  	[tilespmem:$0x1278] =	vst v0  }
0x190: {  	[tilespmem:$0x1268] =	vst v0  }
0x191: {  	[tilespmem:$0x1258] =	vst v0  }
0x192: {  	[tilespmem:$0x1248] =	vst v0  }
0x193: {  	[tilespmem:$0x1238] =	vst v0  }
0x194: {  	[tilespmem:$0x1228] =	vst v0  }
0x195: {  	[tilespmem:$0x1218] =	vst v0  }
0x196: {  	[tilespmem:$0x1208] =	vst v0  }
0x197: {  	[tilespmem:$0x11F8] =	vst v0  }
0x198: {  	[tilespmem:$0x11E8] =	vst v0  }
0x199: {  	[tilespmem:$0x11D8] =	vst v0  }
0x19a: {  	[tilespmem:$0x11C8] =	vst v0  }
0x19b: {  	[tilespmem:$0x11B8] =	vst v0  }
0x19c: {  	[tilespmem:$0x11A8] =	vst v0  }
0x19d: {  	[tilespmem:$0x1198] =	vst v0  }
0x19e: {  	[tilespmem:$0x1188] =	vst v0  }
0x19f: {  	[tilespmem:$0x1178] =	vst v0  }
0x1a0: {  	[tilespmem:$0x1168] =	vst v0  }
0x1a1: {  	[tilespmem:$0x1158] =	vst v0  }
0x1a2: {  	[tilespmem:$0x1148] =	vst v0  }
0x1a3: {  	[tilespmem:$0x1138] =	vst v0  }
0x1a4: {  	[tilespmem:$0x1128] =	vst v0  }
0x1a5: {  	s2 =	stileid.u32;
	[tilespmem:$0x1118] =	vst v0  }
0x1a6: {  	s0 =	smul.u32 $0x18, s2;
	[tilespmem:$0x1108] =	vst v0  }
0x1a7: {  	s1 =	smin.u32 s2, $0xA;
	[tilespmem:$0x10F8] =	vst v0  }
0x1a8: {  	[tilespmem:$0x10E8] =	vst v0;
	s0 =	sadd.s32 s1, s0  }
0x1a9: {  	p0 =	slt.u32 s2, $0xA;
	[tilespmem:$0x10B8] =	vst v0;
	s1 =	simm.s32 $0x2A30;
	s3 =	smul.u32 $0x1B0, s0  }
0x1aa: {  	s1 =	simm.s32 @!p0 $0x2880;
	[tilespmem:$0x10C8] =	vst v0  }
0x1ab: {  	[tilespmem:$0x10A8] =	vst v0;
	s0 =	sadd.s32 s1, s3  }
0x1ac: {  	[tilespmem:$0x1038] =	vst v0;
	s4 =	smin.u32 s0, $0x29810  }
0x1ad: {  	[tilespmem:$0x1098] =	vst v0;
	s0 =	ssub.s32 s4, s3  }
0x1ae: {  	s5 =	simm.s32 $0x2;
	s29 =	simm.s32 $0x7;
	[tilespmem:$0x1088] =	vst v0;
	p0 =	sgt.s32 s0, $0x0  }
0x1af: {  	s13 =	simm.s32 $0x8;
	s30 =	simm.s32 $0x9;
	[tilespmem:$0x1078] =	vst v0;
	s0 =	simm.s32 @!p0 $0x0  }
0x1b0: {  	p4 =	por $0x0, $0x0;
	s14 =	simm.s32 $0xA;
	[tilespmem:$0x1068] =	vst v0;
	s6 =	smulhi.u32 $0x4BDA12F7, s0  }
0x1b1: {  	s18 =	simm.s32 $0x0;
	s15 =	simm.s32 $0x0;
	s17 =	simm.s32 $0x0;
	[tilespmem:$0x1058] =	vst v0  }
0x1b2: {  	s7 =	sadd.s32 $0x7ABC00, s8;
	s31 =	sshll.u32 s2, $0x5;
	[tilespmem:$0x1028] =	vst v0;
	s12 =	sshrl.u32 s6, $0x7  }
0x1b3: {  	[tilespmem:$0x1008] =	vst v0;
	[sflag:s5] =	ssyncpa.u1 $0x0;
	v0 =	vimm.s32 $0xFFFFFFFF;
	s5 =	sadd.s32 $0x280C00, s8;
	s10 =	smul.u32 $0x1B0, s12  }
.Ltmp0:
0x1b4: {  	[dreg:$0x2] =	wrdreg s31;
	[tilespmem:$0x3648] =	vst v0;
	[sflag:s29] =	ssyncpa.u1 $0x0;
	(pc) =	sbr.rel .LBB2_1-.Ltmp0, $4  }
0x1b5: {  	[sflag:s13] =	ssyncpa.u1 $0x0;
	s13 =	simm.s32 $0x0;
	p0 =	sne.s32 s0, s10  }
0x1b6: {  	[sflag:s30] =	ssyncpa.u1 $0x0;
	s1 =	sadd.s32 $0x286000, s8;
	s11 =	simm.s32 @!p0 $0x0  }
0x1b7: {  	s16 =	smov.u32 s3;
	[dreg:$0x3] =	wrdreg s3;
	s11 =	sadd.s32 s11, s12  }
0x1b8: {  	v0 =	vlaneseq.u32;
	s6 =	sadd.s32 $0x27B800, s8;
	p0 =	por $0x1, $0x1;
	s8 =	sadd.s32 $0x1, s11  }
.LBB2_18:
0x1b9: {  	s0 =	simm.s32 $0x2  }
0x1ba: {  	_ =	swait.ge [sflag:s0], $0x0  }
0x1bb: {  	[sflag:s0] =	ssyncset.done $0x0;
	s0 =	simm.s32 $0x0  }
.LBB2_19:
0x1bc: {  	_ =	swait.ge [sflag:s14], s0  }
0x1bd: {  	s31 =	ssub.s32 $0x0, s0;
	v1 =	vmov s20;
	vm0 =	veq.s32 v0, $0x0;
	[sflag:s14] =	ssyncset.done $0x0  }
0x1be: {  	vm15 =	veq.s32 v0, $0x2;
	v1 =	vsel vm0, s24, v1;
	[sflag:s14] =	ssyncadd.s32 s31  }
0x1bf: {  	v1 =	vsel vm15, s18, v1;
	[sflag:s14] =	ssyncpa.u1 $0x1  }
0x1c0: {  	[tilespmem:$0x3648] =	vst v1  }
.LBB2_20:
0x1c1: {  	s0 =	sadd.s32 $0x1B0, s16  }
0x1c2: {  	s2 =	smov.u32 s3;
	p1 =	slt.s32 s0, s4  }
0x1c3: {  	s2 =	smov.u32 @p1 s0;
	p1 =	sne.s32 s17, s8  }
.Ltmp1:
0x1c4: {  	_ = 	snop;
	(pc) =	sbr.rel @!p1 .LBB2_21-.Ltmp1, $4  }
0x1c5: {  	_ = 	snop  }
0x1c6: {  	s18 =	smov.u32 s15  }
0x1c7: {  	s31 =	sadd.s32 $0x1, s17;
	s15 =	smov.u32 s16;
	p0 =	por !p0, !p0  }
0x1c8: {  	p4 =	por !p4, !p4;
	s17 =	smov.u32 s31;
	s16 =	smov.u32 s2  }
.LBB2_1:
0x1c9: {  	p2 =	sge.u32 s17, s11  }
0x1ca: {  	s0 =	smulhi.u32 @!p2 $0xAAAAAAAB, s17  }
0x1cb: {  	s19 =	smov.u32 s16;
	p3 =	sgt.s32 @!p2 s16, $0x29660  }
0x1cc: {  	s20 =	sshra.s32 @!p2 s16, $0x1F;
	p3 =	por !p3, p2;
	s0 =	sshrl.u32 @!p2 s0, $0x1  }
0x1cd: {  	s20 =	sand.u32 @!p2 s20, s16;
	s19 =	simm.s32 @p3 $0x29660;
	s0 =	smul.u32 @!p2 $0x3, s0  }
0x1ce: {  	s19 =	ssub.s32 @!p2 s19, s20  }
0x1cf: {  	s19 =	sadd.s32 @!p2 $0xFFFD69A0, s19;
	s0 =	ssub.s32 @!p2 s17, s0  }
0x1d0: {  	s20 =	sshll.u32 @!p2 s19, $0x2;
	p3 =	sgt.s32 @!p2 s19, $0x1AF;
	s0 =	smul.u32 @!p2 $0x6C0, s0  }
0x1d1: {  	s21 =	sand.u32 @!p2 $0x7, s16;
	s19 =	ssub.s32 @!p2 $0x6C0, s20;
	p3 =	por !p3, p2  }
0x1d2: {  	s20 =	sshrl.u32 @!p2 s16, $0x3;
	s19 =	sshrl.u32 @!p2 s19, $0x2;
	s0 =	sshrl.u32 @!p2 s0, $0x2  }
0x1d3: {  	s20 =	sadd.s32 @!p2 s5, s20;
	s19 =	simm.s32 @!p3 $0x0;
	s0 =	sadd.s32 @!p2 $0x3878, s0  }
0x1d4: {  	[tilespmem:s0], [sflag:$0x8] =	stream.linear.gather @!p2 [hbm4b:s20+s21], s19, $0x38;
	[tilespmem:$0x1F0E8] =	vst v63  }
0x1d5: {  	s20 =	sadd.s32 $0xFFFFFFFF, s17  }
0x1d6: {  	p2 =	sge.u32 s20, s11  }
0x1d7: {  	p3 =	sgt.s32 @!p2 s15, $0x29660  }
0x1d8: {  	s0 =	smov.u32 s15;
	s19 =	sshra.s32 @!p2 s15, $0x1F;
	p3 =	por !p3, p2  }
0x1d9: {  	s19 =	sand.u32 @!p2 s19, s15;
	s0 =	simm.s32 @p3 $0x29660  }
0x1da: {  	s0 =	ssub.s32 @!p2 s0, s19  }
0x1db: {  	s0 =	sadd.s32 @!p2 $0xFFFD69A0, s0  }
0x1dc: {  	s19 =	sshll.u32 @!p2 s0, $0x2  }
0x1dd: {  	p3 =	sgt.s32 @!p2 s0, $0x1AF;
	s0 =	ssub.s32 @!p2 $0x6C0, s19  }
0x1de: {  	p3 =	por !p3, p2;
	s0 =	sshrl.u32 @!p2 s0, $0x2  }
0x1df: {  	s21 =	simm.s32 @!p2 $0x8;
	s19 =	sand.u32 @!p2 $0x1, s20;
	s0 =	simm.s32 @!p3 $0x0  }
0x1e0: {  	s19 =	smul.u32 @!p2 $0x6C0, s19;
	_ =	swait.ge @!p2 [sflag:s21], s0  }
0x1e1: {  	s22 =	ssub.s32 @!p2 $0x0, s0;
	[sflag:s21] =	ssyncset.done @!p2 $0x0  }
0x1e2: {  	s19 =	sshrl.u32 @!p2 s19, $0x2;
	[sflag:s21] =	ssyncadd.s32 @!p2 s22;
	s21 =	sshrl.u32 @!p2 s15, $0x3  }
0x1e3: {  	s19 =	sadd.s32 @!p2 $0x3D88, s19;
	s22 =	sand.u32 @!p2 $0x7, s15;
	s21 =	sadd.s32 @!p2 s6, s21  }
0x1e4: {  	[tilespmem:s19], [sflag:$0x9] =	stream.linear.gather @!p2 [hbm4b:s21+s22], s0, $0x38;
	[tilespmem:$0x1F0E8] =	vst v63  }
0x1e5: {  	s19 =	ssub.s32 @!p2 $0x29810, s15  }
0x1e6: {  	p3 =	slt.s32 @!p2 s19, $0x1  }
0x1e7: {  	p3 =	por p2, p3  }
.Ltmp2:
0x1e8: {  	_ = 	snop;
	(pc) =	sbr.rel @p3 .LBB2_7-.Ltmp2, $1  }
0x1e9: {  	_ =	sdelay $0x3  }
0x1ea: {  	s0 =	smulhi.u32 $0xAAAAAAAB, s20;
	_ =	sdelay $0x1  }
0x1eb: {  	s0 =	sshrl.u32 s0, $0x1  }
0x1ec: {  	s0 =	smul.u32 $0x3, s0;
	_ =	sdelay $0x1  }
0x1ed: {  	s0 =	ssub.s32 s20, s0  }
0x1ee: {  	s21 =	simm.s32 $0x1;
	s0 =	smul.u32 $0x6C0, s0  }
.Ltmp3:
0x1ef: {  	s21 =	simm.s32 @!p0 $0x0;
	(pc) =	sbr.rel .LBB2_4-.Ltmp3, $4  }
0x1f0: {  	s31 =	smul.u32 $0x36000, s21  }
0x1f1: {  	p3 =	slt.s32 @!p2 s19, $0x1B0;
	s0 =	sshrl.u32 s0, $0x2  }
0x1f2: {  	p2 =	por !p3, p2;
	s20 =	sshrl.u32 s31, $0x2;
	s0 =	sadd.s32 $0x3878, s0  }
0x1f3: {  	s19 =	simm.s32 @p2 $0x1B0;
	s21 =	simm.s32 $0x0;
	s20 =	sadd.s32 $0x40E8, s20;
	v1 =	vmov s0  }
.LBB2_3:
0x1f4: {  	p2 =	sge.s32 s21, s19  }
.Ltmp4:
0x1f5: {  	_ = 	snop;
	(pc) =	sbr.rel @p2 .LBB2_7-.Ltmp4, $2  }
0x1f6: {  	_ =	sdelay $0x2  }
0x1f7: {  	s20 =	sadd.s32 $0x800, s20  }
.LBB2_4:
0x1f8: {  	p2 =	sle.s32 s19, s21  }
.Ltmp5:
0x1f9: {  	_ = 	snop;
	(pc) =	sbr.rel @p2 .LBB2_3-.Ltmp5, $2  }
0x1fa: {  	_ =	sdelay $0x2  }
0x1fb: {  	s22 =	smov.u32 s21;
	s21 =	sadd.s32 $0x10, s21  }
0x1fc: {  	s0 =	ssub.s32 s19, s22  }
0x1fd: {  	p2 =	slt.s32 s0, $0x10  }
0x1fe: {  	s0 =	simm.s32 @!p2 $0x10  }
0x1ff: {  	v2 =	vmov s0  }
0x200: {  	vm0 =	vgt.s32 v2, v0;
	_ =	sdelay $0x5  }
0x201: {  	v2 =	vld.idx.msk [tilespmem:v1+s22+$0x0 ss:$0x1], vm0;
	_ =	sdelay $0x2  }
0x202: {  	s23 =	smov.u32 s19;
	p2 =	slt.s32 s21, s19  }
0x203: {  	s24 =	smov.u32 s20;
	s25 =	simm.s32 $0x0;
	s23 =	smov.u32 @p2 s21  }
.LBB2_6:
0x204: {  	(v2sf) =	vpush v2, s25;
	_ =	sdelay $0xc  }
0x205: {  	s25 =	sadd.s32 $0x1, s25  }
0x206: {  	s31 =	sadd.s32 s25, s22  }
0x207: {  	p2 =	slt.s32 s31, s23;
	s0 =	spop (v2sf)  }
.Ltmp6:
0x208: {  	s0 =	sshll.u32 s0, $0x4;
	(pc) =	sbr.rel @p2 .LBB2_6-.Ltmp6, $4  }
0x209: {  	s0 =	sand.u32 $0x1FFFFFF0, s0  }
0x20a: {  	s0 =	sadd.s32 s7, s0  }
0x20b: {  	[tilespmem:s24], [sflag:$0x7] =	stream.linear.gather [hbm4b:s0+s13], $0xA, $0x38;
	[tilespmem:$0x1F0E8] =	vst v63  }
0x20c: {  	s24 =	sadd.s32 $0x80, s24  }
.Ltmp7:
0x20d: {  	_ = 	snop;
	(pc) =	sbr.rel .LBB2_3-.Ltmp7, $1  }
0x20e: {  	_ =	sdelay $0x3  }
.LBB2_7:
0x20f: {  	p2 =	slt.u32 s17, $0x2  }
.Ltmp8:
0x210: {  	_ = 	snop;
	(pc) =	sbr.rel @p2 .LBB2_20-.Ltmp8, $1  }
0x211: {  	_ =	sdelay $0x3  }
0x212: {  	s0 =	ssub.s32 $0x29810, s18;
	p2 =	sgt.s32 s18, $0x29660;
	s19 =	smov.u32 s18  }
0x213: {  	s20 =	sshra.s32 s18, $0x1F;
	p3 =	slt.s32 s0, $0x1B0;
	s21 =	smov.u32 s0  }
0x214: {  	s19 =	simm.s32 @!p2 $0x29660;
	s20 =	sand.u32 s20, s18;
	s21 =	simm.s32 @!p3 $0x1B0  }
0x215: {  	s19 =	ssub.s32 s19, s20;
	s25 =	smul.u32 $0x28, s21  }
0x216: {  	s19 =	sadd.s32 $0xFFFD69A0, s19  }
0x217: {  	s2 =	simm.s32 $0x7;
	s26 =	sshll.u32 s19, $0x2;
	s20 =	sshrl.u32 s25, $0x2  }
0x218: {  	p2 =	sgt.s32 s19, $0x1AF;
	s28 =	ssub.s32 $0x6C0, s26;
	_ =	swait.ge [sflag:s2], s20  }
0x219: {  	s20 =	ssub.s32 $0x0, s20;
	s19 =	sshrl.u32 s28, $0x2;
	[sflag:s2] =	ssyncset.done $0x0  }
0x21a: {  	s29 =	simm.s32 $0x9;
	s19 =	simm.s32 @p2 $0x0;
	[sflag:s2] =	ssyncadd.s32 s20  }
0x21b: {  	_ =	swait.ge [sflag:s29], s19  }
0x21c: {  	s19 =	ssub.s32 $0x0, s19;
	[sflag:s29] =	ssyncset.done $0x0  }
0x21d: {  	[sflag:s29] =	ssyncadd.s32 s19  }
0x21e: {  	v1 =	vld [tilespmem:$0x3648];
	_ =	sdelay $0x4  }
0x21f: {  	(v2sf) =	vpush v1, $0x0  }
0x220: {  	(v2sf) =	vpush v1, $0x1  }
0x221: {  	(v2sf) =	vpush v1, $0x2;
	_ =	sdelay $0x3  }
0x222: {  	s19 =	sadd.s32 $0x1B0, s18  }
0x223: {  	p2 =	slt.s32 s4, s19  }
0x224: {  	s19 =	smov.u32 @p2 s4;
	p2 =	sgt.s32 s0, $0x0  }
0x225: {  	s22 =	ssub.s32 s19, s18;
	s0 =	simm.s32 @!p2 $0x0  }
0x226: {  	p2 =	slt.s32 s0, s22  }
0x227: {  	s22 =	smov.u32 @p2 s0  }
0x228: {  	s21 =	simm.s32 $0x1;
	p2 =	slt.s32 s22, $0x1  }
.Ltmp9:
0x229: {  	s21 =	simm.s32 @!p4 $0x0;
	(pc) =	sbr.rel @p2 .LBB2_12-.Ltmp9, $4  }
0x22a: {  	s30 =	smul.u32 $0x6C0, s21  }
0x22b: {  	s23 =	spop (v2sf)  }
0x22c: {  	s31 =	sshrl.u32 s30, $0x2;
	s25 =	spop (v2sf)  }
0x22d: {  	s19 =	sadd.s32 $0x3D88, s31;
	s18 =	spop (v2sf)  }
0x22e: {  	s0 =	smin.u32 s22, $0x10  }
0x22f: {  	v1 =	vmov s0  }
0x230: {  	p3 =	sgt.s32 s22, $0x10;
	vm1 =	vgt.u32 v1, v0  }
.Ltmp10:
0x231: {  	_ = 	snop;
	(pc) =	sbr.rel @!p3 .LBB2_11-.Ltmp10, $2  }
0x232: {  	_ =	sdelay $0x2  }
0x233: {  	s24 =	simm.s32 $0x10;
	s26 =	sadd.s32 $0xFFFFFFF0, s22;
	s20 =	smov.u32 s19;
	vm0 =	vmmov vm1  }
.LBB2_10:
0x234: {  	s0 =	smin.u32 s26, $0x10;
	s24 =	sadd.s32 $0x10, s24;
	v1 =	vld.msk [tilespmem:s20+$0x0 ss:$0x1], vm1  }
0x235: {  	v2 =	vmov s0;
	p3 =	slt.s32 s24, s22  }
0x236: {  	vm1 =	vgt.u32 v2, v0  }
.Ltmp11:
0x237: {  	(pc) =	sbr.rel @p3 .LBB2_10-.Ltmp11, $3  }
0x238: {  	_ =	sdelay $0x1  }
0x239: {  	v1 =	vshll.u32 v1, $0x4  }
0x23a: {  	s26 =	sadd.s32 $0xFFFFFFF0, s26;
	[tilespmem:s20+$0x0] =	vst.msk vm0, v1;
	s20 =	sadd.s32 $0x10, s20;
	vm0 =	vmmov vm1  }
.LBB2_11:
0x23b: {  	_ =	sdelay $0x4  }
0x23c: {  	v1 =	vld.msk [tilespmem:s20+$0x0 ss:$0x1], vm1;
	_ =	sdelay $0x4  }
0x23d: {  	v1 =	vshll.u32 v1, $0x4  }
0x23e: {  	[tilespmem:s20+$0x0] =	vst.msk vm0, v1  }
.LBB2_12:
0x23f: {  	s0 =	sand.u32 $0x1, s17  }
0x240: {  	s0 =	smul.u32 $0x1B0, s0  }
0x241: {  	p3 =	sne.s32 s25, $0xFFFFFFFF  }
0x242: {  	v1 =	vld.msk @!p3 [tilespmem:s0+$0x3D88], $0x1;
	_ =	sdelay $0x4  }
0x243: {  	(v2sf) =	vpush @!p3 v1, $0x0;
	_ =	sdelay $0xc  }
.Ltmp12:
0x244: {  	_ = 	snop;
	(pc) =	sbr.rel @p2 .LBB2_18-.Ltmp12, $4  }
0x245: {  	_ = 	snop  }
0x246: {  	s24 =	spop @!p3 (v2sf)  }
0x247: {  	s18 =	simm.s32 @!p3 $0x0;
	s20 =	smov.u32 s24  }
0x248: {  	[sflag:s14] =	ssyncpa.u1 $0x0;
	s24 =	smov.u32 @p3 s23;
	s20 =	smov.u32 @p3 s25  }
0x249: {  	v1 =	vld.msk [tilespmem:s19+$0x0], $0x1;
	_ =	sdelay $0x4  }
0x24a: {  	(v2sf) =	vpush v1, $0x0;
	_ =	sdelay $0xd  }
0x24b: {  	s0 =	simm.s32 @!p4 $0x0  }
0x24c: {  	s26 =	smul.u32 $0x36000, s21;
	s25 =	ssub.s32 $0x0, s22;
	s28 =	spop (v2sf)  }
0x24d: {  	s0 =	simm.s32 @p4 $0x1;
	s23 =	sadd.s32 $0x1, s25;
	p2 =	seq.s32 s24, s28  }
0x24e: {  	[smem:$0x7FD] =	sst s0;
	s0 =	sshrl.u32 s26, $0x2;
	p3 =	sgt.s32 @!p2 s24, $0x0  }
0x24f: {  	s21 =	sadd.s32 $0x40E8, s0;
	s0 =	smov.u32 s24;
	p3 =	por !p3, p2  }
0x250: {  	s0 =	simm.s32 @p3 $0x0;
	p3 =	seq.s32 s23, $0x0  }
.Ltmp13:
0x251: {  	_ = 	snop;
	(pc) =	sbr.rel @p3 .LBB2_15-.Ltmp13, $4  }
0x252: {  	s3 =	smov.u32 s8;
	s12 =	smov.u32 s5;
	s8 =	smov.u32 s6  }
0x253: {  	s22 =	simm.s32 $0x0;
	s29 =	simm.s32 @!p2 $0x1;
	s0 =	smin.u32 @!p2 s0, $0x270FE  }
0x254: {  	s30 =	simm.s32 @!p2 $0x1B38;
	s29 =	smov.u32 @p2 s22;
	s26 =	sand.u32 @!p2 $0x3FFF8, s0  }
0x255: {  	s31 =	sand.u32 @!p2 $0x7, s0;
	s0 =	sadd.s32 @!p2 s1, s26;
	s26 =	sadd.s32 $0x1, s19  }
.LBB2_14:
0x256: {  	s2 =	smov.u32 s29  }
0x257: {  	[tilespmem:s30], [sflag:$0x2] =	stream.linear.gather @!p2 [hbm4b:s0+s31], $0xA, $0x38;
	[tilespmem:$0x1F0E8] =	vst v63  }
0x258: {  	s23 =	sadd.s32 $0x1, s23;
	s0 =	smov.u32 s28;
	v1 =	vld.msk [tilespmem:s26+$0x0], $0x1  }
0x259: {  	p3 =	seq.s32 s23, $0x0;
	_ =	sdelay $0x3  }
0x25a: {  	(v2sf) =	vpush v1, $0x0;
	_ =	sdelay $0xe  }
0x25b: {  	s28 =	spop (v2sf)  }
0x25c: {  	p2 =	seq.s32 s0, s28  }
0x25d: {  	p4 =	sgt.s32 @!p2 s0, $0x0;
	s30 =	sshll.u32 @!p2 s29, $0x6;
	s29 =	sadd.s32 @!p2 $0x1, s29  }
.Ltmp14:
0x25e: {  	p4 =	por !p4, p2;
	s30 =	sshra.s32 @!p2 s30, $0x2;
	(pc) =	sbr.rel @!p3 .LBB2_14-.Ltmp14, $4  }
0x25f: {  	s29 =	smov.u32 @p2 s2;
	s0 =	simm.s32 @p4 $0x0;
	s30 =	sadd.s32 @!p2 $0x1B38, s30  }
0x260: {  	s0 =	smin.u32 @!p2 s0, $0x270FE  }
0x261: {  	s2 =	sand.u32 @!p2 $0x3FFF8, s0;
	s31 =	sand.u32 @!p2 $0x7, s0  }
0x262: {  	s26 =	sadd.s32 $0x1, s26;
	s0 =	sadd.s32 @!p2 s1, s2  }
.LBB2_15:
0x263: {  	s2 =	smul.u32 $0x28, s29  }
0x264: {  	[tilespmem:s30], [sflag:$0x2] =	stream.linear.gather @!p2 [hbm4b:s0+s31], $0xA, $0x38;
	[tilespmem:$0x1F0E8] =	vst v63  }
0x265: {  	s31 =	simm.s32 $0x2;
	s30 =	sshrl.u32 s2, $0x2  }
0x266: {  	_ =	swait.ge [sflag:s31], s30  }
0x267: {  	s0 =	ssub.s32 $0x0, s30;
	[sflag:s31] =	ssyncset.done $0x0  }
0x268: {  	[sflag:s31] =	ssyncadd.s32 s0  }
0x269: {  	v1 =	vld.msk [tilespmem:s19+$0x0], $0x1;
	_ =	sdelay $0x4  }
0x26a: {  	(v2sf) =	vpush v1, $0x0;
	_ =	sdelay $0xe  }
0x26b: {  	s23 =	spop (v2sf)  }
0x26c: {  	p2 =	sne.s32 s24, s23  }
0x26d: {  	p4 =	sne.s32 @p2 s24, s20  }
0x26e: {  	p3 =	por !p4, !p2  }
0x26f: {  	s0 =	simm.s32 @!p3 $0x0  }
0x270: {  	v1 =	vld.msk @!p3 [tilespmem:s0+$0x1B38], $0x3ff  }
0x271: {  	p5 =	sgt.u32 @!p3 s24, $0x270FE  }
0x272: {  	s2 =	sshll.u32 @!p3 s18, $0x6;
	p6 =	por @p2 p5, !p4  }
0x273: {  	s2 =	sshra.s32 @!p3 s2, $0x2;
	p1 =	por p6, !p2;
	p6 =	por p4, !p2  }
0x274: {  	s26 =	sadd.s32 @!p3 $0x28, s2;
	s28 =	sand.u32 @!p1 $0x3FFF8, s24;
	s29 =	sshll.u32 @!p6 s18, $0x6  }
0x275: {  	s24 =	sand.u32 @!p1 $0x7, s24;
	[tilespmem:s2+$0x28] =	vst.add.f32.msk @!p3 $0x3ff, v1;
	s2 =	sadd.s32 @!p1 s1, s28;
	s28 =	sshra.s32 @!p6 s29, $0x2  }
0x276: {  	[hbm4b:s2+s24] =	stream.linear.scatter @!p1 [tilespmem:s26], [sflag:$0xA], $0xA, $0x38;
	[tilespmem:$0x1F0E8] =	vst v63  }
0x277: {  	s0 =	rddreg [dreg:$0x2];
	s2 =	sadd.s32 @!p6 $0x28, s28;
	s24 =	simm.s32 @!p6 $0x1  }
0x278: {  	[spmem:s0] =	stream.linear.scatter @!p6 [tilespmem:s2], [sflag:$0x1], $0xA, $0x38;
	[tilespmem:$0x1F0E8] =	vst v63  }
0x279: {  	s0 =	sadd.s32 @p2 $0x1, s18;
	_ =	swait.ge @!p6 [sflag:s24], $0xA  }
0x27a: {  	s2 =	sshrl.u32 @p2 s0, $0x4;
	[sflag:s24] =	ssyncset.done @!p6 $0x0  }
0x27b: {  	s2 =	smulhi.u32 @p2 $0x97B425F, s2;
	[sflag:s24] =	ssyncadd.s32 @!p6 $0xFFFFFFF6  }
0x27c: {  	s24 =	sadd.s32 $0x1, s25;
	v1 =	vld.msk @p2 [tilespmem:s21+$0x0], $0x3ff  }
0x27d: {  	p1 =	por @p2 !p5, !p4;
	s2 =	smul.u32 @p2 $0x1B0, s2;
	p4 =	seq.s32 s24, $0x0  }
.Ltmp15:
0x27e: {  	p1 =	por !p1, !p2;
	s25 =	simm.s32 @!p3 $0x0;
	(pc) =	sbr.rel @p4 .LBB2_17-.Ltmp15, $4  }
0x27f: {  	s26 =	sshll.u32 @!p2 s18, $0x6;
	s25 =	simm.s32 @!p1 $0x28;
	s0 =	ssub.s32 @p2 s0, s2  }
0x280: {  	s26 =	sshra.s32 @!p2 s26, $0x2;
	s28 =	sadd.s32 @!p3 $0x0, s25;
	s29 =	sshll.u32 @p2 s0, $0x4  }
0x281: {  	s25 =	simm.s32 $0x0;
	s2 =	simm.s32 @p2 $0x1;
	s28 =	smov.u32 @p3 s22;
	[tilespmem:s29+$0x28] =	vst.msk @p2 $0x3ff, v1  }
0x282: {  	s18 =	smov.u32 @p2 s0;
	s25 =	smov.u32 @p2 s28;
	s22 =	smov.u32 @p2 s2;
	v1 =	vld.msk @!p2 [tilespmem:s21+$0x0], $0x3ff  }
.LBB2_16:
0x283: {  	_ =	sdelay $0x3  }
0x284: {  	s19 =	sadd.s32 $0x1, s19;
	[tilespmem:s26+$0x28] =	vst.add.f32.msk @!p2 $0x3ff, v1  }
0x285: {  	v1 =	vld.msk [tilespmem:s19+$0x0], $0x1;
	_ =	sdelay $0x4  }
0x286: {  	(v2sf) =	vpush v1, $0x0;
	_ =	sdelay $0xe  }
0x287: {  	s0 =	smov.u32 s23;
	s23 =	spop (v2sf)  }
0x288: {  	p2 =	sne.s32 s0, s23  }
0x289: {  	p5 =	sne.s32 @p2 s0, s20  }
0x28a: {  	p4 =	por !p5, !p2  }
0x28b: {  	s30 =	sshll.u32 @!p4 s22, $0x6  }
0x28c: {  	s30 =	sshra.s32 @!p4 s30, $0x2  }
0x28d: {  	p1 =	sgt.u32 @!p4 s0, $0x270FE;
	v1 =	vld.msk @!p4 [tilespmem:s30+$0x1B38], $0x3ff  }
0x28e: {  	s31 =	sshll.u32 @!p4 s18, $0x6;
	p6 =	por @p2 p1, !p5;
	p1 =	por @p2 !p1, !p5  }
0x28f: {  	s5 =	simm.s32 @!p4 $0x0;
	s31 =	sshra.s32 @!p4 s31, $0x2;
	p1 =	por !p1, !p2  }
0x290: {  	p5 =	por p5, !p2;
	s5 =	simm.s32 @!p1 $0x28;
	p1 =	por p6, !p2  }
0x291: {  	s30 =	sadd.s32 @!p4 $0x28, s31;
	s6 =	sshll.u32 @!p5 s18, $0x6;
	s10 =	sand.u32 @!p1 $0x3FFF8, s0  }
0x292: {  	s6 =	sshra.s32 @!p5 s6, $0x2;
	s0 =	sand.u32 @!p1 $0x7, s0;
	s10 =	sadd.s32 @!p1 s1, s10;
	[tilespmem:s31+$0x28] =	vst.add.f32.msk @!p4 $0x3ff, v1  }
0x293: {  	[hbm4b:s10+s0] =	stream.linear.scatter @!p1 [tilespmem:s30], [sflag:$0xA], $0xA, $0x38;
	[tilespmem:$0x1F0E8] =	vst v63  }
0x294: {  	s2 =	rddreg [dreg:$0x2];
	s0 =	sadd.s32 @!p5 $0x28, s6;
	s6 =	simm.s32 @!p5 $0x1  }
0x295: {  	[spmem:s2] =	stream.linear.scatter @!p5 [tilespmem:s0], [sflag:$0x1], $0xA, $0x38;
	[tilespmem:$0x1F0E8] =	vst v63  }
0x296: {  	s28 =	sadd.s32 @p2 $0x1, s18;
	_ =	swait.ge @!p5 [sflag:s6], $0xA  }
0x297: {  	s29 =	sshrl.u32 @p2 s28, $0x4;
	[sflag:s6] =	ssyncset.done @!p5 $0x0  }
0x298: {  	s21 =	sadd.s32 $0x80, s21;
	s29 =	smulhi.u32 @p2 $0x97B425F, s29;
	[sflag:s6] =	ssyncadd.s32 @!p5 $0xFFFFFFF6  }
0x299: {  	s24 =	sadd.s32 $0x1, s24;
	v1 =	vld.msk @p2 [tilespmem:s21+$0x0], $0x3ff  }
0x29a: {  	p3 =	seq.s32 s24, $0x0;
	s29 =	smul.u32 @p2 $0x1B0, s29  }
.Ltmp16:
0x29b: {  	_ = 	snop;
	(pc) =	sbr.rel @!p3 .LBB2_16-.Ltmp16, $4  }
0x29c: {  	s28 =	ssub.s32 @p2 s28, s29  }
0x29d: {  	s26 =	sshll.u32 @!p2 s18, $0x6;
	s5 =	sadd.s32 @!p4 s5, s25;
	s10 =	sshll.u32 @p2 s28, $0x4  }
0x29e: {  	s9 =	sadd.s32 @p2 $0x1, s22;
	s26 =	sshra.s32 @!p2 s26, $0x2;
	s5 =	smov.u32 @p4 s25;
	[tilespmem:s10+$0x28] =	vst.msk @p2 $0x3ff, v1  }
0x29f: {  	s22 =	smov.u32 @p2 s9;
	s18 =	smov.u32 @p2 s28;
	s25 =	smov.u32 @p2 s5;
	v1 =	vld.msk @!p2 [tilespmem:s21+$0x0], $0x3ff  }
.LBB2_17:
.Ltmp17:
0x2a0: {  	_ = 	snop;
	(pc) =	sbr.rel .LBB2_19-.Ltmp17, $4  }
0x2a1: {  	s2 =	sld [smem:$0x7FD]  }
0x2a2: {  	s0 =	sshrl.u32 s25, $0x2  }
0x2a3: {  	s24 =	smov.u32 s23;
	s6 =	smov.u32 s8;
	s5 =	smov.u32 s12  }
0x2a4: {  	s8 =	smov.u32 s3;
	s3 =	rddreg [dreg:$0x3];
	p4 =	seq.s32 s2, $0x1;
	[tilespmem:s26+$0x28] =	vst.add.f32.msk @!p2 $0x3ff, v1  }
.LBB2_21:
0x2a5: {  	_ =	sfence.sel $0x180000  }
0x2a6: {  	s0 =	simm.s32 $0x7;
	[bflag:$0x0] =	sbarrier.arrive $0xFFFF  }
0x2a7: {  	s25 =	simm.s32 $0x8;
	[sflag:s0] =	ssyncpa.u1 $0x1  }
0x2a8: {  	s26 =	simm.s32 $0x9;
	[sflag:s25] =	ssyncpa.u1 $0x1  }
0x2a9: {  	s28 =	simm.s32 $0x2;
	[sflag:s26] =	ssyncpa.u1 $0x1  }
0x2aa: {  	[sflag:s28] =	ssyncpa.u1 $0x1  }
0x2ab: {  	v0 =	vld [tilespmem:$0x3648];
	_ =	sdelay $0x4  }
0x2ac: {  	(v2sf) =	vpush v0, $0x0  }
0x2ad: {  	(v2sf) =	vpush v0, $0x1;
	_ =	sdelay $0x1  }
0x2ae: {  	(v2sf) =	vpush v0, $0x2;
	_ =	sdelay $0xb  }
0x2af: {  	s0 =	spop (v2sf)  }
0x2b0: {  	s2 =	spop (v2sf)  }
0x2b1: {  	s3 =	smov.u32 s0;
	p0 =	sne.s32 s0, s2  }
0x2b2: {  	s4 =	spop (v2sf);
	s3 =	simm.s32 @!p0 $0xFFFFFFFF  }
0x2b3: {  	v2 =	vimm.s32 $0x1;
	v3 =	vlaneseq.u32;
	p0 =	seq.s32 s4, $0xFFFFFFFF;
	v1 =	vmov s3  }
0x2b4: {  	s7 =	stileid.u32;
	v0 =	vperm.xlane v0, v2;
	p1 =	sne.s32 @!p0 s0, s2;
	v1 =	vperm.xlane v1, v3  }
0x2b5: {  	vm0 =	vcmask $0x3F04;
	s6 =	simm.s32 $0x3648;
	s0 =	simm.s32 @!p0 $0x1;
	p1 =	por !p1, p0  }
0x2b6: {  	s3 =	sshll.u32 s7, $0x1;
	s2 =	sshll.u32 @!p0 s4, $0x6;
	s0 =	simm.s32 @p1 $0x0;
	v0 =	vsel vm0, v1, v0  }
0x2b7: {  	s5 =	sor.u32 $0x200, s3;
	s2 =	sshra.s32 @!p0 s2, $0x2;
	s0 =	sor.u32 @!p0 s0, s3;
	[tilespmem:$0x3648] =	vst v0  }
0x2b8: {  	[spmem:s5] =	stream.linear.scatter [tilespmem:s6], [sflag:$0x1], $0x2, $0x38;
	[tilespmem:$0x1F0E8] =	vst v63  }
0x2b9: {  	s2 =	sadd.s32 @!p0 $0x28, s2;
	s0 =	sshll.u32 @!p0 s0, $0x4  }
0x2ba: {  	[spmem:s0] =	stream.linear.scatter @!p0 [tilespmem:s2], [sflag:$0x1], $0x10, $0x38;
	[tilespmem:$0x1F0E8] =	vst v63  }
0x2bb: {  	s0 =	simm.s32 @!p0 $0x12  }
0x2bc: {  	s3 =	simm.s32 $0x1;
	s0 =	simm.s32 @p0 $0x2  }
0x2bd: {  	_ =	swait.ge [sflag:s3], s0  }
0x2be: {  	s0 =	ssub.s32 $0x0, s0;
	[sflag:s3] =	ssyncset.done $0x0  }
0x2bf: {  	[sflag:s3] =	ssyncadd.s32 s0  }
0x2c0: {  	_ =	sfence.stream.spmem  }
0x2c1: {  	s29 =	simm.s32 $0x3;
	[bflag:$0x0] =	sbarrier.arrive $0xFFFF  }
0x2c2: {  	s30 =	simm.s32 $0x4;
	[sflag:s29] =	ssyncpa.u1 $0x1  }
0x2c3: {  	s31 =	simm.s32 $0x3C;
	[sflag:s30] =	ssyncpa.u1 $0x1  }
0x2c4: {  	p0 =	sne.s32 s7, $0x0;
	[sflag:s31] =	ssyncpa.u1 $0x1  }
0x2c5: {  	_ =	sfence @p0  }
0x2c6: {  	[sflag:s3] =	ssyncpa.u1 @p0 $0x1  }
0x2c7: {  	_ =	strace @p0 $0x9000005F  }
0x2c8: {  	[bflag:$0x2] =	sbarrier.arrive @p0 $0xFFFF  }
0x2c9: {  	_ =	shalt @p0  }
.LBB2_22:
0x2ca: {  	_ =	sfence.stream.spmem;
	s0 =	simm.s32 $0x5  }
0x2cb: {  	s2 =	simm.s32 $0x200;
	s3 =	simm.s32 $0x3658;
	[sflag:s0] =	ssyncpa.u1 $0x0  }
0x2cc: {  	[tilespmem:s3], [sflag:$0x5] =	stream.linear.gather [spmem:s2], $0x20, $0x38;
	[tilespmem:$0x1F0E8] =	vst v63  }
0x2cd: {  	s30 =	simm.s32 $0x3678;
	s2 =	simm.s32 $0x0  }
0x2ce: {  	[tilespmem:s30], [sflag:$0x5] =	stream.linear.gather [spmem:s2], $0x200, $0x38;
	[tilespmem:$0x1F0E8] =	vst v63  }
.Ltmp18:
0x2cf: {  	_ = 	snop;
	(pc) =	sbr.rel .LBB2_23-.Ltmp18, $4  }
0x2d0: {  	_ =	swait.ge [sflag:s0], $0x220  }
0x2d1: {  	[sflag:s0] =	ssyncset.done $0x0  }
0x2d2: {  	s31 =	simm.s32 $0x6;
	[sflag:s0] =	ssyncadd.s32 $0xFFFFFDE0  }
0x2d3: {  	s3 =	simm.s32 $0x0;
	[sflag:s31] =	ssyncpa.u1 $0x0  }
.LBB2_28:
0x2d4: {  	p0 =	slt.u32 s4, $0x270FF  }
0x2d5: {  	s0 =	sand.u32 @p0 $0x3FFF8, s4  }
0x2d6: {  	s4 =	sand.u32 @p0 $0x7, s4;
	s5 =	simm.s32 @p0 $0x3638;
	s0 =	sadd.s32 @p0 s1, s0  }
0x2d7: {  	[tilespmem:s5], [sflag:$0x6] =	stream.linear.gather @p0 [hbm4b:s0+s4], $0xA, $0x38;
	[tilespmem:$0x1F0E8] =	vst v63  }
0x2d8: {  	s0 =	simm.s32 @p0 $0x6  }
0x2d9: {  	_ =	swait.ge @p0 [sflag:s0], $0xA  }
0x2da: {  	[sflag:s0] =	ssyncset.done @p0 $0x0  }
0x2db: {  	[sflag:s0] =	ssyncadd.s32 @p0 $0xFFFFFFF6  }
0x2dc: {  	v1 =	vld @p0 [tilespmem:$0x3638];
	_ =	sdelay $0x2  }
0x2dd: {  	s0 =	sshll.u32 @p0 s3, $0x6  }
0x2de: {  	s5 =	sshll.u32 @!p0 s3, $0x6;
	s4 =	sshrl.u32 @p0 s0, $0x2  }
0x2df: {  	s5 =	smov.u32 @p0 s0;
	[tilespmem:s4+$0x3678] =	vst.add.f32.msk @p0 $0xffff, v1  }
0x2e0: {  	s0 =	sshrl.u32 s5, $0x2;
	[tilespmem:s2+$0x3658] =	vst.msk $0x1, v0  }
0x2e1: {  	v0 =	vld [tilespmem:s0+$0x3678];
	_ =	sdelay $0x2  }
0x2e2: {  	s31 =	sshll.u32 s2, $0x6  }
0x2e3: {  	s0 =	sshra.s32 s31, $0x2  }
0x2e4: {  	s2 =	sadd.s32 $0x1, s2;
	[tilespmem:s0+$0x3678] =	vst v0  }
.LBB2_30:
0x2e5: {  	s3 =	sadd.s32 $0x1, s3  }
0x2e6: {  	p0 =	sne.s32 s3, $0x20  }
.Ltmp19:
0x2e7: {  	_ = 	snop;
	(pc) =	sbr.rel @!p0 .LBB2_31-.Ltmp19, $1  }
0x2e8: {  	_ =	sdelay $0x3  }
.LBB2_23:
0x2e9: {  	v0 =	vld.msk [tilespmem:s3+$0x3658], $0x1;
	_ =	sdelay $0x4  }
0x2ea: {  	(v2sf) =	vpush v0, $0x0;
	_ =	sdelay $0xe  }
0x2eb: {  	s4 =	spop (v2sf)  }
0x2ec: {  	p0 =	seq.s32 s4, $0xFFFFFFFF  }
.Ltmp20:
0x2ed: {  	_ = 	snop;
	(pc) =	sbr.rel @p0 .LBB2_30-.Ltmp20, $1  }
0x2ee: {  	_ =	sdelay $0x3  }
0x2ef: {  	p0 =	slt.s32 s2, $0x1  }
.Ltmp21:
0x2f0: {  	_ = 	snop;
	(pc) =	sbr.rel @p0 .LBB2_28-.Ltmp21, $1  }
0x2f1: {  	_ =	sdelay $0x3  }
0x2f2: {  	s5 =	simm.s32 $0x3658;
	p0 =	por $0x0, $0x0  }
0x2f3: {  	v1 =	vld.msk @!p0 [tilespmem:s5+$0x0], $0x1;
	_ =	sdelay $0x4  }
0x2f4: {  	(v2sf) =	vpush @!p0 v1, $0x0;
	_ =	sdelay $0xd  }
0x2f5: {  	p2 =	sne.s32 s2, $0x1  }
.Ltmp22:
0x2f6: {  	s0 =	spop @!p0 (v2sf);
	(pc) =	sbr.rel @!p2 .LBB2_27-.Ltmp22, $4  }
0x2f7: {  	p1 =	seq.s32 @!p0 s4, s0  }
0x2f8: {  	s6 =	simm.s32 $0x0;
	p1 =	por !p1, p0  }
0x2f9: {  	s0 =	simm.s32 $0xFFFFFFFF;
	s6 =	simm.s32 @p1 $0xFFFFFFFF  }
0x2fa: {  	s7 =	simm.s32 $0x1;
	s6 =	smov.u32 @p0 s0  }
.LBB2_26:
0x2fb: {  	s0 =	smov.u32 s6;
	p0 =	sne.s32 s6, $0xFFFFFFFF  }
0x2fc: {  	s5 =	sadd.s32 $0x1, s5;
	s6 =	smov.u32 s7;
	s7 =	sadd.s32 $0x1, s7  }
0x2fd: {  	p1 =	sne.s32 s2, s7;
	v1 =	vld.msk @!p0 [tilespmem:s5+$0x0], $0x1;
	_ =	sdelay $0x4  }
0x2fe: {  	(v2sf) =	vpush @!p0 v1, $0x0;
	_ =	sdelay $0xe  }
.Ltmp23:
0x2ff: {  	s8 =	spop @!p0 (v2sf);
	(pc) =	sbr.rel @p1 .LBB2_26-.Ltmp23, $4  }
0x300: {  	p2 =	seq.s32 @!p0 s4, s8  }
0x301: {  	p2 =	por !p2, p0  }
0x302: {  	s6 =	simm.s32 @p2 $0xFFFFFFFF  }
0x303: {  	s6 =	smov.u32 @p0 s0  }
.LBB2_27:
0x304: {  	p0 =	sne.s32 s6, $0xFFFFFFFF  }
.Ltmp24:
0x305: {  	_ = 	snop;
	(pc) =	sbr.rel @!p0 .LBB2_28-.Ltmp24, $1  }
0x306: {  	_ =	sdelay $0x3  }
0x307: {  	s0 =	sshll.u32 s3, $0x4  }
0x308: {  	s0 =	sand.u32 $0x3FFFFFF0, s0  }
0x309: {  	v0 =	vld [tilespmem:s0+$0x3678]  }
.Ltmp25:
0x30a: {  	_ = 	snop;
	(pc) =	sbr.rel .LBB2_30-.Ltmp25, $4  }
0x30b: {  	_ = 	snop  }
0x30c: {  	s31 =	sshll.u32 s6, $0x6  }
0x30d: {  	s0 =	sshra.s32 s31, $0x2  }
0x30e: {  	[tilespmem:s0+$0x3678] =	vst.add.f32.msk $0xffff, v0  }
.LBB2_31:
0x30f: {  	p0 =	slt.s32 s2, $0x1  }
.Ltmp26:
0x310: {  	_ = 	snop;
	(pc) =	sbr.rel @p0 .LBB2_35-.Ltmp26, $3  }
0x311: {  	_ =	sdelay $0x1  }
0x312: {  	s0 =	simm.s32 $0x6  }
0x313: {  	s3 =	simm.s32 $0x0;
	[sflag:s0] =	ssyncpa.u1 $0x1  }
0x314: {  	s0 =	simm.s32 $0x3658  }
0x315: {  	v0 =	vld.msk [tilespmem:s0+$0x0], $0x1;
	_ =	sdelay $0x4  }
0x316: {  	(v2sf) =	vpush v0, $0x0;
	_ =	sdelay $0xd  }
0x317: {  	s2 =	sadd.s32 $0xFFFFFFFF, s2  }
0x318: {  	p1 =	sne.s32 s2, $0x0;
	s0 =	spop (v2sf)  }
.Ltmp27:
0x319: {  	p0 =	sgt.u32 s0, $0x270FE;
	(pc) =	sbr.rel @!p1 .LBB2_34-.Ltmp27, $4  }
0x31a: {  	s4 =	simm.s32 $0x3678;
	s5 =	sand.u32 @!p0 $0x3FFF8, s0  }
0x31b: {  	s6 =	simm.s32 $0x0;
	s0 =	sand.u32 @!p0 $0x7, s0;
	s5 =	sadd.s32 @!p0 s1, s5  }
0x31c: {  	[hbm4b:s5+s0] =	stream.linear.scatter @!p0 [tilespmem:s4], [sflag:$0x5], $0xA, $0x38;
	[tilespmem:$0x1F0E8] =	vst v63  }
0x31d: {  	s6 =	simm.s32 @!p0 $0x28;
	s5 =	simm.s32 $0x3659  }
.LBB2_33:
0x31e: {  	v0 =	vld.msk [tilespmem:s5+$0x0], $0x1;
	s2 =	sadd.s32 $0xFFFFFFFF, s2;
	s3 =	sadd.s32 s3, s6  }
0x31f: {  	p0 =	sne.s32 s2, $0x0;
	_ =	sdelay $0x3  }
0x320: {  	(v2sf) =	vpush v0, $0x0;
	_ =	sdelay $0xe  }
.Ltmp28:
0x321: {  	s0 =	spop (v2sf);
	(pc) =	sbr.rel @p0 .LBB2_33-.Ltmp28, $4  }
0x322: {  	s6 =	simm.s32 $0x0;
	p1 =	sgt.u32 s0, $0x270FE  }
0x323: {  	s4 =	sadd.s32 $0x10, s4;
	s6 =	simm.s32 @!p1 $0x28;
	s7 =	sand.u32 @!p1 $0x3FFF8, s0  }
0x324: {  	s5 =	sadd.s32 $0x1, s5;
	s0 =	sand.u32 @!p1 $0x7, s0;
	s7 =	sadd.s32 @!p1 s1, s7  }
0x325: {  	[hbm4b:s7+s0] =	stream.linear.scatter @!p1 [tilespmem:s4], [sflag:$0x5], $0xA, $0x38;
	[tilespmem:$0x1F0E8] =	vst v63  }
.LBB2_34:
0x326: {  	s0 =	sadd.s32 s3, s6  }
0x327: {  	s3 =	sshrl.u32 s0, $0x2  }
.LBB2_35:
0x328: {  	s0 =	simm.s32 $0x5  }
0x329: {  	_ =	swait.ge [sflag:s0], s3  }
0x32a: {  	s1 =	ssub.s32 $0x0, s3;
	[sflag:s0] =	ssyncset.done $0x0  }
0x32b: {  	[sflag:s0] =	ssyncadd.s32 s1  }
0x32c: {  	[sflag:s0] =	ssyncpa.u1 $0x1  }
0x32d: {  	s30 =	simm.s32 $0x1;
	_ =	sfence  }
0x32e: {  	[sflag:s30] =	ssyncpa.u1 $0x1  }
0x32f: {  	_ =	strace $0x9000005F  }
0x330: {  	[bflag:$0x2] =	sbarrier.arrive $0xFFFF  }
0x331: {  	s31 =	rddreg [dreg:$0x1]  }
0x332: {  	s0 =	sadd.s32 $0x100000, s31  }
0x333: {  	[sflag:s0] =	ssyncadd.tile.s32 $0x1;
	_ =	shalt  }
.Lfunc_end2:
_tile_overlayer_lowered:
.L_overlay_start_2:
0x334: {  	(tag) =	ssettag $0x2  }
0x335: {  	s0 =	rddreg [dreg:$0x0];
	s2 =	stileid.u32  }
0x336: {  	s1 =	rddreg [dreg:$0x1];
	p0 =	sne.s32 s2, $0x0  }
0x337: {  	s3 =	rddreg [dreg:$0x2];
	[bflag:$0x3] =	sbarrier.arrive $0xFFFF;
	s2 =	simm.s32 @!p0 $0x1C01  }
0x338: {  	[timem:s3], [sflag:s2] =	dma.local @!p0 [hbm:s0], s1  }
0x339: {  	s0 =	simm.s32 @!p0 $0x1  }
0x33a: {  	_ =	swait.ge @!p0 [sflag:s0], s1  }
0x33b: {  	s1 =	ssub.s32 @!p0 $0x0, s1;
	[sflag:s0] =	ssyncset.done @!p0 $0x0  }
0x33c: {  	[sflag:s0] =	ssyncadd.s32 @!p0 s1  }
0x33d: {  	[bflag:$0x3] =	sbarrier.arrive $0xFFFF  }
0x33e: {  	_ =	shalt  }

// kernel: scatter_offload_async_start.5
scs
__scs_entry_jumppad:
0x0: {  	(pc) =	sbr.rel $0x88, $3  }
0x1: {  	(tag) =	ssettag $0x0;
	lr =	simm.s32 $0x1  }
0x2: {  	[smem:$0x3F92] =	sst lr;
	_ =	strace $0xD0000000  }
0x3: {  	_ = 	snop  }
0x4: {  	_ = 	snop  }
0x5: {  	_ = 	snop  }
0x6: {  	_ = 	snop  }
0x7: {  	_ = 	snop  }
__scs_overlays_trampoline_lowered:
0x8: {  	[smem:$0x3FA1] =	sst s0  }
0x9: {  	[smem:$0x3FA2] =	sst s1  }
0xa: {  	[smem:$0x3FA3] =	sst s2  }
0xb: {  	[smem:$0x3FA4] =	sst s3  }
0xc: {  	[smem:$0x3FA5] =	sst s4  }
0xd: {  	[smem:$0x3FA6] =	sst s5  }
0xe: {  	[smem:$0x3FA7] =	sst s6  }
0xf: {  	[smem:$0x3FA8] =	sst s7  }
0x10: {  	[smem:$0x3FA9] =	sst s8  }
0x11: {  	[smem:$0x3FAA] =	sst s9;
	s0 =	simm.s32 @!p0 $0x0  }
0x12: {  	s1 =	sld [smem:$0x3F90];
	s0 =	simm.s32 @p0 $0x1  }
0x13: {  	[smem:$0x3FAB] =	sst s0;
	s0 =	simm.s32 @!p1 $0x0  }
0x14: {  	s2 =	sld [smem:$0x3F8F];
	s0 =	simm.s32 @p1 $0x1  }
0x15: {  	[smem:$0x3FAC] =	sst s0;
	s0 =	simm.s32 @!p2 $0x0  }
0x16: {  	s3 =	sld [smem:$0x3FDB];
	s0 =	simm.s32 @p2 $0x1  }
0x17: {  	s4 =	simm.s32 $0x1BF5;
	[smem:$0x3FAE] =	sst s0  }
0x18: {  	s0 =	sld [smem:$0x3F91];
	_ =	swait.ge [sflag:s4], $0x0  }
0x19: {  	s7 =	sld [smem:$0x3F92]  }
0x1a: {  	s8 =	sadd.s32 $0xFFFFE003, lr  }
0x1b: {  	s9 =	sadd.s32 $0xFFFFFEF7, lr;
	s5 =	simm.s32 $0xFFFFFFFF;
	p2 =	slt.u32 s8, $0xFFFFF086  }
0x1c: {  	p1 =	slt.u32 s9, $0xF7A;
	s5 =	simm.s32 @!p2 $0x0  }
0x1d: {  	s5 =	simm.s32 @p1 $0x1;
	p0 =	seq.s32 s7, s2  }
0x1e: {  	s7 =	smul.u32 @!p0 $0xF7A, s2;
	p2 =	seq.s32 @!p0 s5, $0x0  }
0x1f: {  	s9 =	smul.u32 $0xF7A, s1;
	s8 =	simm.s32 @!p0 $0x1BF5;
	p2 =	por !p2, p0  }
0x20: {  	[sflag:s8] =	ssyncset.s32 @!p0 $0xFFFFF086;
	s6 =	sadd.s32 @!p0 s3, s7;
	s7 =	simm.s32 @!p0 $0x108  }
0x21: {  	s3 =	sadd.s32 s3, s9;
	s6 =	sadd.s32 @!p0 $0x88, s6;
	s7 =	simm.s32 @p2 $0x1082  }
0x22: {  	[simem:s7], [sflag:s8] =	dma.local @!p0 [hbm:s6], $0xF7A  }
0x23: {  	s9 =	sor.u32 $0xD0000000, s2;
	s6 =	simm.s32 $0x108;
	_ =	swait.ge @!p0 [sflag:s8], $0x0  }
0x24: {  	s3 =	sadd.s32 $0x88, s3;
	s6 =	simm.s32 @!p1 $0x1082;
	[sflag:s4] =	ssyncset.s32 $0xFFFFF086  }
0x25: {  	[simem:s6], [sflag:s4] =	dma.local [hbm:s3], $0xF7A  }
0x26: {  	[smem:$0x3F92] =	sst s1;
	(tag) =	ssettag s2;
	_ =	strace s9  }
0x27: {  	s1 =	sld [smem:$0x3FA2]  }
0x28: {  	s2 =	sld [smem:$0x3FA3]  }
0x29: {  	s4 =	sld [smem:$0x3FA5]  }
0x2a: {  	p0 =	seq.s32 s5, $0x0;
	s5 =	sld [smem:$0x3FA6]  }
0x2b: {  	s6 =	sld [smem:$0x3FA7]  }
0x2c: {  	s7 =	sld [smem:$0x3FA8]  }
0x2d: {  	s3 =	simm.s32 $0x108;
	s8 =	sld [smem:$0x3FA9]  }
0x2e: {  	s3 =	simm.s32 @!p0 $0x1082;
	s9 =	sld [smem:$0x3FAA]  }
0x2f: {  	lr =	sadd.s32 s0, s3;
	s0 =	sld [smem:$0x3FA1]  }
0x30: {  	s3 =	sld [smem:$0x3FA4]  }
0x31: {  	[smem:$0x3FAD] =	sst s10  }
0x32: {  	s10 =	sld [smem:$0x3FAB];
	_ =	sdelay $0x3  }
0x33: {  	p0 =	seq.s32 s10, $0x1;
	s10 =	sld [smem:$0x3FAD];
	_ =	sdelay $0x3  }
0x34: {  	[smem:$0x3FAD] =	sst s10  }
0x35: {  	s10 =	sld [smem:$0x3FAC];
	_ =	sdelay $0x3  }
0x36: {  	p1 =	seq.s32 s10, $0x1;
	s10 =	sld [smem:$0x3FAD];
	_ =	sdelay $0x3  }
0x37: {  	[smem:$0x3FAD] =	sst s10  }
0x38: {  	s10 =	sld [smem:$0x3FAE]  }
0x39: {  	_ = 	snop;
	(pc) =	sbr.ind lr, $3  }
0x3a: {  	_ = 	snop  }
0x3b: {  	_ = 	snop  }
0x3c: {  	p2 =	seq.s32 s10, $0x1;
	s10 =	sld [smem:$0x3FAD]  }
0x3d: {  	_ =	shalt  }
0x3e: {  	_ =	shalt  }
0x3f: {  	_ =	shalt  }
0x40: {  	_ =	shalt  }
0x41: {  	_ =	shalt  }
0x42: {  	_ =	shalt  }
0x43: {  	_ =	shalt  }
0x44: {  	_ =	shalt  }
0x45: {  	_ =	shalt  }
0x46: {  	_ =	shalt  }
0x47: {  	_ =	shalt  }
0x48: {  	_ =	shalt  }
0x49: {  	_ =	shalt  }
0x4a: {  	_ =	shalt  }
0x4b: {  	_ =	shalt  }
0x4c: {  	_ =	shalt  }
0x4d: {  	_ =	shalt  }
0x4e: {  	_ =	shalt  }
0x4f: {  	_ =	shalt  }
0x50: {  	_ =	shalt  }
0x51: {  	_ =	shalt  }
0x52: {  	_ =	shalt  }
0x53: {  	_ =	shalt  }
0x54: {  	_ =	shalt  }
0x55: {  	_ =	shalt  }
0x56: {  	_ =	shalt  }
0x57: {  	_ =	shalt  }
0x58: {  	_ =	shalt  }
0x59: {  	_ =	shalt  }
0x5a: {  	_ =	shalt  }
0x5b: {  	_ =	shalt  }
0x5c: {  	_ =	shalt  }
0x5d: {  	_ =	shalt  }
0x5e: {  	_ =	shalt  }
0x5f: {  	_ =	shalt  }
0x60: {  	_ =	shalt  }
0x61: {  	_ =	shalt  }
0x62: {  	_ =	shalt  }
0x63: {  	_ =	shalt  }
0x64: {  	_ =	shalt  }
0x65: {  	_ =	shalt  }
0x66: {  	_ =	shalt  }
0x67: {  	_ =	shalt  }
0x68: {  	_ =	shalt  }
0x69: {  	_ =	shalt  }
0x6a: {  	_ =	shalt  }
0x6b: {  	_ =	shalt  }
0x6c: {  	_ =	shalt  }
0x6d: {  	_ =	shalt  }
0x6e: {  	_ =	shalt  }
0x6f: {  	_ =	shalt  }
0x70: {  	_ =	shalt  }
0x71: {  	_ =	shalt  }
0x72: {  	_ =	shalt  }
0x73: {  	_ =	shalt  }
0x74: {  	_ =	shalt  }
0x75: {  	_ =	shalt  }
0x76: {  	_ =	shalt  }
0x77: {  	_ =	shalt  }
0x78: {  	_ =	shalt  }
0x79: {  	_ =	shalt  }
0x7a: {  	_ =	shalt  }
0x7b: {  	_ =	shalt  }
0x7c: {  	_ =	shalt  }
0x7d: {  	_ =	shalt  }
0x7e: {  	_ =	shalt  }
0x7f: {  	_ =	shalt  }
0x80: {  	_ =	shalt  }
0x81: {  	_ =	shalt  }
0x82: {  	_ =	shalt  }
0x83: {  	_ =	shalt  }
0x84: {  	_ =	shalt  }
0x85: {  	_ =	shalt  }
0x86: {  	_ =	shalt  }
0x87: {  	_ =	shalt  }
.Lfunc_end0:
.L_simem_size_0:
called_computation.5_lowered:
.L_overlay_start_0:
0x88: {  	s0 =	sld [smem:$0x3FD9]  }
0x89: {  	s1 =	sld [smem:$0x3FFE];
	_ =	sdelay $0x3  }
0x8a: {  	s0 =	sadd.s32 s1, s0  }
0x8b: {  	[smem:$0x3FB9] =	sst s0  }
0x8c: {  	_ = 	snop  }
0x8d: {  	s0 =	sld [smem:$0x3FD0];
	_ =	sdelay $0x2  }
0x8e: {  	s13 =	simm.s32 $0xB;
	s2 =	simm.s32 $0x10  }
0x8f: {  	[smem:s2], [sflag:s13] =	dma.local [hbm:s0], $0x1  }
0x90: {  	_ =	swait.eq [sflag:s13], $0x1  }
0x91: {  	[sflag:s13] =	ssyncset.done $0x0  }
0x92: {  	[sflag:s13] =	ssyncadd.s32 $0xFFFFFFFF  }
0x93: {  	s14 =	sld [smem:$0x10];
	(tm) =	ssettm $0x1  }
0x94: {  	s15 =	sld [smem:$0x3FFB];
	_ =	sdelay $0x3  }
0x95: {  	_ =	strace s15  }
0x96: {  	s1 =	sld [smem:$0x3FFC];
	_ =	sdelay $0x3  }
0x97: {  	_ =	strace s1  }
0x98: {  	s1 =	sld [smem:$0x3FFD];
	_ =	sdelay $0x3  }
0x99: {  	_ =	strace s1  }
0x9a: {  	_ =	strace $0x8FFFFFFF  }
0x9b: {  	s16 =	sld [smem:$0x3FDB];
	_ =	sdelay $0x1  }
0x9c: {  	s17 =	simm.s32 $_scs_section_size  }
0x9d: {  	s3 =	simm.s32 $_size__tile_overlayer_lowered;
	s4 =	simm.s32 $_tile_overlayer_lowered  }
0x9e: {  	s20 =	simm.s32 $0x1BFF;
	s19 =	sshll.u32 s4, $0x1;
	s1 =	sadd.s32 s17, s16  }
0x9f: {  	s5 =	simm.s32 $0x0;
	s18 =	sshll.u32 s3, $0x1;
	s3 =	sadd.s32 s19, s1  }
0xa0: {  	[timem:s5], [sflag:s20] =	dma.local [hbm:s3], s18  }
0xa1: {  	_ =	swait.ge [sflag:s20], s18  }
0xa2: {  	s2 =	ssub.s32 $0x0, s18;
	[sflag:s20] =	ssyncset.done $0x0  }
0xa3: {  	[sflag:s20] =	ssyncadd.s32 s2;
	_ =	sdelay $0x1  }
0xa4: {  	s21 =	simm.s32 $0x1B8B  }
0xa5: {  	_ =	swait.ge [sflag:s21], $0x1  }
0xa6: {  	[sflag:s21] =	ssyncset.done $0x0  }
0xa7: {  	s23 =	simm.s32 $0x1B8E;
	s22 =	sld [smem:$0x3FFE];
	[sflag:s21] =	ssyncadd.s32 $0xFFFFFFFF  }
0xa8: {  	s24 =	simm.s32 $execute0_lowered;
	[smem:$0x3FD2] =	sst s23  }
0xa9: {  	s3 =	sshll.u32 s24, $0x1;
	_ =	strace $0x80000061;
	[dreg:$0x1] =	wrdreg $0xFFFFFFFF  }
0xaa: {  	s25 =	simm.s32 $_size_execute0_lowered;
	s1 =	sadd.s32 s1, s3;
	[dreg:$0x0] =	wrdreg $0x0  }
0xab: {  	s3 =	sshll.u32 s25, $0x1;
	[dreg:$0x2] =	wrdreg s1  }
0xac: {  	[dreg:$0x3] =	wrdreg s3  }
0xad: {  	[dreg:$0x4] =	wrdreg $0xC0  }
0xae: {  	_ =	task [dreg:s5], $0x5FFFF  }
0xaf: {  	[dreg:$0x1] =	wrdreg $0xFFFFFFFF  }
0xb0: {  	[dreg:$0x0] =	wrdreg $0x60  }
0xb1: {  	[dreg:$0x2] =	wrdreg s14  }
0xb2: {  	[dreg:$0x3] =	wrdreg s22  }
0xb3: {  	[dreg:$0x4] =	wrdreg $0x9  }
0xb4: {  	_ =	task.clear_ibuf [dreg:s5], $0x5FFFF;
	_ =	strace $0x90000061  }
0xb5: {  	s26 =	simm.s32 $0x9;
	_ =	strace $0x80000063  }
0xb6: {  	_ =	swait.ge [sflag:s26], $0x1  }
0xb7: {  	[sflag:s26] =	ssyncadd.s32 $0xFFFFFFFF  }
0xb8: {  	_ =	strace $0x90000063  }
0xb9: {  	_ =	sfence  }
0xba: {  	s28 =	sld [smem:$0x0];
	_ =	sdelay $0x1  }
0xbb: {  	s29 =	srdreg.scid  }
0xbc: {  	s30 =	sshll.u32 s29, $0xD;
	s31 =	sshrl.u32 s29, $0x2  }
0xbd: {  	s2 =	sand.u32 $0x4000, s30;
	s1 =	sand.u32 $0x1, s29;
	s0 =	sadd.s32 s31, s28  }
0xbe: {  	s1 =	sor.u32 s2, s1;
	s0 =	sshll.u32 s0, $0x11  }
0xbf: {  	s0 =	sor.u32 s0, s1  }
0xc0: {  	s0 =	sadd.s32 $0x8F2B, s0  }
0xc1: {  	[sflag:s0] =	ssyncadd.remote.s32 $0x1  }
0xc2: {  	_ =	sfence.sel $0xFFFF  }
0xc3: {  	[dreg:$0x0] =	wrdreg $0xFFFFFFFF;
	(pc) =	sbr.abs _section_cstart, $3  }
0xc4: {  	[dreg:$0x1] =	wrdreg $0xFFFFFFFF  }
0xc5: {  	_ =	task.clear_ibuf [dreg:s5], $0x2FFFF;
	_ =	strace $0x9FFFFFFF  }
0xc6: {  	(tm) =	ssettm $0x7FFFFFFF  }
0xc7: {  	_ =	shalt  }
tec
execute0_lowered:
.L_overlay_start_1:
0x0: {  	(tag) =	ssettag $0x1  }
0x1: {  	s1 =	rddreg [dreg:$0x0]  }
0x2: {  	s8 =	rddreg [dreg:$0x1];
	_ =	strace $0x80000062;
	s11 =	simm.s32 $0x1  }
0x3: {  	v0 =	vimm.s32 $0x0;
	[sflag:s11] =	ssyncpa.u1 $0x0  }
0x4: {  	[tilespmem:$0x28] =	vst v0  }
0x5: {  	[tilespmem:$0x38] =	vst v0  }
0x6: {  	[tilespmem:$0x48] =	vst v0  }
0x7: {  	[tilespmem:$0x58] =	vst v0  }
0x8: {  	[tilespmem:$0x68] =	vst v0  }
0x9: {  	[tilespmem:$0x78] =	vst v0  }
0xa: {  	[tilespmem:$0x88] =	vst v0  }
0xb: {  	[tilespmem:$0x98] =	vst v0  }
0xc: {  	[tilespmem:$0xA8] =	vst v0  }
0xd: {  	[tilespmem:$0xB8] =	vst v0  }
0xe: {  	[tilespmem:$0xC8] =	vst v0  }
0xf: {  	[tilespmem:$0xD8] =	vst v0  }
0x10: {  	[tilespmem:$0xE8] =	vst v0  }
0x11: {  	[tilespmem:$0xF8] =	vst v0  }
0x12: {  	[tilespmem:$0x108] =	vst v0  }
0x13: {  	[tilespmem:$0x118] =	vst v0  }
0x14: {  	[tilespmem:$0x128] =	vst v0  }
0x15: {  	[tilespmem:$0x138] =	vst v0  }
0x16: {  	[tilespmem:$0x148] =	vst v0  }
0x17: {  	[tilespmem:$0x158] =	vst v0  }
0x18: {  	[tilespmem:$0x168] =	vst v0  }
0x19: {  	[tilespmem:$0x178] =	vst v0  }
0x1a: {  	[tilespmem:$0x188] =	vst v0  }
0x1b: {  	[tilespmem:$0x198] =	vst v0  }
0x1c: {  	[tilespmem:$0x1A8] =	vst v0  }
0x1d: {  	[tilespmem:$0x1B8] =	vst v0  }
0x1e: {  	[tilespmem:$0x1C8] =	vst v0  }
0x1f: {  	[tilespmem:$0x1D8] =	vst v0  }
0x20: {  	[tilespmem:$0x1E8] =	vst v0  }
0x21: {  	[tilespmem:$0x1F8] =	vst v0  }
0x22: {  	[tilespmem:$0x208] =	vst v0  }
0x23: {  	[tilespmem:$0x218] =	vst v0  }
0x24: {  	[tilespmem:$0x228] =	vst v0  }
0x25: {  	[tilespmem:$0x238] =	vst v0  }
0x26: {  	[tilespmem:$0x248] =	vst v0  }
0x27: {  	[tilespmem:$0x258] =	vst v0  }
0x28: {  	[tilespmem:$0x268] =	vst v0  }
0x29: {  	[tilespmem:$0x278] =	vst v0  }
0x2a: {  	[tilespmem:$0x288] =	vst v0  }
0x2b: {  	[tilespmem:$0x298] =	vst v0  }
0x2c: {  	[tilespmem:$0x2A8] =	vst v0  }
0x2d: {  	[tilespmem:$0x2B8] =	vst v0  }
0x2e: {  	[tilespmem:$0x2C8] =	vst v0  }
0x2f: {  	[tilespmem:$0x2D8] =	vst v0  }
0x30: {  	[tilespmem:$0x2E8] =	vst v0  }
0x31: {  	[tilespmem:$0x2F8] =	vst v0  }
0x32: {  	[tilespmem:$0x308] =	vst v0  }
0x33: {  	[tilespmem:$0x318] =	vst v0  }
0x34: {  	[tilespmem:$0x328] =	vst v0  }
0x35: {  	[tilespmem:$0x338] =	vst v0  }
0x36: {  	[tilespmem:$0x348] =	vst v0  }
0x37: {  	[tilespmem:$0x358] =	vst v0  }
0x38: {  	[tilespmem:$0x368] =	vst v0  }
0x39: {  	[tilespmem:$0x378] =	vst v0  }
0x3a: {  	[tilespmem:$0x388] =	vst v0  }
0x3b: {  	[tilespmem:$0x398] =	vst v0  }
0x3c: {  	[tilespmem:$0x3A8] =	vst v0  }
0x3d: {  	[tilespmem:$0x3B8] =	vst v0  }
0x3e: {  	[tilespmem:$0x3C8] =	vst v0  }
0x3f: {  	[tilespmem:$0x3D8] =	vst v0  }
0x40: {  	[tilespmem:$0x3E8] =	vst v0  }
0x41: {  	[tilespmem:$0x3F8] =	vst v0  }
0x42: {  	[tilespmem:$0x408] =	vst v0  }
0x43: {  	[tilespmem:$0x418] =	vst v0  }
0x44: {  	[tilespmem:$0x428] =	vst v0  }
0x45: {  	[tilespmem:$0x438] =	vst v0  }
0x46: {  	[tilespmem:$0x448] =	vst v0  }
0x47: {  	[tilespmem:$0x458] =	vst v0  }
0x48: {  	[tilespmem:$0x468] =	vst v0  }
0x49: {  	[tilespmem:$0x478] =	vst v0  }
0x4a: {  	[tilespmem:$0x488] =	vst v0  }
0x4b: {  	[tilespmem:$0x498] =	vst v0  }
0x4c: {  	[tilespmem:$0x4A8] =	vst v0  }
0x4d: {  	[tilespmem:$0x4B8] =	vst v0  }
0x4e: {  	[tilespmem:$0x4C8] =	vst v0  }
0x4f: {  	[tilespmem:$0x4D8] =	vst v0  }
0x50: {  	[tilespmem:$0x4E8] =	vst v0  }
0x51: {  	[tilespmem:$0x4F8] =	vst v0  }
0x52: {  	[tilespmem:$0x508] =	vst v0  }
0x53: {  	[tilespmem:$0x518] =	vst v0  }
0x54: {  	[tilespmem:$0x528] =	vst v0  }
0x55: {  	[tilespmem:$0x538] =	vst v0  }
0x56: {  	[tilespmem:$0x548] =	vst v0  }
0x57: {  	[tilespmem:$0x558] =	vst v0  }
0x58: {  	[tilespmem:$0x568] =	vst v0  }
0x59: {  	[tilespmem:$0x578] =	vst v0  }
0x5a: {  	[tilespmem:$0x588] =	vst v0  }
0x5b: {  	[tilespmem:$0x598] =	vst v0  }
0x5c: {  	[tilespmem:$0x5A8] =	vst v0  }
0x5d: {  	[tilespmem:$0x5B8] =	vst v0  }
0x5e: {  	[tilespmem:$0x5C8] =	vst v0  }
0x5f: {  	[tilespmem:$0x5D8] =	vst v0  }
0x60: {  	[tilespmem:$0x5E8] =	vst v0  }
0x61: {  	[tilespmem:$0x5F8] =	vst v0  }
0x62: {  	[tilespmem:$0x608] =	vst v0  }
0x63: {  	[tilespmem:$0x618] =	vst v0  }
0x64: {  	[tilespmem:$0x628] =	vst v0  }
0x65: {  	[tilespmem:$0x638] =	vst v0  }
0x66: {  	[tilespmem:$0x648] =	vst v0  }
0x67: {  	[tilespmem:$0x658] =	vst v0  }
0x68: {  	[tilespmem:$0x668] =	vst v0  }
0x69: {  	[tilespmem:$0x678] =	vst v0  }
0x6a: {  	[tilespmem:$0x688] =	vst v0  }
0x6b: {  	[tilespmem:$0x698] =	vst v0  }
0x6c: {  	[tilespmem:$0x6A8] =	vst v0  }
0x6d: {  	[tilespmem:$0x6B8] =	vst v0  }
0x6e: {  	[tilespmem:$0x6C8] =	vst v0  }
0x6f: {  	[tilespmem:$0x6D8] =	vst v0  }
0x70: {  	[tilespmem:$0x6E8] =	vst v0  }
0x71: {  	[tilespmem:$0x6F8] =	vst v0  }
0x72: {  	[tilespmem:$0x708] =	vst v0  }
0x73: {  	[tilespmem:$0x718] =	vst v0  }
0x74: {  	[tilespmem:$0x728] =	vst v0  }
0x75: {  	[tilespmem:$0x738] =	vst v0  }
0x76: {  	[tilespmem:$0x748] =	vst v0  }
0x77: {  	[tilespmem:$0x758] =	vst v0  }
0x78: {  	[tilespmem:$0x768] =	vst v0  }
0x79: {  	[tilespmem:$0x778] =	vst v0  }
0x7a: {  	[tilespmem:$0x788] =	vst v0  }
0x7b: {  	[tilespmem:$0x798] =	vst v0  }
0x7c: {  	[tilespmem:$0x7A8] =	vst v0  }
0x7d: {  	[tilespmem:$0x7B8] =	vst v0  }
0x7e: {  	[tilespmem:$0x7C8] =	vst v0  }
0x7f: {  	[tilespmem:$0x7D8] =	vst v0  }
0x80: {  	[tilespmem:$0x7E8] =	vst v0  }
0x81: {  	[tilespmem:$0x7F8] =	vst v0  }
0x82: {  	[tilespmem:$0x808] =	vst v0  }
0x83: {  	[tilespmem:$0x818] =	vst v0  }
0x84: {  	[tilespmem:$0x828] =	vst v0  }
0x85: {  	[tilespmem:$0x838] =	vst v0  }
0x86: {  	[tilespmem:$0x848] =	vst v0  }
0x87: {  	[tilespmem:$0x858] =	vst v0  }
0x88: {  	[tilespmem:$0x868] =	vst v0  }
0x89: {  	[tilespmem:$0x878] =	vst v0  }
0x8a: {  	[tilespmem:$0x888] =	vst v0  }
0x8b: {  	[tilespmem:$0x898] =	vst v0  }
0x8c: {  	[tilespmem:$0x8A8] =	vst v0  }
0x8d: {  	[tilespmem:$0x8B8] =	vst v0  }
0x8e: {  	[tilespmem:$0x8C8] =	vst v0  }
0x8f: {  	[tilespmem:$0x8D8] =	vst v0  }
0x90: {  	[tilespmem:$0x8E8] =	vst v0  }
0x91: {  	[tilespmem:$0x8F8] =	vst v0  }
0x92: {  	[tilespmem:$0x908] =	vst v0  }
0x93: {  	[tilespmem:$0x918] =	vst v0  }
0x94: {  	[tilespmem:$0x928] =	vst v0  }
0x95: {  	[tilespmem:$0x938] =	vst v0  }
0x96: {  	[tilespmem:$0x948] =	vst v0  }
0x97: {  	[tilespmem:$0x958] =	vst v0  }
0x98: {  	[tilespmem:$0x968] =	vst v0  }
0x99: {  	[tilespmem:$0x978] =	vst v0  }
0x9a: {  	[tilespmem:$0x988] =	vst v0  }
0x9b: {  	[tilespmem:$0x998] =	vst v0  }
0x9c: {  	[tilespmem:$0x9A8] =	vst v0  }
0x9d: {  	[tilespmem:$0x9B8] =	vst v0  }
0x9e: {  	[tilespmem:$0x9C8] =	vst v0  }
0x9f: {  	[tilespmem:$0x9D8] =	vst v0  }
0xa0: {  	[tilespmem:$0x9E8] =	vst v0  }
0xa1: {  	[tilespmem:$0x9F8] =	vst v0  }
0xa2: {  	[tilespmem:$0xA08] =	vst v0  }
0xa3: {  	[tilespmem:$0xA18] =	vst v0  }
0xa4: {  	[tilespmem:$0xA28] =	vst v0  }
0xa5: {  	[tilespmem:$0xA38] =	vst v0  }
0xa6: {  	[tilespmem:$0xA48] =	vst v0  }
0xa7: {  	[tilespmem:$0xA58] =	vst v0  }
0xa8: {  	[tilespmem:$0xA68] =	vst v0  }
0xa9: {  	[tilespmem:$0xA78] =	vst v0  }
0xaa: {  	[tilespmem:$0xA88] =	vst v0  }
0xab: {  	[tilespmem:$0xA98] =	vst v0  }
0xac: {  	[tilespmem:$0xAA8] =	vst v0  }
0xad: {  	[tilespmem:$0xAB8] =	vst v0  }
0xae: {  	[tilespmem:$0xAC8] =	vst v0  }
0xaf: {  	[tilespmem:$0xAD8] =	vst v0  }
0xb0: {  	[tilespmem:$0xAE8] =	vst v0  }
0xb1: {  	[tilespmem:$0xAF8] =	vst v0  }
0xb2: {  	[tilespmem:$0xB08] =	vst v0  }
0xb3: {  	[tilespmem:$0xB18] =	vst v0  }
0xb4: {  	[tilespmem:$0xB28] =	vst v0  }
0xb5: {  	[tilespmem:$0xB38] =	vst v0  }
0xb6: {  	[tilespmem:$0xB48] =	vst v0  }
0xb7: {  	[tilespmem:$0xB58] =	vst v0  }
0xb8: {  	[tilespmem:$0xB68] =	vst v0  }
0xb9: {  	[tilespmem:$0xB78] =	vst v0  }
0xba: {  	[tilespmem:$0xB88] =	vst v0  }
0xbb: {  	[tilespmem:$0xB98] =	vst v0  }
0xbc: {  	[tilespmem:$0xBA8] =	vst v0  }
0xbd: {  	[tilespmem:$0xBB8] =	vst v0  }
0xbe: {  	[tilespmem:$0xBC8] =	vst v0  }
0xbf: {  	[tilespmem:$0xBD8] =	vst v0  }
0xc0: {  	[tilespmem:$0xBE8] =	vst v0  }
0xc1: {  	[tilespmem:$0xBF8] =	vst v0  }
0xc2: {  	[tilespmem:$0xC08] =	vst v0  }
0xc3: {  	[tilespmem:$0xC18] =	vst v0  }
0xc4: {  	[tilespmem:$0xC28] =	vst v0  }
0xc5: {  	[tilespmem:$0xC38] =	vst v0  }
0xc6: {  	[tilespmem:$0xC48] =	vst v0  }
0xc7: {  	[tilespmem:$0xC58] =	vst v0  }
0xc8: {  	[tilespmem:$0xC68] =	vst v0  }
0xc9: {  	[tilespmem:$0xC78] =	vst v0  }
0xca: {  	[tilespmem:$0xC88] =	vst v0  }
0xcb: {  	[tilespmem:$0xC98] =	vst v0  }
0xcc: {  	[tilespmem:$0xCA8] =	vst v0  }
0xcd: {  	[tilespmem:$0xCB8] =	vst v0  }
0xce: {  	[tilespmem:$0xCC8] =	vst v0  }
0xcf: {  	[tilespmem:$0xCD8] =	vst v0  }
0xd0: {  	[tilespmem:$0xCE8] =	vst v0  }
0xd1: {  	[tilespmem:$0xCF8] =	vst v0  }
0xd2: {  	[tilespmem:$0xD08] =	vst v0  }
0xd3: {  	[tilespmem:$0xD18] =	vst v0  }
0xd4: {  	[tilespmem:$0xD28] =	vst v0  }
0xd5: {  	[tilespmem:$0xD38] =	vst v0  }
0xd6: {  	[tilespmem:$0xD48] =	vst v0  }
0xd7: {  	[tilespmem:$0xD58] =	vst v0  }
0xd8: {  	[tilespmem:$0xD68] =	vst v0  }
0xd9: {  	[tilespmem:$0xD78] =	vst v0  }
0xda: {  	[tilespmem:$0xD88] =	vst v0  }
0xdb: {  	[tilespmem:$0xD98] =	vst v0  }
0xdc: {  	[tilespmem:$0xDA8] =	vst v0  }
0xdd: {  	[tilespmem:$0xDB8] =	vst v0  }
0xde: {  	[tilespmem:$0xDC8] =	vst v0  }
0xdf: {  	[tilespmem:$0xDD8] =	vst v0  }
0xe0: {  	[tilespmem:$0xDE8] =	vst v0  }
0xe1: {  	[tilespmem:$0xDF8] =	vst v0  }
0xe2: {  	[tilespmem:$0xE08] =	vst v0  }
0xe3: {  	[tilespmem:$0xE18] =	vst v0  }
0xe4: {  	[tilespmem:$0xE28] =	vst v0  }
0xe5: {  	[tilespmem:$0xE38] =	vst v0  }
0xe6: {  	[tilespmem:$0xE48] =	vst v0  }
0xe7: {  	[tilespmem:$0xE58] =	vst v0  }
0xe8: {  	[tilespmem:$0xE68] =	vst v0  }
0xe9: {  	[tilespmem:$0xE78] =	vst v0  }
0xea: {  	[tilespmem:$0xE88] =	vst v0  }
0xeb: {  	[tilespmem:$0xE98] =	vst v0  }
0xec: {  	[tilespmem:$0xEA8] =	vst v0  }
0xed: {  	[tilespmem:$0xEB8] =	vst v0  }
0xee: {  	[tilespmem:$0xEC8] =	vst v0  }
0xef: {  	[tilespmem:$0xED8] =	vst v0  }
0xf0: {  	[tilespmem:$0xEE8] =	vst v0  }
0xf1: {  	[tilespmem:$0xEF8] =	vst v0  }
0xf2: {  	[tilespmem:$0xF08] =	vst v0  }
0xf3: {  	[tilespmem:$0xF18] =	vst v0  }
0xf4: {  	[tilespmem:$0xF28] =	vst v0  }
0xf5: {  	[tilespmem:$0xF38] =	vst v0  }
0xf6: {  	[tilespmem:$0xF48] =	vst v0  }
0xf7: {  	[tilespmem:$0xF58] =	vst v0  }
0xf8: {  	[tilespmem:$0xF68] =	vst v0  }
0xf9: {  	[tilespmem:$0xF78] =	vst v0  }
0xfa: {  	[tilespmem:$0xF88] =	vst v0  }
0xfb: {  	[tilespmem:$0xF98] =	vst v0  }
0xfc: {  	[tilespmem:$0xFA8] =	vst v0  }
0xfd: {  	[tilespmem:$0xFB8] =	vst v0  }
0xfe: {  	[tilespmem:$0xFC8] =	vst v0  }
0xff: {  	[tilespmem:$0xFD8] =	vst v0  }
0x100: {  	[tilespmem:$0xFE8] =	vst v0  }
0x101: {  	[tilespmem:$0xFF8] =	vst v0  }
0x102: {  	[tilespmem:$0x1008] =	vst v0  }
0x103: {  	[tilespmem:$0x10D8] =	vst v0  }
0x104: {  	[tilespmem:$0x1B28] =	vst v0  }
0x105: {  	[tilespmem:$0x1B18] =	vst v0  }
0x106: {  	[tilespmem:$0x1B08] =	vst v0  }
0x107: {  	[tilespmem:$0x1AF8] =	vst v0  }
0x108: {  	[tilespmem:$0x1AE8] =	vst v0  }
0x109: {  	[tilespmem:$0x1AD8] =	vst v0  }
0x10a: {  	[tilespmem:$0x1AC8] =	vst v0  }
0x10b: {  	[tilespmem:$0x1AB8] =	vst v0  }
0x10c: {  	[tilespmem:$0x1AA8] =	vst v0  }
0x10d: {  	[tilespmem:$0x1A98] =	vst v0  }
0x10e: {  	[tilespmem:$0x1A88] =	vst v0  }
0x10f: {  	[tilespmem:$0x1A78] =	vst v0  }
0x110: {  	[tilespmem:$0x1A68] =	vst v0  }
0x111: {  	[tilespmem:$0x1A58] =	vst v0  }
0x112: {  	[tilespmem:$0x1A48] =	vst v0  }
0x113: {  	[tilespmem:$0x1A38] =	vst v0  }
0x114: {  	[tilespmem:$0x1A28] =	vst v0  }
0x115: {  	[tilespmem:$0x1A18] =	vst v0  }
0x116: {  	[tilespmem:$0x1A08] =	vst v0  }
0x117: {  	[tilespmem:$0x19F8] =	vst v0  }
0x118: {  	[tilespmem:$0x19E8] =	vst v0  }
0x119: {  	[tilespmem:$0x19D8] =	vst v0  }
0x11a: {  	[tilespmem:$0x19C8] =	vst v0  }
0x11b: {  	[tilespmem:$0x19B8] =	vst v0  }
0x11c: {  	[tilespmem:$0x19A8] =	vst v0  }
0x11d: {  	[tilespmem:$0x1998] =	vst v0  }
0x11e: {  	[tilespmem:$0x1988] =	vst v0  }
0x11f: {  	[tilespmem:$0x1978] =	vst v0  }
0x120: {  	[tilespmem:$0x1968] =	vst v0  }
0x121: {  	[tilespmem:$0x1958] =	vst v0  }
0x122: {  	[tilespmem:$0x1948] =	vst v0  }
0x123: {  	[tilespmem:$0x1938] =	vst v0  }
0x124: {  	[tilespmem:$0x1928] =	vst v0  }
0x125: {  	[tilespmem:$0x1918] =	vst v0  }
0x126: {  	[tilespmem:$0x1908] =	vst v0  }
0x127: {  	[tilespmem:$0x18F8] =	vst v0  }
0x128: {  	[tilespmem:$0x18E8] =	vst v0  }
0x129: {  	[tilespmem:$0x18D8] =	vst v0  }
0x12a: {  	[tilespmem:$0x18C8] =	vst v0  }
0x12b: {  	[tilespmem:$0x18B8] =	vst v0  }
0x12c: {  	[tilespmem:$0x18A8] =	vst v0  }
0x12d: {  	[tilespmem:$0x1898] =	vst v0  }
0x12e: {  	[tilespmem:$0x1888] =	vst v0  }
0x12f: {  	[tilespmem:$0x1878] =	vst v0  }
0x130: {  	[tilespmem:$0x1868] =	vst v0  }
0x131: {  	[tilespmem:$0x1858] =	vst v0  }
0x132: {  	[tilespmem:$0x1848] =	vst v0  }
0x133: {  	[tilespmem:$0x1838] =	vst v0  }
0x134: {  	[tilespmem:$0x1828] =	vst v0  }
0x135: {  	[tilespmem:$0x1818] =	vst v0  }
0x136: {  	[tilespmem:$0x1808] =	vst v0  }
0x137: {  	[tilespmem:$0x17F8] =	vst v0  }
0x138: {  	[tilespmem:$0x17E8] =	vst v0  }
0x139: {  	[tilespmem:$0x17D8] =	vst v0  }
0x13a: {  	[tilespmem:$0x17C8] =	vst v0  }
0x13b: {  	[tilespmem:$0x17B8] =	vst v0  }
0x13c: {  	[tilespmem:$0x17A8] =	vst v0  }
0x13d: {  	[tilespmem:$0x1798] =	vst v0  }
0x13e: {  	[tilespmem:$0x1788] =	vst v0  }
0x13f: {  	[tilespmem:$0x1778] =	vst v0  }
0x140: {  	[tilespmem:$0x1768] =	vst v0  }
0x141: {  	[tilespmem:$0x1758] =	vst v0  }
0x142: {  	[tilespmem:$0x1748] =	vst v0  }
0x143: {  	[tilespmem:$0x1738] =	vst v0  }
0x144: {  	[tilespmem:$0x1728] =	vst v0  }
0x145: {  	[tilespmem:$0x1718] =	vst v0  }
0x146: {  	[tilespmem:$0x1708] =	vst v0  }
0x147: {  	[tilespmem:$0x16F8] =	vst v0  }
0x148: {  	[tilespmem:$0x16E8] =	vst v0  }
0x149: {  	[tilespmem:$0x16D8] =	vst v0  }
0x14a: {  	[tilespmem:$0x16C8] =	vst v0  }
0x14b: {  	[tilespmem:$0x16B8] =	vst v0  }
0x14c: {  	[tilespmem:$0x16A8] =	vst v0  }
0x14d: {  	[tilespmem:$0x1698] =	vst v0  }
0x14e: {  	[tilespmem:$0x1688] =	vst v0  }
0x14f: {  	[tilespmem:$0x1678] =	vst v0  }
0x150: {  	[tilespmem:$0x1668] =	vst v0  }
0x151: {  	[tilespmem:$0x1658] =	vst v0  }
0x152: {  	[tilespmem:$0x1648] =	vst v0  }
0x153: {  	[tilespmem:$0x1638] =	vst v0  }
0x154: {  	[tilespmem:$0x1628] =	vst v0  }
0x155: {  	[tilespmem:$0x1618] =	vst v0  }
0x156: {  	[tilespmem:$0x1608] =	vst v0  }
0x157: {  	[tilespmem:$0x15F8] =	vst v0  }
0x158: {  	[tilespmem:$0x15E8] =	vst v0  }
0x159: {  	[tilespmem:$0x15D8] =	vst v0  }
0x15a: {  	[tilespmem:$0x15C8] =	vst v0  }
0x15b: {  	[tilespmem:$0x15B8] =	vst v0  }
0x15c: {  	[tilespmem:$0x15A8] =	vst v0  }
0x15d: {  	[tilespmem:$0x1598] =	vst v0  }
0x15e: {  	[tilespmem:$0x1588] =	vst v0  }
0x15f: {  	[tilespmem:$0x1578] =	vst v0  }
0x160: {  	[tilespmem:$0x1568] =	vst v0  }
0x161: {  	[tilespmem:$0x1558] =	vst v0  }
0x162: {  	[tilespmem:$0x1548] =	vst v0  }
0x163: {  	[tilespmem:$0x1538] =	vst v0  }
0x164: {  	[tilespmem:$0x1528] =	vst v0  }
0x165: {  	[tilespmem:$0x1518] =	vst v0  }
0x166: {  	[tilespmem:$0x1508] =	vst v0  }
0x167: {  	[tilespmem:$0x14F8] =	vst v0  }
0x168: {  	[tilespmem:$0x14E8] =	vst v0  }
0x169: {  	[tilespmem:$0x14D8] =	vst v0  }
0x16a: {  	[tilespmem:$0x14C8] =	vst v0  }
0x16b: {  	[tilespmem:$0x14B8] =	vst v0  }
0x16c: {  	[tilespmem:$0x14A8] =	vst v0  }
0x16d: {  	[tilespmem:$0x1498] =	vst v0  }
0x16e: {  	[tilespmem:$0x1488] =	vst v0  }
0x16f: {  	[tilespmem:$0x1478] =	vst v0  }
0x170: {  	[tilespmem:$0x1468] =	vst v0  }
0x171: {  	[tilespmem:$0x1458] =	vst v0  }
0x172: {  	[tilespmem:$0x1448] =	vst v0  }
0x173: {  	[tilespmem:$0x1438] =	vst v0  }
0x174: {  	[tilespmem:$0x1428] =	vst v0  }
0x175: {  	[tilespmem:$0x1418] =	vst v0  }
0x176: {  	[tilespmem:$0x1408] =	vst v0  }
0x177: {  	[tilespmem:$0x13F8] =	vst v0  }
0x178: {  	[tilespmem:$0x13E8] =	vst v0  }
0x179: {  	[tilespmem:$0x13D8] =	vst v0  }
0x17a: {  	[tilespmem:$0x13C8] =	vst v0  }
0x17b: {  	[tilespmem:$0x13B8] =	vst v0  }
0x17c: {  	[tilespmem:$0x13A8] =	vst v0  }
0x17d: {  	[tilespmem:$0x1398] =	vst v0  }
0x17e: {  	[tilespmem:$0x1388] =	vst v0  }
0x17f: {  	[tilespmem:$0x1378] =	vst v0  }
0x180: {  	[tilespmem:$0x1368] =	vst v0  }
0x181: {  	[tilespmem:$0x1358] =	vst v0  }
0x182: {  	[tilespmem:$0x1348] =	vst v0  }
0x183: {  	[tilespmem:$0x1338] =	vst v0  }
0x184: {  	[tilespmem:$0x1328] =	vst v0  }
0x185: {  	[tilespmem:$0x1318] =	vst v0  }
0x186: {  	[tilespmem:$0x1308] =	vst v0  }
0x187: {  	[tilespmem:$0x12F8] =	vst v0  }
0x188: {  	[tilespmem:$0x12E8] =	vst v0  }
0x189: {  	[tilespmem:$0x12D8] =	vst v0  }
0x18a: {  	[tilespmem:$0x12C8] =	vst v0  }
0x18b: {  	[tilespmem:$0x12B8] =	vst v0  }
0x18c: {  	[tilespmem:$0x12A8] =	vst v0  }
0x18d: {  	[tilespmem:$0x1298] =	vst v0  }
0x18e: {  	[tilespmem:$0x1288] =	vst v0  }
0x18f: {  	[tilespmem:$0x1278] =	vst v0  }
0x190: {  	[tilespmem:$0x1268] =	vst v0  }
0x191: {  	[tilespmem:$0x1258] =	vst v0  }
0x192: {  	[tilespmem:$0x1248] =	vst v0  }
0x193: {  	[tilespmem:$0x1238] =	vst v0  }
0x194: {  	[tilespmem:$0x1228] =	vst v0  }
0x195: {  	[tilespmem:$0x1218] =	vst v0  }
0x196: {  	[tilespmem:$0x1208] =	vst v0  }
0x197: {  	[tilespmem:$0x11F8] =	vst v0  }
0x198: {  	[tilespmem:$0x11E8] =	vst v0  }
0x199: {  	[tilespmem:$0x11D8] =	vst v0  }
0x19a: {  	[tilespmem:$0x11C8] =	vst v0  }
0x19b: {  	[tilespmem:$0x11B8] =	vst v0  }
0x19c: {  	[tilespmem:$0x11A8] =	vst v0  }
0x19d: {  	[tilespmem:$0x1198] =	vst v0  }
0x19e: {  	[tilespmem:$0x1188] =	vst v0  }
0x19f: {  	[tilespmem:$0x1178] =	vst v0  }
0x1a0: {  	[tilespmem:$0x1168] =	vst v0  }
0x1a1: {  	[tilespmem:$0x1158] =	vst v0  }
0x1a2: {  	[tilespmem:$0x1148] =	vst v0  }
0x1a3: {  	[tilespmem:$0x1138] =	vst v0  }
0x1a4: {  	[tilespmem:$0x1128] =	vst v0  }
0x1a5: {  	s2 =	stileid.u32;
	[tilespmem:$0x1118] =	vst v0  }
0x1a6: {  	s0 =	smin.u32 s2, $0x8;
	[tilespmem:$0x1108] =	vst v0  }
0x1a7: {  	[tilespmem:$0x10F8] =	vst v0;
	s0 =	sadd.s32 s2, s0  }
0x1a8: {  	s4 =	simm.s32 $0x360;
	p0 =	slt.u32 s2, $0x8;
	[tilespmem:$0x10E8] =	vst v0;
	s3 =	smul.u32 $0x1B0, s0  }
0x1a9: {  	s4 =	simm.s32 @!p0 $0x1B0;
	[tilespmem:$0x10C8] =	vst v0  }
0x1aa: {  	[tilespmem:$0x1038] =	vst v0;
	s0 =	sadd.s32 s4, s3  }
0x1ab: {  	[tilespmem:$0x10B8] =	vst v0;
	s4 =	smin.u32 s0, $0x2710  }
0x1ac: {  	[tilespmem:$0x10A8] =	vst v0;
	s0 =	ssub.s32 s4, s3  }
0x1ad: {  	[tilespmem:$0x1098] =	vst v0;
	p0 =	sgt.s32 s0, $0x0  }
0x1ae: {  	[tilespmem:$0x1088] =	vst v0;
	s0 =	simm.s32 @!p0 $0x0  }
0x1af: {  	s28 =	simm.s32 $0x2;
	[tilespmem:$0x1078] =	vst v0;
	s5 =	sand.u32 $0xFFF0, s0  }
0x1b0: {  	s29 =	simm.s32 $0x7;
	s13 =	simm.s32 $0x8;
	[tilespmem:$0x1068] =	vst v0;
	s5 =	sshrl.u32 s5, $0x4  }
0x1b1: {  	s30 =	simm.s32 $0x9;
	p4 =	por $0x0, $0x0;
	[tilespmem:$0x1058] =	vst v0;
	s6 =	smul.u32 $0x12F7, s5  }
0x1b2: {  	s14 =	simm.s32 $0xA;
	s18 =	simm.s32 $0x0;
	s15 =	simm.s32 $0x0;
	[tilespmem:$0x1048] =	vst v0  }
0x1b3: {  	s17 =	simm.s32 $0x0;
	s7 =	sadd.s32 $0x2AD200, s8;
	[tilespmem:$0x1028] =	vst v0;
	s12 =	sshrl.u32 s6, $0x11  }
0x1b4: {  	s31 =	sshll.u32 s2, $0x5;
	[tilespmem:$0x1018] =	vst v0;
	[sflag:s28] =	ssyncpa.u1 $0x0;
	v0 =	vimm.s32 $0xFFFFFFFF;
	s10 =	smul.u32 $0x1B0, s12  }
.Ltmp0:
0x1b5: {  	[dreg:$0x3] =	wrdreg s31;
	[tilespmem:$0x3648] =	vst v0;
	[sflag:s29] =	ssyncpa.u1 $0x0;
	(pc) =	sbr.rel .LBB2_1-.Ltmp0, $4  }
0x1b6: {  	[sflag:s13] =	ssyncpa.u1 $0x0;
	s13 =	simm.s32 $0x0;
	p0 =	sne.s32 s0, s10  }
0x1b7: {  	[sflag:s30] =	ssyncpa.u1 $0x0;
	s16 =	smov.u32 s3;
	s11 =	simm.s32 @!p0 $0x0  }
0x1b8: {  	[dreg:$0x4] =	wrdreg s3;
	s5 =	sadd.s32 $0x4FD600, s8;
	s11 =	sadd.s32 s12, s11  }
0x1b9: {  	v0 =	vlaneseq.u32;
	s6 =	sadd.s32 $0x4FD000, s8;
	p0 =	por $0x1, $0x1;
	s8 =	sadd.s32 $0x1, s11  }
.LBB2_18:
0x1ba: {  	s0 =	simm.s32 $0x2  }
0x1bb: {  	_ =	swait.ge [sflag:s0], $0x0  }
0x1bc: {  	[sflag:s0] =	ssyncset.done $0x0;
	s0 =	simm.s32 $0x0  }
.LBB2_19:
0x1bd: {  	_ =	swait.ge [sflag:s14], s0  }
0x1be: {  	s31 =	ssub.s32 $0x0, s0;
	v1 =	vmov s20;
	vm0 =	veq.s32 v0, $0x0;
	[sflag:s14] =	ssyncset.done $0x0  }
0x1bf: {  	vm15 =	veq.s32 v0, $0x2;
	v1 =	vsel vm0, s25, v1;
	[sflag:s14] =	ssyncadd.s32 s31  }
0x1c0: {  	v1 =	vsel vm15, s18, v1;
	[sflag:s14] =	ssyncpa.u1 $0x1  }
0x1c1: {  	[tilespmem:$0x3648] =	vst v1  }
.LBB2_20:
0x1c2: {  	s0 =	sadd.s32 $0x1B0, s16  }
0x1c3: {  	s2 =	smov.u32 s3;
	p1 =	slt.s32 s0, s4  }
0x1c4: {  	s2 =	smov.u32 @p1 s0;
	p1 =	sne.s32 s17, s8  }
.Ltmp1:
0x1c5: {  	_ = 	snop;
	(pc) =	sbr.rel @!p1 .LBB2_21-.Ltmp1, $4  }
0x1c6: {  	_ = 	snop  }
0x1c7: {  	s18 =	smov.u32 s15  }
0x1c8: {  	s31 =	sadd.s32 $0x1, s17;
	s15 =	smov.u32 s16;
	p0 =	por !p0, !p0  }
0x1c9: {  	p4 =	por !p4, !p4;
	s17 =	smov.u32 s31;
	s16 =	smov.u32 s2  }
.LBB2_1:
0x1ca: {  	p2 =	sge.u32 s17, s11  }
0x1cb: {  	s0 =	smulhi.u32 @!p2 $0xAAAAAAAB, s17  }
0x1cc: {  	s19 =	smov.u32 s16;
	p3 =	sgt.s32 @!p2 s16, $0x2560  }
0x1cd: {  	s20 =	sshra.s32 @!p2 s16, $0x1F;
	p3 =	por !p3, p2;
	s0 =	sshrl.u32 @!p2 s0, $0x1  }
0x1ce: {  	s20 =	sand.u32 @!p2 s20, s16;
	s19 =	simm.s32 @p3 $0x2560;
	s0 =	smul.u32 @!p2 $0x3, s0  }
0x1cf: {  	s19 =	ssub.s32 @!p2 s19, s20  }
0x1d0: {  	s19 =	sadd.s32 @!p2 $0xFFFFDAA0, s19;
	s0 =	ssub.s32 @!p2 s17, s0  }
0x1d1: {  	s20 =	sshll.u32 @!p2 s19, $0x2;
	p3 =	sgt.s32 @!p2 s19, $0x1AF;
	s0 =	smul.u32 @!p2 $0x6C0, s0  }
0x1d2: {  	s21 =	sand.u32 @!p2 $0x7, s16;
	s19 =	ssub.s32 @!p2 $0x6C0, s20;
	p3 =	por !p3, p2  }
0x1d3: {  	s20 =	sshrl.u32 @!p2 s16, $0x3;
	s19 =	sshrl.u32 @!p2 s19, $0x2;
	s0 =	sshrl.u32 @!p2 s0, $0x2  }
0x1d4: {  	s20 =	sadd.s32 @!p2 s5, s20;
	s19 =	simm.s32 @!p3 $0x0;
	s0 =	sadd.s32 @!p2 $0x3878, s0  }
0x1d5: {  	[tilespmem:s0], [sflag:$0x8] =	stream.linear.gather @!p2 [hbm4b:s20+s21], s19, $0x38;
	[tilespmem:$0x1F0E8] =	vst v63  }
0x1d6: {  	s20 =	sadd.s32 $0xFFFFFFFF, s17  }
0x1d7: {  	p2 =	sge.u32 s20, s11  }
0x1d8: {  	p3 =	sgt.s32 @!p2 s15, $0x2560  }
0x1d9: {  	s0 =	smov.u32 s15;
	s19 =	sshra.s32 @!p2 s15, $0x1F;
	p3 =	por !p3, p2  }
0x1da: {  	s19 =	sand.u32 @!p2 s19, s15;
	s0 =	simm.s32 @p3 $0x2560  }
0x1db: {  	s0 =	ssub.s32 @!p2 s0, s19  }
0x1dc: {  	s0 =	sadd.s32 @!p2 $0xFFFFDAA0, s0  }
0x1dd: {  	s19 =	sshll.u32 @!p2 s0, $0x2  }
0x1de: {  	p3 =	sgt.s32 @!p2 s0, $0x1AF;
	s0 =	ssub.s32 @!p2 $0x6C0, s19  }
0x1df: {  	p3 =	por !p3, p2;
	s0 =	sshrl.u32 @!p2 s0, $0x2  }
0x1e0: {  	s21 =	simm.s32 @!p2 $0x8;
	s19 =	sand.u32 @!p2 $0x1, s20;
	s0 =	simm.s32 @!p3 $0x0  }
0x1e1: {  	s19 =	smul.u32 @!p2 $0x6C0, s19;
	_ =	swait.ge @!p2 [sflag:s21], s0  }
0x1e2: {  	s22 =	ssub.s32 @!p2 $0x0, s0;
	[sflag:s21] =	ssyncset.done @!p2 $0x0  }
0x1e3: {  	s19 =	sshrl.u32 @!p2 s19, $0x2;
	[sflag:s21] =	ssyncadd.s32 @!p2 s22;
	s21 =	sshrl.u32 @!p2 s15, $0x3  }
0x1e4: {  	s19 =	sadd.s32 @!p2 $0x3D88, s19;
	s22 =	sand.u32 @!p2 $0x7, s15;
	s21 =	sadd.s32 @!p2 s6, s21  }
0x1e5: {  	[tilespmem:s19], [sflag:$0x9] =	stream.linear.gather @!p2 [hbm4b:s21+s22], s0, $0x38;
	[tilespmem:$0x1F0E8] =	vst v63  }
0x1e6: {  	s19 =	ssub.s32 @!p2 $0x2710, s15  }
0x1e7: {  	p3 =	slt.s32 @!p2 s19, $0x1  }
0x1e8: {  	p3 =	por p2, p3  }
.Ltmp2:
0x1e9: {  	_ = 	snop;
	(pc) =	sbr.rel @p3 .LBB2_7-.Ltmp2, $1  }
0x1ea: {  	_ =	sdelay $0x3  }
0x1eb: {  	s0 =	smulhi.u32 $0xAAAAAAAB, s20;
	_ =	sdelay $0x1  }
0x1ec: {  	s0 =	sshrl.u32 s0, $0x1  }
0x1ed: {  	s0 =	smul.u32 $0x3, s0;
	_ =	sdelay $0x1  }
0x1ee: {  	s0 =	ssub.s32 s20, s0  }
0x1ef: {  	s21 =	simm.s32 $0x1;
	s0 =	smul.u32 $0x6C0, s0  }
.Ltmp3:
0x1f0: {  	s21 =	simm.s32 @!p0 $0x0;
	(pc) =	sbr.rel .LBB2_4-.Ltmp3, $4  }
0x1f1: {  	s31 =	smul.u32 $0x36000, s21  }
0x1f2: {  	p3 =	slt.s32 @!p2 s19, $0x1B0;
	s0 =	sshrl.u32 s0, $0x2  }
0x1f3: {  	p2 =	por !p3, p2;
	s20 =	sshrl.u32 s31, $0x2;
	s0 =	sadd.s32 $0x3878, s0  }
0x1f4: {  	s19 =	simm.s32 @p2 $0x1B0;
	s21 =	simm.s32 $0x0;
	s20 =	sadd.s32 $0x40E8, s20;
	v1 =	vmov s0  }
.LBB2_3:
0x1f5: {  	p2 =	sge.s32 s21, s19  }
.Ltmp4:
0x1f6: {  	_ = 	snop;
	(pc) =	sbr.rel @p2 .LBB2_7-.Ltmp4, $2  }
0x1f7: {  	_ =	sdelay $0x2  }
0x1f8: {  	s20 =	sadd.s32 $0x800, s20  }
.LBB2_4:
0x1f9: {  	p2 =	sle.s32 s19, s21  }
.Ltmp5:
0x1fa: {  	_ = 	snop;
	(pc) =	sbr.rel @p2 .LBB2_3-.Ltmp5, $2  }
0x1fb: {  	_ =	sdelay $0x2  }
0x1fc: {  	s22 =	smov.u32 s21;
	s21 =	sadd.s32 $0x10, s21  }
0x1fd: {  	s0 =	ssub.s32 s19, s22  }
0x1fe: {  	p2 =	slt.s32 s0, $0x10  }
0x1ff: {  	s0 =	simm.s32 @!p2 $0x10  }
0x200: {  	v2 =	vmov s0  }
0x201: {  	vm0 =	vgt.s32 v2, v0;
	_ =	sdelay $0x5  }
0x202: {  	v2 =	vld.idx.msk [tilespmem:v1+s22+$0x0 ss:$0x1], vm0;
	_ =	sdelay $0x2  }
0x203: {  	s23 =	smov.u32 s19;
	p2 =	slt.s32 s21, s19  }
0x204: {  	s24 =	smov.u32 s20;
	s25 =	simm.s32 $0x0;
	s23 =	smov.u32 @p2 s21  }
.LBB2_6:
0x205: {  	(v2sf) =	vpush v2, s25;
	_ =	sdelay $0xc  }
0x206: {  	s25 =	sadd.s32 $0x1, s25  }
0x207: {  	s31 =	sadd.s32 s25, s22  }
0x208: {  	p2 =	slt.s32 s31, s23;
	s0 =	spop (v2sf)  }
.Ltmp6:
0x209: {  	s0 =	sshll.u32 s0, $0x4;
	(pc) =	sbr.rel @p2 .LBB2_6-.Ltmp6, $4  }
0x20a: {  	s0 =	sand.u32 $0x1FFFFFF0, s0  }
0x20b: {  	s0 =	sadd.s32 s7, s0  }
0x20c: {  	[tilespmem:s24], [sflag:$0x7] =	stream.linear.gather [hbm4b:s0+s13], $0xA, $0x38;
	[tilespmem:$0x1F0E8] =	vst v63  }
0x20d: {  	s24 =	sadd.s32 $0x80, s24  }
.Ltmp7:
0x20e: {  	_ = 	snop;
	(pc) =	sbr.rel .LBB2_3-.Ltmp7, $1  }
0x20f: {  	_ =	sdelay $0x3  }
.LBB2_7:
0x210: {  	p2 =	slt.u32 s17, $0x2  }
.Ltmp8:
0x211: {  	_ = 	snop;
	(pc) =	sbr.rel @p2 .LBB2_20-.Ltmp8, $1  }
0x212: {  	_ =	sdelay $0x3  }
0x213: {  	s0 =	ssub.s32 $0x2710, s18;
	p2 =	sgt.s32 s18, $0x2560;
	s19 =	smov.u32 s18  }
0x214: {  	s20 =	sshra.s32 s18, $0x1F;
	p3 =	slt.s32 s0, $0x1B0;
	s21 =	smov.u32 s0  }
0x215: {  	s19 =	simm.s32 @!p2 $0x2560;
	s20 =	sand.u32 s20, s18;
	s21 =	simm.s32 @!p3 $0x1B0  }
0x216: {  	s19 =	ssub.s32 s19, s20;
	s25 =	smul.u32 $0x28, s21  }
0x217: {  	s19 =	sadd.s32 $0xFFFFDAA0, s19  }
0x218: {  	s2 =	simm.s32 $0x7;
	s26 =	sshll.u32 s19, $0x2;
	s20 =	sshrl.u32 s25, $0x2  }
0x219: {  	p2 =	sgt.s32 s19, $0x1AF;
	s28 =	ssub.s32 $0x6C0, s26;
	_ =	swait.ge [sflag:s2], s20  }
0x21a: {  	s20 =	ssub.s32 $0x0, s20;
	s19 =	sshrl.u32 s28, $0x2;
	[sflag:s2] =	ssyncset.done $0x0  }
0x21b: {  	s29 =	simm.s32 $0x9;
	s19 =	simm.s32 @p2 $0x0;
	[sflag:s2] =	ssyncadd.s32 s20  }
0x21c: {  	_ =	swait.ge [sflag:s29], s19  }
0x21d: {  	s19 =	ssub.s32 $0x0, s19;
	[sflag:s29] =	ssyncset.done $0x0  }
0x21e: {  	[sflag:s29] =	ssyncadd.s32 s19  }
0x21f: {  	v1 =	vld [tilespmem:$0x3648];
	_ =	sdelay $0x4  }
0x220: {  	(v2sf) =	vpush v1, $0x0  }
0x221: {  	(v2sf) =	vpush v1, $0x1  }
0x222: {  	(v2sf) =	vpush v1, $0x2;
	_ =	sdelay $0x3  }
0x223: {  	s19 =	sadd.s32 $0x1B0, s18  }
0x224: {  	p2 =	slt.s32 s4, s19  }
0x225: {  	s19 =	smov.u32 @p2 s4;
	p2 =	sgt.s32 s0, $0x0  }
0x226: {  	s23 =	ssub.s32 s19, s18;
	s0 =	simm.s32 @!p2 $0x0  }
0x227: {  	p2 =	slt.s32 s0, s23  }
0x228: {  	s23 =	smov.u32 @p2 s0  }
0x229: {  	s21 =	simm.s32 $0x1;
	p2 =	slt.s32 s23, $0x1  }
.Ltmp9:
0x22a: {  	s21 =	simm.s32 @!p4 $0x0;
	(pc) =	sbr.rel @p2 .LBB2_12-.Ltmp9, $4  }
0x22b: {  	s30 =	smul.u32 $0x6C0, s21  }
0x22c: {  	s22 =	spop (v2sf)  }
0x22d: {  	s31 =	sshrl.u32 s30, $0x2;
	s24 =	spop (v2sf)  }
0x22e: {  	s19 =	sadd.s32 $0x3D88, s31;
	s18 =	spop (v2sf)  }
0x22f: {  	s0 =	smin.u32 s23, $0x10  }
0x230: {  	v1 =	vmov s0  }
0x231: {  	p3 =	sgt.s32 s23, $0x10;
	vm1 =	vgt.u32 v1, v0  }
.Ltmp10:
0x232: {  	_ = 	snop;
	(pc) =	sbr.rel @!p3 .LBB2_11-.Ltmp10, $2  }
0x233: {  	_ =	sdelay $0x2  }
0x234: {  	s25 =	simm.s32 $0x10;
	s26 =	sadd.s32 $0xFFFFFFF0, s23;
	s20 =	smov.u32 s19;
	vm0 =	vmmov vm1  }
.LBB2_10:
0x235: {  	s0 =	smin.u32 s26, $0x10;
	s25 =	sadd.s32 $0x10, s25;
	v1 =	vld.msk [tilespmem:s20+$0x0 ss:$0x1], vm1  }
0x236: {  	v2 =	vmov s0;
	p3 =	slt.s32 s25, s23  }
0x237: {  	vm1 =	vgt.u32 v2, v0  }
.Ltmp11:
0x238: {  	(pc) =	sbr.rel @p3 .LBB2_10-.Ltmp11, $3  }
0x239: {  	_ =	sdelay $0x1  }
0x23a: {  	v1 =	vshll.u32 v1, $0x4  }
0x23b: {  	s26 =	sadd.s32 $0xFFFFFFF0, s26;
	[tilespmem:s20+$0x0] =	vst.msk vm0, v1;
	s20 =	sadd.s32 $0x10, s20;
	vm0 =	vmmov vm1  }
.LBB2_11:
0x23c: {  	_ =	sdelay $0x4  }
0x23d: {  	v1 =	vld.msk [tilespmem:s20+$0x0 ss:$0x1], vm1;
	_ =	sdelay $0x4  }
0x23e: {  	v1 =	vshll.u32 v1, $0x4  }
0x23f: {  	[tilespmem:s20+$0x0] =	vst.msk vm0, v1  }
.LBB2_12:
0x240: {  	s0 =	sand.u32 $0x1, s17  }
0x241: {  	s0 =	smul.u32 $0x1B0, s0  }
0x242: {  	p3 =	sne.s32 s24, $0xFFFFFFFF  }
0x243: {  	v1 =	vld.msk @!p3 [tilespmem:s0+$0x3D88], $0x1;
	_ =	sdelay $0x4  }
0x244: {  	(v2sf) =	vpush @!p3 v1, $0x0;
	_ =	sdelay $0xc  }
.Ltmp12:
0x245: {  	_ = 	snop;
	(pc) =	sbr.rel @p2 .LBB2_18-.Ltmp12, $4  }
0x246: {  	_ = 	snop  }
0x247: {  	s25 =	spop @!p3 (v2sf)  }
0x248: {  	s18 =	simm.s32 @!p3 $0x0;
	s20 =	smov.u32 s25  }
0x249: {  	[sflag:s14] =	ssyncpa.u1 $0x0;
	s25 =	smov.u32 @p3 s22;
	s20 =	smov.u32 @p3 s24  }
0x24a: {  	v1 =	vld.msk [tilespmem:s19+$0x0], $0x1;
	_ =	sdelay $0x4  }
0x24b: {  	(v2sf) =	vpush v1, $0x0;
	_ =	sdelay $0xe  }
0x24c: {  	s0 =	simm.s32 @!p4 $0x0;
	s26 =	smul.u32 $0x36000, s21;
	s28 =	spop (v2sf)  }
0x24d: {  	s24 =	sadd.s32 $0xFFFFFFFF, s23;
	s0 =	simm.s32 @p4 $0x1;
	p2 =	seq.s32 s25, s28  }
0x24e: {  	[smem:$0x7FD] =	sst s0;
	s0 =	sshrl.u32 s26, $0x2;
	p3 =	sgt.s32 @!p2 s25, $0x0  }
0x24f: {  	s21 =	sadd.s32 $0x40E8, s0;
	s0 =	smov.u32 s25;
	p3 =	por !p3, p2  }
0x250: {  	s0 =	simm.s32 @p3 $0x0;
	p3 =	sne.s32 s24, $0x0  }
.Ltmp13:
0x251: {  	_ = 	snop;
	(pc) =	sbr.rel @!p3 .LBB2_15-.Ltmp13, $4  }
0x252: {  	s3 =	smov.u32 s8;
	s12 =	smov.u32 s5;
	s8 =	smov.u32 s6  }
0x253: {  	s22 =	simm.s32 $0x0;
	s29 =	simm.s32 @!p2 $0x1;
	s0 =	smin.u32 @!p2 s0, $0xFE  }
0x254: {  	s30 =	simm.s32 @!p2 $0x1B38;
	s29 =	smov.u32 @p2 s22;
	s26 =	sand.u32 @!p2 $0xF8, s0  }
0x255: {  	s31 =	sand.u32 @!p2 $0x7, s0;
	s0 =	sadd.s32 @!p2 s1, s26;
	s26 =	sadd.s32 $0x1, s19  }
.LBB2_14:
0x256: {  	s2 =	smov.u32 s29  }
0x257: {  	[tilespmem:s30], [sflag:$0x2] =	stream.linear.gather @!p2 [hbm4b:s0+s31], $0xA, $0x38;
	[tilespmem:$0x1F0E8] =	vst v63  }
0x258: {  	s24 =	sadd.s32 $0xFFFFFFFF, s24;
	s0 =	smov.u32 s28;
	v1 =	vld.msk [tilespmem:s26+$0x0], $0x1  }
0x259: {  	p3 =	sne.s32 s24, $0x0;
	_ =	sdelay $0x3  }
0x25a: {  	(v2sf) =	vpush v1, $0x0;
	_ =	sdelay $0xe  }
0x25b: {  	s28 =	spop (v2sf)  }
0x25c: {  	p2 =	seq.s32 s0, s28  }
0x25d: {  	p4 =	sgt.s32 @!p2 s0, $0x0;
	s30 =	sshll.u32 @!p2 s29, $0x6;
	s29 =	sadd.s32 @!p2 $0x1, s29  }
.Ltmp14:
0x25e: {  	p4 =	por !p4, p2;
	s30 =	sshra.s32 @!p2 s30, $0x2;
	(pc) =	sbr.rel @p3 .LBB2_14-.Ltmp14, $4  }
0x25f: {  	s29 =	smov.u32 @p2 s2;
	s0 =	simm.s32 @p4 $0x0;
	s30 =	sadd.s32 @!p2 $0x1B38, s30  }
0x260: {  	s0 =	smin.u32 @!p2 s0, $0xFE  }
0x261: {  	s2 =	sand.u32 @!p2 $0xF8, s0;
	s31 =	sand.u32 @!p2 $0x7, s0  }
0x262: {  	s26 =	sadd.s32 $0x1, s26;
	s0 =	sadd.s32 @!p2 s1, s2  }
.LBB2_15:
0x263: {  	s2 =	smul.u32 $0x28, s29  }
0x264: {  	[tilespmem:s30], [sflag:$0x2] =	stream.linear.gather @!p2 [hbm4b:s0+s31], $0xA, $0x38;
	[tilespmem:$0x1F0E8] =	vst v63  }
0x265: {  	s31 =	simm.s32 $0x2;
	s30 =	sshrl.u32 s2, $0x2  }
0x266: {  	_ =	swait.ge [sflag:s31], s30  }
0x267: {  	s0 =	ssub.s32 $0x0, s30;
	[sflag:s31] =	ssyncset.done $0x0  }
0x268: {  	[sflag:s31] =	ssyncadd.s32 s0  }
0x269: {  	v1 =	vld.msk [tilespmem:s19+$0x0], $0x1;
	_ =	sdelay $0x4  }
0x26a: {  	(v2sf) =	vpush v1, $0x0;
	_ =	sdelay $0xe  }
0x26b: {  	s24 =	spop (v2sf)  }
0x26c: {  	p2 =	sne.s32 s25, s24  }
0x26d: {  	p4 =	sne.s32 @p2 s25, s20  }
0x26e: {  	p3 =	por !p4, !p2  }
0x26f: {  	s0 =	simm.s32 @!p3 $0x0  }
0x270: {  	v1 =	vld.msk @!p3 [tilespmem:s0+$0x1B38], $0x3ff  }
0x271: {  	p5 =	sgt.u32 @!p3 s25, $0xFE  }
0x272: {  	s2 =	sshll.u32 @!p3 s18, $0x6;
	p6 =	por @p2 p5, !p4  }
0x273: {  	s2 =	sshra.s32 @!p3 s2, $0x2;
	p1 =	por p6, !p2;
	p6 =	por p4, !p2  }
0x274: {  	s26 =	sadd.s32 @!p3 $0x28, s2;
	s28 =	sand.u32 @!p1 $0xF8, s25;
	s29 =	sshll.u32 @!p6 s18, $0x6  }
0x275: {  	s25 =	sand.u32 @!p1 $0x7, s25;
	[tilespmem:s2+$0x28] =	vst.add.f32.msk @!p3 $0x3ff, v1;
	s2 =	sadd.s32 @!p1 s1, s28;
	s28 =	sshra.s32 @!p6 s29, $0x2  }
0x276: {  	[hbm4b:s2+s25] =	stream.linear.scatter @!p1 [tilespmem:s26], [sflag:$0xA], $0xA, $0x38;
	[tilespmem:$0x1F0E8] =	vst v63  }
0x277: {  	s0 =	rddreg [dreg:$0x3];
	s2 =	sadd.s32 @!p6 $0x28, s28;
	s25 =	simm.s32 @!p6 $0x1  }
0x278: {  	[spmem:s0] =	stream.linear.scatter @!p6 [tilespmem:s2], [sflag:$0x1], $0xA, $0x38;
	[tilespmem:$0x1F0E8] =	vst v63  }
0x279: {  	s0 =	sadd.s32 @p2 $0x1, s18;
	_ =	swait.ge @!p6 [sflag:s25], $0xA  }
0x27a: {  	s2 =	sshrl.u32 @p2 s0, $0x4;
	[sflag:s25] =	ssyncset.done @!p6 $0x0  }
0x27b: {  	s2 =	smulhi.u32 @p2 $0x97B425F, s2;
	[sflag:s25] =	ssyncadd.s32 @!p6 $0xFFFFFFF6  }
0x27c: {  	s23 =	sadd.s32 $0xFFFFFFFF, s23;
	v1 =	vld.msk @p2 [tilespmem:s21+$0x0], $0x3ff  }
0x27d: {  	p1 =	por @p2 !p5, !p4;
	p4 =	sne.s32 s23, $0x0;
	s2 =	smul.u32 @p2 $0x1B0, s2  }
.Ltmp15:
0x27e: {  	p1 =	por !p1, !p2;
	s25 =	simm.s32 @!p3 $0x0;
	(pc) =	sbr.rel @!p4 .LBB2_17-.Ltmp15, $4  }
0x27f: {  	s26 =	sshll.u32 @!p2 s18, $0x6;
	s25 =	simm.s32 @!p1 $0x28;
	s0 =	ssub.s32 @p2 s0, s2  }
0x280: {  	s26 =	sshra.s32 @!p2 s26, $0x2;
	s28 =	sadd.s32 @!p3 $0x0, s25;
	s29 =	sshll.u32 @p2 s0, $0x4  }
0x281: {  	s25 =	simm.s32 $0x0;
	s2 =	simm.s32 @p2 $0x1;
	s28 =	smov.u32 @p3 s22;
	[tilespmem:s29+$0x28] =	vst.msk @p2 $0x3ff, v1  }
0x282: {  	s18 =	smov.u32 @p2 s0;
	s25 =	smov.u32 @p2 s28;
	s22 =	smov.u32 @p2 s2;
	v1 =	vld.msk @!p2 [tilespmem:s21+$0x0], $0x3ff  }
.LBB2_16:
0x283: {  	_ =	sdelay $0x3  }
0x284: {  	s19 =	sadd.s32 $0x1, s19;
	[tilespmem:s26+$0x28] =	vst.add.f32.msk @!p2 $0x3ff, v1  }
0x285: {  	v1 =	vld.msk [tilespmem:s19+$0x0], $0x1;
	_ =	sdelay $0x4  }
0x286: {  	(v2sf) =	vpush v1, $0x0;
	_ =	sdelay $0xe  }
0x287: {  	s0 =	smov.u32 s24;
	s24 =	spop (v2sf)  }
0x288: {  	p2 =	sne.s32 s0, s24  }
0x289: {  	p5 =	sne.s32 @p2 s0, s20  }
0x28a: {  	p4 =	por !p5, !p2  }
0x28b: {  	s30 =	sshll.u32 @!p4 s22, $0x6  }
0x28c: {  	s30 =	sshra.s32 @!p4 s30, $0x2  }
0x28d: {  	p1 =	sgt.u32 @!p4 s0, $0xFE;
	v1 =	vld.msk @!p4 [tilespmem:s30+$0x1B38], $0x3ff  }
0x28e: {  	s31 =	sshll.u32 @!p4 s18, $0x6;
	p6 =	por @p2 p1, !p5;
	p1 =	por @p2 !p1, !p5  }
0x28f: {  	s5 =	simm.s32 @!p4 $0x0;
	s31 =	sshra.s32 @!p4 s31, $0x2;
	p1 =	por !p1, !p2  }
0x290: {  	p5 =	por p5, !p2;
	s5 =	simm.s32 @!p1 $0x28;
	p1 =	por p6, !p2  }
0x291: {  	s30 =	sadd.s32 @!p4 $0x28, s31;
	s6 =	sshll.u32 @!p5 s18, $0x6;
	s10 =	sand.u32 @!p1 $0xF8, s0  }
0x292: {  	s6 =	sshra.s32 @!p5 s6, $0x2;
	s0 =	sand.u32 @!p1 $0x7, s0;
	s10 =	sadd.s32 @!p1 s1, s10;
	[tilespmem:s31+$0x28] =	vst.add.f32.msk @!p4 $0x3ff, v1  }
0x293: {  	[hbm4b:s10+s0] =	stream.linear.scatter @!p1 [tilespmem:s30], [sflag:$0xA], $0xA, $0x38;
	[tilespmem:$0x1F0E8] =	vst v63  }
0x294: {  	s2 =	rddreg [dreg:$0x3];
	s0 =	sadd.s32 @!p5 $0x28, s6;
	s6 =	simm.s32 @!p5 $0x1  }
0x295: {  	[spmem:s2] =	stream.linear.scatter @!p5 [tilespmem:s0], [sflag:$0x1], $0xA, $0x38;
	[tilespmem:$0x1F0E8] =	vst v63  }
0x296: {  	s28 =	sadd.s32 @p2 $0x1, s18;
	_ =	swait.ge @!p5 [sflag:s6], $0xA  }
0x297: {  	s29 =	sshrl.u32 @p2 s28, $0x4;
	[sflag:s6] =	ssyncset.done @!p5 $0x0  }
0x298: {  	s21 =	sadd.s32 $0x80, s21;
	s29 =	smulhi.u32 @p2 $0x97B425F, s29;
	[sflag:s6] =	ssyncadd.s32 @!p5 $0xFFFFFFF6  }
0x299: {  	s23 =	sadd.s32 $0xFFFFFFFF, s23;
	v1 =	vld.msk @p2 [tilespmem:s21+$0x0], $0x3ff  }
0x29a: {  	p3 =	sne.s32 s23, $0x0;
	s29 =	smul.u32 @p2 $0x1B0, s29  }
.Ltmp16:
0x29b: {  	_ = 	snop;
	(pc) =	sbr.rel @p3 .LBB2_16-.Ltmp16, $4  }
0x29c: {  	s28 =	ssub.s32 @p2 s28, s29  }
0x29d: {  	s26 =	sshll.u32 @!p2 s18, $0x6;
	s5 =	sadd.s32 @!p4 s5, s25;
	s10 =	sshll.u32 @p2 s28, $0x4  }
0x29e: {  	s9 =	sadd.s32 @p2 $0x1, s22;
	s26 =	sshra.s32 @!p2 s26, $0x2;
	s5 =	smov.u32 @p4 s25;
	[tilespmem:s10+$0x28] =	vst.msk @p2 $0x3ff, v1  }
0x29f: {  	s22 =	smov.u32 @p2 s9;
	s18 =	smov.u32 @p2 s28;
	s25 =	smov.u32 @p2 s5;
	v1 =	vld.msk @!p2 [tilespmem:s21+$0x0], $0x3ff  }
.LBB2_17:
.Ltmp17:
0x2a0: {  	_ = 	snop;
	(pc) =	sbr.rel .LBB2_19-.Ltmp17, $4  }
0x2a1: {  	s2 =	sld [smem:$0x7FD]  }
0x2a2: {  	s0 =	sshrl.u32 s25, $0x2  }
0x2a3: {  	s25 =	smov.u32 s24;
	s6 =	smov.u32 s8;
	s5 =	smov.u32 s12  }
0x2a4: {  	s8 =	smov.u32 s3;
	s3 =	rddreg [dreg:$0x4];
	p4 =	seq.s32 s2, $0x1;
	[tilespmem:s26+$0x28] =	vst.add.f32.msk @!p2 $0x3ff, v1  }
.LBB2_21:
0x2a5: {  	_ =	sfence.sel $0x180000  }
0x2a6: {  	s0 =	simm.s32 $0x7;
	[bflag:$0x0] =	sbarrier.arrive $0xFFFF  }
0x2a7: {  	s25 =	simm.s32 $0x8;
	[sflag:s0] =	ssyncpa.u1 $0x1  }
0x2a8: {  	s26 =	simm.s32 $0x9;
	[sflag:s25] =	ssyncpa.u1 $0x1  }
0x2a9: {  	s28 =	simm.s32 $0x2;
	[sflag:s26] =	ssyncpa.u1 $0x1  }
0x2aa: {  	[sflag:s28] =	ssyncpa.u1 $0x1  }
0x2ab: {  	v0 =	vld [tilespmem:$0x3648];
	_ =	sdelay $0x4  }
0x2ac: {  	(v2sf) =	vpush v0, $0x0  }
0x2ad: {  	(v2sf) =	vpush v0, $0x1;
	_ =	sdelay $0x1  }
0x2ae: {  	(v2sf) =	vpush v0, $0x2;
	_ =	sdelay $0xb  }
0x2af: {  	s0 =	spop (v2sf)  }
0x2b0: {  	s2 =	spop (v2sf)  }
0x2b1: {  	s3 =	smov.u32 s0;
	p0 =	sne.s32 s0, s2  }
0x2b2: {  	s4 =	spop (v2sf);
	s3 =	simm.s32 @!p0 $0xFFFFFFFF  }
0x2b3: {  	v2 =	vimm.s32 $0x1;
	v3 =	vlaneseq.u32;
	p0 =	seq.s32 s4, $0xFFFFFFFF;
	v1 =	vmov s3  }
0x2b4: {  	s7 =	stileid.u32;
	v0 =	vperm.xlane v0, v2;
	p1 =	sne.s32 @!p0 s0, s2;
	v1 =	vperm.xlane v1, v3  }
0x2b5: {  	vm0 =	vcmask $0x3F04;
	s6 =	simm.s32 $0x3648;
	s0 =	simm.s32 @!p0 $0x1;
	p1 =	por !p1, p0  }
0x2b6: {  	s3 =	sshll.u32 s7, $0x1;
	s2 =	sshll.u32 @!p0 s4, $0x6;
	s0 =	simm.s32 @p1 $0x0;
	v0 =	vsel vm0, v1, v0  }
0x2b7: {  	s5 =	sor.u32 $0x200, s3;
	s2 =	sshra.s32 @!p0 s2, $0x2;
	s0 =	sor.u32 @!p0 s0, s3;
	[tilespmem:$0x3648] =	vst v0  }
0x2b8: {  	[spmem:s5] =	stream.linear.scatter [tilespmem:s6], [sflag:$0x1], $0x2, $0x38;
	[tilespmem:$0x1F0E8] =	vst v63  }
0x2b9: {  	s2 =	sadd.s32 @!p0 $0x28, s2;
	s0 =	sshll.u32 @!p0 s0, $0x4  }
0x2ba: {  	[spmem:s0] =	stream.linear.scatter @!p0 [tilespmem:s2], [sflag:$0x1], $0x10, $0x38;
	[tilespmem:$0x1F0E8] =	vst v63  }
0x2bb: {  	s0 =	simm.s32 @!p0 $0x12  }
0x2bc: {  	s3 =	simm.s32 $0x1;
	s0 =	simm.s32 @p0 $0x2  }
0x2bd: {  	_ =	swait.ge [sflag:s3], s0  }
0x2be: {  	s0 =	ssub.s32 $0x0, s0;
	[sflag:s3] =	ssyncset.done $0x0  }
0x2bf: {  	[sflag:s3] =	ssyncadd.s32 s0  }
0x2c0: {  	_ =	sfence.stream.spmem  }
0x2c1: {  	s29 =	simm.s32 $0x3;
	[bflag:$0x0] =	sbarrier.arrive $0xFFFF  }
0x2c2: {  	s30 =	simm.s32 $0x4;
	[sflag:s29] =	ssyncpa.u1 $0x1  }
0x2c3: {  	s31 =	simm.s32 $0x3C;
	[sflag:s30] =	ssyncpa.u1 $0x1  }
0x2c4: {  	p0 =	sne.s32 s7, $0x0;
	[sflag:s31] =	ssyncpa.u1 $0x1  }
0x2c5: {  	_ =	sfence @p0  }
0x2c6: {  	[sflag:s3] =	ssyncpa.u1 @p0 $0x1  }
0x2c7: {  	_ =	strace @p0 $0x90000062  }
0x2c8: {  	[bflag:$0x2] =	sbarrier.arrive @p0 $0xFFFF  }
0x2c9: {  	_ =	shalt @p0  }
.LBB2_22:
0x2ca: {  	_ =	sfence.stream.spmem;
	s0 =	simm.s32 $0x5  }
0x2cb: {  	s2 =	simm.s32 $0x200;
	s3 =	simm.s32 $0x3658;
	[sflag:s0] =	ssyncpa.u1 $0x0  }
0x2cc: {  	[tilespmem:s3], [sflag:$0x5] =	stream.linear.gather [spmem:s2], $0x20, $0x38;
	[tilespmem:$0x1F0E8] =	vst v63  }
0x2cd: {  	s30 =	simm.s32 $0x3678;
	s2 =	simm.s32 $0x0  }
0x2ce: {  	[tilespmem:s30], [sflag:$0x5] =	stream.linear.gather [spmem:s2], $0x200, $0x38;
	[tilespmem:$0x1F0E8] =	vst v63  }
.Ltmp18:
0x2cf: {  	_ = 	snop;
	(pc) =	sbr.rel .LBB2_23-.Ltmp18, $4  }
0x2d0: {  	_ =	swait.ge [sflag:s0], $0x220  }
0x2d1: {  	[sflag:s0] =	ssyncset.done $0x0  }
0x2d2: {  	s31 =	simm.s32 $0x6;
	[sflag:s0] =	ssyncadd.s32 $0xFFFFFDE0  }
0x2d3: {  	s3 =	simm.s32 $0x0;
	[sflag:s31] =	ssyncpa.u1 $0x0  }
.LBB2_28:
0x2d4: {  	p0 =	slt.u32 s4, $0xFF  }
0x2d5: {  	s0 =	sand.u32 @p0 $0xF8, s4  }
0x2d6: {  	s4 =	sand.u32 @p0 $0x7, s4;
	s5 =	simm.s32 @p0 $0x3638;
	s0 =	sadd.s32 @p0 s1, s0  }
0x2d7: {  	[tilespmem:s5], [sflag:$0x6] =	stream.linear.gather @p0 [hbm4b:s0+s4], $0xA, $0x38;
	[tilespmem:$0x1F0E8] =	vst v63  }
0x2d8: {  	s0 =	simm.s32 @p0 $0x6  }
0x2d9: {  	_ =	swait.ge @p0 [sflag:s0], $0xA  }
0x2da: {  	[sflag:s0] =	ssyncset.done @p0 $0x0  }
0x2db: {  	[sflag:s0] =	ssyncadd.s32 @p0 $0xFFFFFFF6  }
0x2dc: {  	v1 =	vld @p0 [tilespmem:$0x3638];
	_ =	sdelay $0x2  }
0x2dd: {  	s0 =	sshll.u32 @p0 s3, $0x6  }
0x2de: {  	s5 =	sshll.u32 @!p0 s3, $0x6;
	s4 =	sshrl.u32 @p0 s0, $0x2  }
0x2df: {  	s5 =	smov.u32 @p0 s0;
	[tilespmem:s4+$0x3678] =	vst.add.f32.msk @p0 $0xffff, v1  }
0x2e0: {  	s0 =	sshrl.u32 s5, $0x2;
	[tilespmem:s2+$0x3658] =	vst.msk $0x1, v0  }
0x2e1: {  	v0 =	vld [tilespmem:s0+$0x3678];
	_ =	sdelay $0x2  }
0x2e2: {  	s31 =	sshll.u32 s2, $0x6  }
0x2e3: {  	s0 =	sshra.s32 s31, $0x2  }
0x2e4: {  	s2 =	sadd.s32 $0x1, s2;
	[tilespmem:s0+$0x3678] =	vst v0  }
.LBB2_30:
0x2e5: {  	s3 =	sadd.s32 $0x1, s3  }
0x2e6: {  	p0 =	sne.s32 s3, $0x20  }
.Ltmp19:
0x2e7: {  	_ = 	snop;
	(pc) =	sbr.rel @!p0 .LBB2_31-.Ltmp19, $1  }
0x2e8: {  	_ =	sdelay $0x3  }
.LBB2_23:
0x2e9: {  	v0 =	vld.msk [tilespmem:s3+$0x3658], $0x1;
	_ =	sdelay $0x4  }
0x2ea: {  	(v2sf) =	vpush v0, $0x0;
	_ =	sdelay $0xe  }
0x2eb: {  	s4 =	spop (v2sf)  }
0x2ec: {  	p0 =	seq.s32 s4, $0xFFFFFFFF  }
.Ltmp20:
0x2ed: {  	_ = 	snop;
	(pc) =	sbr.rel @p0 .LBB2_30-.Ltmp20, $1  }
0x2ee: {  	_ =	sdelay $0x3  }
0x2ef: {  	p0 =	slt.s32 s2, $0x1  }
.Ltmp21:
0x2f0: {  	_ = 	snop;
	(pc) =	sbr.rel @p0 .LBB2_28-.Ltmp21, $1  }
0x2f1: {  	_ =	sdelay $0x3  }
0x2f2: {  	s5 =	simm.s32 $0x3658;
	p0 =	por $0x0, $0x0  }
0x2f3: {  	v1 =	vld.msk @!p0 [tilespmem:s5+$0x0], $0x1;
	_ =	sdelay $0x4  }
0x2f4: {  	(v2sf) =	vpush @!p0 v1, $0x0;
	_ =	sdelay $0xd  }
0x2f5: {  	p2 =	sne.s32 s2, $0x1  }
.Ltmp22:
0x2f6: {  	s0 =	spop @!p0 (v2sf);
	(pc) =	sbr.rel @!p2 .LBB2_27-.Ltmp22, $4  }
0x2f7: {  	p1 =	seq.s32 @!p0 s4, s0  }
0x2f8: {  	s6 =	simm.s32 $0x0;
	p1 =	por !p1, p0  }
0x2f9: {  	s0 =	simm.s32 $0xFFFFFFFF;
	s6 =	simm.s32 @p1 $0xFFFFFFFF  }
0x2fa: {  	s7 =	simm.s32 $0x1;
	s6 =	smov.u32 @p0 s0  }
.LBB2_26:
0x2fb: {  	s0 =	smov.u32 s6;
	p0 =	sne.s32 s6, $0xFFFFFFFF  }
0x2fc: {  	s5 =	sadd.s32 $0x1, s5;
	s6 =	smov.u32 s7;
	s7 =	sadd.s32 $0x1, s7  }
0x2fd: {  	p1 =	sne.s32 s2, s7;
	v1 =	vld.msk @!p0 [tilespmem:s5+$0x0], $0x1;
	_ =	sdelay $0x4  }
0x2fe: {  	(v2sf) =	vpush @!p0 v1, $0x0;
	_ =	sdelay $0xe  }
.Ltmp23:
0x2ff: {  	s8 =	spop @!p0 (v2sf);
	(pc) =	sbr.rel @p1 .LBB2_26-.Ltmp23, $4  }
0x300: {  	p2 =	seq.s32 @!p0 s4, s8  }
0x301: {  	p2 =	por !p2, p0  }
0x302: {  	s6 =	simm.s32 @p2 $0xFFFFFFFF  }
0x303: {  	s6 =	smov.u32 @p0 s0  }
.LBB2_27:
0x304: {  	p0 =	sne.s32 s6, $0xFFFFFFFF  }
.Ltmp24:
0x305: {  	_ = 	snop;
	(pc) =	sbr.rel @!p0 .LBB2_28-.Ltmp24, $1  }
0x306: {  	_ =	sdelay $0x3  }
0x307: {  	s0 =	sshll.u32 s3, $0x4  }
0x308: {  	s0 =	sand.u32 $0x3FFFFFF0, s0  }
0x309: {  	v0 =	vld [tilespmem:s0+$0x3678]  }
.Ltmp25:
0x30a: {  	_ = 	snop;
	(pc) =	sbr.rel .LBB2_30-.Ltmp25, $4  }
0x30b: {  	_ = 	snop  }
0x30c: {  	s31 =	sshll.u32 s6, $0x6  }
0x30d: {  	s0 =	sshra.s32 s31, $0x2  }
0x30e: {  	[tilespmem:s0+$0x3678] =	vst.add.f32.msk $0xffff, v0  }
.LBB2_31:
0x30f: {  	p0 =	slt.s32 s2, $0x1  }
.Ltmp26:
0x310: {  	_ = 	snop;
	(pc) =	sbr.rel @p0 .LBB2_35-.Ltmp26, $3  }
0x311: {  	_ =	sdelay $0x1  }
0x312: {  	s0 =	simm.s32 $0x6  }
0x313: {  	s3 =	simm.s32 $0x0;
	[sflag:s0] =	ssyncpa.u1 $0x1  }
0x314: {  	s0 =	simm.s32 $0x3658  }
0x315: {  	v0 =	vld.msk [tilespmem:s0+$0x0], $0x1;
	_ =	sdelay $0x4  }
0x316: {  	(v2sf) =	vpush v0, $0x0;
	_ =	sdelay $0xd  }
0x317: {  	s2 =	sadd.s32 $0xFFFFFFFF, s2  }
0x318: {  	p1 =	sne.s32 s2, $0x0;
	s0 =	spop (v2sf)  }
.Ltmp27:
0x319: {  	p0 =	sgt.u32 s0, $0xFE;
	(pc) =	sbr.rel @!p1 .LBB2_34-.Ltmp27, $4  }
0x31a: {  	s4 =	simm.s32 $0x3678;
	s5 =	sand.u32 @!p0 $0xF8, s0  }
0x31b: {  	s6 =	simm.s32 $0x0;
	s0 =	sand.u32 @!p0 $0x7, s0;
	s5 =	sadd.s32 @!p0 s1, s5  }
0x31c: {  	[hbm4b:s5+s0] =	stream.linear.scatter @!p0 [tilespmem:s4], [sflag:$0x5], $0xA, $0x38;
	[tilespmem:$0x1F0E8] =	vst v63  }
0x31d: {  	s6 =	simm.s32 @!p0 $0x28;
	s5 =	simm.s32 $0x3659  }
.LBB2_33:
0x31e: {  	v0 =	vld.msk [tilespmem:s5+$0x0], $0x1;
	s2 =	sadd.s32 $0xFFFFFFFF, s2;
	s3 =	sadd.s32 s3, s6  }
0x31f: {  	p0 =	sne.s32 s2, $0x0;
	_ =	sdelay $0x3  }
0x320: {  	(v2sf) =	vpush v0, $0x0;
	_ =	sdelay $0xe  }
.Ltmp28:
0x321: {  	s0 =	spop (v2sf);
	(pc) =	sbr.rel @p0 .LBB2_33-.Ltmp28, $4  }
0x322: {  	s6 =	simm.s32 $0x0;
	p1 =	sgt.u32 s0, $0xFE  }
0x323: {  	s4 =	sadd.s32 $0x10, s4;
	s6 =	simm.s32 @!p1 $0x28;
	s7 =	sand.u32 @!p1 $0xF8, s0  }
0x324: {  	s5 =	sadd.s32 $0x1, s5;
	s0 =	sand.u32 @!p1 $0x7, s0;
	s7 =	sadd.s32 @!p1 s1, s7  }
0x325: {  	[hbm4b:s7+s0] =	stream.linear.scatter @!p1 [tilespmem:s4], [sflag:$0x5], $0xA, $0x38;
	[tilespmem:$0x1F0E8] =	vst v63  }
.LBB2_34:
0x326: {  	s0 =	sadd.s32 s3, s6  }
0x327: {  	s3 =	sshrl.u32 s0, $0x2  }
.LBB2_35:
0x328: {  	s0 =	simm.s32 $0x5  }
0x329: {  	_ =	swait.ge [sflag:s0], s3  }
0x32a: {  	s1 =	ssub.s32 $0x0, s3;
	[sflag:s0] =	ssyncset.done $0x0  }
0x32b: {  	[sflag:s0] =	ssyncadd.s32 s1  }
0x32c: {  	[sflag:s0] =	ssyncpa.u1 $0x1  }
0x32d: {  	s30 =	simm.s32 $0x1;
	_ =	sfence  }
0x32e: {  	[sflag:s30] =	ssyncpa.u1 $0x1  }
0x32f: {  	_ =	strace $0x90000062  }
0x330: {  	[bflag:$0x2] =	sbarrier.arrive $0xFFFF  }
0x331: {  	s31 =	rddreg [dreg:$0x2]  }
0x332: {  	s0 =	sadd.s32 $0x100000, s31  }
0x333: {  	[sflag:s0] =	ssyncadd.tile.s32 $0x1;
	_ =	shalt  }
.Lfunc_end2:
_tile_overlayer_lowered:
.L_overlay_start_2:
0x334: {  	(tag) =	ssettag $0x2  }
0x335: {  	s0 =	rddreg [dreg:$0x0];
	s2 =	stileid.u32  }
0x336: {  	s1 =	rddreg [dreg:$0x1];
	p0 =	sne.s32 s2, $0x0  }
0x337: {  	s3 =	rddreg [dreg:$0x2];
	[bflag:$0x3] =	sbarrier.arrive $0xFFFF;
	s2 =	simm.s32 @!p0 $0x1C01  }
0x338: {  	[timem:s3], [sflag:s2] =	dma.local @!p0 [hbm:s0], s1  }
0x339: {  	s0 =	simm.s32 @!p0 $0x1  }
0x33a: {  	_ =	swait.ge @!p0 [sflag:s0], s1  }
0x33b: {  	s1 =	ssub.s32 @!p0 $0x0, s1;
	[sflag:s0] =	ssyncset.done @!p0 $0x0  }
0x33c: {  	[sflag:s0] =	ssyncadd.s32 @!p0 s1  }
0x33d: {  	[bflag:$0x3] =	sbarrier.arrive $0xFFFF  }
0x33e: {  	_ =	shalt  }

// kernel: scatter_offload_async_start.6
scs
__scs_entry_jumppad:
0x0: {  	(pc) =	sbr.rel $0x88, $3  }
0x1: {  	(tag) =	ssettag $0x0;
	lr =	simm.s32 $0x1  }
0x2: {  	[smem:$0x3F92] =	sst lr;
	_ =	strace $0xD0000000  }
0x3: {  	_ = 	snop  }
0x4: {  	_ = 	snop  }
0x5: {  	_ = 	snop  }
0x6: {  	_ = 	snop  }
0x7: {  	_ = 	snop  }
__scs_overlays_trampoline_lowered:
0x8: {  	[smem:$0x3FA1] =	sst s0  }
0x9: {  	[smem:$0x3FA2] =	sst s1  }
0xa: {  	[smem:$0x3FA3] =	sst s2  }
0xb: {  	[smem:$0x3FA4] =	sst s3  }
0xc: {  	[smem:$0x3FA5] =	sst s4  }
0xd: {  	[smem:$0x3FA6] =	sst s5  }
0xe: {  	[smem:$0x3FA7] =	sst s6  }
0xf: {  	[smem:$0x3FA8] =	sst s7  }
0x10: {  	[smem:$0x3FA9] =	sst s8  }
0x11: {  	[smem:$0x3FAA] =	sst s9;
	s0 =	simm.s32 @!p0 $0x0  }
0x12: {  	s1 =	sld [smem:$0x3F90];
	s0 =	simm.s32 @p0 $0x1  }
0x13: {  	[smem:$0x3FAB] =	sst s0;
	s0 =	simm.s32 @!p1 $0x0  }
0x14: {  	s2 =	sld [smem:$0x3F8F];
	s0 =	simm.s32 @p1 $0x1  }
0x15: {  	[smem:$0x3FAC] =	sst s0;
	s0 =	simm.s32 @!p2 $0x0  }
0x16: {  	s3 =	sld [smem:$0x3FDB];
	s0 =	simm.s32 @p2 $0x1  }
0x17: {  	s4 =	simm.s32 $0x1BF5;
	[smem:$0x3FAE] =	sst s0  }
0x18: {  	s0 =	sld [smem:$0x3F91];
	_ =	swait.ge [sflag:s4], $0x0  }
0x19: {  	s7 =	sld [smem:$0x3F92]  }
0x1a: {  	s8 =	sadd.s32 $0xFFFFE003, lr  }
0x1b: {  	s9 =	sadd.s32 $0xFFFFFEF7, lr;
	s5 =	simm.s32 $0xFFFFFFFF;
	p2 =	slt.u32 s8, $0xFFFFF086  }
0x1c: {  	p1 =	slt.u32 s9, $0xF7A;
	s5 =	simm.s32 @!p2 $0x0  }
0x1d: {  	s5 =	simm.s32 @p1 $0x1;
	p0 =	seq.s32 s7, s2  }
0x1e: {  	s7 =	smul.u32 @!p0 $0xF7A, s2;
	p2 =	seq.s32 @!p0 s5, $0x0  }
0x1f: {  	s9 =	smul.u32 $0xF7A, s1;
	s8 =	simm.s32 @!p0 $0x1BF5;
	p2 =	por !p2, p0  }
0x20: {  	[sflag:s8] =	ssyncset.s32 @!p0 $0xFFFFF086;
	s6 =	sadd.s32 @!p0 s3, s7;
	s7 =	simm.s32 @!p0 $0x108  }
0x21: {  	s3 =	sadd.s32 s3, s9;
	s6 =	sadd.s32 @!p0 $0x88, s6;
	s7 =	simm.s32 @p2 $0x1082  }
0x22: {  	[simem:s7], [sflag:s8] =	dma.local @!p0 [hbm:s6], $0xF7A  }
0x23: {  	s9 =	sor.u32 $0xD0000000, s2;
	s6 =	simm.s32 $0x108;
	_ =	swait.ge @!p0 [sflag:s8], $0x0  }
0x24: {  	s3 =	sadd.s32 $0x88, s3;
	s6 =	simm.s32 @!p1 $0x1082;
	[sflag:s4] =	ssyncset.s32 $0xFFFFF086  }
0x25: {  	[simem:s6], [sflag:s4] =	dma.local [hbm:s3], $0xF7A  }
0x26: {  	[smem:$0x3F92] =	sst s1;
	(tag) =	ssettag s2;
	_ =	strace s9  }
0x27: {  	s1 =	sld [smem:$0x3FA2]  }
0x28: {  	s2 =	sld [smem:$0x3FA3]  }
0x29: {  	s4 =	sld [smem:$0x3FA5]  }
0x2a: {  	p0 =	seq.s32 s5, $0x0;
	s5 =	sld [smem:$0x3FA6]  }
0x2b: {  	s6 =	sld [smem:$0x3FA7]  }
0x2c: {  	s7 =	sld [smem:$0x3FA8]  }
0x2d: {  	s3 =	simm.s32 $0x108;
	s8 =	sld [smem:$0x3FA9]  }
0x2e: {  	s3 =	simm.s32 @!p0 $0x1082;
	s9 =	sld [smem:$0x3FAA]  }
0x2f: {  	lr =	sadd.s32 s0, s3;
	s0 =	sld [smem:$0x3FA1]  }
0x30: {  	s3 =	sld [smem:$0x3FA4]  }
0x31: {  	[smem:$0x3FAD] =	sst s10  }
0x32: {  	s10 =	sld [smem:$0x3FAB];
	_ =	sdelay $0x3  }
0x33: {  	p0 =	seq.s32 s10, $0x1;
	s10 =	sld [smem:$0x3FAD];
	_ =	sdelay $0x3  }
0x34: {  	[smem:$0x3FAD] =	sst s10  }
0x35: {  	s10 =	sld [smem:$0x3FAC];
	_ =	sdelay $0x3  }
0x36: {  	p1 =	seq.s32 s10, $0x1;
	s10 =	sld [smem:$0x3FAD];
	_ =	sdelay $0x3  }
0x37: {  	[smem:$0x3FAD] =	sst s10  }
0x38: {  	s10 =	sld [smem:$0x3FAE]  }
0x39: {  	_ = 	snop;
	(pc) =	sbr.ind lr, $3  }
0x3a: {  	_ = 	snop  }
0x3b: {  	_ = 	snop  }
0x3c: {  	p2 =	seq.s32 s10, $0x1;
	s10 =	sld [smem:$0x3FAD]  }
0x3d: {  	_ =	shalt  }
0x3e: {  	_ =	shalt  }
0x3f: {  	_ =	shalt  }
0x40: {  	_ =	shalt  }
0x41: {  	_ =	shalt  }
0x42: {  	_ =	shalt  }
0x43: {  	_ =	shalt  }
0x44: {  	_ =	shalt  }
0x45: {  	_ =	shalt  }
0x46: {  	_ =	shalt  }
0x47: {  	_ =	shalt  }
0x48: {  	_ =	shalt  }
0x49: {  	_ =	shalt  }
0x4a: {  	_ =	shalt  }
0x4b: {  	_ =	shalt  }
0x4c: {  	_ =	shalt  }
0x4d: {  	_ =	shalt  }
0x4e: {  	_ =	shalt  }
0x4f: {  	_ =	shalt  }
0x50: {  	_ =	shalt  }
0x51: {  	_ =	shalt  }
0x52: {  	_ =	shalt  }
0x53: {  	_ =	shalt  }
0x54: {  	_ =	shalt  }
0x55: {  	_ =	shalt  }
0x56: {  	_ =	shalt  }
0x57: {  	_ =	shalt  }
0x58: {  	_ =	shalt  }
0x59: {  	_ =	shalt  }
0x5a: {  	_ =	shalt  }
0x5b: {  	_ =	shalt  }
0x5c: {  	_ =	shalt  }
0x5d: {  	_ =	shalt  }
0x5e: {  	_ =	shalt  }
0x5f: {  	_ =	shalt  }
0x60: {  	_ =	shalt  }
0x61: {  	_ =	shalt  }
0x62: {  	_ =	shalt  }
0x63: {  	_ =	shalt  }
0x64: {  	_ =	shalt  }
0x65: {  	_ =	shalt  }
0x66: {  	_ =	shalt  }
0x67: {  	_ =	shalt  }
0x68: {  	_ =	shalt  }
0x69: {  	_ =	shalt  }
0x6a: {  	_ =	shalt  }
0x6b: {  	_ =	shalt  }
0x6c: {  	_ =	shalt  }
0x6d: {  	_ =	shalt  }
0x6e: {  	_ =	shalt  }
0x6f: {  	_ =	shalt  }
0x70: {  	_ =	shalt  }
0x71: {  	_ =	shalt  }
0x72: {  	_ =	shalt  }
0x73: {  	_ =	shalt  }
0x74: {  	_ =	shalt  }
0x75: {  	_ =	shalt  }
0x76: {  	_ =	shalt  }
0x77: {  	_ =	shalt  }
0x78: {  	_ =	shalt  }
0x79: {  	_ =	shalt  }
0x7a: {  	_ =	shalt  }
0x7b: {  	_ =	shalt  }
0x7c: {  	_ =	shalt  }
0x7d: {  	_ =	shalt  }
0x7e: {  	_ =	shalt  }
0x7f: {  	_ =	shalt  }
0x80: {  	_ =	shalt  }
0x81: {  	_ =	shalt  }
0x82: {  	_ =	shalt  }
0x83: {  	_ =	shalt  }
0x84: {  	_ =	shalt  }
0x85: {  	_ =	shalt  }
0x86: {  	_ =	shalt  }
0x87: {  	_ =	shalt  }
.Lfunc_end0:
.L_simem_size_0:
called_computation.6_lowered:
.L_overlay_start_0:
0x88: {  	s0 =	sld [smem:$0x3FD9]  }
0x89: {  	s1 =	sld [smem:$0x3FFE];
	_ =	sdelay $0x3  }
0x8a: {  	s0 =	sadd.s32 s1, s0  }
0x8b: {  	[smem:$0x3FB9] =	sst s0  }
0x8c: {  	_ = 	snop  }
0x8d: {  	s0 =	sld [smem:$0x3FD0];
	_ =	sdelay $0x2  }
0x8e: {  	s13 =	simm.s32 $0xB;
	s2 =	simm.s32 $0x10  }
0x8f: {  	[smem:s2], [sflag:s13] =	dma.local [hbm:s0], $0x1  }
0x90: {  	_ =	swait.eq [sflag:s13], $0x1  }
0x91: {  	[sflag:s13] =	ssyncset.done $0x0  }
0x92: {  	[sflag:s13] =	ssyncadd.s32 $0xFFFFFFFF  }
0x93: {  	s14 =	sld [smem:$0x10];
	(tm) =	ssettm $0x1  }
0x94: {  	s15 =	sld [smem:$0x3FFB];
	_ =	sdelay $0x3  }
0x95: {  	_ =	strace s15  }
0x96: {  	s1 =	sld [smem:$0x3FFC];
	_ =	sdelay $0x3  }
0x97: {  	_ =	strace s1  }
0x98: {  	s1 =	sld [smem:$0x3FFD];
	_ =	sdelay $0x3  }
0x99: {  	_ =	strace s1  }
0x9a: {  	_ =	strace $0x8FFFFFFF  }
0x9b: {  	s16 =	sld [smem:$0x3FDB];
	_ =	sdelay $0x1  }
0x9c: {  	s17 =	simm.s32 $_scs_section_size  }
0x9d: {  	s3 =	simm.s32 $_size__tile_overlayer_lowered;
	s4 =	simm.s32 $_tile_overlayer_lowered  }
0x9e: {  	s20 =	simm.s32 $0x1BFF;
	s19 =	sshll.u32 s4, $0x1;
	s1 =	sadd.s32 s17, s16  }
0x9f: {  	s5 =	simm.s32 $0x0;
	s18 =	sshll.u32 s3, $0x1;
	s3 =	sadd.s32 s19, s1  }
0xa0: {  	[timem:s5], [sflag:s20] =	dma.local [hbm:s3], s18  }
0xa1: {  	_ =	swait.ge [sflag:s20], s18  }
0xa2: {  	s2 =	ssub.s32 $0x0, s18;
	[sflag:s20] =	ssyncset.done $0x0  }
0xa3: {  	[sflag:s20] =	ssyncadd.s32 s2;
	_ =	sdelay $0x1  }
0xa4: {  	s21 =	simm.s32 $0x1B8B  }
0xa5: {  	_ =	swait.ge [sflag:s21], $0x1  }
0xa6: {  	[sflag:s21] =	ssyncset.done $0x0  }
0xa7: {  	s23 =	simm.s32 $0x1B8E;
	s22 =	sld [smem:$0x3FFE];
	[sflag:s21] =	ssyncadd.s32 $0xFFFFFFFF  }
0xa8: {  	s24 =	simm.s32 $execute0_lowered;
	[smem:$0x3FD2] =	sst s23  }
0xa9: {  	s3 =	sshll.u32 s24, $0x1;
	_ =	strace $0x8000005B;
	[dreg:$0x1] =	wrdreg $0xFFFFFFFF  }
0xaa: {  	s25 =	simm.s32 $_size_execute0_lowered;
	s1 =	sadd.s32 s1, s3;
	[dreg:$0x0] =	wrdreg $0x0  }
0xab: {  	s3 =	sshll.u32 s25, $0x1;
	[dreg:$0x2] =	wrdreg s1  }
0xac: {  	[dreg:$0x3] =	wrdreg s3  }
0xad: {  	[dreg:$0x4] =	wrdreg $0xC0  }
0xae: {  	_ =	task [dreg:s5], $0x5FFFF  }
0xaf: {  	[dreg:$0x1] =	wrdreg $0xFFFFFFFF  }
0xb0: {  	[dreg:$0x0] =	wrdreg $0x60  }
0xb1: {  	[dreg:$0x2] =	wrdreg s14  }
0xb2: {  	[dreg:$0x3] =	wrdreg s22  }
0xb3: {  	[dreg:$0x4] =	wrdreg $0xA  }
0xb4: {  	_ =	task.clear_ibuf [dreg:s5], $0x5FFFF;
	_ =	strace $0x9000005B  }
0xb5: {  	s26 =	simm.s32 $0xA;
	_ =	strace $0x8000005D  }
0xb6: {  	_ =	swait.ge [sflag:s26], $0x1  }
0xb7: {  	[sflag:s26] =	ssyncadd.s32 $0xFFFFFFFF  }
0xb8: {  	_ =	strace $0x9000005D  }
0xb9: {  	_ =	sfence  }
0xba: {  	s28 =	sld [smem:$0x0];
	_ =	sdelay $0x1  }
0xbb: {  	s29 =	srdreg.scid  }
0xbc: {  	s30 =	sshll.u32 s29, $0xD;
	s31 =	sshrl.u32 s29, $0x2  }
0xbd: {  	s2 =	sand.u32 $0x4000, s30;
	s1 =	sand.u32 $0x1, s29;
	s0 =	sadd.s32 s31, s28  }
0xbe: {  	s1 =	sor.u32 s2, s1;
	s0 =	sshll.u32 s0, $0x11  }
0xbf: {  	s0 =	sor.u32 s0, s1  }
0xc0: {  	s0 =	sadd.s32 $0x8F2B, s0  }
0xc1: {  	[sflag:s0] =	ssyncadd.remote.s32 $0x1  }
0xc2: {  	_ =	sfence.sel $0xFFFF  }
0xc3: {  	[dreg:$0x0] =	wrdreg $0xFFFFFFFF;
	(pc) =	sbr.abs _section_cstart, $3  }
0xc4: {  	[dreg:$0x1] =	wrdreg $0xFFFFFFFF  }
0xc5: {  	_ =	task.clear_ibuf [dreg:s5], $0x2FFFF;
	_ =	strace $0x9FFFFFFF  }
0xc6: {  	(tm) =	ssettm $0x7FFFFFFF  }
0xc7: {  	_ =	shalt  }
tec
execute0_lowered:
.L_overlay_start_1:
0x0: {  	(tag) =	ssettag $0x1  }
0x1: {  	s1 =	rddreg [dreg:$0x0];
	s6 =	stileid.u32  }
0x2: {  	s0 =	rddreg [dreg:$0x1];
	_ =	strace $0x8000005C;
	s2 =	smin.u32 s6, $0x9  }
0x3: {  	s9 =	simm.s32 $0x1;
	p0 =	slt.u32 s6, $0x9;
	s2 =	sadd.s32 s6, s2  }
0x4: {  	v1 =	vimm.s32 $0xFFFFFFFF;
	[sflag:s9] =	ssyncpa.u1 $0x0;
	s3 =	smul.u32 $0x190, s2;
	s2 =	simm.s32 $0x320  }
0x5: {  	[tilespmem:$0x10] =	vst v1;
	s2 =	simm.s32 @!p0 $0x190  }
0x6: {  	v0 =	vimm.f32 $0.0e+00;
	[tilespmem:$0x20] =	vst v1;
	s2 =	sadd.s32 s2, s3  }
0x7: {  	[tilespmem:$0x30] =	vst v0;
	s4 =	smin.u32 s2, $0x2710  }
0x8: {  	[tilespmem:$0x40] =	vst v0;
	s2 =	ssub.s32 s4, s3  }
0x9: {  	[tilespmem:$0x50] =	vst v0;
	p0 =	sgt.s32 s2, $0x0  }
0xa: {  	[tilespmem:$0x60] =	vst v1;
	s2 =	simm.s32 @!p0 $0x0  }
0xb: {  	s7 =	simm.s32 $0x2;
	s8 =	simm.s32 $0x8;
	[tilespmem:$0x70] =	vst v1;
	s5 =	sand.u32 $0xFFF0, s2  }
0xc: {  	s31 =	simm.s32 $0x9;
	s16 =	simm.s32 $0x0;
	[tilespmem:$0x80] =	vst v1;
	s5 =	sshrl.u32 s5, $0x4  }
0xd: {  	s17 =	simm.s32 $0xF0;
	s18 =	simm.s32 $0xFFFFFFFF;
	v1 =	vimm.s32 $0x0;
	[tilespmem:$0xB0] =	vst v0;
	s5 =	smul.u32 $0xA3E, s5  }
0xe: {  	s19 =	simm.s32 $0xFFFFFDE0;
	s20 =	simm.s32 $0xFFFFFFFE;
	s21 =	simm.s32 $0xF;
	[tilespmem:$0x90] =	vst v1  }
0xf: {  	[tilespmem:$0xA0] =	vst v1;
	[sflag:s7] =	ssyncpa.u1 $0x0;
	s7 =	simm.s32 $0x7;
	s10 =	sshrl.u32 s5, $0x10  }
0x10: {  	s25 =	simm.s32 $0x0;
	[sflag:s7] =	ssyncpa.u1 $0x0;
	s11 =	smul.u32 $0x190, s10  }
0x11: {  	s24 =	simm.s32 $0x0;
	s14 =	sshllo.u32 s6, $0x1;
	[sflag:s8] =	ssyncpa.u1 $0x0  }
.Ltmp0:
0x12: {  	s23 =	smov.u32 s3;
	p0 =	sne.s32 s2, s11;
	(pc) =	sbr.rel .LBB2_1-.Ltmp0, $4  }
0x13: {  	s5 =	sadd.s32 $0x4F7000, s0;
	s0 =	sadd.s32 $0x4F7600, s0;
	s9 =	simm.s32 @!p0 $0x0  }
0x14: {  	[sflag:s31] =	ssyncpa.u1 $0x0;
	[dreg:$0x3] =	wrdreg s0;
	s9 =	sadd.s32 s10, s9  }
0x15: {  	vm0 =	vmmov $0xffff;
	v2 =	vlaneseq.u32;
	p0 =	por $0x0, $0x0;
	s10 =	sshll.u32 s6, $0x1;
	s11 =	sadd.s32 $0x1, s9  }
0x16: {  	vm1 =	vmxor vm1, vm1;
	vm2 =	vmmov $0x1;
	vm3 =	vcmask $0x3F3C;
	s12 =	sadd.s32 $0x2, s9;
	s13 =	sor.u32 $0x81, s10;
	s15 =	sor.u32 $0x80, s10  }
.LBB2_9:
0x17: {  	p1 =	slt.u32 s24, $0x3  }
0x18: {  	s0 =	simm.s32 @!p1 $0x2  }
0x19: {  	_ =	swait.ge @!p1 [sflag:s0], $0x190  }
0x1a: {  	[sflag:s0] =	ssyncset.done @!p1 $0x0  }
0x1b: {  	[sflag:s0] =	ssyncadd.s32 @!p1 $0xFFFFFE70;
	s0 =	simm.s32 @!p1 $0x9  }
0x1c: {  	_ =	swait.ge @!p1 [sflag:s0], $0x10  }
0x1d: {  	[sflag:s0] =	ssyncset.done @!p1 $0x0  }
0x1e: {  	[sflag:s0] =	ssyncadd.s32 @!p1 $0xFFFFFFF0;
	p1 =	sne.s32 s24, s12  }
.Ltmp1:
0x1f: {  	s2 =	sadd.s32 $0x190, s23;
	(pc) =	sbr.rel @!p1 .LBB2_10-.Ltmp1, $4  }
0x20: {  	s6 =	smov.u32 s3;
	s31 =	sadd.s32 $0x1, s24;
	s17 =	sadd.s32 $0x190, s17  }
0x21: {  	s18 =	sadd.s32 $0x1, s18;
	s25 =	smov.u32 s23;
	p2 =	slt.s32 s2, s4  }
0x22: {  	p0 =	por !p0, !p0;
	s19 =	sadd.s32 $0x190, s19;
	s6 =	smov.u32 @p2 s2  }
0x23: {  	s20 =	sadd.s32 $0x1, s20;
	s23 =	smov.u32 s6;
	s24 =	smov.u32 s31  }
.LBB2_1:
0x24: {  	p1 =	sge.u32 s24, s9  }
0x25: {  	s0 =	smulhi.u32 @!p1 $0xAAAAAAAB, s24;
	_ =	sdelay $0x1  }
0x26: {  	s0 =	sshrl.u32 @!p1 s0, $0x1  }
0x27: {  	s0 =	smul.u32 @!p1 $0x3, s0;
	_ =	sdelay $0x1  }
0x28: {  	s0 =	ssub.s32 @!p1 s24, s0  }
0x29: {  	s0 =	smul.u32 @!p1 $0x640, s0;
	_ =	sdelay $0x1  }
0x2a: {  	s2 =	sshrl.u32 @!p1 s23, $0x3;
	s0 =	sshrl.u32 @!p1 s0, $0x2  }
0x2b: {  	s22 =	sand.u32 @!p1 $0x7, s23;
	s2 =	sadd.s32 @!p1 s5, s2;
	s0 =	sadd.s32 @!p1 $0x100, s0  }
0x2c: {  	[tilespmem:s0], [sflag:$0x7] =	stream.linear.gather @!p1 [hbm4b:s2+s22], $0x190, $0x38;
	[tilespmem:$0xF30] =	vst v63  }
0x2d: {  	s0 =	sadd.s32 $0xFFFFFFFF, s24  }
0x2e: {  	p1 =	sge.u32 s0, s9  }
.Ltmp2:
0x2f: {  	_ = 	snop;
	(pc) =	sbr.rel @p1 .LBB2_5-.Ltmp2, $1  }
0x30: {  	_ =	sdelay $0x3  }
0x31: {  	s2 =	smulhi.u32 $0xAAAAAAAB, s0;
	_ =	sdelay $0x1  }
0x32: {  	s2 =	sshrl.u32 s2, $0x1  }
0x33: {  	s2 =	smul.u32 $0x3, s2;
	_ =	sdelay $0x1  }
0x34: {  	s2 =	ssub.s32 s0, s2  }
0x35: {  	s2 =	smul.u32 $0x640, s2  }
0x36: {  	_ =	swait.ge [sflag:s7], $0x190  }
0x37: {  	[sflag:s7] =	ssyncset.done $0x0;
	s2 =	sshrl.u32 s2, $0x2  }
0x38: {  	[sflag:s7] =	ssyncadd.s32 $0xFFFFFE70;
	(ifvalue) =	ssetifvalue $0xFFFFFFFF;
	v3 =	vld.msk [tilespmem:s2+$0x100 ss:$0x1], $0xffff;
	_ =	sdelay $0x2  }
0x39: {  	s30 =	smulhi.u32 $0xAAAAAAAB, s18;
	p1 =	sne.s32 s24, $0x1  }
0x3a: {  	v4 =	vimm.s32 @!p1 $0x0  }
0x3b: {  	s2 =	sshrl.u32 s30, $0x1;
	v4 =	vperm.xlane @!p1 v3, v4  }
0x3c: {  	s22 =	sshll.u32 s24, $0x4;
	s2 =	smul.u32 $0xFFFFED40, s2;
	vm4 =	vlt.u32 v3, $0x80  }
0x3d: {  	s22 =	sand.u32 $0x10, s22;
	v3 =	vnsel vm4, $0xFFFFFFFE, v3;
	vm4 =	vlt.u32 @!p1 v4, $0x80  }
0x3e: {  	s2 =	sshra.s32 s2, $0x2;
	[tilespmem:s22+$0x60] =	vst v3;
	v3 =	vnsel @!p1 vm4, $0xFFFFFFFE, v4  }
0x3f: {  	s28 =	sadd.s32 s2, s17;
	[tilespmem:$0x80] =	vst @!p1 v3  }
0x40: {  	v3 =	vld.msk [tilespmem:s28+$0x0 ss:$0x1], $0xffff;
	_ =	sdelay $0x4  }
0x41: {  	(xrf1) =	vunique.msk.u32 $0xffff, v3;
	_ =	sdelay $0xd  }
0x42: {  	v4 =	vimm.s32 $0xFFFFFFFF;
	v5, _, _ =	vpop (xrf1)  }
0x43: {  	vm5 =	vne.s32 v3, v4;
	vm4 =	veq.s32 v5, v2  }
0x44: {  	vm6 =	vlt.u32 v3, $0x80;
	vm4 =	vmand vm5, vm4  }
0x45: {  	vm4 =	vmand vm6, vm4  }
0x46: {  	v4 =	vnsel vm4, $0xFFFFFFFF, v3  }
0x47: {  	s31 =	sand.u32 $0x1, s0  }
0x48: {  	s0 =	simm.s32 $0x190;
	p1 =	seq.s32 s31, $0x1  }
0x49: {  	s0 =	simm.s32 @!p1 $0x0  }
0x4a: {  	s26 =	sadd.s32 $0x730, s0;
	(ifvalue) =	ssetifvalue $0xFFFFFFFF  }
0x4b: {  	v3 =	vperm.xlane v3, v1;
	[tilespmem:s26], [sflag:$0x8] =	stream.indirect_vreg.gather [hbm4b:s1+s16], $0x1, v4, vm0, $0x4038;
	v4 =	vnsel vm6, $0xFFFFFFFE, v4;
	[tilespmem:$0xF30] =	vst v63  }
0x4c: {  	s2 =	simm.s32 $0x0;
	s22 =	sadd.s32 $0xFFFFFFF0, s28;
	[tilespmem:s28+$0x0] =	vst v4  }
.LBB2_3:
0x4d: {  	v4 =	vld.msk [tilespmem:s22+$0x0 ss:$0x1], $0xffff;
	s2 =	sadd.s32 $0x10, s2;
	v5 =	vmov v3;
	s28 =	smov.u32 s22  }
0x4e: {  	p1 =	slt.u32 s2, $0x180;
	_ =	sdelay $0x4  }
0x4f: {  	v3 =	vperm.xlane v4, v1;
	(xrf1) =	vunique.msk.u32 $0xffff, v4;
	_ =	sdelay $0xd  }
0x50: {  	v6, _, _ =	vpop (xrf1)  }
0x51: {  	vm5 =	vne.s32 v4, v5;
	vm4 =	veq.s32 v6, v2  }
0x52: {  	vm6 =	vlt.u32 v4, $0x80;
	vm4 =	vmand vm5, vm4  }
0x53: {  	vm4 =	vmand vm6, vm4  }
0x54: {  	v4 =	vnsel vm4, $0xFFFFFFFF, v4  }
.Ltmp3:
0x55: {  	v5 =	vnsel vm6, $0xFFFFFFFE, v4;
	(pc) =	sbr.rel @p1 .LBB2_3-.Ltmp3, $3  }
0x56: {  	_ =	sdelay $0x1  }
0x57: {  	s22 =	sadd.s32 $0xFFFFFFF0, s22;
	s26 =	sadd.s32 $0xFFFFFFF0, s26;
	(ifvalue) =	ssetifvalue $0xFFFFFFFF  }
0x58: {  	[tilespmem:s26], [sflag:$0x8] =	stream.indirect_vreg.gather [hbm4b:s1+s16], $0x1, v4, vm0, $0x4038;
	[tilespmem:s28+$0x0] =	vst v5  }
0x59: {  	s2 =	sshrl.u32 s25, $0x3;
	s6 =	rddreg [dreg:$0x3]  }
0x5a: {  	s0 =	sadd.s32 $0x8D0, s0;
	s2 =	sadd.s32 s6, s2  }
0x5b: {  	[tilespmem:s0], [sflag:$0x8] =	stream.linear.gather [hbm:s2], $0x190, $0x38;
	[tilespmem:$0xF30] =	vst v63  }
.LBB2_5:
0x5c: {  	p1 =	slt.u32 s24, $0x2  }
0x5d: {  	p2 =	sge.u32 @!p1 s24, s12  }
0x5e: {  	p1 =	por p1, p2  }
.Ltmp4:
0x5f: {  	_ = 	snop;
	(pc) =	sbr.rel @p1 .LBB2_9-.Ltmp4, $1  }
0x60: {  	_ =	sdelay $0x3  }
0x61: {  	s0 =	sadd.s32 $0xFFFFFFFE, s24  }
0x62: {  	s2 =	smulhi.u32 $0xAAAAAAAB, s0;
	_ =	sdelay $0x1  }
0x63: {  	s2 =	sshrl.u32 s2, $0x1  }
0x64: {  	s2 =	smul.u32 $0x3, s2;
	_ =	sdelay $0x1  }
0x65: {  	s0 =	ssub.s32 s0, s2  }
0x66: {  	_ =	swait.ge [sflag:s8], $0x320;
	s0 =	smul.u32 $0x190, s0  }
0x67: {  	p1 =	sne.s32 s24, s11;
	[sflag:s8] =	ssyncset.done $0x0  }
0x68: {  	[sflag:s8] =	ssyncadd.s32 $0xFFFFFCE0;
	s2 =	sadd.s32 @!p1 $0x28F, s0  }
0x69: {  	[spmem:s13] =	stream.linear.scatter @!p1 [tilespmem:s2], [sflag:$0x1], $0x1, $0x38;
	[tilespmem:$0xF30] =	vst v63  }
0x6a: {  	s2 =	simm.s32 @!p1 $0x1  }
0x6b: {  	_ =	swait.ge @!p1 [sflag:s2], $0x1  }
0x6c: {  	s22 =	sshll.u32 s24, $0x4;
	[sflag:s2] =	ssyncset.done @!p1 $0x0  }
0x6d: {  	s25 =	sand.u32 $0x10, s22;
	[sflag:s2] =	ssyncadd.s32 @!p1 $0xFFFFFFFF  }
0x6e: {  	s2 =	sxor.u32 $0x10, s25;
	v4 =	vld [tilespmem:s25+$0x10]  }
0x6f: {  	v5 =	vld [tilespmem:s2+$0x60]  }
0x70: {  	v3 =	vld [tilespmem:$0x80];
	_ =	sdelay $0x2  }
0x71: {  	(v2sf) =	vpush v4, $0x0  }
0x72: {  	(v2sf) =	vpush v5, $0x0  }
0x73: {  	(v2sf) =	vpush v3, $0x0;
	_ =	sdelay $0xc  }
0x74: {  	s6 =	spop (v2sf)  }
0x75: {  	s28 =	spop (v2sf)  }
0x76: {  	s26 =	spop (v2sf)  }
0x77: {  	p2 =	seq.s32 s6, s28;
	p3 =	seq.s32 s26, s6  }
0x78: {  	p3 =	por p2, p3  }
0x79: {  	s6 =	sand.u32 $0x1, s24;
	v4 =	vpsel p3, $0xFFFFFFFF, v4  }
0x7a: {  	s28 =	smul.u32 $0x190, s6;
	[tilespmem:s25+$0x10] =	vst.msk $0x1, v4  }
0x7b: {  	v4 =	vld [tilespmem:$0x30]  }
0x7c: {  	v5 =	vld [tilespmem:s28+$0x8D0]  }
0x7d: {  	v6 =	vld [tilespmem:s25+$0x40];
	_ =	sdelay $0x3  }
0x7e: {  	vm4 =	vmmov vm1;
	v5 =	vadd.f32 v5, v4  }
0x7f: {  	vm5 =	vmmov vm2;
	vm4 =	vmmov @p2 vm2;
	v4 =	vadd.f32 v6, v4  }
0x80: {  	s22 =	sshll.u32 s6, $0x4;
	vm5 =	vmmov @p3 vm1;
	[tilespmem:s28+$0x8D0] =	vst.msk vm4, v5  }
0x81: {  	[tilespmem:s22+$0xF10] =	vst.msk vm5, v4  }
0x82: {  	v4 =	vld [tilespmem:s28+$0x730];
	_ =	sdelay $0x3  }
0x83: {  	v5 =	vimm.f32 $0.0e+00  }
0x84: {  	v4 =	vshift.insert v4, v5, s21  }
0x85: {  	s29 =	sor.u32 $0x40, s2  }
0x86: {  	[tilespmem:s29+$0x0] =	vst.msk $0x1, v4  }
0x87: {  	[tilespmem:s28+$0x73F] =	vst.msk $0x1, v5  }
0x88: {  	v4 =	vld [tilespmem:s0+$0x280];
	_ =	sdelay $0x1  }
0x89: {  	s29 =	smulhi.u32 $0xAAAAAAAB, s20;
	s0 =	simm.s32 $0x1  }
0x8a: {  	s0 =	simm.s32 @!p0 $0x0  }
0x8b: {  	s29 =	sshrl.u32 s29, $0x1;
	s0 =	smul.u32 $0x640, s0  }
0x8c: {  	s29 =	smul.u32 $0xFFFFED40, s29;
	v4 =	vshift.insert v4, v1, s21  }
0x8d: {  	s0 =	sshrl.u32 s0, $0x2  }
0x8e: {  	s29 =	sshra.s32 s29, $0x2;
	s30 =	sadd.s32 $0x8D0, s0;
	[tilespmem:s2+$0x10] =	vst.msk $0x1, v4  }
0x8f: {  	s6 =	sadd.s32 s29, s19;
	v6 =	vld [tilespmem:s30+$0x0]  }
0x90: {  	v7 =	vld [tilespmem:s6+$0x0];
	_ =	sdelay $0x3  }
0x91: {  	v5 =	vadd.f32 v6, v5  }
0x92: {  	vm4 =	vne.s32 v7, $0xFFFFFFFF  }
0x93: {  	(xrf2) =	vadd.seg.scan.f32 vm4, v5;
	_ =	sdelay $0x3  }
0x94: {  	s31 =	sadd.s32 $0x5B0, s0;
	v5 =	vperm.xlane v4, v1  }
0x95: {  	v6 =	vld [tilespmem:s31+$0x0]  }
0x96: {  	vm5 =	veq.s32 v7, v3;
	vm6 =	veq.s32 v7, v5  }
0x97: {  	vm7 =	vgt.u32 v7, $0xFFFFFFFD;
	vm6 =	vmor vm6, vm5  }
0x98: {  	vm6 =	vmor vm6, vm7  }
0x99: {  	v9 =	vld [tilespmem:$0xA0];
	v7 =	vsel vm6, $0xFFFFFFFF, v7  }
0x9a: {  	v10 =	vld [tilespmem:$0x90];
	v6 =	vsel vm5, $0x0, v6;
	v8, _, _ =	vpop (xrf2)  }
0x9b: {  	v6 =	vadd.f32 v8, v6  }
0x9c: {  	s0 =	sadd.s32 $0xBF0, s0  }
0x9d: {  	vm4 =	vmand vm4, vm3;
	[tilespmem:s0+$0x0] =	vst v6;
	(ifvalue) =	ssetifvalue $0xFFFFFFFF  }
0x9e: {  	vm6 =	veq.s32 v9, $0x1;
	[hbm4b:s1+s16] =	stream.indirect_vreg.scatter [tilespmem:s0], [sflag:$0x2], $0x1, v7, vm0, $0x4038;
	v7 =	vsel vm4, $0x0, v8;
	[tilespmem:$0xF30] =	vst v63  }
0x9f: {  	s29 =	sadd.s32 $0xF10, s22;
	s22 =	sadd.s32 $0x10, s6;
	s2 =	simm.s32 $0x0;
	vm4 =	vmor vm6, vm5;
	v6 =	vsel vm5, v8, v10;
	v7 =	vshift.insert v7, v0, s21  }
.LBB2_7:
0xa0: {  	v8 =	vld [tilespmem:s22+$0x0];
	s30 =	sadd.s32 $0x10, s30  }
0xa1: {  	s31 =	sadd.s32 $0x10, s31;
	v9 =	vld [tilespmem:s30+$0x0]  }
0xa2: {  	s2 =	sadd.s32 $0x10, s2;
	v10 =	vld [tilespmem:s31+$0x0]  }
0xa3: {  	p2 =	slt.u32 s2, $0x180;
	_ =	sdelay $0x2  }
0xa4: {  	v7 =	vadd.f32 v9, v7  }
0xa5: {  	vm5 =	vne.s32 v8, $0xFFFFFFFF  }
0xa6: {  	vm6 =	vmand vm5, vm3;
	(xrf2) =	vadd.seg.scan.f32 vm5, v7;
	_ =	sdelay $0x5  }
0xa7: {  	vm7 =	veq.s32 v8, v5;
	vm5 =	veq.s32 v8, v3  }
0xa8: {  	vm8 =	vgt.u32 v8, $0xFFFFFFFD;
	vm4 =	vmor vm4, vm5;
	vm7 =	vmor vm7, vm5  }
0xa9: {  	vm7 =	vmor vm7, vm8  }
0xaa: {  	v8 =	vsel vm7, $0xFFFFFFFF, v8  }
.Ltmp5:
0xab: {  	v7 =	vsel vm5, $0x0, v10;
	v9, _, _ =	vpop (xrf2);
	(pc) =	sbr.rel @p2 .LBB2_7-.Ltmp5, $4  }
0xac: {  	v6 =	vsel vm5, v9, v6;
	v10 =	vadd.f32 v9, v7;
	v7 =	vsel vm6, $0x0, v9  }
0xad: {  	s0 =	sadd.s32 $0x10, s0;
	v7 =	vshift.insert v7, v0, s21  }
0xae: {  	s22 =	sadd.s32 $0x10, s22;
	[tilespmem:s0+$0x0] =	vst v10;
	(ifvalue) =	ssetifvalue $0xFFFFFFFF  }
0xaf: {  	[hbm4b:s1+s16] =	stream.indirect_vreg.scatter [tilespmem:s0], [sflag:$0x2], $0x1, v8, vm0, $0x4038;
	[tilespmem:$0xF30] =	vst v63  }
0xb0: {  	v3 =	vld [tilespmem:s28+$0xD70];
	_ =	sdelay $0x4  }
0xb1: {  	v3 =	vshift.insert v3, v0, s21  }
0xb2: {  	s0 =	simm.s32 $0x30  }
0xb3: {  	[tilespmem:s0+$0x0] =	vst.msk $0x1, v3  }
0xb4: {  	v3 =	vsel vm4, $0x1, v1;
	[tilespmem:$0x90] =	vst v6  }
0xb5: {  	s0 =	sadd.s32 @!p1 $0xD7F, s28;
	[tilespmem:$0xA0] =	vst v3  }
0xb6: {  	[spmem:s14] =	stream.linear.scatter @!p1 [tilespmem:s0], [sflag:$0x1], $0x1, $0x38;
	[tilespmem:$0xF30] =	vst v63  }
0xb7: {  	s0 =	simm.s32 @!p1 $0x1  }
0xb8: {  	v3 =	vmctz.xlane @!p1 vm4;
	_ =	swait.ge @!p1 [sflag:s0], $0x1  }
0xb9: {  	(v2sf) =	vpush @!p1 v4, $0x0  }
0xba: {  	(v2sf) =	vpush @!p1 v3, $0x0;
	_ =	sdelay $0xd  }
0xbb: {  	s2 =	spop @!p1 (v2sf)  }
0xbc: {  	s6 =	spop @!p1 (v2sf)  }
0xbd: {  	p2 =	sne.s32 @!p1 s26, s2;
	p3 =	slt.s32 @!p1 s6, $0xF  }
0xbe: {  	[sflag:s0] =	ssyncset.done @!p1 $0x0;
	p2 =	por p2, p1;
	p3 =	por !p3, p1  }
0xbf: {  	[sflag:s0] =	ssyncadd.s32 @!p1 $0xFFFFFFFF;
	v3 =	vimm.s32 @!p2 $0xFFFFFFFF;
	s6 =	simm.s32 @p3 $0xF  }
0xc0: {  	[tilespmem:$0x80] =	vst @!p2 v3;
	s2 =	sadd.s32 @!p1 $0x90, s6  }
0xc1: {  	[spmem:s10] =	stream.linear.scatter @!p1 [tilespmem:s2], [sflag:$0x1], $0x1, $0x38;
	[tilespmem:$0xF30] =	vst v63  }
0xc2: {  	_ =	swait.ge @!p1 [sflag:s0], $0x1  }
0xc3: {  	[sflag:s0] =	ssyncset.done @!p1 $0x0  }
0xc4: {  	s2 =	simm.s32 @!p1 $0x80;
	[sflag:s0] =	ssyncadd.s32 @!p1 $0xFFFFFFFF  }
0xc5: {  	[spmem:s15] =	stream.linear.scatter @!p1 [tilespmem:s2], [sflag:$0x1], $0x1, $0x38;
	[tilespmem:$0xF30] =	vst v63  }
0xc6: {  	_ =	swait.ge @!p1 [sflag:s0], $0x1  }
0xc7: {  	[sflag:s0] =	ssyncset.done @!p1 $0x0  }
0xc8: {  	[sflag:s0] =	ssyncadd.s32 @!p1 $0xFFFFFFFF;
	(ifvalue) =	ssetifvalue $0xFFFFFFFF;
	v3 =	vld [tilespmem:s25+$0x10];
	_ =	sdelay $0x3  }
.Ltmp6:
0xc9: {  	_ = 	snop;
	(pc) =	sbr.rel .LBB2_9-.Ltmp6, $3  }
0xca: {  	_ =	sdelay $0x1  }
0xcb: {  	(ifvalue) =	ssetifvalue $0xFFFFFFFF  }
0xcc: {  	[hbm4b:s1+s16] =	stream.indirect_vreg.scatter [tilespmem:s29], [sflag:$0x9], $0x1, v3, vm0, $0x4038;
	[tilespmem:$0xF30] =	vst v63  }
.LBB2_10:
0xcd: {  	_ =	sfence.sel $0x180000  }
0xce: {  	s0 =	simm.s32 $0x7;
	[bflag:$0x0] =	sbarrier.arrive $0xFFFF  }
0xcf: {  	s26 =	simm.s32 $0x8;
	[sflag:s0] =	ssyncpa.u1 $0x1  }
0xd0: {  	s28 =	simm.s32 $0x9;
	[sflag:s26] =	ssyncpa.u1 $0x1  }
0xd1: {  	[sflag:s28] =	ssyncpa.u1 $0x1  }
0xd2: {  	_ =	sfence.stream.spmem  }
0xd3: {  	s29 =	simm.s32 $0x3;
	[bflag:$0x0] =	sbarrier.arrive $0xFFFF  }
0xd4: {  	s30 =	simm.s32 $0x4;
	[sflag:s29] =	ssyncpa.u1 $0x1  }
0xd5: {  	s31 =	simm.s32 $0x3C;
	s2 =	stileid.u32;
	[sflag:s30] =	ssyncpa.u1 $0x1  }
0xd6: {  	p0 =	sne.s32 s2, $0x0;
	[sflag:s31] =	ssyncpa.u1 $0x1  }
0xd7: {  	s0 =	simm.s32 @p0 $0x1;
	_ =	sfence @p0  }
0xd8: {  	[sflag:s0] =	ssyncpa.u1 @p0 $0x1;
	s0 =	simm.s32 @p0 $0x2  }
0xd9: {  	[sflag:s0] =	ssyncpa.u1 @p0 $0x1  }
0xda: {  	_ =	strace @p0 $0x9000005C  }
0xdb: {  	[bflag:$0x2] =	sbarrier.arrive @p0 $0xFFFF  }
0xdc: {  	_ =	shalt @p0  }
.LBB2_11:
0xdd: {  	_ =	sfence.stream.spmem;
	s0 =	simm.s32 $0x5  }
0xde: {  	s2 =	simm.s32 $0x80;
	s3 =	simm.s32 $0xC0;
	[sflag:s0] =	ssyncpa.u1 $0x0  }
0xdf: {  	[tilespmem:s3], [sflag:$0x5] =	stream.linear.gather [spmem:s2], $0x20, $0x38;
	[tilespmem:$0xF30] =	vst v63  }
0xe0: {  	s2 =	simm.s32 $0x0;
	s3 =	simm.s32 $0xE0  }
0xe1: {  	[tilespmem:s3], [sflag:$0x5] =	stream.linear.gather [spmem:s2], $0x20, $0x38;
	[tilespmem:$0xF30] =	vst v63  }
.Ltmp7:
0xe2: {  	_ = 	snop;
	(pc) =	sbr.rel .LBB2_12-.Ltmp7, $4  }
0xe3: {  	_ =	swait.ge [sflag:s0], $0x40  }
0xe4: {  	[sflag:s0] =	ssyncset.done $0x0  }
0xe5: {  	s31 =	simm.s32 $0x6;
	[sflag:s0] =	ssyncadd.s32 $0xFFFFFFC0  }
0xe6: {  	s4 =	simm.s32 $0x0;
	[sflag:s31] =	ssyncpa.u1 $0x0  }
.LBB2_17:
0xe7: {  	p0 =	sgt.u32 s5, $0x7F  }
0xe8: {  	s0 =	sshrl.u32 @!p0 s5, $0x3  }
0xe9: {  	s5 =	sand.u32 @!p0 $0x7, s5;
	s6 =	simm.s32 @!p0 $0xB0;
	s0 =	sadd.s32 @!p0 s1, s0  }
0xea: {  	[tilespmem:s6], [sflag:$0x6] =	stream.linear.gather @!p0 [hbm4b:s0+s5], $0x1, $0x38;
	[tilespmem:$0xF30] =	vst v63  }
0xeb: {  	s0 =	simm.s32 @!p0 $0x6  }
0xec: {  	_ =	swait.ge @!p0 [sflag:s0], $0x1  }
0xed: {  	[sflag:s0] =	ssyncset.done @!p0 $0x0  }
0xee: {  	[sflag:s0] =	ssyncadd.s32 @!p0 $0xFFFFFFFF  }
0xef: {  	v2 =	vmov @!p0 s4;
	v1 =	vld.msk @!p0 [tilespmem:$0xB0], $0x1;
	_ =	sdelay $0x3  }
0xf0: {  	s0 =	simm.s32 @!p0 $0xE0  }
0xf1: {  	[tilespmem:v2+s0+$0x0], v1 =	vst.idx.ret.add.f32.msk @!p0 $0x1, v1  }
0xf2: {  	[tilespmem:s2+$0xC0] =	vst.msk $0x1, v0  }
0xf3: {  	v0 =	vld.msk [tilespmem:s4+$0xE0], $0x1;
	_ =	sdelay $0x4  }
0xf4: {  	[tilespmem:s2+$0xE0] =	vst.msk $0x1, v0;
	s2 =	sadd.s32 $0x1, s2  }
.LBB2_19:
0xf5: {  	s4 =	sadd.s32 $0x1, s4  }
0xf6: {  	p0 =	sne.s32 s4, $0x20  }
.Ltmp8:
0xf7: {  	_ = 	snop;
	(pc) =	sbr.rel @!p0 .LBB2_20-.Ltmp8, $1  }
0xf8: {  	_ =	sdelay $0x3  }
.LBB2_12:
0xf9: {  	v0 =	vld.msk [tilespmem:s4+$0xC0], $0x1;
	_ =	sdelay $0x4  }
0xfa: {  	(v2sf) =	vpush v0, $0x0;
	_ =	sdelay $0xe  }
0xfb: {  	s5 =	spop (v2sf)  }
0xfc: {  	p0 =	seq.s32 s5, $0xFFFFFFFF  }
.Ltmp9:
0xfd: {  	_ = 	snop;
	(pc) =	sbr.rel @p0 .LBB2_19-.Ltmp9, $1  }
0xfe: {  	_ =	sdelay $0x3  }
0xff: {  	p0 =	slt.s32 s2, $0x1  }
.Ltmp10:
0x100: {  	_ = 	snop;
	(pc) =	sbr.rel @p0 .LBB2_17-.Ltmp10, $1  }
0x101: {  	_ =	sdelay $0x3  }
0x102: {  	s0 =	simm.s32 $0xC0;
	p0 =	por $0x0, $0x0  }
0x103: {  	v1 =	vld.msk @!p0 [tilespmem:s0+$0x0], $0x1;
	_ =	sdelay $0x4  }
0x104: {  	(v2sf) =	vpush @!p0 v1, $0x0;
	_ =	sdelay $0xd  }
0x105: {  	p2 =	sne.s32 s2, $0x1  }
.Ltmp11:
0x106: {  	s6 =	spop @!p0 (v2sf);
	(pc) =	sbr.rel @!p2 .LBB2_16-.Ltmp11, $4  }
0x107: {  	p1 =	seq.s32 @!p0 s5, s6  }
0x108: {  	s6 =	simm.s32 $0x0;
	p1 =	por !p1, p0  }
0x109: {  	s8 =	simm.s32 $0xFFFFFFFF;
	s6 =	simm.s32 @p1 $0xFFFFFFFF  }
0x10a: {  	s7 =	simm.s32 $0x1;
	s6 =	smov.u32 @p0 s8  }
.LBB2_15:
0x10b: {  	s8 =	smov.u32 s6;
	p0 =	sne.s32 s6, $0xFFFFFFFF  }
0x10c: {  	s0 =	sadd.s32 $0x1, s0;
	s6 =	smov.u32 s7;
	s7 =	sadd.s32 $0x1, s7  }
0x10d: {  	p1 =	sne.s32 s2, s7;
	v1 =	vld.msk @!p0 [tilespmem:s0+$0x0], $0x1;
	_ =	sdelay $0x4  }
0x10e: {  	(v2sf) =	vpush @!p0 v1, $0x0;
	_ =	sdelay $0xe  }
.Ltmp12:
0x10f: {  	s9 =	spop @!p0 (v2sf);
	(pc) =	sbr.rel @p1 .LBB2_15-.Ltmp12, $4  }
0x110: {  	p2 =	seq.s32 @!p0 s5, s9  }
0x111: {  	p2 =	por !p2, p0  }
0x112: {  	s6 =	simm.s32 @p2 $0xFFFFFFFF  }
0x113: {  	s6 =	smov.u32 @p0 s8  }
.LBB2_16:
0x114: {  	p0 =	sne.s32 s6, $0xFFFFFFFF  }
.Ltmp13:
0x115: {  	_ = 	snop;
	(pc) =	sbr.rel @!p0 .LBB2_17-.Ltmp13, $1  }
0x116: {  	_ =	sdelay $0x3  }
0x117: {  	v0 =	vld.msk [tilespmem:s4+$0xE0], $0x1;
	v1 =	vmov s6  }
.Ltmp14:
0x118: {  	_ = 	snop;
	(pc) =	sbr.rel .LBB2_19-.Ltmp14, $2  }
0x119: {  	_ =	sdelay $0x2  }
0x11a: {  	[tilespmem:v1+s3+$0x0], v0 =	vst.idx.ret.add.f32.msk $0x1, v0  }
.LBB2_20:
0x11b: {  	p0 =	slt.s32 s2, $0x1  }
.Ltmp15:
0x11c: {  	_ = 	snop;
	(pc) =	sbr.rel @p0 .LBB2_24-.Ltmp15, $3  }
0x11d: {  	_ =	sdelay $0x1  }
0x11e: {  	s0 =	simm.s32 $0x6  }
0x11f: {  	s3 =	simm.s32 $0x0;
	[sflag:s0] =	ssyncpa.u1 $0x1  }
0x120: {  	s0 =	simm.s32 $0xC0  }
0x121: {  	v0 =	vld.msk [tilespmem:s0+$0x0], $0x1;
	_ =	sdelay $0x4  }
0x122: {  	(v2sf) =	vpush v0, $0x0;
	_ =	sdelay $0xe  }
0x123: {  	s2 =	sadd.s32 $0xFFFFFFFF, s2;
	s4 =	spop (v2sf)  }
0x124: {  	p1 =	sne.s32 s2, $0x0;
	p0 =	sgt.u32 s4, $0x7F  }
.Ltmp16:
0x125: {  	s5 =	sshrl.u32 @!p0 s4, $0x3;
	(pc) =	sbr.rel @!p1 .LBB2_23-.Ltmp16, $4  }
0x126: {  	s0 =	simm.s32 $0xE0;
	s4 =	sand.u32 @!p0 $0x7, s4;
	s5 =	sadd.s32 @!p0 s1, s5  }
0x127: {  	[hbm4b:s5+s4] =	stream.linear.scatter @!p0 [tilespmem:s0], [sflag:$0x5], $0x1, $0x38;
	[tilespmem:$0xF30] =	vst v63  }
0x128: {  	s5 =	simm.s32 $0x0  }
0x129: {  	s4 =	simm.s32 $0xC1;
	s5 =	simm.s32 @!p0 $0x4  }
.LBB2_22:
0x12a: {  	v0 =	vld.msk [tilespmem:s4+$0x0], $0x1;
	s2 =	sadd.s32 $0xFFFFFFFF, s2;
	s3 =	sadd.s32 s3, s5  }
0x12b: {  	p0 =	sne.s32 s2, $0x0;
	_ =	sdelay $0x3  }
0x12c: {  	(v2sf) =	vpush v0, $0x0;
	_ =	sdelay $0xe  }
.Ltmp17:
0x12d: {  	s6 =	spop (v2sf);
	(pc) =	sbr.rel @p0 .LBB2_22-.Ltmp17, $4  }
0x12e: {  	s5 =	simm.s32 $0x0;
	p1 =	sgt.u32 s6, $0x7F  }
0x12f: {  	s0 =	sadd.s32 $0x1, s0;
	s5 =	simm.s32 @!p1 $0x4;
	s7 =	sshrl.u32 @!p1 s6, $0x3  }
0x130: {  	s4 =	sadd.s32 $0x1, s4;
	s6 =	sand.u32 @!p1 $0x7, s6;
	s7 =	sadd.s32 @!p1 s1, s7  }
0x131: {  	[hbm4b:s7+s6] =	stream.linear.scatter @!p1 [tilespmem:s0], [sflag:$0x5], $0x1, $0x38;
	[tilespmem:$0xF30] =	vst v63  }
.LBB2_23:
0x132: {  	s0 =	sadd.s32 s3, s5  }
0x133: {  	s3 =	sshrl.u32 s0, $0x2  }
.LBB2_24:
0x134: {  	s0 =	simm.s32 $0x5  }
0x135: {  	_ =	swait.ge [sflag:s0], s3  }
0x136: {  	s1 =	ssub.s32 $0x0, s3;
	[sflag:s0] =	ssyncset.done $0x0  }
0x137: {  	[sflag:s0] =	ssyncadd.s32 s1  }
0x138: {  	[sflag:s0] =	ssyncpa.u1 $0x1  }
0x139: {  	s29 =	simm.s32 $0x1;
	_ =	sfence  }
0x13a: {  	s30 =	simm.s32 $0x2;
	[sflag:s29] =	ssyncpa.u1 $0x1  }
0x13b: {  	[sflag:s30] =	ssyncpa.u1 $0x1  }
0x13c: {  	_ =	strace $0x9000005C  }
0x13d: {  	[bflag:$0x2] =	sbarrier.arrive $0xFFFF  }
0x13e: {  	s31 =	rddreg [dreg:$0x2]  }
0x13f: {  	s0 =	sadd.s32 $0x100000, s31  }
0x140: {  	[sflag:s0] =	ssyncadd.tile.s32 $0x1;
	_ =	shalt  }
.Lfunc_end2:
_tile_overlayer_lowered:
.L_overlay_start_2:
0x141: {  	(tag) =	ssettag $0x2  }
0x142: {  	s0 =	rddreg [dreg:$0x0];
	s2 =	stileid.u32  }
0x143: {  	s1 =	rddreg [dreg:$0x1];
	p0 =	sne.s32 s2, $0x0  }
0x144: {  	s3 =	rddreg [dreg:$0x2];
	[bflag:$0x3] =	sbarrier.arrive $0xFFFF;
	s2 =	simm.s32 @!p0 $0x1C01  }
0x145: {  	[timem:s3], [sflag:s2] =	dma.local @!p0 [hbm:s0], s1  }
0x146: {  	s0 =	simm.s32 @!p0 $0x1  }
0x147: {  	_ =	swait.ge @!p0 [sflag:s0], s1  }
0x148: {  	s1 =	ssub.s32 @!p0 $0x0, s1;
	[sflag:s0] =	ssyncset.done @!p0 $0x0  }
0x149: {  	[sflag:s0] =	ssyncadd.s32 @!p0 s1  }
0x14a: {  	[bflag:$0x3] =	sbarrier.arrive $0xFFFF  }
0x14b: {  	_ =	shalt  }

// kernel: scatter_offload_async_start
scs
__scs_entry_jumppad:
0x0: {  	(pc) =	sbr.rel $0x88, $3  }
0x1: {  	(tag) =	ssettag $0x0;
	lr =	simm.s32 $0x1  }
0x2: {  	[smem:$0x3F92] =	sst lr;
	_ =	strace $0xD0000000  }
0x3: {  	_ = 	snop  }
0x4: {  	_ = 	snop  }
0x5: {  	_ = 	snop  }
0x6: {  	_ = 	snop  }
0x7: {  	_ = 	snop  }
__scs_overlays_trampoline_lowered:
0x8: {  	[smem:$0x3FA1] =	sst s0  }
0x9: {  	[smem:$0x3FA2] =	sst s1  }
0xa: {  	[smem:$0x3FA3] =	sst s2  }
0xb: {  	[smem:$0x3FA4] =	sst s3  }
0xc: {  	[smem:$0x3FA5] =	sst s4  }
0xd: {  	[smem:$0x3FA6] =	sst s5  }
0xe: {  	[smem:$0x3FA7] =	sst s6  }
0xf: {  	[smem:$0x3FA8] =	sst s7  }
0x10: {  	[smem:$0x3FA9] =	sst s8  }
0x11: {  	[smem:$0x3FAA] =	sst s9;
	s0 =	simm.s32 @!p0 $0x0  }
0x12: {  	s1 =	sld [smem:$0x3F90];
	s0 =	simm.s32 @p0 $0x1  }
0x13: {  	[smem:$0x3FAB] =	sst s0;
	s0 =	simm.s32 @!p1 $0x0  }
0x14: {  	s2 =	sld [smem:$0x3F8F];
	s0 =	simm.s32 @p1 $0x1  }
0x15: {  	[smem:$0x3FAC] =	sst s0;
	s0 =	simm.s32 @!p2 $0x0  }
0x16: {  	s3 =	sld [smem:$0x3FDB];
	s0 =	simm.s32 @p2 $0x1  }
0x17: {  	s4 =	simm.s32 $0x1BF5;
	[smem:$0x3FAE] =	sst s0  }
0x18: {  	s0 =	sld [smem:$0x3F91];
	_ =	swait.ge [sflag:s4], $0x0  }
0x19: {  	s7 =	sld [smem:$0x3F92]  }
0x1a: {  	s8 =	sadd.s32 $0xFFFFE003, lr  }
0x1b: {  	s9 =	sadd.s32 $0xFFFFFEF7, lr;
	s5 =	simm.s32 $0xFFFFFFFF;
	p2 =	slt.u32 s8, $0xFFFFF086  }
0x1c: {  	p1 =	slt.u32 s9, $0xF7A;
	s5 =	simm.s32 @!p2 $0x0  }
0x1d: {  	s5 =	simm.s32 @p1 $0x1;
	p0 =	seq.s32 s7, s2  }
0x1e: {  	s7 =	smul.u32 @!p0 $0xF7A, s2;
	p2 =	seq.s32 @!p0 s5, $0x0  }
0x1f: {  	s9 =	smul.u32 $0xF7A, s1;
	s8 =	simm.s32 @!p0 $0x1BF5;
	p2 =	por !p2, p0  }
0x20: {  	[sflag:s8] =	ssyncset.s32 @!p0 $0xFFFFF086;
	s6 =	sadd.s32 @!p0 s3, s7;
	s7 =	simm.s32 @!p0 $0x108  }
0x21: {  	s3 =	sadd.s32 s3, s9;
	s6 =	sadd.s32 @!p0 $0x88, s6;
	s7 =	simm.s32 @p2 $0x1082  }
0x22: {  	[simem:s7], [sflag:s8] =	dma.local @!p0 [hbm:s6], $0xF7A  }
0x23: {  	s9 =	sor.u32 $0xD0000000, s2;
	s6 =	simm.s32 $0x108;
	_ =	swait.ge @!p0 [sflag:s8], $0x0  }
0x24: {  	s3 =	sadd.s32 $0x88, s3;
	s6 =	simm.s32 @!p1 $0x1082;
	[sflag:s4] =	ssyncset.s32 $0xFFFFF086  }
0x25: {  	[simem:s6], [sflag:s4] =	dma.local [hbm:s3], $0xF7A  }
0x26: {  	[smem:$0x3F92] =	sst s1;
	(tag) =	ssettag s2;
	_ =	strace s9  }
0x27: {  	s1 =	sld [smem:$0x3FA2]  }
0x28: {  	s2 =	sld [smem:$0x3FA3]  }
0x29: {  	s4 =	sld [smem:$0x3FA5]  }
0x2a: {  	p0 =	seq.s32 s5, $0x0;
	s5 =	sld [smem:$0x3FA6]  }
0x2b: {  	s6 =	sld [smem:$0x3FA7]  }
0x2c: {  	s7 =	sld [smem:$0x3FA8]  }
0x2d: {  	s3 =	simm.s32 $0x108;
	s8 =	sld [smem:$0x3FA9]  }
0x2e: {  	s3 =	simm.s32 @!p0 $0x1082;
	s9 =	sld [smem:$0x3FAA]  }
0x2f: {  	lr =	sadd.s32 s0, s3;
	s0 =	sld [smem:$0x3FA1]  }
0x30: {  	s3 =	sld [smem:$0x3FA4]  }
0x31: {  	[smem:$0x3FAD] =	sst s10  }
0x32: {  	s10 =	sld [smem:$0x3FAB];
	_ =	sdelay $0x3  }
0x33: {  	p0 =	seq.s32 s10, $0x1;
	s10 =	sld [smem:$0x3FAD];
	_ =	sdelay $0x3  }
0x34: {  	[smem:$0x3FAD] =	sst s10  }
0x35: {  	s10 =	sld [smem:$0x3FAC];
	_ =	sdelay $0x3  }
0x36: {  	p1 =	seq.s32 s10, $0x1;
	s10 =	sld [smem:$0x3FAD];
	_ =	sdelay $0x3  }
0x37: {  	[smem:$0x3FAD] =	sst s10  }
0x38: {  	s10 =	sld [smem:$0x3FAE]  }
0x39: {  	_ = 	snop;
	(pc) =	sbr.ind lr, $3  }
0x3a: {  	_ = 	snop  }
0x3b: {  	_ = 	snop  }
0x3c: {  	p2 =	seq.s32 s10, $0x1;
	s10 =	sld [smem:$0x3FAD]  }
0x3d: {  	_ =	shalt  }
0x3e: {  	_ =	shalt  }
0x3f: {  	_ =	shalt  }
0x40: {  	_ =	shalt  }
0x41: {  	_ =	shalt  }
0x42: {  	_ =	shalt  }
0x43: {  	_ =	shalt  }
0x44: {  	_ =	shalt  }
0x45: {  	_ =	shalt  }
0x46: {  	_ =	shalt  }
0x47: {  	_ =	shalt  }
0x48: {  	_ =	shalt  }
0x49: {  	_ =	shalt  }
0x4a: {  	_ =	shalt  }
0x4b: {  	_ =	shalt  }
0x4c: {  	_ =	shalt  }
0x4d: {  	_ =	shalt  }
0x4e: {  	_ =	shalt  }
0x4f: {  	_ =	shalt  }
0x50: {  	_ =	shalt  }
0x51: {  	_ =	shalt  }
0x52: {  	_ =	shalt  }
0x53: {  	_ =	shalt  }
0x54: {  	_ =	shalt  }
0x55: {  	_ =	shalt  }
0x56: {  	_ =	shalt  }
0x57: {  	_ =	shalt  }
0x58: {  	_ =	shalt  }
0x59: {  	_ =	shalt  }
0x5a: {  	_ =	shalt  }
0x5b: {  	_ =	shalt  }
0x5c: {  	_ =	shalt  }
0x5d: {  	_ =	shalt  }
0x5e: {  	_ =	shalt  }
0x5f: {  	_ =	shalt  }
0x60: {  	_ =	shalt  }
0x61: {  	_ =	shalt  }
0x62: {  	_ =	shalt  }
0x63: {  	_ =	shalt  }
0x64: {  	_ =	shalt  }
0x65: {  	_ =	shalt  }
0x66: {  	_ =	shalt  }
0x67: {  	_ =	shalt  }
0x68: {  	_ =	shalt  }
0x69: {  	_ =	shalt  }
0x6a: {  	_ =	shalt  }
0x6b: {  	_ =	shalt  }
0x6c: {  	_ =	shalt  }
0x6d: {  	_ =	shalt  }
0x6e: {  	_ =	shalt  }
0x6f: {  	_ =	shalt  }
0x70: {  	_ =	shalt  }
0x71: {  	_ =	shalt  }
0x72: {  	_ =	shalt  }
0x73: {  	_ =	shalt  }
0x74: {  	_ =	shalt  }
0x75: {  	_ =	shalt  }
0x76: {  	_ =	shalt  }
0x77: {  	_ =	shalt  }
0x78: {  	_ =	shalt  }
0x79: {  	_ =	shalt  }
0x7a: {  	_ =	shalt  }
0x7b: {  	_ =	shalt  }
0x7c: {  	_ =	shalt  }
0x7d: {  	_ =	shalt  }
0x7e: {  	_ =	shalt  }
0x7f: {  	_ =	shalt  }
0x80: {  	_ =	shalt  }
0x81: {  	_ =	shalt  }
0x82: {  	_ =	shalt  }
0x83: {  	_ =	shalt  }
0x84: {  	_ =	shalt  }
0x85: {  	_ =	shalt  }
0x86: {  	_ =	shalt  }
0x87: {  	_ =	shalt  }
.Lfunc_end0:
.L_simem_size_0:
called_computation_lowered:
.L_overlay_start_0:
0x88: {  	s0 =	sld [smem:$0x3FD9]  }
0x89: {  	s1 =	sld [smem:$0x3FFE];
	_ =	sdelay $0x3  }
0x8a: {  	s0 =	sadd.s32 s1, s0  }
0x8b: {  	[smem:$0x3FB9] =	sst s0  }
0x8c: {  	_ = 	snop  }
0x8d: {  	s0 =	sld [smem:$0x3FD0];
	_ =	sdelay $0x2  }
0x8e: {  	s13 =	simm.s32 $0xB;
	s2 =	simm.s32 $0x10  }
0x8f: {  	[smem:s2], [sflag:s13] =	dma.local [hbm:s0], $0x1  }
0x90: {  	_ =	swait.eq [sflag:s13], $0x1  }
0x91: {  	[sflag:s13] =	ssyncset.done $0x0  }
0x92: {  	[sflag:s13] =	ssyncadd.s32 $0xFFFFFFFF  }
0x93: {  	s14 =	sld [smem:$0x12];
	(tm) =	ssettm $0x1  }
0x94: {  	s15 =	sld [smem:$0x3FFB];
	_ =	sdelay $0x3  }
0x95: {  	_ =	strace s15  }
0x96: {  	s1 =	sld [smem:$0x3FFC];
	_ =	sdelay $0x3  }
0x97: {  	_ =	strace s1  }
0x98: {  	s1 =	sld [smem:$0x3FFD];
	_ =	sdelay $0x3  }
0x99: {  	_ =	strace s1  }
0x9a: {  	_ =	strace $0x8FFFFFFF  }
0x9b: {  	s16 =	sld [smem:$0x3FDB];
	_ =	sdelay $0x1  }
0x9c: {  	s17 =	simm.s32 $_scs_section_size  }
0x9d: {  	s3 =	simm.s32 $_size__tile_overlayer_lowered;
	s4 =	simm.s32 $_tile_overlayer_lowered  }
0x9e: {  	s20 =	simm.s32 $0x1BFF;
	s19 =	sshll.u32 s4, $0x1;
	s1 =	sadd.s32 s17, s16  }
0x9f: {  	s5 =	simm.s32 $0x0;
	s18 =	sshll.u32 s3, $0x1;
	s3 =	sadd.s32 s19, s1  }
0xa0: {  	[timem:s5], [sflag:s20] =	dma.local [hbm:s3], s18  }
0xa1: {  	_ =	swait.ge [sflag:s20], s18  }
0xa2: {  	s2 =	ssub.s32 $0x0, s18;
	[sflag:s20] =	ssyncset.done $0x0  }
0xa3: {  	[sflag:s20] =	ssyncadd.s32 s2;
	_ =	sdelay $0x1  }
0xa4: {  	s21 =	simm.s32 $0x1B8B  }
0xa5: {  	_ =	swait.ge [sflag:s21], $0x1  }
0xa6: {  	[sflag:s21] =	ssyncset.done $0x0  }
0xa7: {  	s23 =	simm.s32 $0x1B8E;
	s22 =	sld [smem:$0x3FFE];
	[sflag:s21] =	ssyncadd.s32 $0xFFFFFFFF  }
0xa8: {  	s24 =	simm.s32 $execute0_lowered;
	[smem:$0x3FD2] =	sst s23  }
0xa9: {  	s3 =	sshll.u32 s24, $0x1;
	_ =	strace $0x80000046;
	[dreg:$0x1] =	wrdreg $0xFFFFFFFF  }
0xaa: {  	s25 =	simm.s32 $_size_execute0_lowered;
	s1 =	sadd.s32 s1, s3;
	[dreg:$0x0] =	wrdreg $0x0  }
0xab: {  	s3 =	sshll.u32 s25, $0x1;
	[dreg:$0x2] =	wrdreg s1  }
0xac: {  	[dreg:$0x3] =	wrdreg s3  }
0xad: {  	[dreg:$0x4] =	wrdreg $0xC0  }
0xae: {  	_ =	task [dreg:s5], $0x5FFFF  }
0xaf: {  	[dreg:$0x1] =	wrdreg $0xFFFFFFFF  }
0xb0: {  	[dreg:$0x0] =	wrdreg $0x60  }
0xb1: {  	[dreg:$0x2] =	wrdreg s14  }
0xb2: {  	[dreg:$0x3] =	wrdreg s22  }
0xb3: {  	[dreg:$0x4] =	wrdreg $0x9  }
0xb4: {  	_ =	task.clear_ibuf [dreg:s5], $0x5FFFF;
	_ =	strace $0x90000046  }
0xb5: {  	s26 =	simm.s32 $0x9;
	_ =	strace $0x80000048  }
0xb6: {  	_ =	swait.ge [sflag:s26], $0x1  }
0xb7: {  	[sflag:s26] =	ssyncadd.s32 $0xFFFFFFFF  }
0xb8: {  	_ =	strace $0x90000048  }
0xb9: {  	_ =	sfence  }
0xba: {  	s28 =	sld [smem:$0x0];
	_ =	sdelay $0x1  }
0xbb: {  	s29 =	srdreg.scid  }
0xbc: {  	s30 =	sshll.u32 s29, $0xD;
	s31 =	sshrl.u32 s29, $0x2  }
0xbd: {  	s2 =	sand.u32 $0x4000, s30;
	s1 =	sand.u32 $0x1, s29;
	s0 =	sadd.s32 s31, s28  }
0xbe: {  	s1 =	sor.u32 s2, s1;
	s0 =	sshll.u32 s0, $0x11  }
0xbf: {  	s0 =	sor.u32 s0, s1  }
0xc0: {  	s0 =	sadd.s32 $0x8F2B, s0  }
0xc1: {  	[sflag:s0] =	ssyncadd.remote.s32 $0x1  }
0xc2: {  	_ =	sfence.sel $0xFFFF  }
0xc3: {  	[dreg:$0x0] =	wrdreg $0xFFFFFFFF;
	(pc) =	sbr.abs _section_cstart, $3  }
0xc4: {  	[dreg:$0x1] =	wrdreg $0xFFFFFFFF  }
0xc5: {  	_ =	task.clear_ibuf [dreg:s5], $0x2FFFF;
	_ =	strace $0x9FFFFFFF  }
0xc6: {  	(tm) =	ssettm $0x7FFFFFFF  }
0xc7: {  	_ =	shalt  }
tec
execute0_lowered:
.L_overlay_start_1:
0x0: {  	(tag) =	ssettag $0x1  }
0x1: {  	s1 =	rddreg [dreg:$0x0]  }
0x2: {  	s8 =	rddreg [dreg:$0x1];
	_ =	strace $0x80000047;
	s11 =	simm.s32 $0x1  }
0x3: {  	v0 =	vimm.s32 $0x0;
	[sflag:s11] =	ssyncpa.u1 $0x0  }
0x4: {  	[tilespmem:$0x28] =	vst v0  }
0x5: {  	[tilespmem:$0x38] =	vst v0  }
0x6: {  	[tilespmem:$0x48] =	vst v0  }
0x7: {  	[tilespmem:$0x58] =	vst v0  }
0x8: {  	[tilespmem:$0x68] =	vst v0  }
0x9: {  	[tilespmem:$0x78] =	vst v0  }
0xa: {  	[tilespmem:$0x88] =	vst v0  }
0xb: {  	[tilespmem:$0x98] =	vst v0  }
0xc: {  	[tilespmem:$0xA8] =	vst v0  }
0xd: {  	[tilespmem:$0xB8] =	vst v0  }
0xe: {  	[tilespmem:$0xC8] =	vst v0  }
0xf: {  	[tilespmem:$0xD8] =	vst v0  }
0x10: {  	[tilespmem:$0xE8] =	vst v0  }
0x11: {  	[tilespmem:$0xF8] =	vst v0  }
0x12: {  	[tilespmem:$0x108] =	vst v0  }
0x13: {  	[tilespmem:$0x118] =	vst v0  }
0x14: {  	[tilespmem:$0x128] =	vst v0  }
0x15: {  	[tilespmem:$0x138] =	vst v0  }
0x16: {  	[tilespmem:$0x148] =	vst v0  }
0x17: {  	[tilespmem:$0x158] =	vst v0  }
0x18: {  	[tilespmem:$0x168] =	vst v0  }
0x19: {  	[tilespmem:$0x178] =	vst v0  }
0x1a: {  	[tilespmem:$0x188] =	vst v0  }
0x1b: {  	[tilespmem:$0x198] =	vst v0  }
0x1c: {  	[tilespmem:$0x1A8] =	vst v0  }
0x1d: {  	[tilespmem:$0x1B8] =	vst v0  }
0x1e: {  	[tilespmem:$0x1C8] =	vst v0  }
0x1f: {  	[tilespmem:$0x1D8] =	vst v0  }
0x20: {  	[tilespmem:$0x1E8] =	vst v0  }
0x21: {  	[tilespmem:$0x1F8] =	vst v0  }
0x22: {  	[tilespmem:$0x208] =	vst v0  }
0x23: {  	[tilespmem:$0x218] =	vst v0  }
0x24: {  	[tilespmem:$0x228] =	vst v0  }
0x25: {  	[tilespmem:$0x238] =	vst v0  }
0x26: {  	[tilespmem:$0x248] =	vst v0  }
0x27: {  	[tilespmem:$0x258] =	vst v0  }
0x28: {  	[tilespmem:$0x268] =	vst v0  }
0x29: {  	[tilespmem:$0x278] =	vst v0  }
0x2a: {  	[tilespmem:$0x288] =	vst v0  }
0x2b: {  	[tilespmem:$0x298] =	vst v0  }
0x2c: {  	[tilespmem:$0x2A8] =	vst v0  }
0x2d: {  	[tilespmem:$0x2B8] =	vst v0  }
0x2e: {  	[tilespmem:$0x2C8] =	vst v0  }
0x2f: {  	[tilespmem:$0x2D8] =	vst v0  }
0x30: {  	[tilespmem:$0x2E8] =	vst v0  }
0x31: {  	[tilespmem:$0x2F8] =	vst v0  }
0x32: {  	[tilespmem:$0x308] =	vst v0  }
0x33: {  	[tilespmem:$0x318] =	vst v0  }
0x34: {  	[tilespmem:$0x328] =	vst v0  }
0x35: {  	[tilespmem:$0x338] =	vst v0  }
0x36: {  	[tilespmem:$0x348] =	vst v0  }
0x37: {  	[tilespmem:$0x358] =	vst v0  }
0x38: {  	[tilespmem:$0x368] =	vst v0  }
0x39: {  	[tilespmem:$0x378] =	vst v0  }
0x3a: {  	[tilespmem:$0x388] =	vst v0  }
0x3b: {  	[tilespmem:$0x398] =	vst v0  }
0x3c: {  	[tilespmem:$0x3A8] =	vst v0  }
0x3d: {  	[tilespmem:$0x3B8] =	vst v0  }
0x3e: {  	[tilespmem:$0x3C8] =	vst v0  }
0x3f: {  	[tilespmem:$0x3D8] =	vst v0  }
0x40: {  	[tilespmem:$0x3E8] =	vst v0  }
0x41: {  	[tilespmem:$0x3F8] =	vst v0  }
0x42: {  	[tilespmem:$0x408] =	vst v0  }
0x43: {  	[tilespmem:$0x418] =	vst v0  }
0x44: {  	[tilespmem:$0x428] =	vst v0  }
0x45: {  	[tilespmem:$0x438] =	vst v0  }
0x46: {  	[tilespmem:$0x448] =	vst v0  }
0x47: {  	[tilespmem:$0x458] =	vst v0  }
0x48: {  	[tilespmem:$0x468] =	vst v0  }
0x49: {  	[tilespmem:$0x478] =	vst v0  }
0x4a: {  	[tilespmem:$0x488] =	vst v0  }
0x4b: {  	[tilespmem:$0x498] =	vst v0  }
0x4c: {  	[tilespmem:$0x4A8] =	vst v0  }
0x4d: {  	[tilespmem:$0x4B8] =	vst v0  }
0x4e: {  	[tilespmem:$0x4C8] =	vst v0  }
0x4f: {  	[tilespmem:$0x4D8] =	vst v0  }
0x50: {  	[tilespmem:$0x4E8] =	vst v0  }
0x51: {  	[tilespmem:$0x4F8] =	vst v0  }
0x52: {  	[tilespmem:$0x508] =	vst v0  }
0x53: {  	[tilespmem:$0x518] =	vst v0  }
0x54: {  	[tilespmem:$0x528] =	vst v0  }
0x55: {  	[tilespmem:$0x538] =	vst v0  }
0x56: {  	[tilespmem:$0x548] =	vst v0  }
0x57: {  	[tilespmem:$0x558] =	vst v0  }
0x58: {  	[tilespmem:$0x568] =	vst v0  }
0x59: {  	[tilespmem:$0x578] =	vst v0  }
0x5a: {  	[tilespmem:$0x588] =	vst v0  }
0x5b: {  	[tilespmem:$0x598] =	vst v0  }
0x5c: {  	[tilespmem:$0x5A8] =	vst v0  }
0x5d: {  	[tilespmem:$0x5B8] =	vst v0  }
0x5e: {  	[tilespmem:$0x5C8] =	vst v0  }
0x5f: {  	[tilespmem:$0x5D8] =	vst v0  }
0x60: {  	[tilespmem:$0x5E8] =	vst v0  }
0x61: {  	[tilespmem:$0x5F8] =	vst v0  }
0x62: {  	[tilespmem:$0x608] =	vst v0  }
0x63: {  	[tilespmem:$0x618] =	vst v0  }
0x64: {  	[tilespmem:$0x628] =	vst v0  }
0x65: {  	[tilespmem:$0x638] =	vst v0  }
0x66: {  	[tilespmem:$0x648] =	vst v0  }
0x67: {  	[tilespmem:$0x658] =	vst v0  }
0x68: {  	[tilespmem:$0x668] =	vst v0  }
0x69: {  	[tilespmem:$0x678] =	vst v0  }
0x6a: {  	[tilespmem:$0x688] =	vst v0  }
0x6b: {  	[tilespmem:$0x698] =	vst v0  }
0x6c: {  	[tilespmem:$0x6A8] =	vst v0  }
0x6d: {  	[tilespmem:$0x6B8] =	vst v0  }
0x6e: {  	[tilespmem:$0x6C8] =	vst v0  }
0x6f: {  	[tilespmem:$0x6D8] =	vst v0  }
0x70: {  	[tilespmem:$0x6E8] =	vst v0  }
0x71: {  	[tilespmem:$0x6F8] =	vst v0  }
0x72: {  	[tilespmem:$0x708] =	vst v0  }
0x73: {  	[tilespmem:$0x718] =	vst v0  }
0x74: {  	[tilespmem:$0x728] =	vst v0  }
0x75: {  	[tilespmem:$0x738] =	vst v0  }
0x76: {  	[tilespmem:$0x748] =	vst v0  }
0x77: {  	[tilespmem:$0x758] =	vst v0  }
0x78: {  	[tilespmem:$0x768] =	vst v0  }
0x79: {  	[tilespmem:$0x778] =	vst v0  }
0x7a: {  	[tilespmem:$0x788] =	vst v0  }
0x7b: {  	[tilespmem:$0x798] =	vst v0  }
0x7c: {  	[tilespmem:$0x7A8] =	vst v0  }
0x7d: {  	[tilespmem:$0x7B8] =	vst v0  }
0x7e: {  	[tilespmem:$0x7C8] =	vst v0  }
0x7f: {  	[tilespmem:$0x7D8] =	vst v0  }
0x80: {  	[tilespmem:$0x7E8] =	vst v0  }
0x81: {  	[tilespmem:$0x7F8] =	vst v0  }
0x82: {  	[tilespmem:$0x808] =	vst v0  }
0x83: {  	[tilespmem:$0x818] =	vst v0  }
0x84: {  	[tilespmem:$0x828] =	vst v0  }
0x85: {  	[tilespmem:$0x838] =	vst v0  }
0x86: {  	[tilespmem:$0x848] =	vst v0  }
0x87: {  	[tilespmem:$0x858] =	vst v0  }
0x88: {  	[tilespmem:$0x868] =	vst v0  }
0x89: {  	[tilespmem:$0x878] =	vst v0  }
0x8a: {  	[tilespmem:$0x888] =	vst v0  }
0x8b: {  	[tilespmem:$0x898] =	vst v0  }
0x8c: {  	[tilespmem:$0x8A8] =	vst v0  }
0x8d: {  	[tilespmem:$0x8B8] =	vst v0  }
0x8e: {  	[tilespmem:$0x8C8] =	vst v0  }
0x8f: {  	[tilespmem:$0x8D8] =	vst v0  }
0x90: {  	[tilespmem:$0x8E8] =	vst v0  }
0x91: {  	[tilespmem:$0x8F8] =	vst v0  }
0x92: {  	[tilespmem:$0x908] =	vst v0  }
0x93: {  	[tilespmem:$0x918] =	vst v0  }
0x94: {  	[tilespmem:$0x928] =	vst v0  }
0x95: {  	[tilespmem:$0x938] =	vst v0  }
0x96: {  	[tilespmem:$0x948] =	vst v0  }
0x97: {  	[tilespmem:$0x958] =	vst v0  }
0x98: {  	[tilespmem:$0x968] =	vst v0  }
0x99: {  	[tilespmem:$0x978] =	vst v0  }
0x9a: {  	[tilespmem:$0x988] =	vst v0  }
0x9b: {  	[tilespmem:$0x998] =	vst v0  }
0x9c: {  	[tilespmem:$0x9A8] =	vst v0  }
0x9d: {  	[tilespmem:$0x9B8] =	vst v0  }
0x9e: {  	[tilespmem:$0x9C8] =	vst v0  }
0x9f: {  	[tilespmem:$0x9D8] =	vst v0  }
0xa0: {  	[tilespmem:$0x9E8] =	vst v0  }
0xa1: {  	[tilespmem:$0x9F8] =	vst v0  }
0xa2: {  	[tilespmem:$0xA08] =	vst v0  }
0xa3: {  	[tilespmem:$0xA18] =	vst v0  }
0xa4: {  	[tilespmem:$0xA28] =	vst v0  }
0xa5: {  	[tilespmem:$0xA38] =	vst v0  }
0xa6: {  	[tilespmem:$0xA48] =	vst v0  }
0xa7: {  	[tilespmem:$0xA58] =	vst v0  }
0xa8: {  	[tilespmem:$0xA68] =	vst v0  }
0xa9: {  	[tilespmem:$0xA78] =	vst v0  }
0xaa: {  	[tilespmem:$0xA88] =	vst v0  }
0xab: {  	[tilespmem:$0xA98] =	vst v0  }
0xac: {  	[tilespmem:$0xAA8] =	vst v0  }
0xad: {  	[tilespmem:$0xAB8] =	vst v0  }
0xae: {  	[tilespmem:$0xAC8] =	vst v0  }
0xaf: {  	[tilespmem:$0xAD8] =	vst v0  }
0xb0: {  	[tilespmem:$0xAE8] =	vst v0  }
0xb1: {  	[tilespmem:$0xAF8] =	vst v0  }
0xb2: {  	[tilespmem:$0xB08] =	vst v0  }
0xb3: {  	[tilespmem:$0xB18] =	vst v0  }
0xb4: {  	[tilespmem:$0xB28] =	vst v0  }
0xb5: {  	[tilespmem:$0xB38] =	vst v0  }
0xb6: {  	[tilespmem:$0xB48] =	vst v0  }
0xb7: {  	[tilespmem:$0xB58] =	vst v0  }
0xb8: {  	[tilespmem:$0xB68] =	vst v0  }
0xb9: {  	[tilespmem:$0xB78] =	vst v0  }
0xba: {  	[tilespmem:$0xB88] =	vst v0  }
0xbb: {  	[tilespmem:$0xB98] =	vst v0  }
0xbc: {  	[tilespmem:$0xBA8] =	vst v0  }
0xbd: {  	[tilespmem:$0xBB8] =	vst v0  }
0xbe: {  	[tilespmem:$0xBC8] =	vst v0  }
0xbf: {  	[tilespmem:$0xBD8] =	vst v0  }
0xc0: {  	[tilespmem:$0xBE8] =	vst v0  }
0xc1: {  	[tilespmem:$0xBF8] =	vst v0  }
0xc2: {  	[tilespmem:$0xC08] =	vst v0  }
0xc3: {  	[tilespmem:$0xC18] =	vst v0  }
0xc4: {  	[tilespmem:$0xC28] =	vst v0  }
0xc5: {  	[tilespmem:$0xC38] =	vst v0  }
0xc6: {  	[tilespmem:$0xC48] =	vst v0  }
0xc7: {  	[tilespmem:$0xC58] =	vst v0  }
0xc8: {  	[tilespmem:$0xC68] =	vst v0  }
0xc9: {  	[tilespmem:$0xC78] =	vst v0  }
0xca: {  	[tilespmem:$0xC88] =	vst v0  }
0xcb: {  	[tilespmem:$0xC98] =	vst v0  }
0xcc: {  	[tilespmem:$0xCA8] =	vst v0  }
0xcd: {  	[tilespmem:$0xCB8] =	vst v0  }
0xce: {  	[tilespmem:$0xCC8] =	vst v0  }
0xcf: {  	[tilespmem:$0xCD8] =	vst v0  }
0xd0: {  	[tilespmem:$0xCE8] =	vst v0  }
0xd1: {  	[tilespmem:$0xCF8] =	vst v0  }
0xd2: {  	[tilespmem:$0xD08] =	vst v0  }
0xd3: {  	[tilespmem:$0xD18] =	vst v0  }
0xd4: {  	[tilespmem:$0xD28] =	vst v0  }
0xd5: {  	[tilespmem:$0xD38] =	vst v0  }
0xd6: {  	[tilespmem:$0xD48] =	vst v0  }
0xd7: {  	[tilespmem:$0xD58] =	vst v0  }
0xd8: {  	[tilespmem:$0xD68] =	vst v0  }
0xd9: {  	[tilespmem:$0xD78] =	vst v0  }
0xda: {  	[tilespmem:$0xD88] =	vst v0  }
0xdb: {  	[tilespmem:$0xD98] =	vst v0  }
0xdc: {  	[tilespmem:$0xDA8] =	vst v0  }
0xdd: {  	[tilespmem:$0xDB8] =	vst v0  }
0xde: {  	[tilespmem:$0xDC8] =	vst v0  }
0xdf: {  	[tilespmem:$0xDD8] =	vst v0  }
0xe0: {  	[tilespmem:$0xDE8] =	vst v0  }
0xe1: {  	[tilespmem:$0xDF8] =	vst v0  }
0xe2: {  	[tilespmem:$0xE08] =	vst v0  }
0xe3: {  	[tilespmem:$0xE18] =	vst v0  }
0xe4: {  	[tilespmem:$0xE28] =	vst v0  }
0xe5: {  	[tilespmem:$0xE38] =	vst v0  }
0xe6: {  	[tilespmem:$0xE48] =	vst v0  }
0xe7: {  	[tilespmem:$0xE58] =	vst v0  }
0xe8: {  	[tilespmem:$0xE68] =	vst v0  }
0xe9: {  	[tilespmem:$0xE78] =	vst v0  }
0xea: {  	[tilespmem:$0xE88] =	vst v0  }
0xeb: {  	[tilespmem:$0xE98] =	vst v0  }
0xec: {  	[tilespmem:$0xEA8] =	vst v0  }
0xed: {  	[tilespmem:$0xEB8] =	vst v0  }
0xee: {  	[tilespmem:$0xEC8] =	vst v0  }
0xef: {  	[tilespmem:$0xED8] =	vst v0  }
0xf0: {  	[tilespmem:$0xEE8] =	vst v0  }
0xf1: {  	[tilespmem:$0xEF8] =	vst v0  }
0xf2: {  	[tilespmem:$0xF08] =	vst v0  }
0xf3: {  	[tilespmem:$0xF18] =	vst v0  }
0xf4: {  	[tilespmem:$0xF28] =	vst v0  }
0xf5: {  	[tilespmem:$0xF38] =	vst v0  }
0xf6: {  	[tilespmem:$0xF48] =	vst v0  }
0xf7: {  	[tilespmem:$0xF58] =	vst v0  }
0xf8: {  	[tilespmem:$0xF68] =	vst v0  }
0xf9: {  	[tilespmem:$0xF78] =	vst v0  }
0xfa: {  	[tilespmem:$0xF88] =	vst v0  }
0xfb: {  	[tilespmem:$0xF98] =	vst v0  }
0xfc: {  	[tilespmem:$0xFA8] =	vst v0  }
0xfd: {  	[tilespmem:$0xFB8] =	vst v0  }
0xfe: {  	[tilespmem:$0xFC8] =	vst v0  }
0xff: {  	[tilespmem:$0xFD8] =	vst v0  }
0x100: {  	[tilespmem:$0xFE8] =	vst v0  }
0x101: {  	[tilespmem:$0xFF8] =	vst v0  }
0x102: {  	[tilespmem:$0x1008] =	vst v0  }
0x103: {  	[tilespmem:$0x10D8] =	vst v0  }
0x104: {  	[tilespmem:$0x1B28] =	vst v0  }
0x105: {  	[tilespmem:$0x1B18] =	vst v0  }
0x106: {  	[tilespmem:$0x1B08] =	vst v0  }
0x107: {  	[tilespmem:$0x1AF8] =	vst v0  }
0x108: {  	[tilespmem:$0x1AE8] =	vst v0  }
0x109: {  	[tilespmem:$0x1AD8] =	vst v0  }
0x10a: {  	[tilespmem:$0x1AC8] =	vst v0  }
0x10b: {  	[tilespmem:$0x1AB8] =	vst v0  }
0x10c: {  	[tilespmem:$0x1AA8] =	vst v0  }
0x10d: {  	[tilespmem:$0x1A98] =	vst v0  }
0x10e: {  	[tilespmem:$0x1A88] =	vst v0  }
0x10f: {  	[tilespmem:$0x1A78] =	vst v0  }
0x110: {  	[tilespmem:$0x1A68] =	vst v0  }
0x111: {  	[tilespmem:$0x1A58] =	vst v0  }
0x112: {  	[tilespmem:$0x1A48] =	vst v0  }
0x113: {  	[tilespmem:$0x1A38] =	vst v0  }
0x114: {  	[tilespmem:$0x1A28] =	vst v0  }
0x115: {  	[tilespmem:$0x1A18] =	vst v0  }
0x116: {  	[tilespmem:$0x1A08] =	vst v0  }
0x117: {  	[tilespmem:$0x19F8] =	vst v0  }
0x118: {  	[tilespmem:$0x19E8] =	vst v0  }
0x119: {  	[tilespmem:$0x19D8] =	vst v0  }
0x11a: {  	[tilespmem:$0x19C8] =	vst v0  }
0x11b: {  	[tilespmem:$0x19B8] =	vst v0  }
0x11c: {  	[tilespmem:$0x19A8] =	vst v0  }
0x11d: {  	[tilespmem:$0x1998] =	vst v0  }
0x11e: {  	[tilespmem:$0x1988] =	vst v0  }
0x11f: {  	[tilespmem:$0x1978] =	vst v0  }
0x120: {  	[tilespmem:$0x1968] =	vst v0  }
0x121: {  	[tilespmem:$0x1958] =	vst v0  }
0x122: {  	[tilespmem:$0x1948] =	vst v0  }
0x123: {  	[tilespmem:$0x1938] =	vst v0  }
0x124: {  	[tilespmem:$0x1928] =	vst v0  }
0x125: {  	[tilespmem:$0x1918] =	vst v0  }
0x126: {  	[tilespmem:$0x1908] =	vst v0  }
0x127: {  	[tilespmem:$0x18F8] =	vst v0  }
0x128: {  	[tilespmem:$0x18E8] =	vst v0  }
0x129: {  	[tilespmem:$0x18D8] =	vst v0  }
0x12a: {  	[tilespmem:$0x18C8] =	vst v0  }
0x12b: {  	[tilespmem:$0x18B8] =	vst v0  }
0x12c: {  	[tilespmem:$0x18A8] =	vst v0  }
0x12d: {  	[tilespmem:$0x1898] =	vst v0  }
0x12e: {  	[tilespmem:$0x1888] =	vst v0  }
0x12f: {  	[tilespmem:$0x1878] =	vst v0  }
0x130: {  	[tilespmem:$0x1868] =	vst v0  }
0x131: {  	[tilespmem:$0x1858] =	vst v0  }
0x132: {  	[tilespmem:$0x1848] =	vst v0  }
0x133: {  	[tilespmem:$0x1838] =	vst v0  }
0x134: {  	[tilespmem:$0x1828] =	vst v0  }
0x135: {  	[tilespmem:$0x1818] =	vst v0  }
0x136: {  	[tilespmem:$0x1808] =	vst v0  }
0x137: {  	[tilespmem:$0x17F8] =	vst v0  }
0x138: {  	[tilespmem:$0x17E8] =	vst v0  }
0x139: {  	[tilespmem:$0x17D8] =	vst v0  }
0x13a: {  	[tilespmem:$0x17C8] =	vst v0  }
0x13b: {  	[tilespmem:$0x17B8] =	vst v0  }
0x13c: {  	[tilespmem:$0x17A8] =	vst v0  }
0x13d: {  	[tilespmem:$0x1798] =	vst v0  }
0x13e: {  	[tilespmem:$0x1788] =	vst v0  }
0x13f: {  	[tilespmem:$0x1778] =	vst v0  }
0x140: {  	[tilespmem:$0x1768] =	vst v0  }
0x141: {  	[tilespmem:$0x1758] =	vst v0  }
0x142: {  	[tilespmem:$0x1748] =	vst v0  }
0x143: {  	[tilespmem:$0x1738] =	vst v0  }
0x144: {  	[tilespmem:$0x1728] =	vst v0  }
0x145: {  	[tilespmem:$0x1718] =	vst v0  }
0x146: {  	[tilespmem:$0x1708] =	vst v0  }
0x147: {  	[tilespmem:$0x16F8] =	vst v0  }
0x148: {  	[tilespmem:$0x16E8] =	vst v0  }
0x149: {  	[tilespmem:$0x16D8] =	vst v0  }
0x14a: {  	[tilespmem:$0x16C8] =	vst v0  }
0x14b: {  	[tilespmem:$0x16B8] =	vst v0  }
0x14c: {  	[tilespmem:$0x16A8] =	vst v0  }
0x14d: {  	[tilespmem:$0x1698] =	vst v0  }
0x14e: {  	[tilespmem:$0x1688] =	vst v0  }
0x14f: {  	[tilespmem:$0x1678] =	vst v0  }
0x150: {  	[tilespmem:$0x1668] =	vst v0  }
0x151: {  	[tilespmem:$0x1658] =	vst v0  }
0x152: {  	[tilespmem:$0x1648] =	vst v0  }
0x153: {  	[tilespmem:$0x1638] =	vst v0  }
0x154: {  	[tilespmem:$0x1628] =	vst v0  }
0x155: {  	[tilespmem:$0x1618] =	vst v0  }
0x156: {  	[tilespmem:$0x1608] =	vst v0  }
0x157: {  	[tilespmem:$0x15F8] =	vst v0  }
0x158: {  	[tilespmem:$0x15E8] =	vst v0  }
0x159: {  	[tilespmem:$0x15D8] =	vst v0  }
0x15a: {  	[tilespmem:$0x15C8] =	vst v0  }
0x15b: {  	[tilespmem:$0x15B8] =	vst v0  }
0x15c: {  	[tilespmem:$0x15A8] =	vst v0  }
0x15d: {  	[tilespmem:$0x1598] =	vst v0  }
0x15e: {  	[tilespmem:$0x1588] =	vst v0  }
0x15f: {  	[tilespmem:$0x1578] =	vst v0  }
0x160: {  	[tilespmem:$0x1568] =	vst v0  }
0x161: {  	[tilespmem:$0x1558] =	vst v0  }
0x162: {  	[tilespmem:$0x1548] =	vst v0  }
0x163: {  	[tilespmem:$0x1538] =	vst v0  }
0x164: {  	[tilespmem:$0x1528] =	vst v0  }
0x165: {  	[tilespmem:$0x1518] =	vst v0  }
0x166: {  	[tilespmem:$0x1508] =	vst v0  }
0x167: {  	[tilespmem:$0x14F8] =	vst v0  }
0x168: {  	[tilespmem:$0x14E8] =	vst v0  }
0x169: {  	[tilespmem:$0x14D8] =	vst v0  }
0x16a: {  	[tilespmem:$0x14C8] =	vst v0  }
0x16b: {  	[tilespmem:$0x14B8] =	vst v0  }
0x16c: {  	[tilespmem:$0x14A8] =	vst v0  }
0x16d: {  	[tilespmem:$0x1498] =	vst v0  }
0x16e: {  	[tilespmem:$0x1488] =	vst v0  }
0x16f: {  	[tilespmem:$0x1478] =	vst v0  }
0x170: {  	[tilespmem:$0x1468] =	vst v0  }
0x171: {  	[tilespmem:$0x1458] =	vst v0  }
0x172: {  	[tilespmem:$0x1448] =	vst v0  }
0x173: {  	[tilespmem:$0x1438] =	vst v0  }
0x174: {  	[tilespmem:$0x1428] =	vst v0  }
0x175: {  	[tilespmem:$0x1418] =	vst v0  }
0x176: {  	[tilespmem:$0x1408] =	vst v0  }
0x177: {  	[tilespmem:$0x13F8] =	vst v0  }
0x178: {  	[tilespmem:$0x13E8] =	vst v0  }
0x179: {  	[tilespmem:$0x13D8] =	vst v0  }
0x17a: {  	[tilespmem:$0x13C8] =	vst v0  }
0x17b: {  	[tilespmem:$0x13B8] =	vst v0  }
0x17c: {  	[tilespmem:$0x13A8] =	vst v0  }
0x17d: {  	[tilespmem:$0x1398] =	vst v0  }
0x17e: {  	[tilespmem:$0x1388] =	vst v0  }
0x17f: {  	[tilespmem:$0x1378] =	vst v0  }
0x180: {  	[tilespmem:$0x1368] =	vst v0  }
0x181: {  	[tilespmem:$0x1358] =	vst v0  }
0x182: {  	[tilespmem:$0x1348] =	vst v0  }
0x183: {  	[tilespmem:$0x1338] =	vst v0  }
0x184: {  	[tilespmem:$0x1328] =	vst v0  }
0x185: {  	[tilespmem:$0x1318] =	vst v0  }
0x186: {  	[tilespmem:$0x1308] =	vst v0  }
0x187: {  	[tilespmem:$0x12F8] =	vst v0  }
0x188: {  	[tilespmem:$0x12E8] =	vst v0  }
0x189: {  	[tilespmem:$0x12D8] =	vst v0  }
0x18a: {  	[tilespmem:$0x12C8] =	vst v0  }
0x18b: {  	[tilespmem:$0x12B8] =	vst v0  }
0x18c: {  	[tilespmem:$0x12A8] =	vst v0  }
0x18d: {  	[tilespmem:$0x1298] =	vst v0  }
0x18e: {  	[tilespmem:$0x1288] =	vst v0  }
0x18f: {  	[tilespmem:$0x1278] =	vst v0  }
0x190: {  	[tilespmem:$0x1268] =	vst v0  }
0x191: {  	[tilespmem:$0x1258] =	vst v0  }
0x192: {  	[tilespmem:$0x1248] =	vst v0  }
0x193: {  	[tilespmem:$0x1238] =	vst v0  }
0x194: {  	[tilespmem:$0x1228] =	vst v0  }
0x195: {  	[tilespmem:$0x1218] =	vst v0  }
0x196: {  	[tilespmem:$0x1208] =	vst v0  }
0x197: {  	[tilespmem:$0x11F8] =	vst v0  }
0x198: {  	[tilespmem:$0x11E8] =	vst v0  }
0x199: {  	[tilespmem:$0x11D8] =	vst v0  }
0x19a: {  	[tilespmem:$0x11C8] =	vst v0  }
0x19b: {  	[tilespmem:$0x11B8] =	vst v0  }
0x19c: {  	[tilespmem:$0x11A8] =	vst v0  }
0x19d: {  	[tilespmem:$0x1198] =	vst v0  }
0x19e: {  	[tilespmem:$0x1188] =	vst v0  }
0x19f: {  	[tilespmem:$0x1178] =	vst v0  }
0x1a0: {  	[tilespmem:$0x1168] =	vst v0  }
0x1a1: {  	[tilespmem:$0x1158] =	vst v0  }
0x1a2: {  	[tilespmem:$0x1148] =	vst v0  }
0x1a3: {  	[tilespmem:$0x1138] =	vst v0  }
0x1a4: {  	[tilespmem:$0x1128] =	vst v0  }
0x1a5: {  	[tilespmem:$0x1118] =	vst v0  }
0x1a6: {  	s2 =	stileid.u32;
	[tilespmem:$0x1108] =	vst v0  }
0x1a7: {  	s0 =	smul.u32 $0x18, s2;
	[tilespmem:$0x10F8] =	vst v0  }
0x1a8: {  	s3 =	smin.u32 s2, $0xA;
	[tilespmem:$0x10E8] =	vst v0  }
0x1a9: {  	[tilespmem:$0x10B8] =	vst v0;
	s0 =	sadd.s32 s3, s0  }
0x1aa: {  	s4 =	simm.s32 $0x2A30;
	p0 =	slt.u32 s2, $0xA;
	[tilespmem:$0x10C8] =	vst v0;
	s3 =	smul.u32 $0x1B0, s0  }
0x1ab: {  	s4 =	simm.s32 @!p0 $0x2880;
	[tilespmem:$0x10A8] =	vst v0  }
0x1ac: {  	[tilespmem:$0x1038] =	vst v0;
	s0 =	sadd.s32 s4, s3  }
0x1ad: {  	[tilespmem:$0x1098] =	vst v0;
	s4 =	smin.u32 s0, $0x29810  }
0x1ae: {  	[tilespmem:$0x1088] =	vst v0;
	s0 =	ssub.s32 s4, s3  }
0x1af: {  	[tilespmem:$0x1078] =	vst v0;
	p0 =	sgt.s32 s0, $0x0  }
0x1b0: {  	s5 =	simm.s32 $0x2;
	s29 =	simm.s32 $0x7;
	[tilespmem:$0x1068] =	vst v0;
	s0 =	simm.s32 @!p0 $0x0  }
0x1b1: {  	s13 =	simm.s32 $0x8;
	s30 =	simm.s32 $0x9;
	[tilespmem:$0x1058] =	vst v0;
	s6 =	smulhi.u32 $0x4BDA12F7, s0  }
0x1b2: {  	p4 =	por $0x0, $0x0;
	s14 =	simm.s32 $0xA;
	s18 =	simm.s32 $0x0;
	[tilespmem:$0x1048] =	vst v0  }
0x1b3: {  	s15 =	simm.s32 $0x0;
	s17 =	simm.s32 $0x0;
	[tilespmem:$0x1028] =	vst v0;
	s12 =	sshrl.u32 s6, $0x7  }
0x1b4: {  	s7 =	sadd.s32 $0x513A00, s8;
	[tilespmem:$0x1018] =	vst v0;
	[sflag:s5] =	ssyncpa.u1 $0x0;
	v0 =	vimm.s32 $0xFFFFFFFF;
	s10 =	smul.u32 $0x1B0, s12  }
.Ltmp0:
0x1b5: {  	s31 =	sshll.u32 s2, $0x5;
	[tilespmem:$0x3648] =	vst v0;
	[sflag:s29] =	ssyncpa.u1 $0x0;
	(pc) =	sbr.rel .LBB2_1-.Ltmp0, $4  }
0x1b6: {  	[dreg:$0x3] =	wrdreg s31;
	[sflag:s13] =	ssyncpa.u1 $0x0;
	p0 =	sne.s32 s0, s10  }
0x1b7: {  	s13 =	simm.s32 $0x0;
	[sflag:s30] =	ssyncpa.u1 $0x0;
	s11 =	simm.s32 @!p0 $0x0  }
0x1b8: {  	s16 =	smov.u32 s3;
	s6 =	sadd.s32 $0x27B800, s8;
	s11 =	sadd.s32 s11, s12  }
0x1b9: {  	v0 =	vlaneseq.u32;
	s8 =	sadd.s32 $0x280C00, s8;
	p0 =	por $0x1, $0x1;
	s12 =	sadd.s32 $0x1, s11  }
.LBB2_18:
0x1ba: {  	s0 =	simm.s32 $0x2  }
0x1bb: {  	_ =	swait.ge [sflag:s0], $0x0  }
0x1bc: {  	[sflag:s0] =	ssyncset.done $0x0;
	s0 =	simm.s32 $0x0  }
.LBB2_19:
0x1bd: {  	_ =	swait.ge [sflag:s14], s0  }
0x1be: {  	s31 =	ssub.s32 $0x0, s0;
	v1 =	vmov s20;
	vm0 =	veq.s32 v0, $0x0;
	[sflag:s14] =	ssyncset.done $0x0  }
0x1bf: {  	vm15 =	veq.s32 v0, $0x2;
	v1 =	vsel vm0, s24, v1;
	[sflag:s14] =	ssyncadd.s32 s31  }
0x1c0: {  	v1 =	vsel vm15, s18, v1;
	[sflag:s14] =	ssyncpa.u1 $0x1  }
0x1c1: {  	[tilespmem:$0x3648] =	vst v1  }
.LBB2_20:
0x1c2: {  	s0 =	sadd.s32 $0x1B0, s16  }
0x1c3: {  	s2 =	smov.u32 s3;
	p1 =	slt.s32 s0, s4  }
0x1c4: {  	s2 =	smov.u32 @p1 s0;
	p1 =	sne.s32 s17, s12  }
.Ltmp1:
0x1c5: {  	_ = 	snop;
	(pc) =	sbr.rel @!p1 .LBB2_21-.Ltmp1, $4  }
0x1c6: {  	_ = 	snop  }
0x1c7: {  	s18 =	smov.u32 s15  }
0x1c8: {  	s31 =	sadd.s32 $0x1, s17;
	s15 =	smov.u32 s16;
	p0 =	por !p0, !p0  }
0x1c9: {  	p4 =	por !p4, !p4;
	s17 =	smov.u32 s31;
	s16 =	smov.u32 s2  }
.LBB2_1:
0x1ca: {  	p2 =	sge.u32 s17, s11  }
0x1cb: {  	s0 =	smulhi.u32 @!p2 $0xAAAAAAAB, s17  }
0x1cc: {  	s19 =	smov.u32 s16;
	p3 =	sgt.s32 @!p2 s16, $0x29660  }
0x1cd: {  	s20 =	sshra.s32 @!p2 s16, $0x1F;
	p3 =	por !p3, p2;
	s0 =	sshrl.u32 @!p2 s0, $0x1  }
0x1ce: {  	s20 =	sand.u32 @!p2 s20, s16;
	s19 =	simm.s32 @p3 $0x29660;
	s0 =	smul.u32 @!p2 $0x3, s0  }
0x1cf: {  	s19 =	ssub.s32 @!p2 s19, s20  }
0x1d0: {  	s19 =	sadd.s32 @!p2 $0xFFFD69A0, s19;
	s0 =	ssub.s32 @!p2 s17, s0  }
0x1d1: {  	s20 =	sshll.u32 @!p2 s19, $0x2;
	p3 =	sgt.s32 @!p2 s19, $0x1AF;
	s0 =	smul.u32 @!p2 $0x6C0, s0  }
0x1d2: {  	s21 =	sand.u32 @!p2 $0x7, s16;
	s19 =	ssub.s32 @!p2 $0x6C0, s20;
	p3 =	por !p3, p2  }
0x1d3: {  	s20 =	sshrl.u32 @!p2 s16, $0x3;
	s19 =	sshrl.u32 @!p2 s19, $0x2;
	s0 =	sshrl.u32 @!p2 s0, $0x2  }
0x1d4: {  	s20 =	sadd.s32 @!p2 s8, s20;
	s19 =	simm.s32 @!p3 $0x0;
	s0 =	sadd.s32 @!p2 $0x3878, s0  }
0x1d5: {  	[tilespmem:s0], [sflag:$0x8] =	stream.linear.gather @!p2 [hbm4b:s20+s21], s19, $0x38;
	[tilespmem:$0x1F0E8] =	vst v63  }
0x1d6: {  	s20 =	sadd.s32 $0xFFFFFFFF, s17  }
0x1d7: {  	p2 =	sge.u32 s20, s11  }
0x1d8: {  	p3 =	sgt.s32 @!p2 s15, $0x29660  }
0x1d9: {  	s0 =	smov.u32 s15;
	s19 =	sshra.s32 @!p2 s15, $0x1F;
	p3 =	por !p3, p2  }
0x1da: {  	s19 =	sand.u32 @!p2 s19, s15;
	s0 =	simm.s32 @p3 $0x29660  }
0x1db: {  	s0 =	ssub.s32 @!p2 s0, s19  }
0x1dc: {  	s0 =	sadd.s32 @!p2 $0xFFFD69A0, s0  }
0x1dd: {  	s19 =	sshll.u32 @!p2 s0, $0x2  }
0x1de: {  	p3 =	sgt.s32 @!p2 s0, $0x1AF;
	s0 =	ssub.s32 @!p2 $0x6C0, s19  }
0x1df: {  	p3 =	por !p3, p2;
	s0 =	sshrl.u32 @!p2 s0, $0x2  }
0x1e0: {  	s21 =	simm.s32 @!p2 $0x8;
	s19 =	sand.u32 @!p2 $0x1, s20;
	s0 =	simm.s32 @!p3 $0x0  }
0x1e1: {  	s19 =	smul.u32 @!p2 $0x6C0, s19;
	_ =	swait.ge @!p2 [sflag:s21], s0  }
0x1e2: {  	s22 =	ssub.s32 @!p2 $0x0, s0;
	[sflag:s21] =	ssyncset.done @!p2 $0x0  }
0x1e3: {  	s19 =	sshrl.u32 @!p2 s19, $0x2;
	[sflag:s21] =	ssyncadd.s32 @!p2 s22;
	s21 =	sshrl.u32 @!p2 s15, $0x3  }
0x1e4: {  	s19 =	sadd.s32 @!p2 $0x3D88, s19;
	s22 =	sand.u32 @!p2 $0x7, s15;
	s21 =	sadd.s32 @!p2 s6, s21  }
0x1e5: {  	[tilespmem:s19], [sflag:$0x9] =	stream.linear.gather @!p2 [hbm4b:s21+s22], s0, $0x38;
	[tilespmem:$0x1F0E8] =	vst v63  }
0x1e6: {  	s19 =	ssub.s32 @!p2 $0x29810, s15  }
0x1e7: {  	p3 =	slt.s32 @!p2 s19, $0x1  }
0x1e8: {  	p3 =	por p2, p3  }
.Ltmp2:
0x1e9: {  	_ = 	snop;
	(pc) =	sbr.rel @p3 .LBB2_7-.Ltmp2, $1  }
0x1ea: {  	_ =	sdelay $0x3  }
0x1eb: {  	s0 =	smulhi.u32 $0xAAAAAAAB, s20;
	_ =	sdelay $0x1  }
0x1ec: {  	s0 =	sshrl.u32 s0, $0x1  }
0x1ed: {  	s0 =	smul.u32 $0x3, s0;
	_ =	sdelay $0x1  }
0x1ee: {  	s0 =	ssub.s32 s20, s0  }
0x1ef: {  	s21 =	simm.s32 $0x1;
	s0 =	smul.u32 $0x6C0, s0  }
.Ltmp3:
0x1f0: {  	s21 =	simm.s32 @!p0 $0x0;
	(pc) =	sbr.rel .LBB2_4-.Ltmp3, $4  }
0x1f1: {  	s31 =	smul.u32 $0x36000, s21  }
0x1f2: {  	p3 =	slt.s32 @!p2 s19, $0x1B0;
	s0 =	sshrl.u32 s0, $0x2  }
0x1f3: {  	p2 =	por !p3, p2;
	s20 =	sshrl.u32 s31, $0x2;
	s0 =	sadd.s32 $0x3878, s0  }
0x1f4: {  	s19 =	simm.s32 @p2 $0x1B0;
	s21 =	simm.s32 $0x0;
	s20 =	sadd.s32 $0x40E8, s20;
	v1 =	vmov s0  }
.LBB2_3:
0x1f5: {  	p2 =	sge.s32 s21, s19  }
.Ltmp4:
0x1f6: {  	_ = 	snop;
	(pc) =	sbr.rel @p2 .LBB2_7-.Ltmp4, $2  }
0x1f7: {  	_ =	sdelay $0x2  }
0x1f8: {  	s20 =	sadd.s32 $0x800, s20  }
.LBB2_4:
0x1f9: {  	p2 =	sle.s32 s19, s21  }
.Ltmp5:
0x1fa: {  	_ = 	snop;
	(pc) =	sbr.rel @p2 .LBB2_3-.Ltmp5, $2  }
0x1fb: {  	_ =	sdelay $0x2  }
0x1fc: {  	s22 =	smov.u32 s21;
	s21 =	sadd.s32 $0x10, s21  }
0x1fd: {  	s0 =	ssub.s32 s19, s22  }
0x1fe: {  	p2 =	slt.s32 s0, $0x10  }
0x1ff: {  	s0 =	simm.s32 @!p2 $0x10  }
0x200: {  	v2 =	vmov s0  }
0x201: {  	vm0 =	vgt.s32 v2, v0;
	_ =	sdelay $0x5  }
0x202: {  	v2 =	vld.idx.msk [tilespmem:v1+s22+$0x0 ss:$0x1], vm0;
	_ =	sdelay $0x2  }
0x203: {  	s23 =	smov.u32 s19;
	p2 =	slt.s32 s21, s19  }
0x204: {  	s24 =	smov.u32 s20;
	s25 =	simm.s32 $0x0;
	s23 =	smov.u32 @p2 s21  }
.LBB2_6:
0x205: {  	(v2sf) =	vpush v2, s25;
	_ =	sdelay $0xc  }
0x206: {  	s25 =	sadd.s32 $0x1, s25  }
0x207: {  	s31 =	sadd.s32 s25, s22  }
0x208: {  	p2 =	slt.s32 s31, s23;
	s0 =	spop (v2sf)  }
.Ltmp6:
0x209: {  	s0 =	sshll.u32 s0, $0x4;
	(pc) =	sbr.rel @p2 .LBB2_6-.Ltmp6, $4  }
0x20a: {  	s0 =	sand.u32 $0x1FFFFFF0, s0  }
0x20b: {  	s0 =	sadd.s32 s7, s0  }
0x20c: {  	[tilespmem:s24], [sflag:$0x7] =	stream.linear.gather [hbm4b:s0+s13], $0x8, $0x38;
	[tilespmem:$0x1F0E8] =	vst v63  }
0x20d: {  	s24 =	sadd.s32 $0x80, s24  }
.Ltmp7:
0x20e: {  	_ = 	snop;
	(pc) =	sbr.rel .LBB2_3-.Ltmp7, $1  }
0x20f: {  	_ =	sdelay $0x3  }
.LBB2_7:
0x210: {  	p2 =	slt.u32 s17, $0x2  }
.Ltmp8:
0x211: {  	_ = 	snop;
	(pc) =	sbr.rel @p2 .LBB2_20-.Ltmp8, $1  }
0x212: {  	_ =	sdelay $0x3  }
0x213: {  	p2 =	sgt.s32 s18, $0x29660;
	s0 =	smov.u32 s18  }
0x214: {  	s19 =	sshra.s32 s18, $0x1F;
	s20 =	ssub.s32 $0x29810, s18;
	s0 =	simm.s32 @!p2 $0x29660  }
0x215: {  	s19 =	sand.u32 s19, s18;
	p2 =	slt.s32 s20, $0x1B0;
	s21 =	smov.u32 s20  }
0x216: {  	s0 =	ssub.s32 s0, s19;
	s21 =	simm.s32 @!p2 $0x1B0  }
0x217: {  	s0 =	sadd.s32 $0xFFFD69A0, s0;
	s26 =	sshll.u32 s21, $0x3  }
0x218: {  	s2 =	simm.s32 $0x7;
	s28 =	sshll.u32 s0, $0x2;
	s19 =	sand.u32 $0x3FFFFFF8, s26  }
0x219: {  	p2 =	sgt.s32 s0, $0x1AF;
	s29 =	ssub.s32 $0x6C0, s28;
	_ =	swait.ge [sflag:s2], s19  }
0x21a: {  	s19 =	ssub.s32 $0x0, s19;
	[sflag:s2] =	ssyncset.done $0x0;
	s0 =	sshrl.u32 s29, $0x2  }
0x21b: {  	s30 =	simm.s32 $0x9;
	[sflag:s2] =	ssyncadd.s32 s19;
	s0 =	simm.s32 @p2 $0x0  }
0x21c: {  	_ =	swait.ge [sflag:s30], s0  }
0x21d: {  	s0 =	ssub.s32 $0x0, s0;
	[sflag:s30] =	ssyncset.done $0x0  }
0x21e: {  	[sflag:s30] =	ssyncadd.s32 s0  }
0x21f: {  	v1 =	vld [tilespmem:$0x3648];
	_ =	sdelay $0x4  }
0x220: {  	(v2sf) =	vpush v1, $0x0  }
0x221: {  	(v2sf) =	vpush v1, $0x1  }
0x222: {  	(v2sf) =	vpush v1, $0x2;
	_ =	sdelay $0x3  }
0x223: {  	s0 =	sadd.s32 $0x1B0, s18  }
0x224: {  	p2 =	slt.s32 s4, s0  }
0x225: {  	s0 =	smov.u32 @p2 s4;
	p2 =	sgt.s32 s20, $0x0  }
0x226: {  	s22 =	ssub.s32 s0, s18;
	s20 =	simm.s32 @!p2 $0x0  }
0x227: {  	p2 =	slt.s32 s20, s22  }
0x228: {  	s22 =	smov.u32 @p2 s20  }
0x229: {  	s21 =	simm.s32 $0x1;
	p2 =	slt.s32 s22, $0x1  }
.Ltmp9:
0x22a: {  	s21 =	simm.s32 @!p4 $0x0;
	(pc) =	sbr.rel @p2 .LBB2_12-.Ltmp9, $4  }
0x22b: {  	s31 =	smul.u32 $0x6C0, s21  }
0x22c: {  	s23 =	spop (v2sf)  }
0x22d: {  	s0 =	sshrl.u32 s31, $0x2;
	s25 =	spop (v2sf)  }
0x22e: {  	s19 =	sadd.s32 $0x3D88, s0;
	s18 =	spop (v2sf)  }
0x22f: {  	s0 =	smin.u32 s22, $0x10  }
0x230: {  	v1 =	vmov s0  }
0x231: {  	p3 =	sgt.s32 s22, $0x10;
	vm1 =	vgt.u32 v1, v0  }
.Ltmp10:
0x232: {  	_ = 	snop;
	(pc) =	sbr.rel @!p3 .LBB2_11-.Ltmp10, $2  }
0x233: {  	_ =	sdelay $0x2  }
0x234: {  	s24 =	simm.s32 $0x10;
	s26 =	sadd.s32 $0xFFFFFFF0, s22;
	s20 =	smov.u32 s19;
	vm0 =	vmmov vm1  }
.LBB2_10:
0x235: {  	s0 =	smin.u32 s26, $0x10;
	s24 =	sadd.s32 $0x10, s24;
	v1 =	vld.msk [tilespmem:s20+$0x0 ss:$0x1], vm1  }
0x236: {  	v2 =	vmov s0;
	p3 =	slt.s32 s24, s22  }
0x237: {  	vm1 =	vgt.u32 v2, v0  }
.Ltmp11:
0x238: {  	(pc) =	sbr.rel @p3 .LBB2_10-.Ltmp11, $3  }
0x239: {  	_ =	sdelay $0x1  }
0x23a: {  	v1 =	vshll.u32 v1, $0x4  }
0x23b: {  	s26 =	sadd.s32 $0xFFFFFFF0, s26;
	[tilespmem:s20+$0x0] =	vst.msk vm0, v1;
	s20 =	sadd.s32 $0x10, s20;
	vm0 =	vmmov vm1  }
.LBB2_11:
0x23c: {  	_ =	sdelay $0x4  }
0x23d: {  	v1 =	vld.msk [tilespmem:s20+$0x0 ss:$0x1], vm1;
	_ =	sdelay $0x4  }
0x23e: {  	v1 =	vshll.u32 v1, $0x4  }
0x23f: {  	[tilespmem:s20+$0x0] =	vst.msk vm0, v1  }
.LBB2_12:
0x240: {  	s0 =	sand.u32 $0x1, s17  }
0x241: {  	s20 =	smul.u32 $0x1B0, s0  }
0x242: {  	p3 =	sne.s32 s25, $0xFFFFFFFF  }
0x243: {  	v1 =	vld.msk @!p3 [tilespmem:s20+$0x3D88], $0x1;
	_ =	sdelay $0x4  }
0x244: {  	(v2sf) =	vpush @!p3 v1, $0x0;
	_ =	sdelay $0x9  }
0x245: {  	s0 =	smul.u32 $0xD800, s0;
	_ =	sdelay $0x1  }
0x246: {  	v1 =	vld.msk @!p3 [tilespmem:s0+$0x40E8], $0xff  }
.Ltmp12:
0x247: {  	_ = 	snop;
	(pc) =	sbr.rel @p2 .LBB2_18-.Ltmp12, $4  }
0x248: {  	_ = 	snop  }
0x249: {  	s24 =	spop @!p3 (v2sf)  }
0x24a: {  	s18 =	simm.s32 @!p3 $0x0;
	s0 =	simm.s32 @!p3 $0x28;
	s20 =	smov.u32 s24  }
0x24b: {  	[tilespmem:s0+$0x0] =	vst.msk @!p3 $0xff, v1;
	[sflag:s14] =	ssyncpa.u1 $0x0;
	s24 =	smov.u32 @p3 s23;
	s20 =	smov.u32 @p3 s25  }
0x24c: {  	v1 =	vld.msk [tilespmem:s19+$0x0], $0x1;
	_ =	sdelay $0x4  }
0x24d: {  	(v2sf) =	vpush v1, $0x0;
	_ =	sdelay $0xd  }
0x24e: {  	s0 =	simm.s32 @!p4 $0x0  }
0x24f: {  	s26 =	smul.u32 $0x36000, s21;
	s25 =	ssub.s32 $0x0, s22;
	s28 =	spop (v2sf)  }
0x250: {  	s0 =	simm.s32 @p4 $0x1;
	s23 =	sadd.s32 $0x1, s25;
	p2 =	seq.s32 s24, s28  }
0x251: {  	[smem:$0x7FD] =	sst s0;
	s0 =	sshrl.u32 s26, $0x2;
	p3 =	sgt.s32 @!p2 s24, $0x0  }
0x252: {  	s21 =	sadd.s32 $0x40E8, s0;
	s0 =	smov.u32 s24;
	p3 =	por !p3, p2  }
0x253: {  	s0 =	simm.s32 @p3 $0x0;
	p3 =	seq.s32 s23, $0x0  }
.Ltmp13:
0x254: {  	_ = 	snop;
	(pc) =	sbr.rel @p3 .LBB2_15-.Ltmp13, $4  }
0x255: {  	_ = 	snop  }
0x256: {  	s22 =	simm.s32 $0x0;
	s29 =	simm.s32 @!p2 $0x1;
	s0 =	smin.u32 @!p2 s0, $0x270FF  }
0x257: {  	s30 =	simm.s32 @!p2 $0x1B38;
	s29 =	smov.u32 @p2 s22;
	s26 =	sand.u32 @!p2 $0x3FFF8, s0  }
0x258: {  	s31 =	sand.u32 @!p2 $0x7, s0;
	s0 =	sadd.s32 @!p2 s1, s26;
	s26 =	sadd.s32 $0x1, s19  }
.LBB2_14:
0x259: {  	s2 =	smov.u32 s29  }
0x25a: {  	[tilespmem:s30], [sflag:$0x2] =	stream.linear.gather @!p2 [hbm4b:s0+s31], $0x8, $0x38;
	[tilespmem:$0x1F0E8] =	vst v63  }
0x25b: {  	s23 =	sadd.s32 $0x1, s23;
	s0 =	smov.u32 s28;
	v1 =	vld.msk [tilespmem:s26+$0x0], $0x1  }
0x25c: {  	p3 =	seq.s32 s23, $0x0;
	_ =	sdelay $0x3  }
0x25d: {  	(v2sf) =	vpush v1, $0x0;
	_ =	sdelay $0xe  }
0x25e: {  	s28 =	spop (v2sf)  }
0x25f: {  	p2 =	seq.s32 s0, s28  }
0x260: {  	p4 =	sgt.s32 @!p2 s0, $0x0;
	s30 =	sshll.u32 @!p2 s29, $0x6;
	s29 =	sadd.s32 @!p2 $0x1, s29  }
.Ltmp14:
0x261: {  	p4 =	por !p4, p2;
	s30 =	sshra.s32 @!p2 s30, $0x2;
	(pc) =	sbr.rel @!p3 .LBB2_14-.Ltmp14, $4  }
0x262: {  	s29 =	smov.u32 @p2 s2;
	s0 =	simm.s32 @p4 $0x0;
	s30 =	sadd.s32 @!p2 $0x1B38, s30  }
0x263: {  	s0 =	smin.u32 @!p2 s0, $0x270FF  }
0x264: {  	s2 =	sand.u32 @!p2 $0x3FFF8, s0;
	s31 =	sand.u32 @!p2 $0x7, s0  }
0x265: {  	s26 =	sadd.s32 $0x1, s26;
	s0 =	sadd.s32 @!p2 s1, s2  }
.LBB2_15:
0x266: {  	[tilespmem:s30], [sflag:$0x2] =	stream.linear.gather @!p2 [hbm4b:s0+s31], $0x8, $0x38;
	[tilespmem:$0x1F0E8] =	vst v63  }
0x267: {  	s31 =	sshll.u32 s29, $0x3  }
0x268: {  	s2 =	simm.s32 $0x2;
	s0 =	sand.u32 $0x3FFFFFF8, s31  }
0x269: {  	_ =	swait.ge [sflag:s2], s0  }
0x26a: {  	s0 =	ssub.s32 $0x0, s0;
	[sflag:s2] =	ssyncset.done $0x0  }
0x26b: {  	[sflag:s2] =	ssyncadd.s32 s0  }
0x26c: {  	v1 =	vld.msk [tilespmem:s19+$0x0], $0x1;
	_ =	sdelay $0x4  }
0x26d: {  	(v2sf) =	vpush v1, $0x0;
	_ =	sdelay $0xe  }
0x26e: {  	s23 =	spop (v2sf)  }
0x26f: {  	p2 =	sne.s32 s24, s23  }
0x270: {  	p4 =	sne.s32 @p2 s24, s20  }
0x271: {  	p3 =	por !p4, !p2  }
0x272: {  	s0 =	sshll.u32 @!p3 s18, $0x6;
	s2 =	simm.s32 @!p3 $0x0  }
0x273: {  	s0 =	sshra.s32 @!p3 s0, $0x2;
	v1 =	vld.msk @!p3 [tilespmem:s2+$0x1B38], $0xff  }
0x274: {  	v2 =	vld.msk @!p3 [tilespmem:s0+$0x28], $0xff;
	_ =	sdelay $0x1  }
0x275: {  	p5 =	sgt.u32 @!p3 s24, $0x270FF  }
0x276: {  	p6 =	por @p2 p5, !p4  }
0x277: {  	p1 =	por p6, !p2;
	p6 =	por p4, !p2  }
0x278: {  	s26 =	sadd.s32 @!p3 $0x28, s0;
	s2 =	sand.u32 @!p1 $0x3FFF8, s24;
	s28 =	sshll.u32 @!p6 s18, $0x6;
	v1 =	vmax.f32 @!p3 v1, v2  }
0x279: {  	s24 =	sand.u32 @!p1 $0x7, s24;
	s2 =	sadd.s32 @!p1 s1, s2;
	[tilespmem:s0+$0x28] =	vst.msk @!p3 $0xff, v1;
	s0 =	sshra.s32 @!p6 s28, $0x2  }
0x27a: {  	[hbm4b:s2+s24] =	stream.linear.scatter @!p1 [tilespmem:s26], [sflag:$0xA], $0x8, $0x38;
	[tilespmem:$0x1F0E8] =	vst v63  }
0x27b: {  	s29 =	rddreg [dreg:$0x3];
	s0 =	sadd.s32 @!p6 $0x28, s0;
	s2 =	simm.s32 @!p6 $0x1  }
0x27c: {  	[spmem:s29] =	stream.linear.scatter @!p6 [tilespmem:s0], [sflag:$0x1], $0x8, $0x38;
	[tilespmem:$0x1F0E8] =	vst v63  }
0x27d: {  	s0 =	sadd.s32 @p2 $0x1, s18;
	_ =	swait.ge @!p6 [sflag:s2], $0x8  }
0x27e: {  	s24 =	sshrl.u32 @p2 s0, $0x4;
	[sflag:s2] =	ssyncset.done @!p6 $0x0  }
0x27f: {  	s26 =	smulhi.u32 @p2 $0x97B425F, s24;
	[sflag:s2] =	ssyncadd.s32 @!p6 $0xFFFFFFF8  }
0x280: {  	v1 =	vld.msk @p2 [tilespmem:s21+$0x0], $0xff  }
0x281: {  	p1 =	por @p2 !p5, !p4;
	s24 =	sadd.s32 $0x1, s25;
	s2 =	smul.u32 @p2 $0x1B0, s26  }
0x282: {  	p1 =	por !p1, !p2;
	p6 =	seq.s32 s24, $0x0  }
.Ltmp15:
0x283: {  	s26 =	simm.s32 @!p3 $0x0;
	s0 =	ssub.s32 @p2 s0, s2;
	(pc) =	sbr.rel @p6 .LBB2_17-.Ltmp15, $4  }
0x284: {  	s26 =	simm.s32 @!p1 $0x20;
	s28 =	sshll.u32 @p2 s0, $0x4  }
0x285: {  	s29 =	simm.s32 @p2 $0x1;
	s2 =	sshll.u32 @!p2 s18, $0x6;
	s26 =	sadd.s32 @!p3 $0x0, s26;
	[tilespmem:s28+$0x28] =	vst.msk @p2 $0xff, v1  }
0x286: {  	s25 =	simm.s32 $0x0;
	s26 =	smov.u32 @p3 s22;
	s28 =	sshra.s32 @!p2 s2, $0x2;
	v1 =	vld.msk @!p2 [tilespmem:s21+$0x0], $0xff  }
0x287: {  	s25 =	smov.u32 @p2 s29;
	s18 =	smov.u32 @p2 s0;
	s22 =	smov.u32 @p2 s26;
	v2 =	vld.msk @!p2 [tilespmem:s28+$0x28], $0xff  }
.LBB2_16:
0x288: {  	_ =	sdelay $0x3  }
0x289: {  	v1 =	vmax.f32 @!p2 v1, v2  }
0x28a: {  	s19 =	sadd.s32 $0x1, s19;
	[tilespmem:s28+$0x28] =	vst.msk @!p2 $0xff, v1  }
0x28b: {  	v1 =	vld.msk [tilespmem:s19+$0x0], $0x1;
	_ =	sdelay $0x4  }
0x28c: {  	(v2sf) =	vpush v1, $0x0;
	_ =	sdelay $0xe  }
0x28d: {  	s26 =	smov.u32 s23;
	s23 =	spop (v2sf)  }
0x28e: {  	p2 =	sne.s32 s26, s23  }
0x28f: {  	p5 =	sne.s32 @p2 s26, s20  }
0x290: {  	s0 =	sadd.s32 @p2 $0x1, s18;
	p4 =	por !p5, !p2  }
0x291: {  	s28 =	sshll.u32 @!p2 s18, $0x6;
	s29 =	sadd.s32 @p2 $0x1, s25;
	s30 =	sshll.u32 @!p4 s25, $0x6  }
0x292: {  	s2 =	sshrl.u32 @p2 s0, $0x4;
	s31 =	sshll.u32 @!p4 s18, $0x6;
	s30 =	sshra.s32 @!p4 s30, $0x2  }
0x293: {  	p1 =	sgt.u32 @!p4 s26, $0x270FF;
	s2 =	smulhi.u32 @p2 $0x97B425F, s2;
	s31 =	sshra.s32 @!p4 s31, $0x2;
	v1 =	vld.msk @!p4 [tilespmem:s30+$0x1B38], $0xff  }
0x294: {  	s5 =	simm.s32 @!p4 $0x0;
	s25 =	smov.u32 @p2 s29;
	s29 =	rddreg [dreg:$0x3];
	v2 =	vld.msk @!p4 [tilespmem:s31+$0x28], $0xff  }
0x295: {  	p6 =	por @p2 p1, !p5;
	p1 =	por @p2 !p1, !p5;
	p5 =	por p5, !p2  }
0x296: {  	s30 =	sadd.s32 @!p4 $0x28, s31;
	p6 =	por p6, !p2;
	p1 =	por !p1, !p2  }
0x297: {  	s2 =	smul.u32 @p2 $0x1B0, s2;
	s10 =	sshll.u32 @!p5 s18, $0x6;
	s5 =	simm.s32 @!p1 $0x20  }
0x298: {  	s9 =	sand.u32 @!p6 $0x3FFF8, s26;
	s26 =	sand.u32 @!p6 $0x7, s26;
	s5 =	sadd.s32 @!p4 s5, s22  }
0x299: {  	s9 =	sadd.s32 @!p6 s1, s9;
	s0 =	ssub.s32 @p2 s0, s2;
	s5 =	smov.u32 @p4 s22;
	v1 =	vmax.f32 @!p4 v1, v2  }
0x29a: {  	s2 =	sshll.u32 @p2 s0, $0x4;
	s22 =	smov.u32 @p2 s5;
	s5 =	sshra.s32 @!p5 s10, $0x2;
	[tilespmem:s31+$0x28] =	vst.msk @!p4 $0xff, v1  }
0x29b: {  	[hbm4b:s9+s26] =	stream.linear.scatter @!p6 [tilespmem:s30], [sflag:$0xA], $0x8, $0x38;
	[tilespmem:$0x1F0E8] =	vst v63  }
0x29c: {  	s18 =	smov.u32 @p2 s0;
	s0 =	sadd.s32 @!p5 $0x28, s5;
	s5 =	simm.s32 @!p5 $0x1  }
0x29d: {  	[spmem:s29] =	stream.linear.scatter @!p5 [tilespmem:s0], [sflag:$0x1], $0x8, $0x38;
	[tilespmem:$0x1F0E8] =	vst v63  }
0x29e: {  	_ =	swait.ge @!p5 [sflag:s5], $0x8  }
0x29f: {  	[sflag:s5] =	ssyncset.done @!p5 $0x0  }
0x2a0: {  	s21 =	sadd.s32 $0x80, s21;
	[sflag:s5] =	ssyncadd.s32 @!p5 $0xFFFFFFF8  }
0x2a1: {  	v1 =	vld.msk @p2 [tilespmem:s21+$0x0], $0xff  }
0x2a2: {  	s24 =	sadd.s32 $0x1, s24  }
0x2a3: {  	p3 =	seq.s32 s24, $0x0  }
.Ltmp16:
0x2a4: {  	_ = 	snop;
	(pc) =	sbr.rel @!p3 .LBB2_16-.Ltmp16, $4  }
0x2a5: {  	_ = 	snop  }
0x2a6: {  	[tilespmem:s2+$0x28] =	vst.msk @p2 $0xff, v1  }
0x2a7: {  	s28 =	sshra.s32 @!p2 s28, $0x2;
	v1 =	vld.msk @!p2 [tilespmem:s21+$0x0], $0xff  }
0x2a8: {  	v2 =	vld.msk @!p2 [tilespmem:s28+$0x28], $0xff  }
.LBB2_17:
0x2a9: {  	_ = 	snop  }
.Ltmp17:
0x2aa: {  	_ = 	snop;
	(pc) =	sbr.rel .LBB2_19-.Ltmp17, $3  }
0x2ab: {  	s2 =	sld [smem:$0x7FD];
	_ =	sdelay $0x1  }
0x2ac: {  	v1 =	vmax.f32 @!p2 v1, v2  }
0x2ad: {  	s0 =	sshrl.u32 s22, $0x2;
	s24 =	smov.u32 s23;
	p4 =	seq.s32 s2, $0x1;
	[tilespmem:s28+$0x28] =	vst.msk @!p2 $0xff, v1  }
.LBB2_21:
0x2ae: {  	_ =	sfence.sel $0x180000  }
0x2af: {  	s0 =	simm.s32 $0x7;
	[bflag:$0x0] =	sbarrier.arrive $0xFFFF  }
0x2b0: {  	s25 =	simm.s32 $0x8;
	[sflag:s0] =	ssyncpa.u1 $0x1  }
0x2b1: {  	s26 =	simm.s32 $0x9;
	[sflag:s25] =	ssyncpa.u1 $0x1  }
0x2b2: {  	s28 =	simm.s32 $0x2;
	[sflag:s26] =	ssyncpa.u1 $0x1  }
0x2b3: {  	[sflag:s28] =	ssyncpa.u1 $0x1  }
0x2b4: {  	v0 =	vld [tilespmem:$0x3648];
	_ =	sdelay $0x4  }
0x2b5: {  	(v2sf) =	vpush v0, $0x0  }
0x2b6: {  	(v2sf) =	vpush v0, $0x1;
	_ =	sdelay $0x1  }
0x2b7: {  	(v2sf) =	vpush v0, $0x2;
	_ =	sdelay $0xb  }
0x2b8: {  	s0 =	spop (v2sf)  }
0x2b9: {  	s2 =	spop (v2sf)  }
0x2ba: {  	s3 =	smov.u32 s0;
	p0 =	sne.s32 s0, s2  }
0x2bb: {  	s4 =	spop (v2sf);
	s3 =	simm.s32 @!p0 $0xFFFFFFFF  }
0x2bc: {  	v2 =	vimm.s32 $0x1;
	v3 =	vlaneseq.u32;
	p0 =	seq.s32 s4, $0xFFFFFFFF;
	v1 =	vmov s3  }
0x2bd: {  	s7 =	stileid.u32;
	v0 =	vperm.xlane v0, v2;
	p1 =	sne.s32 @!p0 s0, s2;
	v1 =	vperm.xlane v1, v3  }
0x2be: {  	vm0 =	vcmask $0x3F04;
	s6 =	simm.s32 $0x3648;
	s0 =	simm.s32 @!p0 $0x1;
	p1 =	por !p1, p0  }
0x2bf: {  	s3 =	sshll.u32 s7, $0x1;
	s2 =	sshll.u32 @!p0 s4, $0x6;
	s0 =	simm.s32 @p1 $0x0;
	v0 =	vsel vm0, v1, v0  }
0x2c0: {  	s5 =	sor.u32 $0x200, s3;
	s2 =	sshra.s32 @!p0 s2, $0x2;
	s0 =	sor.u32 @!p0 s0, s3;
	[tilespmem:$0x3648] =	vst v0  }
0x2c1: {  	[spmem:s5] =	stream.linear.scatter [tilespmem:s6], [sflag:$0x1], $0x2, $0x38;
	[tilespmem:$0x1F0E8] =	vst v63  }
0x2c2: {  	s2 =	sadd.s32 @!p0 $0x28, s2;
	s0 =	sshll.u32 @!p0 s0, $0x4  }
0x2c3: {  	[spmem:s0] =	stream.linear.scatter @!p0 [tilespmem:s2], [sflag:$0x1], $0x10, $0x38;
	[tilespmem:$0x1F0E8] =	vst v63  }
0x2c4: {  	s0 =	simm.s32 @!p0 $0x12  }
0x2c5: {  	s3 =	simm.s32 $0x1;
	s0 =	simm.s32 @p0 $0x2  }
0x2c6: {  	_ =	swait.ge [sflag:s3], s0  }
0x2c7: {  	s0 =	ssub.s32 $0x0, s0;
	[sflag:s3] =	ssyncset.done $0x0  }
0x2c8: {  	[sflag:s3] =	ssyncadd.s32 s0  }
0x2c9: {  	_ =	sfence.stream.spmem  }
0x2ca: {  	s29 =	simm.s32 $0x3;
	[bflag:$0x0] =	sbarrier.arrive $0xFFFF  }
0x2cb: {  	s30 =	simm.s32 $0x4;
	[sflag:s29] =	ssyncpa.u1 $0x1  }
0x2cc: {  	s31 =	simm.s32 $0x3C;
	[sflag:s30] =	ssyncpa.u1 $0x1  }
0x2cd: {  	p0 =	sne.s32 s7, $0x0;
	[sflag:s31] =	ssyncpa.u1 $0x1  }
0x2ce: {  	_ =	sfence @p0  }
0x2cf: {  	[sflag:s3] =	ssyncpa.u1 @p0 $0x1  }
0x2d0: {  	_ =	strace @p0 $0x90000047  }
0x2d1: {  	[bflag:$0x2] =	sbarrier.arrive @p0 $0xFFFF  }
0x2d2: {  	_ =	shalt @p0  }
.LBB2_22:
0x2d3: {  	_ =	sfence.stream.spmem;
	s0 =	simm.s32 $0x5  }
0x2d4: {  	s2 =	simm.s32 $0x200;
	s3 =	simm.s32 $0x3658;
	[sflag:s0] =	ssyncpa.u1 $0x0  }
0x2d5: {  	[tilespmem:s3], [sflag:$0x5] =	stream.linear.gather [spmem:s2], $0x20, $0x38;
	[tilespmem:$0x1F0E8] =	vst v63  }
0x2d6: {  	s30 =	simm.s32 $0x3678;
	s2 =	simm.s32 $0x0  }
0x2d7: {  	[tilespmem:s30], [sflag:$0x5] =	stream.linear.gather [spmem:s2], $0x200, $0x38;
	[tilespmem:$0x1F0E8] =	vst v63  }
.Ltmp18:
0x2d8: {  	_ = 	snop;
	(pc) =	sbr.rel .LBB2_23-.Ltmp18, $4  }
0x2d9: {  	_ =	swait.ge [sflag:s0], $0x220  }
0x2da: {  	[sflag:s0] =	ssyncset.done $0x0  }
0x2db: {  	s31 =	simm.s32 $0x6;
	[sflag:s0] =	ssyncadd.s32 $0xFFFFFDE0  }
0x2dc: {  	s3 =	simm.s32 $0x0;
	[sflag:s31] =	ssyncpa.u1 $0x0  }
.LBB2_28:
0x2dd: {  	p0 =	slt.u32 s4, $0x27100  }
0x2de: {  	s0 =	sand.u32 @p0 $0x3FFF8, s4  }
0x2df: {  	s4 =	sand.u32 @p0 $0x7, s4;
	s5 =	simm.s32 @p0 $0x3638;
	s0 =	sadd.s32 @p0 s1, s0  }
0x2e0: {  	[tilespmem:s5], [sflag:$0x6] =	stream.linear.gather @p0 [hbm4b:s0+s4], $0x8, $0x38;
	[tilespmem:$0x1F0E8] =	vst v63  }
0x2e1: {  	s0 =	simm.s32 @p0 $0x6  }
0x2e2: {  	_ =	swait.ge @p0 [sflag:s0], $0x8  }
0x2e3: {  	[sflag:s0] =	ssyncset.done @p0 $0x0  }
0x2e4: {  	[sflag:s0] =	ssyncadd.s32 @p0 $0xFFFFFFF8;
	s0 =	sshll.u32 @p0 s3, $0x6  }
0x2e5: {  	v1 =	vld @p0 [tilespmem:$0x3638];
	s4 =	sshrl.u32 @p0 s0, $0x2  }
0x2e6: {  	v2 =	vld @p0 [tilespmem:s4+$0x3678];
	_ =	sdelay $0x4  }
0x2e7: {  	s5 =	sshll.u32 @!p0 s3, $0x6;
	v1 =	vmax.f32 @p0 v1, v2  }
0x2e8: {  	s5 =	smov.u32 @p0 s0;
	[tilespmem:s4+$0x3678] =	vst @p0 v1  }
0x2e9: {  	s0 =	sshrl.u32 s5, $0x2;
	[tilespmem:s2+$0x3658] =	vst.msk $0x1, v0  }
0x2ea: {  	v0 =	vld [tilespmem:s0+$0x3678];
	_ =	sdelay $0x2  }
0x2eb: {  	s31 =	sshll.u32 s2, $0x6  }
0x2ec: {  	s0 =	sshra.s32 s31, $0x2  }
0x2ed: {  	s2 =	sadd.s32 $0x1, s2;
	[tilespmem:s0+$0x3678] =	vst v0  }
.LBB2_30:
0x2ee: {  	s3 =	sadd.s32 $0x1, s3  }
0x2ef: {  	p0 =	sne.s32 s3, $0x20  }
.Ltmp19:
0x2f0: {  	_ = 	snop;
	(pc) =	sbr.rel @!p0 .LBB2_31-.Ltmp19, $1  }
0x2f1: {  	_ =	sdelay $0x3  }
.LBB2_23:
0x2f2: {  	v0 =	vld.msk [tilespmem:s3+$0x3658], $0x1;
	_ =	sdelay $0x4  }
0x2f3: {  	(v2sf) =	vpush v0, $0x0;
	_ =	sdelay $0xe  }
0x2f4: {  	s4 =	spop (v2sf)  }
0x2f5: {  	p0 =	seq.s32 s4, $0xFFFFFFFF  }
.Ltmp20:
0x2f6: {  	_ = 	snop;
	(pc) =	sbr.rel @p0 .LBB2_30-.Ltmp20, $1  }
0x2f7: {  	_ =	sdelay $0x3  }
0x2f8: {  	p0 =	slt.s32 s2, $0x1  }
.Ltmp21:
0x2f9: {  	_ = 	snop;
	(pc) =	sbr.rel @p0 .LBB2_28-.Ltmp21, $1  }
0x2fa: {  	_ =	sdelay $0x3  }
0x2fb: {  	s5 =	simm.s32 $0x3658;
	p0 =	por $0x0, $0x0  }
0x2fc: {  	v1 =	vld.msk @!p0 [tilespmem:s5+$0x0], $0x1;
	_ =	sdelay $0x4  }
0x2fd: {  	(v2sf) =	vpush @!p0 v1, $0x0;
	_ =	sdelay $0xd  }
0x2fe: {  	p2 =	sne.s32 s2, $0x1  }
.Ltmp22:
0x2ff: {  	s0 =	spop @!p0 (v2sf);
	(pc) =	sbr.rel @!p2 .LBB2_27-.Ltmp22, $4  }
0x300: {  	p1 =	seq.s32 @!p0 s4, s0  }
0x301: {  	s6 =	simm.s32 $0x0;
	p1 =	por !p1, p0  }
0x302: {  	s0 =	simm.s32 $0xFFFFFFFF;
	s6 =	simm.s32 @p1 $0xFFFFFFFF  }
0x303: {  	s7 =	simm.s32 $0x1;
	s6 =	smov.u32 @p0 s0  }
.LBB2_26:
0x304: {  	s0 =	smov.u32 s6;
	p0 =	sne.s32 s6, $0xFFFFFFFF  }
0x305: {  	s5 =	sadd.s32 $0x1, s5;
	s6 =	smov.u32 s7;
	s7 =	sadd.s32 $0x1, s7  }
0x306: {  	p1 =	sne.s32 s2, s7;
	v1 =	vld.msk @!p0 [tilespmem:s5+$0x0], $0x1;
	_ =	sdelay $0x4  }
0x307: {  	(v2sf) =	vpush @!p0 v1, $0x0;
	_ =	sdelay $0xe  }
.Ltmp23:
0x308: {  	s8 =	spop @!p0 (v2sf);
	(pc) =	sbr.rel @p1 .LBB2_26-.Ltmp23, $4  }
0x309: {  	p2 =	seq.s32 @!p0 s4, s8  }
0x30a: {  	p2 =	por !p2, p0  }
0x30b: {  	s6 =	simm.s32 @p2 $0xFFFFFFFF  }
0x30c: {  	s6 =	smov.u32 @p0 s0  }
.LBB2_27:
0x30d: {  	p0 =	sne.s32 s6, $0xFFFFFFFF  }
.Ltmp24:
0x30e: {  	_ = 	snop;
	(pc) =	sbr.rel @!p0 .LBB2_28-.Ltmp24, $1  }
0x30f: {  	_ =	sdelay $0x3  }
0x310: {  	s0 =	sshll.u32 s3, $0x4  }
0x311: {  	s4 =	sshll.u32 s6, $0x6;
	s0 =	sand.u32 $0x3FFFFFF0, s0  }
0x312: {  	s31 =	sshra.s32 s4, $0x2;
	v0 =	vld [tilespmem:s0+$0x3678]  }
0x313: {  	v1 =	vld [tilespmem:s31+$0x3678];
	_ =	sdelay $0x1  }
.Ltmp25:
0x314: {  	_ = 	snop;
	(pc) =	sbr.rel .LBB2_30-.Ltmp25, $3  }
0x315: {  	_ =	sdelay $0x1  }
0x316: {  	v0 =	vmax.f32 v0, v1  }
0x317: {  	[tilespmem:s31+$0x3678] =	vst v0  }
.LBB2_31:
0x318: {  	p0 =	slt.s32 s2, $0x1  }
.Ltmp26:
0x319: {  	_ = 	snop;
	(pc) =	sbr.rel @p0 .LBB2_35-.Ltmp26, $3  }
0x31a: {  	_ =	sdelay $0x1  }
0x31b: {  	s0 =	simm.s32 $0x6  }
0x31c: {  	s3 =	simm.s32 $0x0;
	[sflag:s0] =	ssyncpa.u1 $0x1  }
0x31d: {  	s0 =	simm.s32 $0x3658  }
0x31e: {  	v0 =	vld.msk [tilespmem:s0+$0x0], $0x1;
	_ =	sdelay $0x4  }
0x31f: {  	(v2sf) =	vpush v0, $0x0;
	_ =	sdelay $0xd  }
0x320: {  	s2 =	sadd.s32 $0xFFFFFFFF, s2  }
0x321: {  	p1 =	sne.s32 s2, $0x0;
	s0 =	spop (v2sf)  }
.Ltmp27:
0x322: {  	p0 =	sgt.u32 s0, $0x270FF;
	(pc) =	sbr.rel @!p1 .LBB2_34-.Ltmp27, $4  }
0x323: {  	s4 =	simm.s32 $0x3678;
	s5 =	sand.u32 @!p0 $0x3FFF8, s0  }
0x324: {  	s6 =	simm.s32 $0x0;
	s0 =	sand.u32 @!p0 $0x7, s0;
	s5 =	sadd.s32 @!p0 s1, s5  }
0x325: {  	[hbm4b:s5+s0] =	stream.linear.scatter @!p0 [tilespmem:s4], [sflag:$0x5], $0x8, $0x38;
	[tilespmem:$0x1F0E8] =	vst v63  }
0x326: {  	s6 =	simm.s32 @!p0 $0x20;
	s5 =	simm.s32 $0x3659  }
.LBB2_33:
0x327: {  	v0 =	vld.msk [tilespmem:s5+$0x0], $0x1;
	s2 =	sadd.s32 $0xFFFFFFFF, s2;
	s3 =	sadd.s32 s3, s6  }
0x328: {  	p0 =	sne.s32 s2, $0x0;
	_ =	sdelay $0x3  }
0x329: {  	(v2sf) =	vpush v0, $0x0;
	_ =	sdelay $0xe  }
.Ltmp28:
0x32a: {  	s0 =	spop (v2sf);
	(pc) =	sbr.rel @p0 .LBB2_33-.Ltmp28, $4  }
0x32b: {  	s6 =	simm.s32 $0x0;
	p1 =	sgt.u32 s0, $0x270FF  }
0x32c: {  	s4 =	sadd.s32 $0x10, s4;
	s6 =	simm.s32 @!p1 $0x20;
	s7 =	sand.u32 @!p1 $0x3FFF8, s0  }
0x32d: {  	s5 =	sadd.s32 $0x1, s5;
	s0 =	sand.u32 @!p1 $0x7, s0;
	s7 =	sadd.s32 @!p1 s1, s7  }
0x32e: {  	[hbm4b:s7+s0] =	stream.linear.scatter @!p1 [tilespmem:s4], [sflag:$0x5], $0x8, $0x38;
	[tilespmem:$0x1F0E8] =	vst v63  }
.LBB2_34:
0x32f: {  	s0 =	sadd.s32 s3, s6  }
0x330: {  	s3 =	sshrl.u32 s0, $0x2  }
.LBB2_35:
0x331: {  	s0 =	simm.s32 $0x5  }
0x332: {  	_ =	swait.ge [sflag:s0], s3  }
0x333: {  	s1 =	ssub.s32 $0x0, s3;
	[sflag:s0] =	ssyncset.done $0x0  }
0x334: {  	[sflag:s0] =	ssyncadd.s32 s1  }
0x335: {  	[sflag:s0] =	ssyncpa.u1 $0x1  }
0x336: {  	s30 =	simm.s32 $0x1;
	_ =	sfence  }
0x337: {  	[sflag:s30] =	ssyncpa.u1 $0x1  }
0x338: {  	_ =	strace $0x90000047  }
0x339: {  	[bflag:$0x2] =	sbarrier.arrive $0xFFFF  }
0x33a: {  	s31 =	rddreg [dreg:$0x2]  }
0x33b: {  	s0 =	sadd.s32 $0x100000, s31  }
0x33c: {  	[sflag:s0] =	ssyncadd.tile.s32 $0x1;
	_ =	shalt  }
.Lfunc_end2:
_tile_overlayer_lowered:
.L_overlay_start_2:
0x33d: {  	(tag) =	ssettag $0x2  }
0x33e: {  	s0 =	rddreg [dreg:$0x0];
	s2 =	stileid.u32  }
0x33f: {  	s1 =	rddreg [dreg:$0x1];
	p0 =	sne.s32 s2, $0x0  }
0x340: {  	s3 =	rddreg [dreg:$0x2];
	[bflag:$0x3] =	sbarrier.arrive $0xFFFF;
	s2 =	simm.s32 @!p0 $0x1C01  }
0x341: {  	[timem:s3], [sflag:s2] =	dma.local @!p0 [hbm:s0], s1  }
0x342: {  	s0 =	simm.s32 @!p0 $0x1  }
0x343: {  	_ =	swait.ge @!p0 [sflag:s0], s1  }
0x344: {  	s1 =	ssub.s32 @!p0 $0x0, s1;
	[sflag:s0] =	ssyncset.done @!p0 $0x0  }
0x345: {  	[sflag:s0] =	ssyncadd.s32 @!p0 s1  }
0x346: {  	[bflag:$0x3] =	sbarrier.arrive $0xFFFF  }
0x347: {  	_ =	shalt  }

// kernel: sparse-core-data-format-call.1.cloned.1.call-start
scs
called_computation.8_lowered:
.L_overlay_start_0:
0x0: {  	s2 =	sld [smem:$0x3FD9]  }
0x1: {  	s3 =	sld [smem:$0x3FFE];
	_ =	sdelay $0x1  }
0x2: {  	s1 =	srdreg.scid  }
0x3: {  	s0 =	sand.u32 $0x1, s1  }
0x4: {  	s18 =	sshll.u32 s0, $0xA;
	s2 =	sadd.s32 s3, s2  }
0x5: {  	s2 =	sadd.s32 s2, s18  }
0x6: {  	[smem:$0x3FB9] =	sst s2  }
0x7: {  	_ = 	snop  }
0x8: {  	(tm) =	ssettm $0x1  }
0x9: {  	s19 =	sld [smem:$0x3FFB];
	_ =	sdelay $0x3  }
0xa: {  	_ =	strace s19  }
0xb: {  	s2 =	sld [smem:$0x3FFC];
	_ =	sdelay $0x3  }
0xc: {  	_ =	strace s2  }
0xd: {  	s2 =	sld [smem:$0x3FFD];
	_ =	sdelay $0x3  }
0xe: {  	_ =	strace s2  }
0xf: {  	_ =	strace $0x8FFFFFFF  }
0x10: {  	s20 =	sld [smem:$0x3FDB];
	_ =	sdelay $0x1  }
0x11: {  	s21 =	simm.s32 $_scs_section_size  }
0x12: {  	s4 =	simm.s32 $_size__tile_overlayer_lowered;
	s5 =	simm.s32 $_tile_overlayer_lowered  }
0x13: {  	s6 =	simm.s32 $0x1BFF;
	s22 =	sshll.u32 s5, $0x1;
	s3 =	sadd.s32 s21, s20  }
0x14: {  	s23 =	simm.s32 $0x0;
	s4 =	sshll.u32 s4, $0x1;
	s5 =	sadd.s32 s22, s3  }
0x15: {  	[timem:s23], [sflag:s6] =	dma.local [hbm:s5], s4  }
0x16: {  	_ =	swait.ge [sflag:s6], s4  }
0x17: {  	s4 =	ssub.s32 $0x0, s4;
	[sflag:s6] =	ssyncset.done $0x0  }
0x18: {  	[sflag:s6] =	ssyncadd.s32 s4;
	_ =	sdelay $0x1  }
0x19: {  	s24 =	simm.s32 $0x1B8B  }
0x1a: {  	_ =	swait.ge [sflag:s24], $0x1  }
0x1b: {  	[sflag:s24] =	ssyncset.done $0x0  }
0x1c: {  	[sflag:s24] =	ssyncadd.s32 $0xFFFFFFFF  }
0x1d: {  	s4 =	sld [smem:$0x0]  }
0x1e: {  	s5 =	sand.u32 $0xFFFFFFFE, s1  }
0x1f: {  	p0 =	sne.s32 s1, s5  }
0x20: {  	s5 =	sshll.u32 @p0 s5, $0xE  }
0x21: {  	s5 =	sadd.s32 @p0 $0x11B8D, s5;
	s6 =	sshll.u32 @p0 s4, $0x11  }
0x22: {  	s5 =	sor.u32 @p0 s6, s5  }
0x23: {  	[sflag:s5] =	ssyncadd.remote.s32 @p0 $0x1;
	_ =	sdelay $0x1  }
0x24: {  	s5 =	simm.s32 @p0 $0x1B8D  }
0x25: {  	_ =	swait.eq @p0 [sflag:s5], $0x1  }
0x26: {  	[sflag:s5] =	ssyncadd.s32 @p0 $0xFFFFFFFF  }
0x27: {  	s6 =	sshll.u32 @!p0 s1, $0xE  }
0x28: {  	s6 =	sor.u32 @!p0 $0x4000, s6;
	s5 =	simm.s32 @!p0 $0x1B8D  }
0x29: {  	s4 =	sshll.u32 @!p0 s4, $0x11;
	s6 =	sadd.s32 @!p0 $0x11B8D, s6;
	_ =	swait.eq @!p0 [sflag:s5], $0x1  }
0x2a: {  	s4 =	sor.u32 @!p0 s4, s6;
	[sflag:s5] =	ssyncadd.s32 @!p0 $0xFFFFFFFF  }
0x2b: {  	s26 =	simm.s32 $0x1B8E;
	s25 =	sld [smem:$0x3FFE];
	[sflag:s4] =	ssyncadd.remote.s32 @!p0 $0x1  }
0x2c: {  	s27 =	simm.s32 $execute0_lowered;
	[smem:$0x3FD2] =	sst s26  }
0x2d: {  	s5 =	sshll.u32 s27, $0x1;
	_ =	strace $0x8000004C;
	[dreg:$0x1] =	wrdreg $0xFFFFFFFF  }
0x2e: {  	s28 =	simm.s32 $_size_execute0_lowered;
	s3 =	sadd.s32 s3, s5;
	[dreg:$0x0] =	wrdreg $0x0  }
0x2f: {  	s5 =	sshll.u32 s28, $0x1;
	[dreg:$0x2] =	wrdreg s3  }
0x30: {  	[dreg:$0x3] =	wrdreg s5  }
0x31: {  	[dreg:$0x4] =	wrdreg $0xC0  }
0x32: {  	_ =	task [dreg:s23], $0x5FFFF  }
0x33: {  	[dreg:$0x1] =	wrdreg $0xFFFFFFFF  }
0x34: {  	[dreg:$0x0] =	wrdreg $0x60  }
0x35: {  	[dreg:$0x2] =	wrdreg s25  }
0x36: {  	[dreg:$0x3] =	wrdreg $0xA  }
0x37: {  	_ =	task.clear_ibuf [dreg:s23], $0x4FFFF;
	_ =	strace $0x9000004C  }
0x38: {  	s29 =	simm.s32 $0xA;
	_ =	strace $0x8000004E  }
0x39: {  	_ =	swait.ge [sflag:s29], $0x1  }
0x3a: {  	[sflag:s29] =	ssyncadd.s32 $0xFFFFFFFF  }
0x3b: {  	_ =	strace $0x9000004E  }
0x3c: {  	_ =	sfence  }
0x3d: {  	s30 =	sld [smem:$0x0];
	_ =	sdelay $0x2  }
0x3e: {  	s31 =	sshll.u32 s1, $0xD;
	s1 =	sshrl.u32 s1, $0x2  }
0x3f: {  	s4 =	sand.u32 $0x4000, s31;
	s1 =	sadd.s32 s1, s30  }
0x40: {  	s0 =	sor.u32 s4, s0;
	s1 =	sshll.u32 s1, $0x11  }
0x41: {  	s0 =	sor.u32 s1, s0  }
0x42: {  	s0 =	sadd.s32 $0x8F2B, s0  }
0x43: {  	[sflag:s0] =	ssyncadd.remote.s32 $0x1  }
0x44: {  	_ =	sfence.sel $0xFFFF  }
0x45: {  	[dreg:$0x0] =	wrdreg $0xFFFFFFFF;
	(pc) =	sbr.abs _section_cstart, $3  }
0x46: {  	[dreg:$0x1] =	wrdreg $0xFFFFFFFF  }
0x47: {  	_ =	task.clear_ibuf [dreg:s23], $0x2FFFF;
	_ =	strace $0x9FFFFFFF  }
0x48: {  	(tm) =	ssettm $0x7FFFFFFF  }
0x49: {  	_ =	shalt  }
tec
execute0_lowered:
.L_overlay_start_1:
0x0: {  	(tag) =	ssettag $0x1  }
0x1: {  	s0 =	srdreg.scid  }
0x2: {  	s4 =	rddreg [dreg:$0x0];
	s1 =	stileid.u32  }
0x3: {  	s5 =	simm.s32 $0x1;
	s7 =	simm.s32 $0x2;
	s8 =	simm.s32 $0x0  }
0x4: {  	s9 =	simm.s32 $0x0;
	s12 =	simm.s32 $0x0;
	s2 =	sshll.u32 s0, $0x4  }
.Ltmp0:
0x5: {  	s11 =	simm.s32 $0x0;
	s3 =	sand.u32 $0x10, s2;
	(pc) =	sbr.rel .LBB1_1-.Ltmp0, $4  }
0x6: {  	s18 =	simm.s32 $0x0;
	s0 =	rddreg [dreg:$0x1];
	s3 =	sor.u32 s1, s3  }
0x7: {  	_ =	strace $0x8000004D;
	s2 =	sadd.s32 $0xA800, s4;
	s6 =	ssub.s32 $0x501, s3  }
0x8: {  	s4 =	sadd.s32 $0x286000, s4;
	[sflag:s5] =	ssyncpa.u1 $0x0;
	s6 =	sshrl.u32 s6, $0x5  }
0x9: {  	[sflag:s7] =	ssyncpa.u1 $0x0;
	s10 =	smov.u32 s3;
	s7 =	sadd.s32 $0x1, s6  }
.LBB1_7:
0xa: {  	s14 =	sadd.s32 $0x20, s10  }
0xb: {  	p1 =	sgt.s32 s14, $0x4E1  }
0xc: {  	s14 =	smov.u32 @p1 s3;
	p1 =	sne.s32 s11, s7  }
.Ltmp1:
0xd: {  	p0 =	slt.u32 s11, $0x2;
	(pc) =	sbr.rel @!p1 .LBB1_8-.Ltmp1, $4  }
0xe: {  	s13 =	simm.s32 @!p0 $0x2  }
0xf: {  	s15 =	sadd.s32 $0x1, s11;
	_ =	swait.ge @!p0 [sflag:s13], $0x4000  }
0x10: {  	s12 =	smov.u32 s10;
	s9 =	sadd.s32 $0x4000, s9;
	[sflag:s13] =	ssyncset.done @!p0 $0x0  }
0x11: {  	s11 =	smov.u32 s15;
	s10 =	smov.u32 s14;
	[sflag:s13] =	ssyncadd.s32 @!p0 $0xFFFFC000  }
.LBB1_1:
0x12: {  	p0 =	sge.u32 s11, s6  }
0x13: {  	s13 =	sxor.u32 @!p0 $0xFFFFFFFF, s11  }
0x14: {  	s31 =	sadd.s32 $0xFFFFFFFF, s11;
	s14 =	sshll.u32 @!p0 s10, $0xB;
	s13 =	sshll.u32 @!p0 s13, $0xE  }
0x15: {  	s15 =	simm.s32 @!p0 $0x0;
	s14 =	sadd.s32 @!p0 s2, s14;
	s13 =	sand.u32 @!p0 $0x4000, s13  }
0x16: {  	[tilespmem:s13], [sflag:$0x1] =	stream.linear.gather @!p0 [hbm4b:s14+s15], $0x4000, $0x38;
	[tilespmem:$0x10000] =	vst v63  }
0x17: {  	p0 =	sge.u32 s31, s6  }
.Ltmp2:
0x18: {  	_ = 	snop;
	(pc) =	sbr.rel @p0 .LBB1_7-.Ltmp2, $1  }
0x19: {  	_ =	sdelay $0x3  }
0x1a: {  	s13 =	sshll.u32 s9, $0x2;
	_ =	swait.ge [sflag:s5], $0x4000;
	s14 =	sshll.u32 s11, $0xE  }
0x1b: {  	p0 =	por $0x0, $0x0;
	s19 =	simm.s32 $0x0;
	s20 =	simm.s32 $0x0  }
0x1c: {  	s13 =	sand.u32 $0x10000, s13;
	[sflag:s5] =	ssyncset.done $0x0;
	s16 =	sand.u32 $0x4000, s14  }
0x1d: {  	s17 =	sshrl.u32 s13, $0x2;
	[sflag:s5] =	ssyncadd.s32 $0xFFFFC000;
	s14 =	sor.u32 $0x8000, s16  }
0x1e: {  	s13 =	sor.u32 $0x40, s17;
	s15 =	sor.u32 $0x8410, s17;
	s17 =	sadd.s32 $0x8400, s17  }
.LBB1_3:
0x1f: {  	v1 =	vld [tilespmem:s13+$0xFFFFFFD0]  }
0x20: {  	v2 =	vld [tilespmem:s13+$0x430]  }
0x21: {  	s21 =	sshll.u32 s20, $0xB;
	v4 =	vld [tilespmem:s13+$0xFFFFFFE0]  }
0x22: {  	v7 =	vld [tilespmem:s13+$0xFFFFFFF0];
	v0 =	vmov s21  }
0x23: {  	v8 =	vld [tilespmem:s13+$0x0]  }
0x24: {  	s30 =	sand.u32 $0x300, s18;
	v9 =	vld [tilespmem:s13+$0x10]  }
0x25: {  	s22 =	sand.u32 $0x80, s18;
	v10 =	vld [tilespmem:s13+$0x20];
	s21 =	sadd.s32 s30, s16  }
0x26: {  	v11 =	vld [tilespmem:s13+$0x30];
	s21 =	sadd.s32 s22, s21;
	s22 =	simm.s32 $0x1;
	[tilespmem:s15+$0x60] =	vst v2  }
0x27: {  	s31 =	sshll.u32 s19, $0x2;
	s22 =	simm.s32 @!p0 $0x0;
	[tilespmem:s15+$0xFFFFFC00] =	vst v1;
	v3 =	vld.idx.msk [tilespmem:v0+s21+$0x400 ss:$0x1], $0xffff  }
0x28: {  	v6 =	vld [tilespmem:s13+$0x3D0];
	s22 =	sshll.u32 s22, $0x9;
	[tilespmem:s15+$0xFFFFFC10] =	vst v4;
	s21 =	sand.u32 $0xFFFFFC00, s31  }
0x29: {  	v5 =	vld [tilespmem:s13+$0x3E0];
	[tilespmem:s15+$0xFFFFFC20] =	vst v7;
	s21 =	sor.u32 s22, s21  }
0x2a: {  	[tilespmem:s15+$0xFFFFFC30] =	vst v8;
	v4 =	vld [tilespmem:s13+$0x400];
	s21 =	sshrl.u32 s21, $0x2  }
0x2b: {  	[tilespmem:s15+$0xFFFFFC40] =	vst v9;
	v1 =	vld [tilespmem:s13+$0x410];
	s21 =	sadd.s32 s21, s17  }
0x2c: {  	[tilespmem:s21+$0x0] =	vst v3;
	v3 =	vld [tilespmem:s13+$0x3F0]  }
0x2d: {  	s25 =	simm.s32 $0x80;
	s24 =	simm.s32 $0x100;
	[tilespmem:s15+$0xFFFFFC50] =	vst v10;
	v2 =	vld [tilespmem:s13+$0x420]  }
0x2e: {  	s23 =	smov.u32 s15;
	s26 =	sand.u32 $0x300, s25;
	v7 =	vld [tilespmem:s13+$0xFFFFFFC0];
	[tilespmem:s15+$0xFFFFFC60] =	vst v11;
	s22 =	sadd.s32 $0x80, s13  }
.LBB1_4:
0x2f: {  	p1 =	sne.s32 s24, $0x380;
	v8 =	vld [tilespmem:s22+$0xFFFFFFD0];
	s25 =	sand.u32 $0x80, s25;
	s26 =	sadd.s32 s26, s16;
	[tilespmem:s23+$0x0] =	vst v6  }
0x30: {  	s26 =	sadd.s32 s25, s26;
	v6 =	vld [tilespmem:s22+$0x430];
	[tilespmem:s23+$0x10] =	vst v5;
	s25 =	smov.u32 s24  }
0x31: {  	v5 =	vld.idx.msk [tilespmem:v0+s26+$0x400 ss:$0x1], $0xffff;
	[tilespmem:s23+$0x20] =	vst v3  }
0x32: {  	v3 =	vld [tilespmem:s22+$0xFFFFFFE0];
	[tilespmem:s23+$0x30] =	vst v4  }
0x33: {  	v4 =	vld [tilespmem:s22+$0xFFFFFFF0];
	[tilespmem:s23+$0xFFFFFBF0] =	vst v7  }
0x34: {  	v7 =	vld [tilespmem:s22+$0x0];
	[tilespmem:s23+$0x40] =	vst v1  }
0x35: {  	v1 =	vld [tilespmem:s22+$0x10];
	[tilespmem:s23+$0x50] =	vst v2;
	s23 =	sadd.s32 $0x800, s23  }
0x36: {  	s21 =	sadd.s32 $0x800, s21;
	v2 =	vld [tilespmem:s22+$0x20];
	[tilespmem:s23+$0x60] =	vst v6  }
0x37: {  	v9 =	vld [tilespmem:s22+$0x30];
	[tilespmem:s21+$0x0] =	vst v5  }
0x38: {  	[tilespmem:s23+$0xFFFFFC00] =	vst v8;
	v6 =	vld [tilespmem:s22+$0x3D0]  }
0x39: {  	[tilespmem:s23+$0xFFFFFC10] =	vst v3;
	v5 =	vld [tilespmem:s22+$0x3E0]  }
.Ltmp3:
0x3a: {  	[tilespmem:s23+$0xFFFFFC20] =	vst v4;
	v3 =	vld [tilespmem:s22+$0x3F0];
	(pc) =	sbr.rel @p1 .LBB1_4-.Ltmp3, $4  }
0x3b: {  	[tilespmem:s23+$0xFFFFFC30] =	vst v7;
	v4 =	vld [tilespmem:s22+$0x400]  }
0x3c: {  	[tilespmem:s23+$0xFFFFFC40] =	vst v1;
	v1 =	vld [tilespmem:s22+$0x410]  }
0x3d: {  	[tilespmem:s23+$0xFFFFFC50] =	vst v2;
	v2 =	vld [tilespmem:s22+$0x420]  }
0x3e: {  	s24 =	sadd.s32 $0x80, s24;
	s26 =	sand.u32 $0x300, s25;
	v7 =	vld [tilespmem:s22+$0xFFFFFFC0];
	[tilespmem:s23+$0xFFFFFC60] =	vst v9;
	s22 =	sadd.s32 $0x80, s22  }
0x3f: {  	[tilespmem:s23+$0x0] =	vst v6  }
0x40: {  	[tilespmem:s23+$0x10] =	vst v5  }
0x41: {  	v49 =	vld [tilespmem:s22+$0x430];
	[tilespmem:s23+$0x20] =	vst v3  }
0x42: {  	v50 =	vld [tilespmem:s22+$0xFFFFFFD0];
	[tilespmem:s23+$0x30] =	vst v4  }
0x43: {  	v51 =	vld [tilespmem:s22+$0xFFFFFFE0];
	[tilespmem:s23+$0x40] =	vst v1  }
0x44: {  	v52 =	vld [tilespmem:s22+$0xFFFFFFF0];
	[tilespmem:s23+$0x50] =	vst v2  }
0x45: {  	s31 =	sadd.s32 $0x800, s23;
	v53 =	vld [tilespmem:s22+$0x0];
	[tilespmem:s23+$0xFFFFFBF0] =	vst v7  }
0x46: {  	v54 =	vld [tilespmem:s22+$0x10];
	[tilespmem:s31+$0x60] =	vst v49  }
0x47: {  	v55 =	vld [tilespmem:s22+$0x20];
	[tilespmem:s31+$0xFFFFFC00] =	vst v50  }
0x48: {  	v56 =	vld [tilespmem:s22+$0x30];
	[tilespmem:s31+$0xFFFFFC10] =	vst v51  }
0x49: {  	v57 =	vld [tilespmem:s22+$0x3D0];
	[tilespmem:s31+$0xFFFFFC20] =	vst v52  }
0x4a: {  	v58 =	vld [tilespmem:s22+$0x3E0];
	[tilespmem:s31+$0xFFFFFC30] =	vst v53  }
0x4b: {  	v59 =	vld [tilespmem:s22+$0x3F0];
	[tilespmem:s31+$0xFFFFFC40] =	vst v54  }
0x4c: {  	v60 =	vld [tilespmem:s22+$0x400];
	[tilespmem:s31+$0xFFFFFC50] =	vst v55  }
0x4d: {  	v61 =	vld [tilespmem:s22+$0xFFFFFFC0];
	[tilespmem:s31+$0xFFFFFC60] =	vst v56  }
0x4e: {  	s24 =	sand.u32 $0x80, s25;
	s30 =	sadd.s32 s26, s16;
	v62 =	vld [tilespmem:s22+$0x410];
	[tilespmem:s31+$0x0] =	vst v57  }
0x4f: {  	v63 =	vld [tilespmem:s22+$0x420];
	s20 =	sadd.s32 $0x1, s20;
	s24 =	sadd.s32 s24, s30;
	[tilespmem:s31+$0x10] =	vst v58  }
0x50: {  	p1 =	sne.s32 s20, $0x8;
	v0 =	vld.idx.msk [tilespmem:v0+s24+$0x400 ss:$0x1], $0xffff;
	[tilespmem:s31+$0x20] =	vst v59  }
.Ltmp4:
0x51: {  	[tilespmem:s31+$0x30] =	vst v60;
	(pc) =	sbr.rel @p1 .LBB1_3-.Ltmp4, $4  }
0x52: {  	[tilespmem:s31+$0xFFFFFBF0] =	vst v61  }
0x53: {  	[tilespmem:s31+$0x40] =	vst v62  }
0x54: {  	s21 =	sadd.s32 $0x800, s21;
	s13 =	sadd.s32 $0x800, s13;
	[tilespmem:s31+$0x50] =	vst v63  }
0x55: {  	s19 =	sadd.s32 $0x80, s19;
	p0 =	por !p0, !p0;
	s15 =	sadd.s32 $0x80, s15;
	[tilespmem:s21+$0x0] =	vst v0  }
.Ltmp5:
0x56: {  	(pc) =	sbr.rel .LBB1_7-.Ltmp5, $4  }
0x57: {  	_ = 	snop  }
0x58: {  	s12 =	sshll.u32 s12, $0xB  }
0x59: {  	s12 =	sadd.s32 s4, s12  }
0x5a: {  	[hbm4b:s12+s8] =	stream.linear.scatter [tilespmem:s14], [sflag:$0x2], $0x4000, $0x38;
	[tilespmem:$0x10000] =	vst v63  }
.LBB1_8:
0x5b: {  	_ =	sfence.sel $0x180000  }
0x5c: {  	s2 =	simm.s32 $0x1;
	[bflag:$0x0] =	sbarrier.arrive $0xFFFF  }
0x5d: {  	s31 =	simm.s32 $0x2;
	[sflag:s2] =	ssyncpa.u1 $0x1  }
0x5e: {  	[sflag:s31] =	ssyncpa.u1 $0x1  }
0x5f: {  	p0 =	sne.s32 s1, $0x0;
	_ =	strace $0x9000004D  }
0x60: {  	s0 =	sadd.s32 @!p0 $0x100000, s0;
	[bflag:$0x2] =	sbarrier.arrive $0xFFFF  }
0x61: {  	[sflag:s0] =	ssyncadd.tile.s32 @!p0 $0x1;
	_ =	shalt  }
.Lfunc_end1:
_tile_overlayer_lowered:
.L_overlay_start_2:
0x62: {  	(tag) =	ssettag $0x2  }
0x63: {  	s0 =	rddreg [dreg:$0x0];
	s2 =	stileid.u32  }
0x64: {  	s1 =	rddreg [dreg:$0x1];
	p0 =	sne.s32 s2, $0x0  }
0x65: {  	s3 =	rddreg [dreg:$0x2];
	[bflag:$0x3] =	sbarrier.arrive $0xFFFF;
	s2 =	simm.s32 @!p0 $0x1C01  }
0x66: {  	[timem:s3], [sflag:s2] =	dma.local @!p0 [hbm:s0], s1  }
0x67: {  	s0 =	simm.s32 @!p0 $0x1  }
0x68: {  	_ =	swait.ge @!p0 [sflag:s0], s1  }
0x69: {  	s1 =	ssub.s32 @!p0 $0x0, s1;
	[sflag:s0] =	ssyncset.done @!p0 $0x0  }
0x6a: {  	[sflag:s0] =	ssyncadd.s32 @!p0 s1  }
0x6b: {  	[bflag:$0x3] =	sbarrier.arrive $0xFFFF  }
0x6c: {  	_ =	shalt  }

// kernel: sparse-core-data-format-call.cloned.1.call-start
scs
called_computation.7_lowered:
.L_overlay_start_0:
0x0: {  	s1 =	sld [smem:$0x3FD9]  }
0x1: {  	s2 =	sld [smem:$0x3FFE];
	_ =	sdelay $0x1  }
0x2: {  	s3 =	srdreg.scid  }
0x3: {  	s0 =	sand.u32 $0x1, s3  }
0x4: {  	s17 =	sshll.u32 s0, $0xA;
	s1 =	sadd.s32 s2, s1  }
0x5: {  	s1 =	sadd.s32 s1, s17  }
0x6: {  	[smem:$0x3FB9] =	sst s1  }
0x7: {  	_ = 	snop  }
0x8: {  	(tm) =	ssettm $0x1  }
0x9: {  	s18 =	sld [smem:$0x3FFB];
	_ =	sdelay $0x3  }
0xa: {  	_ =	strace s18  }
0xb: {  	s1 =	sld [smem:$0x3FFC];
	_ =	sdelay $0x3  }
0xc: {  	_ =	strace s1  }
0xd: {  	s1 =	sld [smem:$0x3FFD];
	_ =	sdelay $0x3  }
0xe: {  	_ =	strace s1  }
0xf: {  	_ =	strace $0x8FFFFFFF  }
0x10: {  	s19 =	sld [smem:$0x3FDB];
	_ =	sdelay $0x1  }
0x11: {  	s20 =	simm.s32 $_scs_section_size  }
0x12: {  	s4 =	simm.s32 $_size__tile_overlayer_lowered;
	s5 =	simm.s32 $_tile_overlayer_lowered  }
0x13: {  	s23 =	simm.s32 $0x1BFF;
	s22 =	sshll.u32 s5, $0x1;
	s1 =	sadd.s32 s20, s19  }
0x14: {  	s6 =	simm.s32 $0x0;
	s21 =	sshll.u32 s4, $0x1;
	s4 =	sadd.s32 s22, s1  }
0x15: {  	[timem:s6], [sflag:s23] =	dma.local [hbm:s4], s21  }
0x16: {  	_ =	swait.ge [sflag:s23], s21  }
0x17: {  	s2 =	ssub.s32 $0x0, s21;
	[sflag:s23] =	ssyncset.done $0x0  }
0x18: {  	[sflag:s23] =	ssyncadd.s32 s2;
	_ =	sdelay $0x1  }
0x19: {  	s24 =	simm.s32 $0x1B8B  }
0x1a: {  	_ =	swait.ge [sflag:s24], $0x1  }
0x1b: {  	[sflag:s24] =	ssyncset.done $0x0  }
0x1c: {  	s26 =	simm.s32 $0x1B8E;
	s25 =	sld [smem:$0x3FFE];
	[sflag:s24] =	ssyncadd.s32 $0xFFFFFFFF  }
0x1d: {  	s27 =	simm.s32 $execute0_lowered;
	[smem:$0x3FD2] =	sst s26  }
0x1e: {  	s4 =	sshll.u32 s27, $0x1;
	_ =	strace $0x80000052;
	[dreg:$0x1] =	wrdreg $0xFFFFFFFF  }
0x1f: {  	s28 =	simm.s32 $_size_execute0_lowered;
	s1 =	sadd.s32 s1, s4;
	[dreg:$0x0] =	wrdreg $0x0  }
0x20: {  	s4 =	sshll.u32 s28, $0x1;
	[dreg:$0x2] =	wrdreg s1  }
0x21: {  	[dreg:$0x3] =	wrdreg s4  }
0x22: {  	[dreg:$0x4] =	wrdreg $0xC0  }
0x23: {  	_ =	task [dreg:s6], $0x5FFFF  }
0x24: {  	[dreg:$0x1] =	wrdreg $0xFFFFFFFF  }
0x25: {  	[dreg:$0x0] =	wrdreg $0x60  }
0x26: {  	[dreg:$0x2] =	wrdreg s25  }
0x27: {  	[dreg:$0x3] =	wrdreg $0x9  }
0x28: {  	_ =	task.clear_ibuf [dreg:s6], $0x4FFFF;
	_ =	strace $0x90000052  }
0x29: {  	s29 =	simm.s32 $0x9;
	_ =	strace $0x80000054  }
0x2a: {  	_ =	swait.ge [sflag:s29], $0x1  }
0x2b: {  	[sflag:s29] =	ssyncadd.s32 $0xFFFFFFFF  }
0x2c: {  	_ =	strace $0x90000054  }
0x2d: {  	_ =	sfence  }
0x2e: {  	s30 =	sld [smem:$0x0];
	_ =	sdelay $0x2  }
0x2f: {  	s31 =	sshll.u32 s3, $0xD;
	s3 =	sshrl.u32 s3, $0x2  }
0x30: {  	s2 =	sand.u32 $0x4000, s31;
	s1 =	sadd.s32 s3, s30  }
0x31: {  	s0 =	sor.u32 s2, s0;
	s1 =	sshll.u32 s1, $0x11  }
0x32: {  	s0 =	sor.u32 s1, s0  }
0x33: {  	s0 =	sadd.s32 $0x8F2B, s0  }
0x34: {  	[sflag:s0] =	ssyncadd.remote.s32 $0x1  }
0x35: {  	_ =	sfence.sel $0xFFFF  }
0x36: {  	[dreg:$0x0] =	wrdreg $0xFFFFFFFF;
	(pc) =	sbr.abs _section_cstart, $3  }
0x37: {  	[dreg:$0x1] =	wrdreg $0xFFFFFFFF  }
0x38: {  	_ =	task.clear_ibuf [dreg:s6], $0x2FFFF;
	_ =	strace $0x9FFFFFFF  }
0x39: {  	(tm) =	ssettm $0x7FFFFFFF  }
tec
execute0_lowered:
.L_overlay_start_1:
0x0: {  	(tag) =	ssettag $0x1  }
0x1: {  	s0 =	srdreg.scid  }
0x2: {  	s4 =	rddreg [dreg:$0x0];
	s1 =	stileid.u32  }
0x3: {  	s5 =	simm.s32 $0x1;
	s7 =	simm.s32 $0x2;
	s8 =	simm.s32 $0x0  }
0x4: {  	s9 =	simm.s32 $0x0;
	s12 =	simm.s32 $0x0;
	s2 =	sshll.u32 s0, $0x4  }
.Ltmp0:
0x5: {  	s11 =	simm.s32 $0x0;
	s3 =	sand.u32 $0x10, s2;
	(pc) =	sbr.rel .LBB1_1-.Ltmp0, $4  }
0x6: {  	s18 =	simm.s32 $0x0;
	s0 =	rddreg [dreg:$0x1];
	s3 =	sor.u32 s1, s3  }
0x7: {  	_ =	strace $0x80000053;
	s2 =	sadd.s32 $0xA800, s4;
	s6 =	ssub.s32 $0x501, s3  }
0x8: {  	s4 =	sadd.s32 $0x286000, s4;
	[sflag:s5] =	ssyncpa.u1 $0x0;
	s6 =	sshrl.u32 s6, $0x5  }
0x9: {  	[sflag:s7] =	ssyncpa.u1 $0x0;
	s10 =	smov.u32 s3;
	s7 =	sadd.s32 $0x1, s6  }
.LBB1_7:
0xa: {  	s14 =	sadd.s32 $0x20, s10  }
0xb: {  	p1 =	sgt.s32 s14, $0x4E1  }
0xc: {  	s14 =	smov.u32 @p1 s3;
	p1 =	sne.s32 s11, s7  }
.Ltmp1:
0xd: {  	p0 =	slt.u32 s11, $0x2;
	(pc) =	sbr.rel @!p1 .LBB1_8-.Ltmp1, $4  }
0xe: {  	s13 =	simm.s32 @!p0 $0x2  }
0xf: {  	s15 =	sadd.s32 $0x1, s11;
	_ =	swait.ge @!p0 [sflag:s13], $0x4000  }
0x10: {  	s12 =	smov.u32 s10;
	s9 =	sadd.s32 $0x4000, s9;
	[sflag:s13] =	ssyncset.done @!p0 $0x0  }
0x11: {  	s11 =	smov.u32 s15;
	s10 =	smov.u32 s14;
	[sflag:s13] =	ssyncadd.s32 @!p0 $0xFFFFC000  }
.LBB1_1:
0x12: {  	p0 =	sge.u32 s11, s6  }
0x13: {  	s13 =	sxor.u32 @!p0 $0xFFFFFFFF, s11  }
0x14: {  	s31 =	sadd.s32 $0xFFFFFFFF, s11;
	s14 =	sshll.u32 @!p0 s10, $0xB;
	s13 =	sshll.u32 @!p0 s13, $0xE  }
0x15: {  	s15 =	simm.s32 @!p0 $0x0;
	s14 =	sadd.s32 @!p0 s2, s14;
	s13 =	sand.u32 @!p0 $0x4000, s13  }
0x16: {  	[tilespmem:s13], [sflag:$0x1] =	stream.linear.gather @!p0 [hbm4b:s14+s15], $0x4000, $0x38;
	[tilespmem:$0x10000] =	vst v63  }
0x17: {  	p0 =	sge.u32 s31, s6  }
.Ltmp2:
0x18: {  	_ = 	snop;
	(pc) =	sbr.rel @p0 .LBB1_7-.Ltmp2, $1  }
0x19: {  	_ =	sdelay $0x3  }
0x1a: {  	s13 =	sshll.u32 s9, $0x2;
	_ =	swait.ge [sflag:s5], $0x4000;
	s14 =	sshll.u32 s11, $0xE  }
0x1b: {  	p0 =	por $0x0, $0x0;
	s19 =	simm.s32 $0x0;
	s20 =	simm.s32 $0x0  }
0x1c: {  	s13 =	sand.u32 $0x10000, s13;
	[sflag:s5] =	ssyncset.done $0x0;
	s16 =	sand.u32 $0x4000, s14  }
0x1d: {  	s17 =	sshrl.u32 s13, $0x2;
	[sflag:s5] =	ssyncadd.s32 $0xFFFFC000;
	s14 =	sor.u32 $0x8000, s16  }
0x1e: {  	s13 =	sor.u32 $0x40, s17;
	s15 =	sor.u32 $0x8410, s17;
	s17 =	sadd.s32 $0x8400, s17  }
.LBB1_3:
0x1f: {  	v1 =	vld [tilespmem:s13+$0xFFFFFFD0]  }
0x20: {  	v2 =	vld [tilespmem:s13+$0x430]  }
0x21: {  	s21 =	sshll.u32 s20, $0xB;
	v4 =	vld [tilespmem:s13+$0xFFFFFFE0]  }
0x22: {  	v7 =	vld [tilespmem:s13+$0xFFFFFFF0];
	v0 =	vmov s21  }
0x23: {  	v8 =	vld [tilespmem:s13+$0x0]  }
0x24: {  	s30 =	sand.u32 $0x300, s18;
	v9 =	vld [tilespmem:s13+$0x10]  }
0x25: {  	s22 =	sand.u32 $0x80, s18;
	v10 =	vld [tilespmem:s13+$0x20];
	s21 =	sadd.s32 s30, s16  }
0x26: {  	v11 =	vld [tilespmem:s13+$0x30];
	s21 =	sadd.s32 s22, s21;
	s22 =	simm.s32 $0x1;
	[tilespmem:s15+$0x60] =	vst v2  }
0x27: {  	s31 =	sshll.u32 s19, $0x2;
	s22 =	simm.s32 @!p0 $0x0;
	[tilespmem:s15+$0xFFFFFC00] =	vst v1;
	v3 =	vld.idx.msk [tilespmem:v0+s21+$0x400 ss:$0x1], $0xffff  }
0x28: {  	v6 =	vld [tilespmem:s13+$0x3D0];
	s22 =	sshll.u32 s22, $0x9;
	[tilespmem:s15+$0xFFFFFC10] =	vst v4;
	s21 =	sand.u32 $0xFFFFFC00, s31  }
0x29: {  	v5 =	vld [tilespmem:s13+$0x3E0];
	[tilespmem:s15+$0xFFFFFC20] =	vst v7;
	s21 =	sor.u32 s22, s21  }
0x2a: {  	[tilespmem:s15+$0xFFFFFC30] =	vst v8;
	v4 =	vld [tilespmem:s13+$0x400];
	s21 =	sshrl.u32 s21, $0x2  }
0x2b: {  	[tilespmem:s15+$0xFFFFFC40] =	vst v9;
	v1 =	vld [tilespmem:s13+$0x410];
	s21 =	sadd.s32 s21, s17  }
0x2c: {  	[tilespmem:s21+$0x0] =	vst v3;
	v3 =	vld [tilespmem:s13+$0x3F0]  }
0x2d: {  	s25 =	simm.s32 $0x80;
	s24 =	simm.s32 $0x100;
	[tilespmem:s15+$0xFFFFFC50] =	vst v10;
	v2 =	vld [tilespmem:s13+$0x420]  }
0x2e: {  	s23 =	smov.u32 s15;
	s26 =	sand.u32 $0x300, s25;
	v7 =	vld [tilespmem:s13+$0xFFFFFFC0];
	[tilespmem:s15+$0xFFFFFC60] =	vst v11;
	s22 =	sadd.s32 $0x80, s13  }
.LBB1_4:
0x2f: {  	p1 =	sne.s32 s24, $0x380;
	v8 =	vld [tilespmem:s22+$0xFFFFFFD0];
	s25 =	sand.u32 $0x80, s25;
	s26 =	sadd.s32 s26, s16;
	[tilespmem:s23+$0x0] =	vst v6  }
0x30: {  	s26 =	sadd.s32 s25, s26;
	v6 =	vld [tilespmem:s22+$0x430];
	[tilespmem:s23+$0x10] =	vst v5;
	s25 =	smov.u32 s24  }
0x31: {  	v5 =	vld.idx.msk [tilespmem:v0+s26+$0x400 ss:$0x1], $0xffff;
	[tilespmem:s23+$0x20] =	vst v3  }
0x32: {  	v3 =	vld [tilespmem:s22+$0xFFFFFFE0];
	[tilespmem:s23+$0x30] =	vst v4  }
0x33: {  	v4 =	vld [tilespmem:s22+$0xFFFFFFF0];
	[tilespmem:s23+$0xFFFFFBF0] =	vst v7  }
0x34: {  	v7 =	vld [tilespmem:s22+$0x0];
	[tilespmem:s23+$0x40] =	vst v1  }
0x35: {  	v1 =	vld [tilespmem:s22+$0x10];
	[tilespmem:s23+$0x50] =	vst v2;
	s23 =	sadd.s32 $0x800, s23  }
0x36: {  	s21 =	sadd.s32 $0x800, s21;
	v2 =	vld [tilespmem:s22+$0x20];
	[tilespmem:s23+$0x60] =	vst v6  }
0x37: {  	v9 =	vld [tilespmem:s22+$0x30];
	[tilespmem:s21+$0x0] =	vst v5  }
0x38: {  	[tilespmem:s23+$0xFFFFFC00] =	vst v8;
	v6 =	vld [tilespmem:s22+$0x3D0]  }
0x39: {  	[tilespmem:s23+$0xFFFFFC10] =	vst v3;
	v5 =	vld [tilespmem:s22+$0x3E0]  }
.Ltmp3:
0x3a: {  	[tilespmem:s23+$0xFFFFFC20] =	vst v4;
	v3 =	vld [tilespmem:s22+$0x3F0];
	(pc) =	sbr.rel @p1 .LBB1_4-.Ltmp3, $4  }
0x3b: {  	[tilespmem:s23+$0xFFFFFC30] =	vst v7;
	v4 =	vld [tilespmem:s22+$0x400]  }
0x3c: {  	[tilespmem:s23+$0xFFFFFC40] =	vst v1;
	v1 =	vld [tilespmem:s22+$0x410]  }
0x3d: {  	[tilespmem:s23+$0xFFFFFC50] =	vst v2;
	v2 =	vld [tilespmem:s22+$0x420]  }
0x3e: {  	s24 =	sadd.s32 $0x80, s24;
	s26 =	sand.u32 $0x300, s25;
	v7 =	vld [tilespmem:s22+$0xFFFFFFC0];
	[tilespmem:s23+$0xFFFFFC60] =	vst v9;
	s22 =	sadd.s32 $0x80, s22  }
0x3f: {  	[tilespmem:s23+$0x0] =	vst v6  }
0x40: {  	[tilespmem:s23+$0x10] =	vst v5  }
0x41: {  	v49 =	vld [tilespmem:s22+$0x430];
	[tilespmem:s23+$0x20] =	vst v3  }
0x42: {  	v50 =	vld [tilespmem:s22+$0xFFFFFFD0];
	[tilespmem:s23+$0x30] =	vst v4  }
0x43: {  	v51 =	vld [tilespmem:s22+$0xFFFFFFE0];
	[tilespmem:s23+$0x40] =	vst v1  }
0x44: {  	v52 =	vld [tilespmem:s22+$0xFFFFFFF0];
	[tilespmem:s23+$0x50] =	vst v2  }
0x45: {  	s31 =	sadd.s32 $0x800, s23;
	v53 =	vld [tilespmem:s22+$0x0];
	[tilespmem:s23+$0xFFFFFBF0] =	vst v7  }
0x46: {  	v54 =	vld [tilespmem:s22+$0x10];
	[tilespmem:s31+$0x60] =	vst v49  }
0x47: {  	v55 =	vld [tilespmem:s22+$0x20];
	[tilespmem:s31+$0xFFFFFC00] =	vst v50  }
0x48: {  	v56 =	vld [tilespmem:s22+$0x30];
	[tilespmem:s31+$0xFFFFFC10] =	vst v51  }
0x49: {  	v57 =	vld [tilespmem:s22+$0x3D0];
	[tilespmem:s31+$0xFFFFFC20] =	vst v52  }
0x4a: {  	v58 =	vld [tilespmem:s22+$0x3E0];
	[tilespmem:s31+$0xFFFFFC30] =	vst v53  }
0x4b: {  	v59 =	vld [tilespmem:s22+$0x3F0];
	[tilespmem:s31+$0xFFFFFC40] =	vst v54  }
0x4c: {  	v60 =	vld [tilespmem:s22+$0x400];
	[tilespmem:s31+$0xFFFFFC50] =	vst v55  }
0x4d: {  	v61 =	vld [tilespmem:s22+$0xFFFFFFC0];
	[tilespmem:s31+$0xFFFFFC60] =	vst v56  }
0x4e: {  	s24 =	sand.u32 $0x80, s25;
	s30 =	sadd.s32 s26, s16;
	v62 =	vld [tilespmem:s22+$0x410];
	[tilespmem:s31+$0x0] =	vst v57  }
0x4f: {  	v63 =	vld [tilespmem:s22+$0x420];
	s20 =	sadd.s32 $0x1, s20;
	s24 =	sadd.s32 s24, s30;
	[tilespmem:s31+$0x10] =	vst v58  }
0x50: {  	p1 =	sne.s32 s20, $0x8;
	v0 =	vld.idx.msk [tilespmem:v0+s24+$0x400 ss:$0x1], $0xffff;
	[tilespmem:s31+$0x20] =	vst v59  }
.Ltmp4:
0x51: {  	[tilespmem:s31+$0x30] =	vst v60;
	(pc) =	sbr.rel @p1 .LBB1_3-.Ltmp4, $4  }
0x52: {  	[tilespmem:s31+$0xFFFFFBF0] =	vst v61  }
0x53: {  	[tilespmem:s31+$0x40] =	vst v62  }
0x54: {  	s21 =	sadd.s32 $0x800, s21;
	s13 =	sadd.s32 $0x800, s13;
	[tilespmem:s31+$0x50] =	vst v63  }
0x55: {  	s19 =	sadd.s32 $0x80, s19;
	p0 =	por !p0, !p0;
	s15 =	sadd.s32 $0x80, s15;
	[tilespmem:s21+$0x0] =	vst v0  }
.Ltmp5:
0x56: {  	(pc) =	sbr.rel .LBB1_7-.Ltmp5, $4  }
0x57: {  	_ = 	snop  }
0x58: {  	s12 =	sshll.u32 s12, $0xB  }
0x59: {  	s12 =	sadd.s32 s4, s12  }
0x5a: {  	[hbm4b:s12+s8] =	stream.linear.scatter [tilespmem:s14], [sflag:$0x2], $0x4000, $0x38;
	[tilespmem:$0x10000] =	vst v63  }
.LBB1_8:
0x5b: {  	_ =	sfence.sel $0x180000  }
0x5c: {  	s2 =	simm.s32 $0x1;
	[bflag:$0x0] =	sbarrier.arrive $0xFFFF  }
0x5d: {  	s31 =	simm.s32 $0x2;
	[sflag:s2] =	ssyncpa.u1 $0x1  }
0x5e: {  	[sflag:s31] =	ssyncpa.u1 $0x1  }
0x5f: {  	p0 =	sne.s32 s1, $0x0;
	_ =	strace $0x90000053  }
0x60: {  	s0 =	sadd.s32 @!p0 $0x100000, s0;
	[bflag:$0x2] =	sbarrier.arrive $0xFFFF  }
0x61: {  	[sflag:s0] =	ssyncadd.tile.s32 @!p0 $0x1;
	_ =	shalt  }
.Lfunc_end1:
_tile_overlayer_lowered:
.L_overlay_start_2:
0x62: {  	(tag) =	ssettag $0x2  }
0x63: {  	s0 =	rddreg [dreg:$0x0];
	s2 =	stileid.u32  }
0x64: {  	s1 =	rddreg [dreg:$0x1];
	p0 =	sne.s32 s2, $0x0  }
0x65: {  	s3 =	rddreg [dreg:$0x2];
	[bflag:$0x3] =	sbarrier.arrive $0xFFFF;
	s2 =	simm.s32 @!p0 $0x1C01  }
0x66: {  	[timem:s3], [sflag:s2] =	dma.local @!p0 [hbm:s0], s1  }
0x67: {  	s0 =	simm.s32 @!p0 $0x1  }
0x68: {  	_ =	swait.ge @!p0 [sflag:s0], s1  }
0x69: {  	s1 =	ssub.s32 @!p0 $0x0, s1;
	[sflag:s0] =	ssyncset.done @!p0 $0x0  }
0x6a: {  	[sflag:s0] =	ssyncadd.s32 @!p0 s1  }
0x6b: {  	[bflag:$0x3] =	sbarrier.arrive $0xFFFF  }
0x6c: {  	_ =	shalt  }

</sc_bundles>
